<compile_context>
chip_gen: v7x
topology: tpu7x:2x2x1
jax: 0.10.2.dev20260603
libtpu: 0.0.44.dev20260713+nightly
codegen_flags: <defaults>
</compile_context>

<pallas_src>
import functools

import jax
import jax.numpy as jnp
from jax import lax
from jax.experimental import pallas as pl
from jax.experimental.pallas import tpu as pltpu
from jax.experimental.pallas import tpu_sc as plsc

N_NODES = 10000
D = 128
N_EDGES = 320000

N_SUBCORES = 16
CHUNK = 128
SUPER = 16
N_SUPERS = 10
CHUNKS_PER_TILE = SUPER * N_SUPERS
EDGES_PER_TILE = CHUNKS_PER_TILE * CHUNK
E_PAD = EDGES_PER_TILE * N_SUBCORES
ROWS_PER_TILE_ACC = 632
ACC_ROWS = ROWS_PER_TILE_ACC * N_SUBCORES
OUT_ROWS_MAIN = 632
OUT_ROWS_LAST = N_NODES - 15 * OUT_ROWS_MAIN

TC_BLOCK = 1000


def _pre_body(h_ref, c_ref, wf_ref, bf_ref, out_ref):
    z = jnp.dot(h_ref[...], wf_ref[...], preferred_element_type=jnp.float32)
    out_ref[...] = jax.nn.sigmoid(z + bf_ref[...]) * c_ref[...]


def _pre(h, c, Wf, bf2d):
    return pl.pallas_call(
        _pre_body,
        grid=(N_NODES // TC_BLOCK,),
        in_specs=[
            pl.BlockSpec((TC_BLOCK, D), lambda i: (i, 0)),
            pl.BlockSpec((TC_BLOCK, D), lambda i: (i, 0)),
            pl.BlockSpec((D, D), lambda i: (0, 0)),
            pl.BlockSpec((1, D), lambda i: (0, 0)),
        ],
        out_specs=pl.BlockSpec((TC_BLOCK, D), lambda i: (i, 0)),
        out_shape=jax.ShapeDtypeStruct((N_NODES, D), jnp.float32),
    )(h, c, Wf, bf2d)


def _sc_body(h_hbm, prod_hbm, src_hbm, dst_hbm, zero_hbm,
             hs_out, fc_out,
             si0, si1, di0, di1, buf0, buf1, acc, sem0, sem1, isem):
    cid = lax.axis_index("c")
    sid = lax.axis_index("s")

    pltpu.sync_copy(zero_hbm.at[pl.ds(sid * ROWS_PER_TILE_ACC, ROWS_PER_TILE_ACC)],
                    acc.at[pl.ds(sid * ROWS_PER_TILE_ACC, ROWS_PER_TILE_ACC)])
    plsc.subcore_barrier()

    def run(table, out):
        si = (si0, si1)
        di = (di0, di1)
        bufs = (buf0, buf1)
        sems = (sem0, sem1)

        def stage(s, par):
            pltpu.async_copy(src_hbm.at[sid, pl.ds(s * SUPER, SUPER)],
                             si[par], isem)
            pltpu.async_copy(dst_hbm.at[sid, pl.ds(s * SUPER, SUPER)],
                             di[par], isem)

        def wait_idx(par):
            pltpu.make_async_copy(src_hbm.at[sid, pl.ds(0, SUPER)],
                                  si[par], isem).wait()
            pltpu.make_async_copy(src_hbm.at[sid, pl.ds(0, SUPER)],
                                  di[par], isem).wait()

        def start(par, row, b):
            pltpu.async_copy(table.at[si[par].at[row]], bufs[b], sems[b])

        def wait(b):
            pltpu.make_async_copy(table.at[si[0].at[0]], bufs[b], sems[b]).wait()

        def scatter_add(par, row, b):
            pltpu.sync_copy(bufs[b], acc.at[di[par].at[row]], add=True)

        stage(0, 0)
        wait_idx(0)
        stage(1, 1)
        start(0, 0, 0)
        start(0, 1, 1)

        def pair(t, carry):
            for half in range(2):
                s = 2 * t + half
                par = half

                if half == 0:
                    @pl.when(t > 0)
                    def _():
                        stage(s + 1, 1)
                else:
                    @pl.when(t < (N_SUPERS // 2) - 1)
                    def _():
                        stage(s + 1, 0)

                for p in range(SUPER):
                    b = p % 2
                    wait(b)
                    scatter_add(par, p, b)
                    if p + 2 < SUPER:
                        start(par, p + 2, b)
                    else:
                        nxt = 1 - par
                        if half == 0:
                            if p == SUPER - 2:
                                wait_idx(nxt)
                            start(nxt, p + 2 - SUPER, b)
                        else:
                            @pl.when(t < (N_SUPERS // 2) - 1)
                            def _(p=p, nxt=nxt, b=b):
                                if p == SUPER - 2:
                                    wait_idx(nxt)
                                start(nxt, p + 2 - SUPER, b)
            return carry

        lax.fori_loop(0, N_SUPERS // 2, pair, 0)

        plsc.subcore_barrier()

        @pl.when(sid < 15)
        def _():
            pltpu.sync_copy(acc.at[pl.ds(sid * OUT_ROWS_MAIN, OUT_ROWS_MAIN)],
                            out.at[pl.ds(sid * OUT_ROWS_MAIN, OUT_ROWS_MAIN)])

        @pl.when(sid == 15)
        def _():
            pltpu.sync_copy(acc.at[pl.ds(15 * OUT_ROWS_MAIN, OUT_ROWS_LAST)],
                            out.at[pl.ds(15 * OUT_ROWS_MAIN, OUT_ROWS_LAST)])

    @pl.when(cid == 0)
    def _():
        run(h_hbm, hs_out)

    @pl.when(cid == 1)
    def _():
        run(prod_hbm, fc_out)


@functools.partial(
    pl.kernel,
    out_type=[
        jax.ShapeDtypeStruct((N_NODES, D), jnp.float32),
        jax.ShapeDtypeStruct((N_NODES, D), jnp.float32),
    ],
    mesh=plsc.VectorSubcoreMesh(core_axis_name="c", subcore_axis_name="s"),
    scratch_types=[
        pltpu.VMEM((SUPER, CHUNK), jnp.int32),
        pltpu.VMEM((SUPER, CHUNK), jnp.int32),
        pltpu.VMEM((SUPER, CHUNK), jnp.int32),
        pltpu.VMEM((SUPER, CHUNK), jnp.int32),
        pltpu.VMEM((CHUNK, D), jnp.float32),
        pltpu.VMEM((CHUNK, D), jnp.float32),
        pltpu.VMEM_SHARED((ACC_ROWS, D), jnp.float32),
        pltpu.SemaphoreType.DMA,
        pltpu.SemaphoreType.DMA,
        pltpu.SemaphoreType.DMA,
    ],
)
def _sc_segsum(h_hbm, prod_hbm, src_hbm, dst_hbm, zero_hbm, hs_out, fc_out,
               si0, si1, di0, di1, buf0, buf1, acc, sem0, sem1, isem):
    _sc_body(h_hbm, prod_hbm, src_hbm, dst_hbm, zero_hbm, hs_out, fc_out,
             si0, si1, di0, di1, buf0, buf1, acc, sem0, sem1, isem)


def _post_body(hs_ref, fc_ref, wg_ref, bg_ref, out_ref):
    gates = jnp.dot(hs_ref[...], wg_ref[...], preferred_element_type=jnp.float32)
    gates = gates + bg_ref[...]
    i = jax.nn.sigmoid(gates[:, :D])
    o = jax.nn.sigmoid(gates[:, D:2 * D])
    g = jnp.tanh(gates[:, 2 * D:])
    c_new = i * g + fc_ref[...]
    h_new = o * jnp.tanh(c_new)
    out_ref[:, 0, :] = h_new
    out_ref[:, 1, :] = c_new


def _post(hs_sum, fc_reduce, Wg, bg2d):
    return pl.pallas_call(
        _post_body,
        grid=(N_NODES // TC_BLOCK,),
        in_specs=[
            pl.BlockSpec((TC_BLOCK, D), lambda i: (i, 0)),
            pl.BlockSpec((TC_BLOCK, D), lambda i: (i, 0)),
            pl.BlockSpec((D, 3 * D), lambda i: (0, 0)),
            pl.BlockSpec((1, 3 * D), lambda i: (0, 0)),
        ],
        out_specs=pl.BlockSpec((TC_BLOCK, 2, D), lambda i: (i, 0, 0)),
        out_shape=jax.ShapeDtypeStruct((N_NODES, 2, D), jnp.float32),
    )(hs_sum, fc_reduce, Wg, bg2d)


def kernel(h, c, edge_index, Wg, bg, Wf, bf):
    src = edge_index[0]
    dst = edge_index[1]
    pad = E_PAD - N_EDGES
    src_p = jnp.concatenate([src, jnp.zeros((pad,), jnp.int32)])
    dst_p = jnp.concatenate([dst, jnp.full((pad,), N_NODES, jnp.int32)])
    src_p = src_p.reshape(N_SUBCORES, CHUNKS_PER_TILE, CHUNK).astype(jnp.int32)
    dst_p = dst_p.reshape(N_SUBCORES, CHUNKS_PER_TILE, CHUNK).astype(jnp.int32)
    zeros = jnp.zeros((ACC_ROWS, D), jnp.float32)

    prod = _pre(h, c, Wf, bf.reshape(1, D))
    hs_sum, fc_reduce = _sc_segsum(h, prod, src_p, dst_p, zeros)
    return _post(hs_sum, fc_reduce, Wg, bg.reshape(1, 3 * D))

# --- scband reference (transcript-rebuilt; emitter-appended) ---
"""Pipeline reference for scband-tree-lstm-20658792693767 (READ-ONLY COPY).

The authoritative reference and input builder live on the scoring server;
editing this copy changes nothing except your own understanding.
"""

import jax, jax.numpy as jnp
import numpy as np

MODEL_DIM = 64
D = 2 * MODEL_DIM  # 128, node state width
N = 10000          # n_nodes
E = 320000         # n_edges (child->parent links)


def setup_inputs(seed: int = 0) -> dict:
    key = jax.random.key(seed)
    ks = jax.random.split(key, 8)
    h = jax.random.normal(ks[0], (N, D), dtype=jnp.float32)
    c = jax.random.normal(ks[1], (N, D), dtype=jnp.float32)
    edge_index = jax.random.randint(ks[2], (2, E), 0, N, dtype=jnp.int32)
    # learned parameters (match nn.Linear(model_dim*2, 6*model_dim) and nn.Linear(model_dim*2, model_dim*2))
    Wg = jax.random.normal(ks[3], (D, 6 * MODEL_DIM), dtype=jnp.float32) * 0.05
    bg = jnp.zeros((6 * MODEL_DIM,), dtype=jnp.float32)
    Wf = jax.random.normal(ks[4], (D, D), dtype=jnp.float32) * 0.05
    bf = jnp.zeros((D,), dtype=jnp.float32)
    return {"h": h, "c": c, "edge_index": edge_index, "Wg": Wg, "bg": bg, "Wf": Wf, "bf": bf}


def reference(h, c, edge_index, Wg, bg, Wf, bf):
    # One level of child-sum TreeLSTM message passing (the core of _encode_trees),
    # vectorized over all ready parents via gather + segment-sum.
    src = edge_index[0]  # child node idx
    dst = edge_index[1]  # parent node idx
    child_h = jnp.take(h, src, axis=0)            # gather child hidden states [E, D]
    child_c = jnp.take(c, src, axis=0)            # gather child cell states   [E, D]
    # child_hs_sum per parent (ready_hs_sum)
    hs_sum = jax.ops.segment_sum(child_h, dst, num_segments=N)  # [N, D]
    # gates = self.gates(ready_hs_sum); i,o,g = gates.chunk(3)
    gates = hs_sum @ Wg + bg
    i, o, g = jnp.split(gates, 3, axis=1)
    i = jax.nn.sigmoid(i)
    o = jax.nn.sigmoid(o)
    g = jnp.tanh(g)
    # f_gates = sigmoid(self.f_gate(ready_hs)); fc = f_gates * cs; fc_reduce = per-parent sum
    f = jax.nn.sigmoid(child_h @ Wf + bf)          # [E, D]
    fc = f * child_c                               # [E, D]
    fc_reduce = jax.ops.segment_sum(fc, dst, num_segments=N)    # [N, D]
    # _child_sum_lstm_ready
    c_new = i * g + fc_reduce
    h_new = o * jnp.tanh(c_new)
    # h_c = cat([h.unsqueeze(1), c.unsqueeze(1)], dim=1) -> states layout [N, 2, D]
    h_c = jnp.stack([h_new, c_new], axis=1)
    return h_c

if __name__ == "__main__":
    import jax
    _d = setup_inputs()
    print(jax.jit(kernel)(*tuple(_d.values())))

</pallas_src>

<mosaic_0001>
#map = affine_map<(d0, d1) -> (0, 0)>
#map1 = affine_map<(d0, d1) -> (0, 0, 0)>
module attributes {stable_mosaic.version = 14 : i64} {
  func.func @_sc_segsum(%arg0: i32, %arg1: i32, %arg2: memref<10000x128xf32, #tpu.memory_space<hbm>>, %arg3: memref<10000x128xf32, #tpu.memory_space<hbm>>, %arg4: memref<16x160x128xi32, #tpu.memory_space<hbm>>, %arg5: memref<16x160x128xi32, #tpu.memory_space<hbm>>, %arg6: memref<10112x128xf32, #tpu.memory_space<hbm>>, %arg7: memref<10000x128xf32, #tpu.memory_space<hbm>>, %arg8: memref<10000x128xf32, #tpu.memory_space<hbm>>, %arg9: memref<16x128xi32, #tpu.memory_space<vmem>>, %arg10: memref<16x128xi32, #tpu.memory_space<vmem>>, %arg11: memref<16x128xi32, #tpu.memory_space<vmem>>, %arg12: memref<16x128xi32, #tpu.memory_space<vmem>>, %arg13: memref<128x128xf32, #tpu.memory_space<vmem>>, %arg14: memref<128x128xf32, #tpu.memory_space<vmem>>, %arg15: memref<10112x128xf32, #tpu.memory_space<vmem_shared>>, %arg16: memref<!tpu.dma_semaphore, #tpu.memory_space<semaphore_mem>>, %arg17: memref<!tpu.dma_semaphore, #tpu.memory_space<semaphore_mem>>, %arg18: memref<!tpu.dma_semaphore, #tpu.memory_space<semaphore_mem>>) attributes {dimension_semantics = [#tpu.dimension_semantics<core_parallel>, #tpu.dimension_semantics<subcore_parallel>], iteration_bounds = array<i64: 2, 16>, scalar_prefetch = 0 : i64, scratch_operands = 10 : i64, tpu.core_type = #tpu.core_type<sc_vector_subcore>, window_params = [{transform_indices = #map}, {transform_indices = #map}, {transform_indices = #map1}, {transform_indices = #map1}, {transform_indices = #map}, {transform_indices = #map}, {transform_indices = #map}]} {
    %mul3A = arith.constant 632 : i32
    %mul3A_0 = arith.muli %arg1, %mul3A : i32
    %mul3A_1 = arith.constant 632 : i32
    %mul3A_2 = arith.muli %arg1, %mul3A_1 : i32
    "tpu.region"() ({
      %run_scoped3A = tpu.sem_alloc : memref<!tpu.dma_semaphore, #tpu.memory_space<semaphore_mem>>
      %dma_start3A = arith.constant 0 : i32
      %dma_start3A_10 = tpu.memref_slice %arg15[%mul3A_2, %dma_start3A] : memref<10112x128xf32, #tpu.memory_space<vmem_shared>> -> memref<632x128xf32, #tpu.memory_space<vmem_shared>>
      %dma_start3A_11 = arith.constant 0 : i32
      %dma_start3A_12 = tpu.memref_slice %arg6[%mul3A_0, %dma_start3A_11] : memref<10112x128xf32, #tpu.memory_space<hbm>> -> memref<632x128xf32, #tpu.memory_space<hbm>>
      tpu.enqueue_dma source(%dma_start3A_12 : memref<632x128xf32, #tpu.memory_space<hbm>>) target(%dma_start3A_10 : memref<632x128xf32, #tpu.memory_space<vmem_shared>>) target_semaphore(%run_scoped3A : memref<!tpu.dma_semaphore, #tpu.memory_space<semaphore_mem>>)
      %dma_wait3A = arith.constant 0 : i32
      %dma_wait3A_13 = tpu.memref_slice %arg15[%mul3A_2, %dma_wait3A] : memref<10112x128xf32, #tpu.memory_space<vmem_shared>> -> memref<632x128xf32, #tpu.memory_space<vmem_shared>>
      %dma_wait3A_14 = arith.constant 0 : i32
      %dma_wait3A_15 = tpu.memref_slice %arg6[%mul3A_0, %dma_wait3A_14] : memref<10112x128xf32, #tpu.memory_space<hbm>> -> memref<632x128xf32, #tpu.memory_space<hbm>>
      tpu.wait_dma2 semaphore(%run_scoped3A : memref<!tpu.dma_semaphore, #tpu.memory_space<semaphore_mem>>) src(%dma_wait3A_15 : memref<632x128xf32, #tpu.memory_space<hbm>>) dst(%dma_wait3A_13 : memref<632x128xf32, #tpu.memory_space<vmem_shared>>)
      tpu.yield
    }) : () -> ()
    %barrier3A = arith.constant 0 : index
    tpu.barrier barrier_id(%barrier3A)
    %eq3A = arith.constant 0 : i32
    %eq3A_3 = arith.cmpi eq, %arg0, %eq3A : i32
    %convert_element_type3A = arith.extui %eq3A_3 : i1 to i32
    %cond3A = arith.constant 0 : i32
    %cond3A_4 = arith.cmpi ne, %convert_element_type3A, %cond3A : i32
    scf.if %cond3A_4 {
      %dma_start3A = arith.constant 0 : i32
      %dma_start3A_10 = arith.constant 0 : i32
      %dma_start3A_11 = tpu.memref_slice %arg4[%arg1, %dma_start3A, %dma_start3A_10] : memref<16x160x128xi32, #tpu.memory_space<hbm>> -> memref<1x16x128xi32, #tpu.memory_space<hbm>>
      %dma_start3A_12 = tpu.memref_squeeze %dma_start3A_11 : memref<1x16x128xi32, #tpu.memory_space<hbm>> -> memref<16x128xi32, #tpu.memory_space<hbm>>
      %dma_start3A_13 = arith.constant 0 : i32
      %dma_start3A_14 = arith.constant 0 : i32
      %dma_start3A_15 = tpu.memref_slice %arg4[%arg1, %dma_start3A_13, %dma_start3A_14] : memref<16x160x128xi32, #tpu.memory_space<hbm>> -> memref<1x16x128xi32, #tpu.memory_space<hbm>>
      %dma_start3A_16 = tpu.memref_squeeze %dma_start3A_15 : memref<1x16x128xi32, #tpu.memory_space<hbm>> -> memref<16x128xi32, #tpu.memory_space<hbm>>
      tpu.enqueue_dma source(%dma_start3A_16 : memref<16x128xi32, #tpu.memory_space<hbm>>) target(%arg9 : memref<16x128xi32, #tpu.memory_space<vmem>>) target_semaphore(%arg18 : memref<!tpu.dma_semaphore, #tpu.memory_space<semaphore_mem>>)
      %dma_start3A_17 = arith.constant 0 : i32
      %dma_start3A_18 = arith.constant 0 : i32
      %dma_start3A_19 = tpu.memref_slice %arg5[%arg1, %dma_start3A_17, %dma_start3A_18] : memref<16x160x128xi32, #tpu.memory_space<hbm>> -> memref<1x16x128xi32, #tpu.memory_space<hbm>>
      %dma_start3A_20 = tpu.memref_squeeze %dma_start3A_19 : memref<1x16x128xi32, #tpu.memory_space<hbm>> -> memref<16x128xi32, #tpu.memory_space<hbm>>
      %dma_start3A_21 = arith.constant 0 : i32
      %dma_start3A_22 = arith.constant 0 : i32
      %dma_start3A_23 = tpu.memref_slice %arg5[%arg1, %dma_start3A_21, %dma_start3A_22] : memref<16x160x128xi32, #tpu.memory_space<hbm>> -> memref<1x16x128xi32, #tpu.memory_space<hbm>>
      %dma_start3A_24 = tpu.memref_squeeze %dma_start3A_23 : memref<1x16x128xi32, #tpu.memory_space<hbm>> -> memref<16x128xi32, #tpu.memory_space<hbm>>
      tpu.enqueue_dma source(%dma_start3A_24 : memref<16x128xi32, #tpu.memory_space<hbm>>) target(%arg11 : memref<16x128xi32, #tpu.memory_space<vmem>>) target_semaphore(%arg18 : memref<!tpu.dma_semaphore, #tpu.memory_space<semaphore_mem>>)
      %dma_wait3A = arith.constant 0 : i32
      %dma_wait3A_25 = arith.constant 0 : i32
      %dma_wait3A_26 = tpu.memref_slice %arg4[%arg1, %dma_wait3A, %dma_wait3A_25] : memref<16x160x128xi32, #tpu.memory_space<hbm>> -> memref<1x16x128xi32, #tpu.memory_space<hbm>>
      %dma_wait3A_27 = tpu.memref_squeeze %dma_wait3A_26 : memref<1x16x128xi32, #tpu.memory_space<hbm>> -> memref<16x128xi32, #tpu.memory_space<hbm>>
      %dma_wait3A_28 = arith.constant 0 : i32
      %dma_wait3A_29 = arith.constant 0 : i32
      %dma_wait3A_30 = tpu.memref_slice %arg4[%arg1, %dma_wait3A_28, %dma_wait3A_29] : memref<16x160x128xi32, #tpu.memory_space<hbm>> -> memref<1x16x128xi32, #tpu.memory_space<hbm>>
      %dma_wait3A_31 = tpu.memref_squeeze %dma_wait3A_30 : memref<1x16x128xi32, #tpu.memory_space<hbm>> -> memref<16x128xi32, #tpu.memory_space<hbm>>
      tpu.wait_dma2 semaphore(%arg18 : memref<!tpu.dma_semaphore, #tpu.memory_space<semaphore_mem>>) src(%dma_wait3A_31 : memref<16x128xi32, #tpu.memory_space<hbm>>) dst(%arg9 : memref<16x128xi32, #tpu.memory_space<vmem>>)
      %dma_wait3A_32 = arith.constant 0 : i32
      %dma_wait3A_33 = arith.constant 0 : i32
      %dma_wait3A_34 = tpu.memref_slice %arg4[%arg1, %dma_wait3A_32, %dma_wait3A_33] : memref<16x160x128xi32, #tpu.memory_space<hbm>> -> memref<1x16x128xi32, #tpu.memory_space<hbm>>
      %dma_wait3A_35 = tpu.memref_squeeze %dma_wait3A_34 : memref<1x16x128xi32, #tpu.memory_space<hbm>> -> memref<16x128xi32, #tpu.memory_space<hbm>>
      %dma_wait3A_36 = arith.constant 0 : i32
      %dma_wait3A_37 = arith.constant 0 : i32
      %dma_wait3A_38 = tpu.memref_slice %arg4[%arg1, %dma_wait3A_36, %dma_wait3A_37] : memref<16x160x128xi32, #tpu.memory_space<hbm>> -> memref<1x16x128xi32, #tpu.memory_space<hbm>>
      %dma_wait3A_39 = tpu.memref_squeeze %dma_wait3A_38 : memref<1x16x128xi32, #tpu.memory_space<hbm>> -> memref<16x128xi32, #tpu.memory_space<hbm>>
      tpu.wait_dma2 semaphore(%arg18 : memref<!tpu.dma_semaphore, #tpu.memory_space<semaphore_mem>>) src(%dma_wait3A_39 : memref<16x128xi32, #tpu.memory_space<hbm>>) dst(%arg11 : memref<16x128xi32, #tpu.memory_space<vmem>>)
      %dma_start3A_40 = arith.constant 16 : i32
      %dma_start3A_41 = arith.constant 0 : i32
      %dma_start3A_42 = tpu.memref_slice %arg4[%arg1, %dma_start3A_40, %dma_start3A_41] : memref<16x160x128xi32, #tpu.memory_space<hbm>> -> memref<1x16x128xi32, #tpu.memory_space<hbm>>
      %dma_start3A_43 = tpu.memref_squeeze %dma_start3A_42 : memref<1x16x128xi32, #tpu.memory_space<hbm>> -> memref<16x128xi32, #tpu.memory_space<hbm>>
      %dma_start3A_44 = arith.constant 16 : i32
      %dma_start3A_45 = arith.constant 0 : i32
      %dma_start3A_46 = tpu.memref_slice %arg4[%arg1, %dma_start3A_44, %dma_start3A_45] : memref<16x160x128xi32, #tpu.memory_space<hbm>> -> memref<1x16x128xi32, #tpu.memory_space<hbm>>
      %dma_start3A_47 = tpu.memref_squeeze %dma_start3A_46 : memref<1x16x128xi32, #tpu.memory_space<hbm>> -> memref<16x128xi32, #tpu.memory_space<hbm>>
      tpu.enqueue_dma source(%dma_start3A_47 : memref<16x128xi32, #tpu.memory_space<hbm>>) target(%arg10 : memref<16x128xi32, #tpu.memory_space<vmem>>) target_semaphore(%arg18 : memref<!tpu.dma_semaphore, #tpu.memory_space<semaphore_mem>>)
      %dma_start3A_48 = arith.constant 16 : i32
      %dma_start3A_49 = arith.constant 0 : i32
      %dma_start3A_50 = tpu.memref_slice %arg5[%arg1, %dma_start3A_48, %dma_start3A_49] : memref<16x160x128xi32, #tpu.memory_space<hbm>> -> memref<1x16x128xi32, #tpu.memory_space<hbm>>
      %dma_start3A_51 = tpu.memref_squeeze %dma_start3A_50 : memref<1x16x128xi32, #tpu.memory_space<hbm>> -> memref<16x128xi32, #tpu.memory_space<hbm>>
      %dma_start3A_52 = arith.constant 16 : i32
      %dma_start3A_53 = arith.constant 0 : i32
      %dma_start3A_54 = tpu.memref_slice %arg5[%arg1, %dma_start3A_52, %dma_start3A_53] : memref<16x160x128xi32, #tpu.memory_space<hbm>> -> memref<1x16x128xi32, #tpu.memory_space<hbm>>
      %dma_start3A_55 = tpu.memref_squeeze %dma_start3A_54 : memref<1x16x128xi32, #tpu.memory_space<hbm>> -> memref<16x128xi32, #tpu.memory_space<hbm>>
      tpu.enqueue_dma source(%dma_start3A_55 : memref<16x128xi32, #tpu.memory_space<hbm>>) target(%arg12 : memref<16x128xi32, #tpu.memory_space<vmem>>) target_semaphore(%arg18 : memref<!tpu.dma_semaphore, #tpu.memory_space<semaphore_mem>>)
      %dma_start3A_56 = arith.constant 0 : i32
      %dma_start3A_57 = arith.constant 0 : i32
      %dma_start3A_58 = tpu.memref_slice %arg9[%dma_start3A_56, %dma_start3A_57] : memref<16x128xi32, #tpu.memory_space<vmem>> -> memref<1x128xi32, #tpu.memory_space<vmem>>
      %dma_start3A_59 = tpu.memref_squeeze %dma_start3A_58 : memref<1x128xi32, #tpu.memory_space<vmem>> -> memref<128xi32, #tpu.memory_space<vmem>>
      %dma_start3A_60 = arith.constant 0 : i32
      %dma_start3A_61 = arith.constant 0 : i32
      %dma_start3A_62 = tpu.memref_slice %arg2[%dma_start3A_60, %dma_start3A_61] : memref<10000x128xf32, #tpu.memory_space<hbm>> -> memref<10000x128xf32, #tpu.memory_space<hbm>>
      tpu.enqueue_indirect_dma source(%dma_start3A_62 : memref<10000x128xf32, #tpu.memory_space<hbm>>) target(%arg13 : memref<128x128xf32, #tpu.memory_space<vmem>>) offsets(%dma_start3A_59 : memref<128xi32, #tpu.memory_space<vmem>>) semaphore(%arg16 : memref<!tpu.dma_semaphore, #tpu.memory_space<semaphore_mem>>)
      %dma_start3A_63 = arith.constant 1 : i32
      %dma_start3A_64 = arith.constant 0 : i32
      %dma_start3A_65 = tpu.memref_slice %arg9[%dma_start3A_63, %dma_start3A_64] : memref<16x128xi32, #tpu.memory_space<vmem>> -> memref<1x128xi32, #tpu.memory_space<vmem>>
      %dma_start3A_66 = tpu.memref_squeeze %dma_start3A_65 : memref<1x128xi32, #tpu.memory_space<vmem>> -> memref<128xi32, #tpu.memory_space<vmem>>
      %dma_start3A_67 = arith.constant 0 : i32
      %dma_start3A_68 = arith.constant 0 : i32
      %dma_start3A_69 = tpu.memref_slice %arg2[%dma_start3A_67, %dma_start3A_68] : memref<10000x128xf32, #tpu.memory_space<hbm>> -> memref<10000x128xf32, #tpu.memory_space<hbm>>
      tpu.enqueue_indirect_dma source(%dma_start3A_69 : memref<10000x128xf32, #tpu.memory_space<hbm>>) target(%arg14 : memref<128x128xf32, #tpu.memory_space<vmem>>) offsets(%dma_start3A_66 : memref<128xi32, #tpu.memory_space<vmem>>) semaphore(%arg17 : memref<!tpu.dma_semaphore, #tpu.memory_space<semaphore_mem>>)
      %scan3A = arith.constant 0 : i32
      %scan3A_70 = arith.constant 0 : i32
      %scan3A_71 = arith.constant 5 : i32
      %scan3A_72 = arith.addi %scan3A_70, %scan3A_71 : i32
      %scan3A_73 = arith.constant 1 : i32
      scf.for %scan3A_85 = %scan3A_70 to %scan3A_72 step %scan3A_73  : i32 {
        %mul3A_86 = arith.constant 2 : i32
        %mul3A_87 = arith.muli %mul3A_86, %scan3A_85 : i32
        %add3A = arith.constant 0 : i32
        %add3A_88 = arith.addi %mul3A_87, %add3A : i32
        %gt3A = arith.constant 0 : i32
        %gt3A_89 = arith.cmpi sgt, %scan3A_85, %gt3A : i32
        %convert_element_type3A_90 = arith.extui %gt3A_89 : i1 to i32
        %cond3A_91 = arith.constant 0 : i32
        %cond3A_92 = arith.cmpi ne, %convert_element_type3A_90, %cond3A_91 : i32
        scf.if %cond3A_92 {
          %add3A_593 = arith.constant 1 : i32
          %add3A_594 = arith.addi %add3A_88, %add3A_593 : i32
          %mul3A_595 = arith.constant 16 : i32
          %mul3A_596 = arith.muli %add3A_594, %mul3A_595 : i32
          %dma_start3A_597 = arith.constant 0 : i32
          %dma_start3A_598 = tpu.memref_slice %arg4[%arg1, %mul3A_596, %dma_start3A_597] : memref<16x160x128xi32, #tpu.memory_space<hbm>> -> memref<1x16x128xi32, #tpu.memory_space<hbm>>
          %dma_start3A_599 = tpu.memref_squeeze %dma_start3A_598 : memref<1x16x128xi32, #tpu.memory_space<hbm>> -> memref<16x128xi32, #tpu.memory_space<hbm>>
          %dma_start3A_600 = arith.constant 0 : i32
          %dma_start3A_601 = tpu.memref_slice %arg4[%arg1, %mul3A_596, %dma_start3A_600] : memref<16x160x128xi32, #tpu.memory_space<hbm>> -> memref<1x16x128xi32, #tpu.memory_space<hbm>>
          %dma_start3A_602 = tpu.memref_squeeze %dma_start3A_601 : memref<1x16x128xi32, #tpu.memory_space<hbm>> -> memref<16x128xi32, #tpu.memory_space<hbm>>
          tpu.enqueue_dma source(%dma_start3A_602 : memref<16x128xi32, #tpu.memory_space<hbm>>) target(%arg10 : memref<16x128xi32, #tpu.memory_space<vmem>>) target_semaphore(%arg18 : memref<!tpu.dma_semaphore, #tpu.memory_space<semaphore_mem>>)
          %mul3A_603 = arith.constant 16 : i32
          %mul3A_604 = arith.muli %add3A_594, %mul3A_603 : i32
          %dma_start3A_605 = arith.constant 0 : i32
          %dma_start3A_606 = tpu.memref_slice %arg5[%arg1, %mul3A_604, %dma_start3A_605] : memref<16x160x128xi32, #tpu.memory_space<hbm>> -> memref<1x16x128xi32, #tpu.memory_space<hbm>>
          %dma_start3A_607 = tpu.memref_squeeze %dma_start3A_606 : memref<1x16x128xi32, #tpu.memory_space<hbm>> -> memref<16x128xi32, #tpu.memory_space<hbm>>
          %dma_start3A_608 = arith.constant 0 : i32
          %dma_start3A_609 = tpu.memref_slice %arg5[%arg1, %mul3A_604, %dma_start3A_608] : memref<16x160x128xi32, #tpu.memory_space<hbm>> -> memref<1x16x128xi32, #tpu.memory_space<hbm>>
          %dma_start3A_610 = tpu.memref_squeeze %dma_start3A_609 : memref<1x16x128xi32, #tpu.memory_space<hbm>> -> memref<16x128xi32, #tpu.memory_space<hbm>>
          tpu.enqueue_dma source(%dma_start3A_610 : memref<16x128xi32, #tpu.memory_space<hbm>>) target(%arg12 : memref<16x128xi32, #tpu.memory_space<vmem>>) target_semaphore(%arg18 : memref<!tpu.dma_semaphore, #tpu.memory_space<semaphore_mem>>)
        } else {
        }
        %dma_wait3A_93 = arith.constant 0 : i32
        %dma_wait3A_94 = arith.constant 0 : i32
        %dma_wait3A_95 = tpu.memref_slice %arg9[%dma_wait3A_93, %dma_wait3A_94] : memref<16x128xi32, #tpu.memory_space<vmem>> -> memref<1x128xi32, #tpu.memory_space<vmem>>
        %dma_wait3A_96 = tpu.memref_squeeze %dma_wait3A_95 : memref<1x128xi32, #tpu.memory_space<vmem>> -> memref<128xi32, #tpu.memory_space<vmem>>
        %dma_wait3A_97 = arith.constant 0 : i32
        %dma_wait3A_98 = arith.constant 0 : i32
        %dma_wait3A_99 = tpu.memref_slice %arg2[%dma_wait3A_97, %dma_wait3A_98] : memref<10000x128xf32, #tpu.memory_space<hbm>> -> memref<10000x128xf32, #tpu.memory_space<hbm>>
        tpu.wait_indirect_dma semaphore(%arg16 : memref<!tpu.dma_semaphore, #tpu.memory_space<semaphore_mem>>) src(%dma_wait3A_99 : memref<10000x128xf32, #tpu.memory_space<hbm>>) dst(%arg13 : memref<128x128xf32, #tpu.memory_space<vmem>>)
        %run_scoped3A = arith.constant 0 : i32
        "tpu.region"() ({
          %run_scoped3A_593 = tpu.sem_alloc : memref<!tpu.dma_semaphore, #tpu.memory_space<semaphore_mem>>
          %dma_start3A_594 = arith.constant 0 : i32
          %dma_start3A_595 = tpu.memref_slice %arg11[%run_scoped3A, %dma_start3A_594] : memref<16x128xi32, #tpu.memory_space<vmem>> -> memref<1x128xi32, #tpu.memory_space<vmem>>
          %dma_start3A_596 = tpu.memref_squeeze %dma_start3A_595 : memref<1x128xi32, #tpu.memory_space<vmem>> -> memref<128xi32, #tpu.memory_space<vmem>>
          %dma_start3A_597 = arith.constant 0 : i32
          %dma_start3A_598 = arith.constant 0 : i32
          %dma_start3A_599 = tpu.memref_slice %arg15[%dma_start3A_597, %dma_start3A_598] : memref<10112x128xf32, #tpu.memory_space<vmem_shared>> -> memref<10112x128xf32, #tpu.memory_space<vmem_shared>>
          tpu.enqueue_indirect_dma source(%arg13 : memref<128x128xf32, #tpu.memory_space<vmem>>) target(%dma_start3A_599 : memref<10112x128xf32, #tpu.memory_space<vmem_shared>>) offsets(%dma_start3A_596 : memref<128xi32, #tpu.memory_space<vmem>>) semaphore(%run_scoped3A_593 : memref<!tpu.dma_semaphore, #tpu.memory_space<semaphore_mem>>) {add = true}
          %dma_wait3A_600 = arith.constant 0 : i32
          %dma_wait3A_601 = tpu.memref_slice %arg11[%run_scoped3A, %dma_wait3A_600] : memref<16x128xi32, #tpu.memory_space<vmem>> -> memref<1x128xi32, #tpu.memory_space<vmem>>
          %dma_wait3A_602 = tpu.memref_squeeze %dma_wait3A_601 : memref<1x128xi32, #tpu.memory_space<vmem>> -> memref<128xi32, #tpu.memory_space<vmem>>
          %dma_wait3A_603 = arith.constant 0 : i32
          %dma_wait3A_604 = arith.constant 0 : i32
          %dma_wait3A_605 = tpu.memref_slice %arg15[%dma_wait3A_603, %dma_wait3A_604] : memref<10112x128xf32, #tpu.memory_space<vmem_shared>> -> memref<10112x128xf32, #tpu.memory_space<vmem_shared>>
          tpu.wait_indirect_dma semaphore(%run_scoped3A_593 : memref<!tpu.dma_semaphore, #tpu.memory_space<semaphore_mem>>) src(%arg13 : memref<128x128xf32, #tpu.memory_space<vmem>>) dst(%dma_wait3A_605 : memref<10112x128xf32, #tpu.memory_space<vmem_shared>>)
          tpu.yield
        }) : () -> ()
        %dma_start3A_100 = arith.constant 2 : i32
        %dma_start3A_101 = arith.constant 0 : i32
        %dma_start3A_102 = tpu.memref_slice %arg9[%dma_start3A_100, %dma_start3A_101] : memref<16x128xi32, #tpu.memory_space<vmem>> -> memref<1x128xi32, #tpu.memory_space<vmem>>
        %dma_start3A_103 = tpu.memref_squeeze %dma_start3A_102 : memref<1x128xi32, #tpu.memory_space<vmem>> -> memref<128xi32, #tpu.memory_space<vmem>>
        %dma_start3A_104 = arith.constant 0 : i32
        %dma_start3A_105 = arith.constant 0 : i32
        %dma_start3A_106 = tpu.memref_slice %arg2[%dma_start3A_104, %dma_start3A_105] : memref<10000x128xf32, #tpu.memory_space<hbm>> -> memref<10000x128xf32, #tpu.memory_space<hbm>>
        tpu.enqueue_indirect_dma source(%dma_start3A_106 : memref<10000x128xf32, #tpu.memory_space<hbm>>) target(%arg13 : memref<128x128xf32, #tpu.memory_space<vmem>>) offsets(%dma_start3A_103 : memref<128xi32, #tpu.memory_space<vmem>>) semaphore(%arg16 : memref<!tpu.dma_semaphore, #tpu.memory_space<semaphore_mem>>)
        %dma_wait3A_107 = arith.constant 0 : i32
        %dma_wait3A_108 = arith.constant 0 : i32
        %dma_wait3A_109 = tpu.memref_slice %arg9[%dma_wait3A_107, %dma_wait3A_108] : memref<16x128xi32, #tpu.memory_space<vmem>> -> memref<1x128xi32, #tpu.memory_space<vmem>>
        %dma_wait3A_110 = tpu.memref_squeeze %dma_wait3A_109 : memref<1x128xi32, #tpu.memory_space<vmem>> -> memref<128xi32, #tpu.memory_space<vmem>>
        %dma_wait3A_111 = arith.constant 0 : i32
        %dma_wait3A_112 = arith.constant 0 : i32
        %dma_wait3A_113 = tpu.memref_slice %arg2[%dma_wait3A_111, %dma_wait3A_112] : memref<10000x128xf32, #tpu.memory_space<hbm>> -> memref<10000x128xf32, #tpu.memory_space<hbm>>
        tpu.wait_indirect_dma semaphore(%arg17 : memref<!tpu.dma_semaphore, #tpu.memory_space<semaphore_mem>>) src(%dma_wait3A_113 : memref<10000x128xf32, #tpu.memory_space<hbm>>) dst(%arg14 : memref<128x128xf32, #tpu.memory_space<vmem>>)
        %run_scoped3A_114 = arith.constant 1 : i32
        "tpu.region"() ({
          %run_scoped3A_593 = tpu.sem_alloc : memref<!tpu.dma_semaphore, #tpu.memory_space<semaphore_mem>>
          %dma_start3A_594 = arith.constant 0 : i32
          %dma_start3A_595 = tpu.memref_slice %arg11[%run_scoped3A_114, %dma_start3A_594] : memref<16x128xi32, #tpu.memory_space<vmem>> -> memref<1x128xi32, #tpu.memory_space<vmem>>
          %dma_start3A_596 = tpu.memref_squeeze %dma_start3A_595 : memref<1x128xi32, #tpu.memory_space<vmem>> -> memref<128xi32, #tpu.memory_space<vmem>>
          %dma_start3A_597 = arith.constant 0 : i32
          %dma_start3A_598 = arith.constant 0 : i32
          %dma_start3A_599 = tpu.memref_slice %arg15[%dma_start3A_597, %dma_start3A_598] : memref<10112x128xf32, #tpu.memory_space<vmem_shared>> -> memref<10112x128xf32, #tpu.memory_space<vmem_shared>>
          tpu.enqueue_indirect_dma source(%arg14 : memref<128x128xf32, #tpu.memory_space<vmem>>) target(%dma_start3A_599 : memref<10112x128xf32, #tpu.memory_space<vmem_shared>>) offsets(%dma_start3A_596 : memref<128xi32, #tpu.memory_space<vmem>>) semaphore(%run_scoped3A_593 : memref<!tpu.dma_semaphore, #tpu.memory_space<semaphore_mem>>) {add = true}
          %dma_wait3A_600 = arith.constant 0 : i32
          %dma_wait3A_601 = tpu.memref_slice %arg11[%run_scoped3A_114, %dma_wait3A_600] : memref<16x128xi32, #tpu.memory_space<vmem>> -> memref<1x128xi32, #tpu.memory_space<vmem>>
          %dma_wait3A_602 = tpu.memref_squeeze %dma_wait3A_601 : memref<1x128xi32, #tpu.memory_space<vmem>> -> memref<128xi32, #tpu.memory_space<vmem>>
          %dma_wait3A_603 = arith.constant 0 : i32
          %dma_wait3A_604 = arith.constant 0 : i32
          %dma_wait3A_605 = tpu.memref_slice %arg15[%dma_wait3A_603, %dma_wait3A_604] : memref<10112x128xf32, #tpu.memory_space<vmem_shared>> -> memref<10112x128xf32, #tpu.memory_space<vmem_shared>>
          tpu.wait_indirect_dma semaphore(%run_scoped3A_593 : memref<!tpu.dma_semaphore, #tpu.memory_space<semaphore_mem>>) src(%arg14 : memref<128x128xf32, #tpu.memory_space<vmem>>) dst(%dma_wait3A_605 : memref<10112x128xf32, #tpu.memory_space<vmem_shared>>)
          tpu.yield
        }) : () -> ()
        %dma_start3A_115 = arith.constant 3 : i32
        %dma_start3A_116 = arith.constant 0 : i32
        %dma_start3A_117 = tpu.memref_slice %arg9[%dma_start3A_115, %dma_start3A_116] : memref<16x128xi32, #tpu.memory_space<vmem>> -> memref<1x128xi32, #tpu.memory_space<vmem>>
        %dma_start3A_118 = tpu.memref_squeeze %dma_start3A_117 : memref<1x128xi32, #tpu.memory_space<vmem>> -> memref<128xi32, #tpu.memory_space<vmem>>
        %dma_start3A_119 = arith.constant 0 : i32
        %dma_start3A_120 = arith.constant 0 : i32
        %dma_start3A_121 = tpu.memref_slice %arg2[%dma_start3A_119, %dma_start3A_120] : memref<10000x128xf32, #tpu.memory_space<hbm>> -> memref<10000x128xf32, #tpu.memory_space<hbm>>
        tpu.enqueue_indirect_dma source(%dma_start3A_121 : memref<10000x128xf32, #tpu.memory_space<hbm>>) target(%arg14 : memref<128x128xf32, #tpu.memory_space<vmem>>) offsets(%dma_start3A_118 : memref<128xi32, #tpu.memory_space<vmem>>) semaphore(%arg17 : memref<!tpu.dma_semaphore, #tpu.memory_space<semaphore_mem>>)
        %dma_wait3A_122 = arith.constant 0 : i32
        %dma_wait3A_123 = arith.constant 0 : i32
        %dma_wait3A_124 = tpu.memref_slice %arg9[%dma_wait3A_122, %dma_wait3A_123] : memref<16x128xi32, #tpu.memory_space<vmem>> -> memref<1x128xi32, #tpu.memory_space<vmem>>
        %dma_wait3A_125 = tpu.memref_squeeze %dma_wait3A_124 : memref<1x128xi32, #tpu.memory_space<vmem>> -> memref<128xi32, #tpu.memory_space<vmem>>
        %dma_wait3A_126 = arith.constant 0 : i32
        %dma_wait3A_127 = arith.constant 0 : i32
        %dma_wait3A_128 = tpu.memref_slice %arg2[%dma_wait3A_126, %dma_wait3A_127] : memref<10000x128xf32, #tpu.memory_space<hbm>> -> memref<10000x128xf32, #tpu.memory_space<hbm>>
        tpu.wait_indirect_dma semaphore(%arg16 : memref<!tpu.dma_semaphore, #tpu.memory_space<semaphore_mem>>) src(%dma_wait3A_128 : memref<10000x128xf32, #tpu.memory_space<hbm>>) dst(%arg13 : memref<128x128xf32, #tpu.memory_space<vmem>>)
        %run_scoped3A_129 = arith.constant 2 : i32
        "tpu.region"() ({
          %run_scoped3A_593 = tpu.sem_alloc : memref<!tpu.dma_semaphore, #tpu.memory_space<semaphore_mem>>
          %dma_start3A_594 = arith.constant 0 : i32
          %dma_start3A_595 = tpu.memref_slice %arg11[%run_scoped3A_129, %dma_start3A_594] : memref<16x128xi32, #tpu.memory_space<vmem>> -> memref<1x128xi32, #tpu.memory_space<vmem>>
          %dma_start3A_596 = tpu.memref_squeeze %dma_start3A_595 : memref<1x128xi32, #tpu.memory_space<vmem>> -> memref<128xi32, #tpu.memory_space<vmem>>
          %dma_start3A_597 = arith.constant 0 : i32
          %dma_start3A_598 = arith.constant 0 : i32
          %dma_start3A_599 = tpu.memref_slice %arg15[%dma_start3A_597, %dma_start3A_598] : memref<10112x128xf32, #tpu.memory_space<vmem_shared>> -> memref<10112x128xf32, #tpu.memory_space<vmem_shared>>
          tpu.enqueue_indirect_dma source(%arg13 : memref<128x128xf32, #tpu.memory_space<vmem>>) target(%dma_start3A_599 : memref<10112x128xf32, #tpu.memory_space<vmem_shared>>) offsets(%dma_start3A_596 : memref<128xi32, #tpu.memory_space<vmem>>) semaphore(%run_scoped3A_593 : memref<!tpu.dma_semaphore, #tpu.memory_space<semaphore_mem>>) {add = true}
          %dma_wait3A_600 = arith.constant 0 : i32
          %dma_wait3A_601 = tpu.memref_slice %arg11[%run_scoped3A_129, %dma_wait3A_600] : memref<16x128xi32, #tpu.memory_space<vmem>> -> memref<1x128xi32, #tpu.memory_space<vmem>>
          %dma_wait3A_602 = tpu.memref_squeeze %dma_wait3A_601 : memref<1x128xi32, #tpu.memory_space<vmem>> -> memref<128xi32, #tpu.memory_space<vmem>>
          %dma_wait3A_603 = arith.constant 0 : i32
          %dma_wait3A_604 = arith.constant 0 : i32
          %dma_wait3A_605 = tpu.memref_slice %arg15[%dma_wait3A_603, %dma_wait3A_604] : memref<10112x128xf32, #tpu.memory_space<vmem_shared>> -> memref<10112x128xf32, #tpu.memory_space<vmem_shared>>
          tpu.wait_indirect_dma semaphore(%run_scoped3A_593 : memref<!tpu.dma_semaphore, #tpu.memory_space<semaphore_mem>>) src(%arg13 : memref<128x128xf32, #tpu.memory_space<vmem>>) dst(%dma_wait3A_605 : memref<10112x128xf32, #tpu.memory_space<vmem_shared>>)
          tpu.yield
        }) : () -> ()
        %dma_start3A_130 = arith.constant 4 : i32
        %dma_start3A_131 = arith.constant 0 : i32
        %dma_start3A_132 = tpu.memref_slice %arg9[%dma_start3A_130, %dma_start3A_131] : memref<16x128xi32, #tpu.memory_space<vmem>> -> memref<1x128xi32, #tpu.memory_space<vmem>>
        %dma_start3A_133 = tpu.memref_squeeze %dma_start3A_132 : memref<1x128xi32, #tpu.memory_space<vmem>> -> memref<128xi32, #tpu.memory_space<vmem>>
        %dma_start3A_134 = arith.constant 0 : i32
        %dma_start3A_135 = arith.constant 0 : i32
        %dma_start3A_136 = tpu.memref_slice %arg2[%dma_start3A_134, %dma_start3A_135] : memref<10000x128xf32, #tpu.memory_space<hbm>> -> memref<10000x128xf32, #tpu.memory_space<hbm>>
        tpu.enqueue_indirect_dma source(%dma_start3A_136 : memref<10000x128xf32, #tpu.memory_space<hbm>>) target(%arg13 : memref<128x128xf32, #tpu.memory_space<vmem>>) offsets(%dma_start3A_133 : memref<128xi32, #tpu.memory_space<vmem>>) semaphore(%arg16 : memref<!tpu.dma_semaphore, #tpu.memory_space<semaphore_mem>>)
        %dma_wait3A_137 = arith.constant 0 : i32
        %dma_wait3A_138 = arith.constant 0 : i32
        %dma_wait3A_139 = tpu.memref_slice %arg9[%dma_wait3A_137, %dma_wait3A_138] : memref<16x128xi32, #tpu.memory_space<vmem>> -> memref<1x128xi32, #tpu.memory_space<vmem>>
        %dma_wait3A_140 = tpu.memref_squeeze %dma_wait3A_139 : memref<1x128xi32, #tpu.memory_space<vmem>> -> memref<128xi32, #tpu.memory_space<vmem>>
        %dma_wait3A_141 = arith.constant 0 : i32
        %dma_wait3A_142 = arith.constant 0 : i32
        %dma_wait3A_143 = tpu.memref_slice %arg2[%dma_wait3A_141, %dma_wait3A_142] : memref<10000x128xf32, #tpu.memory_space<hbm>> -> memref<10000x128xf32, #tpu.memory_space<hbm>>
        tpu.wait_indirect_dma semaphore(%arg17 : memref<!tpu.dma_semaphore, #tpu.memory_space<semaphore_mem>>) src(%dma_wait3A_143 : memref<10000x128xf32, #tpu.memory_space<hbm>>) dst(%arg14 : memref<128x128xf32, #tpu.memory_space<vmem>>)
        %run_scoped3A_144 = arith.constant 3 : i32
        "tpu.region"() ({
          %run_scoped3A_593 = tpu.sem_alloc : memref<!tpu.dma_semaphore, #tpu.memory_space<semaphore_mem>>
          %dma_start3A_594 = arith.constant 0 : i32
          %dma_start3A_595 = tpu.memref_slice %arg11[%run_scoped3A_144, %dma_start3A_594] : memref<16x128xi32, #tpu.memory_space<vmem>> -> memref<1x128xi32, #tpu.memory_space<vmem>>
          %dma_start3A_596 = tpu.memref_squeeze %dma_start3A_595 : memref<1x128xi32, #tpu.memory_space<vmem>> -> memref<128xi32, #tpu.memory_space<vmem>>
          %dma_start3A_597 = arith.constant 0 : i32
          %dma_start3A_598 = arith.constant 0 : i32
          %dma_start3A_599 = tpu.memref_slice %arg15[%dma_start3A_597, %dma_start3A_598] : memref<10112x128xf32, #tpu.memory_space<vmem_shared>> -> memref<10112x128xf32, #tpu.memory_space<vmem_shared>>
          tpu.enqueue_indirect_dma source(%arg14 : memref<128x128xf32, #tpu.memory_space<vmem>>) target(%dma_start3A_599 : memref<10112x128xf32, #tpu.memory_space<vmem_shared>>) offsets(%dma_start3A_596 : memref<128xi32, #tpu.memory_space<vmem>>) semaphore(%run_scoped3A_593 : memref<!tpu.dma_semaphore, #tpu.memory_space<semaphore_mem>>) {add = true}
          %dma_wait3A_600 = arith.constant 0 : i32
          %dma_wait3A_601 = tpu.memref_slice %arg11[%run_scoped3A_144, %dma_wait3A_600] : memref<16x128xi32, #tpu.memory_space<vmem>> -> memref<1x128xi32, #tpu.memory_space<vmem>>
          %dma_wait3A_602 = tpu.memref_squeeze %dma_wait3A_601 : memref<1x128xi32, #tpu.memory_space<vmem>> -> memref<128xi32, #tpu.memory_space<vmem>>
          %dma_wait3A_603 = arith.constant 0 : i32
          %dma_wait3A_604 = arith.constant 0 : i32
          %dma_wait3A_605 = tpu.memref_slice %arg15[%dma_wait3A_603, %dma_wait3A_604] : memref<10112x128xf32, #tpu.memory_space<vmem_shared>> -> memref<10112x128xf32, #tpu.memory_space<vmem_shared>>
          tpu.wait_indirect_dma semaphore(%run_scoped3A_593 : memref<!tpu.dma_semaphore, #tpu.memory_space<semaphore_mem>>) src(%arg14 : memref<128x128xf32, #tpu.memory_space<vmem>>) dst(%dma_wait3A_605 : memref<10112x128xf32, #tpu.memory_space<vmem_shared>>)
          tpu.yield
        }) : () -> ()
        %dma_start3A_145 = arith.constant 5 : i32
        %dma_start3A_146 = arith.constant 0 : i32
        %dma_start3A_147 = tpu.memref_slice %arg9[%dma_start3A_145, %dma_start3A_146] : memref<16x128xi32, #tpu.memory_space<vmem>> -> memref<1x128xi32, #tpu.memory_space<vmem>>
        %dma_start3A_148 = tpu.memref_squeeze %dma_start3A_147 : memref<1x128xi32, #tpu.memory_space<vmem>> -> memref<128xi32, #tpu.memory_space<vmem>>
        %dma_start3A_149 = arith.constant 0 : i32
        %dma_start3A_150 = arith.constant 0 : i32
        %dma_start3A_151 = tpu.memref_slice %arg2[%dma_start3A_149, %dma_start3A_150] : memref<10000x128xf32, #tpu.memory_space<hbm>> -> memref<10000x128xf32, #tpu.memory_space<hbm>>
        tpu.enqueue_indirect_dma source(%dma_start3A_151 : memref<10000x128xf32, #tpu.memory_space<hbm>>) target(%arg14 : memref<128x128xf32, #tpu.memory_space<vmem>>) offsets(%dma_start3A_148 : memref<128xi32, #tpu.memory_space<vmem>>) semaphore(%arg17 : memref<!tpu.dma_semaphore, #tpu.memory_space<semaphore_mem>>)
        %dma_wait3A_152 = arith.constant 0 : i32
        %dma_wait3A_153 = arith.constant 0 : i32
        %dma_wait3A_154 = tpu.memref_slice %arg9[%dma_wait3A_152, %dma_wait3A_153] : memref<16x128xi32, #tpu.memory_space<vmem>> -> memref<1x128xi32, #tpu.memory_space<vmem>>
        %dma_wait3A_155 = tpu.memref_squeeze %dma_wait3A_154 : memref<1x128xi32, #tpu.memory_space<vmem>> -> memref<128xi32, #tpu.memory_space<vmem>>
        %dma_wait3A_156 = arith.constant 0 : i32
        %dma_wait3A_157 = arith.constant 0 : i32
        %dma_wait3A_158 = tpu.memref_slice %arg2[%dma_wait3A_156, %dma_wait3A_157] : memref<10000x128xf32, #tpu.memory_space<hbm>> -> memref<10000x128xf32, #tpu.memory_space<hbm>>
        tpu.wait_indirect_dma semaphore(%arg16 : memref<!tpu.dma_semaphore, #tpu.memory_space<semaphore_mem>>) src(%dma_wait3A_158 : memref<10000x128xf32, #tpu.memory_space<hbm>>) dst(%arg13 : memref<128x128xf32, #tpu.memory_space<vmem>>)
        %run_scoped3A_159 = arith.constant 4 : i32
        "tpu.region"() ({
          %run_scoped3A_593 = tpu.sem_alloc : memref<!tpu.dma_semaphore, #tpu.memory_space<semaphore_mem>>
          %dma_start3A_594 = arith.constant 0 : i32
          %dma_start3A_595 = tpu.memref_slice %arg11[%run_scoped3A_159, %dma_start3A_594] : memref<16x128xi32, #tpu.memory_space<vmem>> -> memref<1x128xi32, #tpu.memory_space<vmem>>
          %dma_start3A_596 = tpu.memref_squeeze %dma_start3A_595 : memref<1x128xi32, #tpu.memory_space<vmem>> -> memref<128xi32, #tpu.memory_space<vmem>>
          %dma_start3A_597 = arith.constant 0 : i32
          %dma_start3A_598 = arith.constant 0 : i32
          %dma_start3A_599 = tpu.memref_slice %arg15[%dma_start3A_597, %dma_start3A_598] : memref<10112x128xf32, #tpu.memory_space<vmem_shared>> -> memref<10112x128xf32, #tpu.memory_space<vmem_shared>>
          tpu.enqueue_indirect_dma source(%arg13 : memref<128x128xf32, #tpu.memory_space<vmem>>) target(%dma_start3A_599 : memref<10112x128xf32, #tpu.memory_space<vmem_shared>>) offsets(%dma_start3A_596 : memref<128xi32, #tpu.memory_space<vmem>>) semaphore(%run_scoped3A_593 : memref<!tpu.dma_semaphore, #tpu.memory_space<semaphore_mem>>) {add = true}
          %dma_wait3A_600 = arith.constant 0 : i32
          %dma_wait3A_601 = tpu.memref_slice %arg11[%run_scoped3A_159, %dma_wait3A_600] : memref<16x128xi32, #tpu.memory_space<vmem>> -> memref<1x128xi32, #tpu.memory_space<vmem>>
          %dma_wait3A_602 = tpu.memref_squeeze %dma_wait3A_601 : memref<1x128xi32, #tpu.memory_space<vmem>> -> memref<128xi32, #tpu.memory_space<vmem>>
          %dma_wait3A_603 = arith.constant 0 : i32
          %dma_wait3A_604 = arith.constant 0 : i32
          %dma_wait3A_605 = tpu.memref_slice %arg15[%dma_wait3A_603, %dma_wait3A_604] : memref<10112x128xf32, #tpu.memory_space<vmem_shared>> -> memref<10112x128xf32, #tpu.memory_space<vmem_shared>>
          tpu.wait_indirect_dma semaphore(%run_scoped3A_593 : memref<!tpu.dma_semaphore, #tpu.memory_space<semaphore_mem>>) src(%arg13 : memref<128x128xf32, #tpu.memory_space<vmem>>) dst(%dma_wait3A_605 : memref<10112x128xf32, #tpu.memory_space<vmem_shared>>)
          tpu.yield
        }) : () -> ()
        %dma_start3A_160 = arith.constant 6 : i32
        %dma_start3A_161 = arith.constant 0 : i32
        %dma_start3A_162 = tpu.memref_slice %arg9[%dma_start3A_160, %dma_start3A_161] : memref<16x128xi32, #tpu.memory_space<vmem>> -> memref<1x128xi32, #tpu.memory_space<vmem>>
        %dma_start3A_163 = tpu.memref_squeeze %dma_start3A_162 : memref<1x128xi32, #tpu.memory_space<vmem>> -> memref<128xi32, #tpu.memory_space<vmem>>
        %dma_start3A_164 = arith.constant 0 : i32
        %dma_start3A_165 = arith.constant 0 : i32
        %dma_start3A_166 = tpu.memref_slice %arg2[%dma_start3A_164, %dma_start3A_165] : memref<10000x128xf32, #tpu.memory_space<hbm>> -> memref<10000x128xf32, #tpu.memory_space<hbm>>
        tpu.enqueue_indirect_dma source(%dma_start3A_166 : memref<10000x128xf32, #tpu.memory_space<hbm>>) target(%arg13 : memref<128x128xf32, #tpu.memory_space<vmem>>) offsets(%dma_start3A_163 : memref<128xi32, #tpu.memory_space<vmem>>) semaphore(%arg16 : memref<!tpu.dma_semaphore, #tpu.memory_space<semaphore_mem>>)
        %dma_wait3A_167 = arith.constant 0 : i32
        %dma_wait3A_168 = arith.constant 0 : i32
        %dma_wait3A_169 = tpu.memref_slice %arg9[%dma_wait3A_167, %dma_wait3A_168] : memref<16x128xi32, #tpu.memory_space<vmem>> -> memref<1x128xi32, #tpu.memory_space<vmem>>
        %dma_wait3A_170 = tpu.memref_squeeze %dma_wait3A_169 : memref<1x128xi32, #tpu.memory_space<vmem>> -> memref<128xi32, #tpu.memory_space<vmem>>
        %dma_wait3A_171 = arith.constant 0 : i32
        %dma_wait3A_172 = arith.constant 0 : i32
        %dma_wait3A_173 = tpu.memref_slice %arg2[%dma_wait3A_171, %dma_wait3A_172] : memref<10000x128xf32, #tpu.memory_space<hbm>> -> memref<10000x128xf32, #tpu.memory_space<hbm>>
        tpu.wait_indirect_dma semaphore(%arg17 : memref<!tpu.dma_semaphore, #tpu.memory_space<semaphore_mem>>) src(%dma_wait3A_173 : memref<10000x128xf32, #tpu.memory_space<hbm>>) dst(%arg14 : memref<128x128xf32, #tpu.memory_space<vmem>>)
        %run_scoped3A_174 = arith.constant 5 : i32
        "tpu.region"() ({
          %run_scoped3A_593 = tpu.sem_alloc : memref<!tpu.dma_semaphore, #tpu.memory_space<semaphore_mem>>
          %dma_start3A_594 = arith.constant 0 : i32
          %dma_start3A_595 = tpu.memref_slice %arg11[%run_scoped3A_174, %dma_start3A_594] : memref<16x128xi32, #tpu.memory_space<vmem>> -> memref<1x128xi32, #tpu.memory_space<vmem>>
          %dma_start3A_596 = tpu.memref_squeeze %dma_start3A_595 : memref<1x128xi32, #tpu.memory_space<vmem>> -> memref<128xi32, #tpu.memory_space<vmem>>
          %dma_start3A_597 = arith.constant 0 : i32
          %dma_start3A_598 = arith.constant 0 : i32
          %dma_start3A_599 = tpu.memref_slice %arg15[%dma_start3A_597, %dma_start3A_598] : memref<10112x128xf32, #tpu.memory_space<vmem_shared>> -> memref<10112x128xf32, #tpu.memory_space<vmem_shared>>
          tpu.enqueue_indirect_dma source(%arg14 : memref<128x128xf32, #tpu.memory_space<vmem>>) target(%dma_start3A_599 : memref<10112x128xf32, #tpu.memory_space<vmem_shared>>) offsets(%dma_start3A_596 : memref<128xi32, #tpu.memory_space<vmem>>) semaphore(%run_scoped3A_593 : memref<!tpu.dma_semaphore, #tpu.memory_space<semaphore_mem>>) {add = true}
          %dma_wait3A_600 = arith.constant 0 : i32
          %dma_wait3A_601 = tpu.memref_slice %arg11[%run_scoped3A_174, %dma_wait3A_600] : memref<16x128xi32, #tpu.memory_space<vmem>> -> memref<1x128xi32, #tpu.memory_space<vmem>>
          %dma_wait3A_602 = tpu.memref_squeeze %dma_wait3A_601 : memref<1x128xi32, #tpu.memory_space<vmem>> -> memref<128xi32, #tpu.memory_space<vmem>>
          %dma_wait3A_603 = arith.constant 0 : i32
          %dma_wait3A_604 = arith.constant 0 : i32
          %dma_wait3A_605 = tpu.memref_slice %arg15[%dma_wait3A_603, %dma_wait3A_604] : memref<10112x128xf32, #tpu.memory_space<vmem_shared>> -> memref<10112x128xf32, #tpu.memory_space<vmem_shared>>
          tpu.wait_indirect_dma semaphore(%run_scoped3A_593 : memref<!tpu.dma_semaphore, #tpu.memory_space<semaphore_mem>>) src(%arg14 : memref<128x128xf32, #tpu.memory_space<vmem>>) dst(%dma_wait3A_605 : memref<10112x128xf32, #tpu.memory_space<vmem_shared>>)
          tpu.yield
        }) : () -> ()
        %dma_start3A_175 = arith.constant 7 : i32
        %dma_start3A_176 = arith.constant 0 : i32
        %dma_start3A_177 = tpu.memref_slice %arg9[%dma_start3A_175, %dma_start3A_176] : memref<16x128xi32, #tpu.memory_space<vmem>> -> memref<1x128xi32, #tpu.memory_space<vmem>>
        %dma_start3A_178 = tpu.memref_squeeze %dma_start3A_177 : memref<1x128xi32, #tpu.memory_space<vmem>> -> memref<128xi32, #tpu.memory_space<vmem>>
        %dma_start3A_179 = arith.constant 0 : i32
        %dma_start3A_180 = arith.constant 0 : i32
        %dma_start3A_181 = tpu.memref_slice %arg2[%dma_start3A_179, %dma_start3A_180] : memref<10000x128xf32, #tpu.memory_space<hbm>> -> memref<10000x128xf32, #tpu.memory_space<hbm>>
        tpu.enqueue_indirect_dma source(%dma_start3A_181 : memref<10000x128xf32, #tpu.memory_space<hbm>>) target(%arg14 : memref<128x128xf32, #tpu.memory_space<vmem>>) offsets(%dma_start3A_178 : memref<128xi32, #tpu.memory_space<vmem>>) semaphore(%arg17 : memref<!tpu.dma_semaphore, #tpu.memory_space<semaphore_mem>>)
        %dma_wait3A_182 = arith.constant 0 : i32
        %dma_wait3A_183 = arith.constant 0 : i32
        %dma_wait3A_184 = tpu.memref_slice %arg9[%dma_wait3A_182, %dma_wait3A_183] : memref<16x128xi32, #tpu.memory_space<vmem>> -> memref<1x128xi32, #tpu.memory_space<vmem>>
        %dma_wait3A_185 = tpu.memref_squeeze %dma_wait3A_184 : memref<1x128xi32, #tpu.memory_space<vmem>> -> memref<128xi32, #tpu.memory_space<vmem>>
        %dma_wait3A_186 = arith.constant 0 : i32
        %dma_wait3A_187 = arith.constant 0 : i32
        %dma_wait3A_188 = tpu.memref_slice %arg2[%dma_wait3A_186, %dma_wait3A_187] : memref<10000x128xf32, #tpu.memory_space<hbm>> -> memref<10000x128xf32, #tpu.memory_space<hbm>>
        tpu.wait_indirect_dma semaphore(%arg16 : memref<!tpu.dma_semaphore, #tpu.memory_space<semaphore_mem>>) src(%dma_wait3A_188 : memref<10000x128xf32, #tpu.memory_space<hbm>>) dst(%arg13 : memref<128x128xf32, #tpu.memory_space<vmem>>)
        %run_scoped3A_189 = arith.constant 6 : i32
        "tpu.region"() ({
          %run_scoped3A_593 = tpu.sem_alloc : memref<!tpu.dma_semaphore, #tpu.memory_space<semaphore_mem>>
          %dma_start3A_594 = arith.constant 0 : i32
          %dma_start3A_595 = tpu.memref_slice %arg11[%run_scoped3A_189, %dma_start3A_594] : memref<16x128xi32, #tpu.memory_space<vmem>> -> memref<1x128xi32, #tpu.memory_space<vmem>>
          %dma_start3A_596 = tpu.memref_squeeze %dma_start3A_595 : memref<1x128xi32, #tpu.memory_space<vmem>> -> memref<128xi32, #tpu.memory_space<vmem>>
          %dma_start3A_597 = arith.constant 0 : i32
          %dma_start3A_598 = arith.constant 0 : i32
          %dma_start3A_599 = tpu.memref_slice %arg15[%dma_start3A_597, %dma_start3A_598] : memref<10112x128xf32, #tpu.memory_space<vmem_shared>> -> memref<10112x128xf32, #tpu.memory_space<vmem_shared>>
          tpu.enqueue_indirect_dma source(%arg13 : memref<128x128xf32, #tpu.memory_space<vmem>>) target(%dma_start3A_599 : memref<10112x128xf32, #tpu.memory_space<vmem_shared>>) offsets(%dma_start3A_596 : memref<128xi32, #tpu.memory_space<vmem>>) semaphore(%run_scoped3A_593 : memref<!tpu.dma_semaphore, #tpu.memory_space<semaphore_mem>>) {add = true}
          %dma_wait3A_600 = arith.constant 0 : i32
          %dma_wait3A_601 = tpu.memref_slice %arg11[%run_scoped3A_189, %dma_wait3A_600] : memref<16x128xi32, #tpu.memory_space<vmem>> -> memref<1x128xi32, #tpu.memory_space<vmem>>
          %dma_wait3A_602 = tpu.memref_squeeze %dma_wait3A_601 : memref<1x128xi32, #tpu.memory_space<vmem>> -> memref<128xi32, #tpu.memory_space<vmem>>
          %dma_wait3A_603 = arith.constant 0 : i32
          %dma_wait3A_604 = arith.constant 0 : i32
          %dma_wait3A_605 = tpu.memref_slice %arg15[%dma_wait3A_603, %dma_wait3A_604] : memref<10112x128xf32, #tpu.memory_space<vmem_shared>> -> memref<10112x128xf32, #tpu.memory_space<vmem_shared>>
          tpu.wait_indirect_dma semaphore(%run_scoped3A_593 : memref<!tpu.dma_semaphore, #tpu.memory_space<semaphore_mem>>) src(%arg13 : memref<128x128xf32, #tpu.memory_space<vmem>>) dst(%dma_wait3A_605 : memref<10112x128xf32, #tpu.memory_space<vmem_shared>>)
          tpu.yield
        }) : () -> ()
        %dma_start3A_190 = arith.constant 8 : i32
        %dma_start3A_191 = arith.constant 0 : i32
        %dma_start3A_192 = tpu.memref_slice %arg9[%dma_start3A_190, %dma_start3A_191] : memref<16x128xi32, #tpu.memory_space<vmem>> -> memref<1x128xi32, #tpu.memory_space<vmem>>
        %dma_start3A_193 = tpu.memref_squeeze %dma_start3A_192 : memref<1x128xi32, #tpu.memory_space<vmem>> -> memref<128xi32, #tpu.memory_space<vmem>>
        %dma_start3A_194 = arith.constant 0 : i32
        %dma_start3A_195 = arith.constant 0 : i32
        %dma_start3A_196 = tpu.memref_slice %arg2[%dma_start3A_194, %dma_start3A_195] : memref<10000x128xf32, #tpu.memory_space<hbm>> -> memref<10000x128xf32, #tpu.memory_space<hbm>>
        tpu.enqueue_indirect_dma source(%dma_start3A_196 : memref<10000x128xf32, #tpu.memory_space<hbm>>) target(%arg13 : memref<128x128xf32, #tpu.memory_space<vmem>>) offsets(%dma_start3A_193 : memref<128xi32, #tpu.memory_space<vmem>>) semaphore(%arg16 : memref<!tpu.dma_semaphore, #tpu.memory_space<semaphore_mem>>)
        %dma_wait3A_197 = arith.constant 0 : i32
        %dma_wait3A_198 = arith.constant 0 : i32
        %dma_wait3A_199 = tpu.memref_slice %arg9[%dma_wait3A_197, %dma_wait3A_198] : memref<16x128xi32, #tpu.memory_space<vmem>> -> memref<1x128xi32, #tpu.memory_space<vmem>>
        %dma_wait3A_200 = tpu.memref_squeeze %dma_wait3A_199 : memref<1x128xi32, #tpu.memory_space<vmem>> -> memref<128xi32, #tpu.memory_space<vmem>>
        %dma_wait3A_201 = arith.constant 0 : i32
        %dma_wait3A_202 = arith.constant 0 : i32
        %dma_wait3A_203 = tpu.memref_slice %arg2[%dma_wait3A_201, %dma_wait3A_202] : memref<10000x128xf32, #tpu.memory_space<hbm>> -> memref<10000x128xf32, #tpu.memory_space<hbm>>
        tpu.wait_indirect_dma semaphore(%arg17 : memref<!tpu.dma_semaphore, #tpu.memory_space<semaphore_mem>>) src(%dma_wait3A_203 : memref<10000x128xf32, #tpu.memory_space<hbm>>) dst(%arg14 : memref<128x128xf32, #tpu.memory_space<vmem>>)
        %run_scoped3A_204 = arith.constant 7 : i32
        "tpu.region"() ({
          %run_scoped3A_593 = tpu.sem_alloc : memref<!tpu.dma_semaphore, #tpu.memory_space<semaphore_mem>>
          %dma_start3A_594 = arith.constant 0 : i32
          %dma_start3A_595 = tpu.memref_slice %arg11[%run_scoped3A_204, %dma_start3A_594] : memref<16x128xi32, #tpu.memory_space<vmem>> -> memref<1x128xi32, #tpu.memory_space<vmem>>
          %dma_start3A_596 = tpu.memref_squeeze %dma_start3A_595 : memref<1x128xi32, #tpu.memory_space<vmem>> -> memref<128xi32, #tpu.memory_space<vmem>>
          %dma_start3A_597 = arith.constant 0 : i32
          %dma_start3A_598 = arith.constant 0 : i32
          %dma_start3A_599 = tpu.memref_slice %arg15[%dma_start3A_597, %dma_start3A_598] : memref<10112x128xf32, #tpu.memory_space<vmem_shared>> -> memref<10112x128xf32, #tpu.memory_space<vmem_shared>>
          tpu.enqueue_indirect_dma source(%arg14 : memref<128x128xf32, #tpu.memory_space<vmem>>) target(%dma_start3A_599 : memref<10112x128xf32, #tpu.memory_space<vmem_shared>>) offsets(%dma_start3A_596 : memref<128xi32, #tpu.memory_space<vmem>>) semaphore(%run_scoped3A_593 : memref<!tpu.dma_semaphore, #tpu.memory_space<semaphore_mem>>) {add = true}
          %dma_wait3A_600 = arith.constant 0 : i32
          %dma_wait3A_601 = tpu.memref_slice %arg11[%run_scoped3A_204, %dma_wait3A_600] : memref<16x128xi32, #tpu.memory_space<vmem>> -> memref<1x128xi32, #tpu.memory_space<vmem>>
          %dma_wait3A_602 = tpu.memref_squeeze %dma_wait3A_601 : memref<1x128xi32, #tpu.memory_space<vmem>> -> memref<128xi32, #tpu.memory_space<vmem>>
          %dma_wait3A_603 = arith.constant 0 : i32
          %dma_wait3A_604 = arith.constant 0 : i32
          %dma_wait3A_605 = tpu.memref_slice %arg15[%dma_wait3A_603, %dma_wait3A_604] : memref<10112x128xf32, #tpu.memory_space<vmem_shared>> -> memref<10112x128xf32, #tpu.memory_space<vmem_shared>>
          tpu.wait_indirect_dma semaphore(%run_scoped3A_593 : memref<!tpu.dma_semaphore, #tpu.memory_space<semaphore_mem>>) src(%arg14 : memref<128x128xf32, #tpu.memory_space<vmem>>) dst(%dma_wait3A_605 : memref<10112x128xf32, #tpu.memory_space<vmem_shared>>)
          tpu.yield
        }) : () -> ()
        %dma_start3A_205 = arith.constant 9 : i32
        %dma_start3A_206 = arith.constant 0 : i32
        %dma_start3A_207 = tpu.memref_slice %arg9[%dma_start3A_205, %dma_start3A_206] : memref<16x128xi32, #tpu.memory_space<vmem>> -> memref<1x128xi32, #tpu.memory_space<vmem>>
        %dma_start3A_208 = tpu.memref_squeeze %dma_start3A_207 : memref<1x128xi32, #tpu.memory_space<vmem>> -> memref<128xi32, #tpu.memory_space<vmem>>
        %dma_start3A_209 = arith.constant 0 : i32
        %dma_start3A_210 = arith.constant 0 : i32
        %dma_start3A_211 = tpu.memref_slice %arg2[%dma_start3A_209, %dma_start3A_210] : memref<10000x128xf32, #tpu.memory_space<hbm>> -> memref<10000x128xf32, #tpu.memory_space<hbm>>
        tpu.enqueue_indirect_dma source(%dma_start3A_211 : memref<10000x128xf32, #tpu.memory_space<hbm>>) target(%arg14 : memref<128x128xf32, #tpu.memory_space<vmem>>) offsets(%dma_start3A_208 : memref<128xi32, #tpu.memory_space<vmem>>) semaphore(%arg17 : memref<!tpu.dma_semaphore, #tpu.memory_space<semaphore_mem>>)
        %dma_wait3A_212 = arith.constant 0 : i32
        %dma_wait3A_213 = arith.constant 0 : i32
        %dma_wait3A_214 = tpu.memref_slice %arg9[%dma_wait3A_212, %dma_wait3A_213] : memref<16x128xi32, #tpu.memory_space<vmem>> -> memref<1x128xi32, #tpu.memory_space<vmem>>
        %dma_wait3A_215 = tpu.memref_squeeze %dma_wait3A_214 : memref<1x128xi32, #tpu.memory_space<vmem>> -> memref<128xi32, #tpu.memory_space<vmem>>
        %dma_wait3A_216 = arith.constant 0 : i32
        %dma_wait3A_217 = arith.constant 0 : i32
        %dma_wait3A_218 = tpu.memref_slice %arg2[%dma_wait3A_216, %dma_wait3A_217] : memref<10000x128xf32, #tpu.memory_space<hbm>> -> memref<10000x128xf32, #tpu.memory_space<hbm>>
        tpu.wait_indirect_dma semaphore(%arg16 : memref<!tpu.dma_semaphore, #tpu.memory_space<semaphore_mem>>) src(%dma_wait3A_218 : memref<10000x128xf32, #tpu.memory_space<hbm>>) dst(%arg13 : memref<128x128xf32, #tpu.memory_space<vmem>>)
        %run_scoped3A_219 = arith.constant 8 : i32
        "tpu.region"() ({
          %run_scoped3A_593 = tpu.sem_alloc : memref<!tpu.dma_semaphore, #tpu.memory_space<semaphore_mem>>
          %dma_start3A_594 = arith.constant 0 : i32
          %dma_start3A_595 = tpu.memref_slice %arg11[%run_scoped3A_219, %dma_start3A_594] : memref<16x128xi32, #tpu.memory_space<vmem>> -> memref<1x128xi32, #tpu.memory_space<vmem>>
          %dma_start3A_596 = tpu.memref_squeeze %dma_start3A_595 : memref<1x128xi32, #tpu.memory_space<vmem>> -> memref<128xi32, #tpu.memory_space<vmem>>
          %dma_start3A_597 = arith.constant 0 : i32
          %dma_start3A_598 = arith.constant 0 : i32
          %dma_start3A_599 = tpu.memref_slice %arg15[%dma_start3A_597, %dma_start3A_598] : memref<10112x128xf32, #tpu.memory_space<vmem_shared>> -> memref<10112x128xf32, #tpu.memory_space<vmem_shared>>
          tpu.enqueue_indirect_dma source(%arg13 : memref<128x128xf32, #tpu.memory_space<vmem>>) target(%dma_start3A_599 : memref<10112x128xf32, #tpu.memory_space<vmem_shared>>) offsets(%dma_start3A_596 : memref<128xi32, #tpu.memory_space<vmem>>) semaphore(%run_scoped3A_593 : memref<!tpu.dma_semaphore, #tpu.memory_space<semaphore_mem>>) {add = true}
          %dma_wait3A_600 = arith.constant 0 : i32
          %dma_wait3A_601 = tpu.memref_slice %arg11[%run_scoped3A_219, %dma_wait3A_600] : memref<16x128xi32, #tpu.memory_space<vmem>> -> memref<1x128xi32, #tpu.memory_space<vmem>>
          %dma_wait3A_602 = tpu.memref_squeeze %dma_wait3A_601 : memref<1x128xi32, #tpu.memory_space<vmem>> -> memref<128xi32, #tpu.memory_space<vmem>>
          %dma_wait3A_603 = arith.constant 0 : i32
          %dma_wait3A_604 = arith.constant 0 : i32
          %dma_wait3A_605 = tpu.memref_slice %arg15[%dma_wait3A_603, %dma_wait3A_604] : memref<10112x128xf32, #tpu.memory_space<vmem_shared>> -> memref<10112x128xf32, #tpu.memory_space<vmem_shared>>
          tpu.wait_indirect_dma semaphore(%run_scoped3A_593 : memref<!tpu.dma_semaphore, #tpu.memory_space<semaphore_mem>>) src(%arg13 : memref<128x128xf32, #tpu.memory_space<vmem>>) dst(%dma_wait3A_605 : memref<10112x128xf32, #tpu.memory_space<vmem_shared>>)
          tpu.yield
        }) : () -> ()
        %dma_start3A_220 = arith.constant 10 : i32
        %dma_start3A_221 = arith.constant 0 : i32
        %dma_start3A_222 = tpu.memref_slice %arg9[%dma_start3A_220, %dma_start3A_221] : memref<16x128xi32, #tpu.memory_space<vmem>> -> memref<1x128xi32, #tpu.memory_space<vmem>>
        %dma_start3A_223 = tpu.memref_squeeze %dma_start3A_222 : memref<1x128xi32, #tpu.memory_space<vmem>> -> memref<128xi32, #tpu.memory_space<vmem>>
        %dma_start3A_224 = arith.constant 0 : i32
        %dma_start3A_225 = arith.constant 0 : i32
        %dma_start3A_226 = tpu.memref_slice %arg2[%dma_start3A_224, %dma_start3A_225] : memref<10000x128xf32, #tpu.memory_space<hbm>> -> memref<10000x128xf32, #tpu.memory_space<hbm>>
        tpu.enqueue_indirect_dma source(%dma_start3A_226 : memref<10000x128xf32, #tpu.memory_space<hbm>>) target(%arg13 : memref<128x128xf32, #tpu.memory_space<vmem>>) offsets(%dma_start3A_223 : memref<128xi32, #tpu.memory_space<vmem>>) semaphore(%arg16 : memref<!tpu.dma_semaphore, #tpu.memory_space<semaphore_mem>>)
        %dma_wait3A_227 = arith.constant 0 : i32
        %dma_wait3A_228 = arith.constant 0 : i32
        %dma_wait3A_229 = tpu.memref_slice %arg9[%dma_wait3A_227, %dma_wait3A_228] : memref<16x128xi32, #tpu.memory_space<vmem>> -> memref<1x128xi32, #tpu.memory_space<vmem>>
        %dma_wait3A_230 = tpu.memref_squeeze %dma_wait3A_229 : memref<1x128xi32, #tpu.memory_space<vmem>> -> memref<128xi32, #tpu.memory_space<vmem>>
        %dma_wait3A_231 = arith.constant 0 : i32
        %dma_wait3A_232 = arith.constant 0 : i32
        %dma_wait3A_233 = tpu.memref_slice %arg2[%dma_wait3A_231, %dma_wait3A_232] : memref<10000x128xf32, #tpu.memory_space<hbm>> -> memref<10000x128xf32, #tpu.memory_space<hbm>>
        tpu.wait_indirect_dma semaphore(%arg17 : memref<!tpu.dma_semaphore, #tpu.memory_space<semaphore_mem>>) src(%dma_wait3A_233 : memref<10000x128xf32, #tpu.memory_space<hbm>>) dst(%arg14 : memref<128x128xf32, #tpu.memory_space<vmem>>)
        %run_scoped3A_234 = arith.constant 9 : i32
        "tpu.region"() ({
          %run_scoped3A_593 = tpu.sem_alloc : memref<!tpu.dma_semaphore, #tpu.memory_space<semaphore_mem>>
          %dma_start3A_594 = arith.constant 0 : i32
          %dma_start3A_595 = tpu.memref_slice %arg11[%run_scoped3A_234, %dma_start3A_594] : memref<16x128xi32, #tpu.memory_space<vmem>> -> memref<1x128xi32, #tpu.memory_space<vmem>>
          %dma_start3A_596 = tpu.memref_squeeze %dma_start3A_595 : memref<1x128xi32, #tpu.memory_space<vmem>> -> memref<128xi32, #tpu.memory_space<vmem>>
          %dma_start3A_597 = arith.constant 0 : i32
          %dma_start3A_598 = arith.constant 0 : i32
          %dma_start3A_599 = tpu.memref_slice %arg15[%dma_start3A_597, %dma_start3A_598] : memref<10112x128xf32, #tpu.memory_space<vmem_shared>> -> memref<10112x128xf32, #tpu.memory_space<vmem_shared>>
          tpu.enqueue_indirect_dma source(%arg14 : memref<128x128xf32, #tpu.memory_space<vmem>>) target(%dma_start3A_599 : memref<10112x128xf32, #tpu.memory_space<vmem_shared>>) offsets(%dma_start3A_596 : memref<128xi32, #tpu.memory_space<vmem>>) semaphore(%run_scoped3A_593 : memref<!tpu.dma_semaphore, #tpu.memory_space<semaphore_mem>>) {add = true}
          %dma_wait3A_600 = arith.constant 0 : i32
          %dma_wait3A_601 = tpu.memref_slice %arg11[%run_scoped3A_234, %dma_wait3A_600] : memref<16x128xi32, #tpu.memory_space<vmem>> -> memref<1x128xi32, #tpu.memory_space<vmem>>
          %dma_wait3A_602 = tpu.memref_squeeze %dma_wait3A_601 : memref<1x128xi32, #tpu.memory_space<vmem>> -> memref<128xi32, #tpu.memory_space<vmem>>
          %dma_wait3A_603 = arith.constant 0 : i32
          %dma_wait3A_604 = arith.constant 0 : i32
          %dma_wait3A_605 = tpu.memref_slice %arg15[%dma_wait3A_603, %dma_wait3A_604] : memref<10112x128xf32, #tpu.memory_space<vmem_shared>> -> memref<10112x128xf32, #tpu.memory_space<vmem_shared>>
          tpu.wait_indirect_dma semaphore(%run_scoped3A_593 : memref<!tpu.dma_semaphore, #tpu.memory_space<semaphore_mem>>) src(%arg14 : memref<128x128xf32, #tpu.memory_space<vmem>>) dst(%dma_wait3A_605 : memref<10112x128xf32, #tpu.memory_space<vmem_shared>>)
          tpu.yield
        }) : () -> ()
        %dma_start3A_235 = arith.constant 11 : i32
        %dma_start3A_236 = arith.constant 0 : i32
        %dma_start3A_237 = tpu.memref_slice %arg9[%dma_start3A_235, %dma_start3A_236] : memref<16x128xi32, #tpu.memory_space<vmem>> -> memref<1x128xi32, #tpu.memory_space<vmem>>
        %dma_start3A_238 = tpu.memref_squeeze %dma_start3A_237 : memref<1x128xi32, #tpu.memory_space<vmem>> -> memref<128xi32, #tpu.memory_space<vmem>>
        %dma_start3A_239 = arith.constant 0 : i32
        %dma_start3A_240 = arith.constant 0 : i32
        %dma_start3A_241 = tpu.memref_slice %arg2[%dma_start3A_239, %dma_start3A_240] : memref<10000x128xf32, #tpu.memory_space<hbm>> -> memref<10000x128xf32, #tpu.memory_space<hbm>>
        tpu.enqueue_indirect_dma source(%dma_start3A_241 : memref<10000x128xf32, #tpu.memory_space<hbm>>) target(%arg14 : memref<128x128xf32, #tpu.memory_space<vmem>>) offsets(%dma_start3A_238 : memref<128xi32, #tpu.memory_space<vmem>>) semaphore(%arg17 : memref<!tpu.dma_semaphore, #tpu.memory_space<semaphore_mem>>)
        %dma_wait3A_242 = arith.constant 0 : i32
        %dma_wait3A_243 = arith.constant 0 : i32
        %dma_wait3A_244 = tpu.memref_slice %arg9[%dma_wait3A_242, %dma_wait3A_243] : memref<16x128xi32, #tpu.memory_space<vmem>> -> memref<1x128xi32, #tpu.memory_space<vmem>>
        %dma_wait3A_245 = tpu.memref_squeeze %dma_wait3A_244 : memref<1x128xi32, #tpu.memory_space<vmem>> -> memref<128xi32, #tpu.memory_space<vmem>>
        %dma_wait3A_246 = arith.constant 0 : i32
        %dma_wait3A_247 = arith.constant 0 : i32
        %dma_wait3A_248 = tpu.memref_slice %arg2[%dma_wait3A_246, %dma_wait3A_247] : memref<10000x128xf32, #tpu.memory_space<hbm>> -> memref<10000x128xf32, #tpu.memory_space<hbm>>
        tpu.wait_indirect_dma semaphore(%arg16 : memref<!tpu.dma_semaphore, #tpu.memory_space<semaphore_mem>>) src(%dma_wait3A_248 : memref<10000x128xf32, #tpu.memory_space<hbm>>) dst(%arg13 : memref<128x128xf32, #tpu.memory_space<vmem>>)
        %run_scoped3A_249 = arith.constant 10 : i32
        "tpu.region"() ({
          %run_scoped3A_593 = tpu.sem_alloc : memref<!tpu.dma_semaphore, #tpu.memory_space<semaphore_mem>>
          %dma_start3A_594 = arith.constant 0 : i32
          %dma_start3A_595 = tpu.memref_slice %arg11[%run_scoped3A_249, %dma_start3A_594] : memref<16x128xi32, #tpu.memory_space<vmem>> -> memref<1x128xi32, #tpu.memory_space<vmem>>
          %dma_start3A_596 = tpu.memref_squeeze %dma_start3A_595 : memref<1x128xi32, #tpu.memory_space<vmem>> -> memref<128xi32, #tpu.memory_space<vmem>>
          %dma_start3A_597 = arith.constant 0 : i32
          %dma_start3A_598 = arith.constant 0 : i32
          %dma_start3A_599 = tpu.memref_slice %arg15[%dma_start3A_597, %dma_start3A_598] : memref<10112x128xf32, #tpu.memory_space<vmem_shared>> -> memref<10112x128xf32, #tpu.memory_space<vmem_shared>>
          tpu.enqueue_indirect_dma source(%arg13 : memref<128x128xf32, #tpu.memory_space<vmem>>) target(%dma_start3A_599 : memref<10112x128xf32, #tpu.memory_space<vmem_shared>>) offsets(%dma_start3A_596 : memref<128xi32, #tpu.memory_space<vmem>>) semaphore(%run_scoped3A_593 : memref<!tpu.dma_semaphore, #tpu.memory_space<semaphore_mem>>) {add = true}
          %dma_wait3A_600 = arith.constant 0 : i32
          %dma_wait3A_601 = tpu.memref_slice %arg11[%run_scoped3A_249, %dma_wait3A_600] : memref<16x128xi32, #tpu.memory_space<vmem>> -> memref<1x128xi32, #tpu.memory_space<vmem>>
          %dma_wait3A_602 = tpu.memref_squeeze %dma_wait3A_601 : memref<1x128xi32, #tpu.memory_space<vmem>> -> memref<128xi32, #tpu.memory_space<vmem>>
          %dma_wait3A_603 = arith.constant 0 : i32
          %dma_wait3A_604 = arith.constant 0 : i32
          %dma_wait3A_605 = tpu.memref_slice %arg15[%dma_wait3A_603, %dma_wait3A_604] : memref<10112x128xf32, #tpu.memory_space<vmem_shared>> -> memref<10112x128xf32, #tpu.memory_space<vmem_shared>>
          tpu.wait_indirect_dma semaphore(%run_scoped3A_593 : memref<!tpu.dma_semaphore, #tpu.memory_space<semaphore_mem>>) src(%arg13 : memref<128x128xf32, #tpu.memory_space<vmem>>) dst(%dma_wait3A_605 : memref<10112x128xf32, #tpu.memory_space<vmem_shared>>)
          tpu.yield
        }) : () -> ()
        %dma_start3A_250 = arith.constant 12 : i32
        %dma_start3A_251 = arith.constant 0 : i32
        %dma_start3A_252 = tpu.memref_slice %arg9[%dma_start3A_250, %dma_start3A_251] : memref<16x128xi32, #tpu.memory_space<vmem>> -> memref<1x128xi32, #tpu.memory_space<vmem>>
        %dma_start3A_253 = tpu.memref_squeeze %dma_start3A_252 : memref<1x128xi32, #tpu.memory_space<vmem>> -> memref<128xi32, #tpu.memory_space<vmem>>
        %dma_start3A_254 = arith.constant 0 : i32
        %dma_start3A_255 = arith.constant 0 : i32
        %dma_start3A_256 = tpu.memref_slice %arg2[%dma_start3A_254, %dma_start3A_255] : memref<10000x128xf32, #tpu.memory_space<hbm>> -> memref<10000x128xf32, #tpu.memory_space<hbm>>
        tpu.enqueue_indirect_dma source(%dma_start3A_256 : memref<10000x128xf32, #tpu.memory_space<hbm>>) target(%arg13 : memref<128x128xf32, #tpu.memory_space<vmem>>) offsets(%dma_start3A_253 : memref<128xi32, #tpu.memory_space<vmem>>) semaphore(%arg16 : memref<!tpu.dma_semaphore, #tpu.memory_space<semaphore_mem>>)
        %dma_wait3A_257 = arith.constant 0 : i32
        %dma_wait3A_258 = arith.constant 0 : i32
        %dma_wait3A_259 = tpu.memref_slice %arg9[%dma_wait3A_257, %dma_wait3A_258] : memref<16x128xi32, #tpu.memory_space<vmem>> -> memref<1x128xi32, #tpu.memory_space<vmem>>
        %dma_wait3A_260 = tpu.memref_squeeze %dma_wait3A_259 : memref<1x128xi32, #tpu.memory_space<vmem>> -> memref<128xi32, #tpu.memory_space<vmem>>
        %dma_wait3A_261 = arith.constant 0 : i32
        %dma_wait3A_262 = arith.constant 0 : i32
        %dma_wait3A_263 = tpu.memref_slice %arg2[%dma_wait3A_261, %dma_wait3A_262] : memref<10000x128xf32, #tpu.memory_space<hbm>> -> memref<10000x128xf32, #tpu.memory_space<hbm>>
        tpu.wait_indirect_dma semaphore(%arg17 : memref<!tpu.dma_semaphore, #tpu.memory_space<semaphore_mem>>) src(%dma_wait3A_263 : memref<10000x128xf32, #tpu.memory_space<hbm>>) dst(%arg14 : memref<128x128xf32, #tpu.memory_space<vmem>>)
        %run_scoped3A_264 = arith.constant 11 : i32
        "tpu.region"() ({
          %run_scoped3A_593 = tpu.sem_alloc : memref<!tpu.dma_semaphore, #tpu.memory_space<semaphore_mem>>
          %dma_start3A_594 = arith.constant 0 : i32
          %dma_start3A_595 = tpu.memref_slice %arg11[%run_scoped3A_264, %dma_start3A_594] : memref<16x128xi32, #tpu.memory_space<vmem>> -> memref<1x128xi32, #tpu.memory_space<vmem>>
          %dma_start3A_596 = tpu.memref_squeeze %dma_start3A_595 : memref<1x128xi32, #tpu.memory_space<vmem>> -> memref<128xi32, #tpu.memory_space<vmem>>
          %dma_start3A_597 = arith.constant 0 : i32
          %dma_start3A_598 = arith.constant 0 : i32
          %dma_start3A_599 = tpu.memref_slice %arg15[%dma_start3A_597, %dma_start3A_598] : memref<10112x128xf32, #tpu.memory_space<vmem_shared>> -> memref<10112x128xf32, #tpu.memory_space<vmem_shared>>
          tpu.enqueue_indirect_dma source(%arg14 : memref<128x128xf32, #tpu.memory_space<vmem>>) target(%dma_start3A_599 : memref<10112x128xf32, #tpu.memory_space<vmem_shared>>) offsets(%dma_start3A_596 : memref<128xi32, #tpu.memory_space<vmem>>) semaphore(%run_scoped3A_593 : memref<!tpu.dma_semaphore, #tpu.memory_space<semaphore_mem>>) {add = true}
          %dma_wait3A_600 = arith.constant 0 : i32
          %dma_wait3A_601 = tpu.memref_slice %arg11[%run_scoped3A_264, %dma_wait3A_600] : memref<16x128xi32, #tpu.memory_space<vmem>> -> memref<1x128xi32, #tpu.memory_space<vmem>>
          %dma_wait3A_602 = tpu.memref_squeeze %dma_wait3A_601 : memref<1x128xi32, #tpu.memory_space<vmem>> -> memref<128xi32, #tpu.memory_space<vmem>>
          %dma_wait3A_603 = arith.constant 0 : i32
          %dma_wait3A_604 = arith.constant 0 : i32
          %dma_wait3A_605 = tpu.memref_slice %arg15[%dma_wait3A_603, %dma_wait3A_604] : memref<10112x128xf32, #tpu.memory_space<vmem_shared>> -> memref<10112x128xf32, #tpu.memory_space<vmem_shared>>
          tpu.wait_indirect_dma semaphore(%run_scoped3A_593 : memref<!tpu.dma_semaphore, #tpu.memory_space<semaphore_mem>>) src(%arg14 : memref<128x128xf32, #tpu.memory_space<vmem>>) dst(%dma_wait3A_605 : memref<10112x128xf32, #tpu.memory_space<vmem_shared>>)
          tpu.yield
        }) : () -> ()
        %dma_start3A_265 = arith.constant 13 : i32
        %dma_start3A_266 = arith.constant 0 : i32
        %dma_start3A_267 = tpu.memref_slice %arg9[%dma_start3A_265, %dma_start3A_266] : memref<16x128xi32, #tpu.memory_space<vmem>> -> memref<1x128xi32, #tpu.memory_space<vmem>>
        %dma_start3A_268 = tpu.memref_squeeze %dma_start3A_267 : memref<1x128xi32, #tpu.memory_space<vmem>> -> memref<128xi32, #tpu.memory_space<vmem>>
        %dma_start3A_269 = arith.constant 0 : i32
        %dma_start3A_270 = arith.constant 0 : i32
        %dma_start3A_271 = tpu.memref_slice %arg2[%dma_start3A_269, %dma_start3A_270] : memref<10000x128xf32, #tpu.memory_space<hbm>> -> memref<10000x128xf32, #tpu.memory_space<hbm>>
        tpu.enqueue_indirect_dma source(%dma_start3A_271 : memref<10000x128xf32, #tpu.memory_space<hbm>>) target(%arg14 : memref<128x128xf32, #tpu.memory_space<vmem>>) offsets(%dma_start3A_268 : memref<128xi32, #tpu.memory_space<vmem>>) semaphore(%arg17 : memref<!tpu.dma_semaphore, #tpu.memory_space<semaphore_mem>>)
        %dma_wait3A_272 = arith.constant 0 : i32
        %dma_wait3A_273 = arith.constant 0 : i32
        %dma_wait3A_274 = tpu.memref_slice %arg9[%dma_wait3A_272, %dma_wait3A_273] : memref<16x128xi32, #tpu.memory_space<vmem>> -> memref<1x128xi32, #tpu.memory_space<vmem>>
        %dma_wait3A_275 = tpu.memref_squeeze %dma_wait3A_274 : memref<1x128xi32, #tpu.memory_space<vmem>> -> memref<128xi32, #tpu.memory_space<vmem>>
        %dma_wait3A_276 = arith.constant 0 : i32
        %dma_wait3A_277 = arith.constant 0 : i32
        %dma_wait3A_278 = tpu.memref_slice %arg2[%dma_wait3A_276, %dma_wait3A_277] : memref<10000x128xf32, #tpu.memory_space<hbm>> -> memref<10000x128xf32, #tpu.memory_space<hbm>>
        tpu.wait_indirect_dma semaphore(%arg16 : memref<!tpu.dma_semaphore, #tpu.memory_space<semaphore_mem>>) src(%dma_wait3A_278 : memref<10000x128xf32, #tpu.memory_space<hbm>>) dst(%arg13 : memref<128x128xf32, #tpu.memory_space<vmem>>)
        %run_scoped3A_279 = arith.constant 12 : i32
        "tpu.region"() ({
          %run_scoped3A_593 = tpu.sem_alloc : memref<!tpu.dma_semaphore, #tpu.memory_space<semaphore_mem>>
          %dma_start3A_594 = arith.constant 0 : i32
          %dma_start3A_595 = tpu.memref_slice %arg11[%run_scoped3A_279, %dma_start3A_594] : memref<16x128xi32, #tpu.memory_space<vmem>> -> memref<1x128xi32, #tpu.memory_space<vmem>>
          %dma_start3A_596 = tpu.memref_squeeze %dma_start3A_595 : memref<1x128xi32, #tpu.memory_space<vmem>> -> memref<128xi32, #tpu.memory_space<vmem>>
          %dma_start3A_597 = arith.constant 0 : i32
          %dma_start3A_598 = arith.constant 0 : i32
          %dma_start3A_599 = tpu.memref_slice %arg15[%dma_start3A_597, %dma_start3A_598] : memref<10112x128xf32, #tpu.memory_space<vmem_shared>> -> memref<10112x128xf32, #tpu.memory_space<vmem_shared>>
          tpu.enqueue_indirect_dma source(%arg13 : memref<128x128xf32, #tpu.memory_space<vmem>>) target(%dma_start3A_599 : memref<10112x128xf32, #tpu.memory_space<vmem_shared>>) offsets(%dma_start3A_596 : memref<128xi32, #tpu.memory_space<vmem>>) semaphore(%run_scoped3A_593 : memref<!tpu.dma_semaphore, #tpu.memory_space<semaphore_mem>>) {add = true}
          %dma_wait3A_600 = arith.constant 0 : i32
          %dma_wait3A_601 = tpu.memref_slice %arg11[%run_scoped3A_279, %dma_wait3A_600] : memref<16x128xi32, #tpu.memory_space<vmem>> -> memref<1x128xi32, #tpu.memory_space<vmem>>
          %dma_wait3A_602 = tpu.memref_squeeze %dma_wait3A_601 : memref<1x128xi32, #tpu.memory_space<vmem>> -> memref<128xi32, #tpu.memory_space<vmem>>
          %dma_wait3A_603 = arith.constant 0 : i32
          %dma_wait3A_604 = arith.constant 0 : i32
          %dma_wait3A_605 = tpu.memref_slice %arg15[%dma_wait3A_603, %dma_wait3A_604] : memref<10112x128xf32, #tpu.memory_space<vmem_shared>> -> memref<10112x128xf32, #tpu.memory_space<vmem_shared>>
          tpu.wait_indirect_dma semaphore(%run_scoped3A_593 : memref<!tpu.dma_semaphore, #tpu.memory_space<semaphore_mem>>) src(%arg13 : memref<128x128xf32, #tpu.memory_space<vmem>>) dst(%dma_wait3A_605 : memref<10112x128xf32, #tpu.memory_space<vmem_shared>>)
          tpu.yield
        }) : () -> ()
        %dma_start3A_280 = arith.constant 14 : i32
        %dma_start3A_281 = arith.constant 0 : i32
        %dma_start3A_282 = tpu.memref_slice %arg9[%dma_start3A_280, %dma_start3A_281] : memref<16x128xi32, #tpu.memory_space<vmem>> -> memref<1x128xi32, #tpu.memory_space<vmem>>
        %dma_start3A_283 = tpu.memref_squeeze %dma_start3A_282 : memref<1x128xi32, #tpu.memory_space<vmem>> -> memref<128xi32, #tpu.memory_space<vmem>>
        %dma_start3A_284 = arith.constant 0 : i32
        %dma_start3A_285 = arith.constant 0 : i32
        %dma_start3A_286 = tpu.memref_slice %arg2[%dma_start3A_284, %dma_start3A_285] : memref<10000x128xf32, #tpu.memory_space<hbm>> -> memref<10000x128xf32, #tpu.memory_space<hbm>>
        tpu.enqueue_indirect_dma source(%dma_start3A_286 : memref<10000x128xf32, #tpu.memory_space<hbm>>) target(%arg13 : memref<128x128xf32, #tpu.memory_space<vmem>>) offsets(%dma_start3A_283 : memref<128xi32, #tpu.memory_space<vmem>>) semaphore(%arg16 : memref<!tpu.dma_semaphore, #tpu.memory_space<semaphore_mem>>)
        %dma_wait3A_287 = arith.constant 0 : i32
        %dma_wait3A_288 = arith.constant 0 : i32
        %dma_wait3A_289 = tpu.memref_slice %arg9[%dma_wait3A_287, %dma_wait3A_288] : memref<16x128xi32, #tpu.memory_space<vmem>> -> memref<1x128xi32, #tpu.memory_space<vmem>>
        %dma_wait3A_290 = tpu.memref_squeeze %dma_wait3A_289 : memref<1x128xi32, #tpu.memory_space<vmem>> -> memref<128xi32, #tpu.memory_space<vmem>>
        %dma_wait3A_291 = arith.constant 0 : i32
        %dma_wait3A_292 = arith.constant 0 : i32
        %dma_wait3A_293 = tpu.memref_slice %arg2[%dma_wait3A_291, %dma_wait3A_292] : memref<10000x128xf32, #tpu.memory_space<hbm>> -> memref<10000x128xf32, #tpu.memory_space<hbm>>
        tpu.wait_indirect_dma semaphore(%arg17 : memref<!tpu.dma_semaphore, #tpu.memory_space<semaphore_mem>>) src(%dma_wait3A_293 : memref<10000x128xf32, #tpu.memory_space<hbm>>) dst(%arg14 : memref<128x128xf32, #tpu.memory_space<vmem>>)
        %run_scoped3A_294 = arith.constant 13 : i32
        "tpu.region"() ({
          %run_scoped3A_593 = tpu.sem_alloc : memref<!tpu.dma_semaphore, #tpu.memory_space<semaphore_mem>>
          %dma_start3A_594 = arith.constant 0 : i32
          %dma_start3A_595 = tpu.memref_slice %arg11[%run_scoped3A_294, %dma_start3A_594] : memref<16x128xi32, #tpu.memory_space<vmem>> -> memref<1x128xi32, #tpu.memory_space<vmem>>
          %dma_start3A_596 = tpu.memref_squeeze %dma_start3A_595 : memref<1x128xi32, #tpu.memory_space<vmem>> -> memref<128xi32, #tpu.memory_space<vmem>>
          %dma_start3A_597 = arith.constant 0 : i32
          %dma_start3A_598 = arith.constant 0 : i32
          %dma_start3A_599 = tpu.memref_slice %arg15[%dma_start3A_597, %dma_start3A_598] : memref<10112x128xf32, #tpu.memory_space<vmem_shared>> -> memref<10112x128xf32, #tpu.memory_space<vmem_shared>>
          tpu.enqueue_indirect_dma source(%arg14 : memref<128x128xf32, #tpu.memory_space<vmem>>) target(%dma_start3A_599 : memref<10112x128xf32, #tpu.memory_space<vmem_shared>>) offsets(%dma_start3A_596 : memref<128xi32, #tpu.memory_space<vmem>>) semaphore(%run_scoped3A_593 : memref<!tpu.dma_semaphore, #tpu.memory_space<semaphore_mem>>) {add = true}
          %dma_wait3A_600 = arith.constant 0 : i32
          %dma_wait3A_601 = tpu.memref_slice %arg11[%run_scoped3A_294, %dma_wait3A_600] : memref<16x128xi32, #tpu.memory_space<vmem>> -> memref<1x128xi32, #tpu.memory_space<vmem>>
          %dma_wait3A_602 = tpu.memref_squeeze %dma_wait3A_601 : memref<1x128xi32, #tpu.memory_space<vmem>> -> memref<128xi32, #tpu.memory_space<vmem>>
          %dma_wait3A_603 = arith.constant 0 : i32
          %dma_wait3A_604 = arith.constant 0 : i32
          %dma_wait3A_605 = tpu.memref_slice %arg15[%dma_wait3A_603, %dma_wait3A_604] : memref<10112x128xf32, #tpu.memory_space<vmem_shared>> -> memref<10112x128xf32, #tpu.memory_space<vmem_shared>>
          tpu.wait_indirect_dma semaphore(%run_scoped3A_593 : memref<!tpu.dma_semaphore, #tpu.memory_space<semaphore_mem>>) src(%arg14 : memref<128x128xf32, #tpu.memory_space<vmem>>) dst(%dma_wait3A_605 : memref<10112x128xf32, #tpu.memory_space<vmem_shared>>)
          tpu.yield
        }) : () -> ()
        %dma_start3A_295 = arith.constant 15 : i32
        %dma_start3A_296 = arith.constant 0 : i32
        %dma_start3A_297 = tpu.memref_slice %arg9[%dma_start3A_295, %dma_start3A_296] : memref<16x128xi32, #tpu.memory_space<vmem>> -> memref<1x128xi32, #tpu.memory_space<vmem>>
        %dma_start3A_298 = tpu.memref_squeeze %dma_start3A_297 : memref<1x128xi32, #tpu.memory_space<vmem>> -> memref<128xi32, #tpu.memory_space<vmem>>
        %dma_start3A_299 = arith.constant 0 : i32
        %dma_start3A_300 = arith.constant 0 : i32
        %dma_start3A_301 = tpu.memref_slice %arg2[%dma_start3A_299, %dma_start3A_300] : memref<10000x128xf32, #tpu.memory_space<hbm>> -> memref<10000x128xf32, #tpu.memory_space<hbm>>
        tpu.enqueue_indirect_dma source(%dma_start3A_301 : memref<10000x128xf32, #tpu.memory_space<hbm>>) target(%arg14 : memref<128x128xf32, #tpu.memory_space<vmem>>) offsets(%dma_start3A_298 : memref<128xi32, #tpu.memory_space<vmem>>) semaphore(%arg17 : memref<!tpu.dma_semaphore, #tpu.memory_space<semaphore_mem>>)
        %dma_wait3A_302 = arith.constant 0 : i32
        %dma_wait3A_303 = arith.constant 0 : i32
        %dma_wait3A_304 = tpu.memref_slice %arg9[%dma_wait3A_302, %dma_wait3A_303] : memref<16x128xi32, #tpu.memory_space<vmem>> -> memref<1x128xi32, #tpu.memory_space<vmem>>
        %dma_wait3A_305 = tpu.memref_squeeze %dma_wait3A_304 : memref<1x128xi32, #tpu.memory_space<vmem>> -> memref<128xi32, #tpu.memory_space<vmem>>
        %dma_wait3A_306 = arith.constant 0 : i32
        %dma_wait3A_307 = arith.constant 0 : i32
        %dma_wait3A_308 = tpu.memref_slice %arg2[%dma_wait3A_306, %dma_wait3A_307] : memref<10000x128xf32, #tpu.memory_space<hbm>> -> memref<10000x128xf32, #tpu.memory_space<hbm>>
        tpu.wait_indirect_dma semaphore(%arg16 : memref<!tpu.dma_semaphore, #tpu.memory_space<semaphore_mem>>) src(%dma_wait3A_308 : memref<10000x128xf32, #tpu.memory_space<hbm>>) dst(%arg13 : memref<128x128xf32, #tpu.memory_space<vmem>>)
        %run_scoped3A_309 = arith.constant 14 : i32
        "tpu.region"() ({
          %run_scoped3A_593 = tpu.sem_alloc : memref<!tpu.dma_semaphore, #tpu.memory_space<semaphore_mem>>
          %dma_start3A_594 = arith.constant 0 : i32
          %dma_start3A_595 = tpu.memref_slice %arg11[%run_scoped3A_309, %dma_start3A_594] : memref<16x128xi32, #tpu.memory_space<vmem>> -> memref<1x128xi32, #tpu.memory_space<vmem>>
          %dma_start3A_596 = tpu.memref_squeeze %dma_start3A_595 : memref<1x128xi32, #tpu.memory_space<vmem>> -> memref<128xi32, #tpu.memory_space<vmem>>
          %dma_start3A_597 = arith.constant 0 : i32
          %dma_start3A_598 = arith.constant 0 : i32
          %dma_start3A_599 = tpu.memref_slice %arg15[%dma_start3A_597, %dma_start3A_598] : memref<10112x128xf32, #tpu.memory_space<vmem_shared>> -> memref<10112x128xf32, #tpu.memory_space<vmem_shared>>
          tpu.enqueue_indirect_dma source(%arg13 : memref<128x128xf32, #tpu.memory_space<vmem>>) target(%dma_start3A_599 : memref<10112x128xf32, #tpu.memory_space<vmem_shared>>) offsets(%dma_start3A_596 : memref<128xi32, #tpu.memory_space<vmem>>) semaphore(%run_scoped3A_593 : memref<!tpu.dma_semaphore, #tpu.memory_space<semaphore_mem>>) {add = true}
          %dma_wait3A_600 = arith.constant 0 : i32
          %dma_wait3A_601 = tpu.memref_slice %arg11[%run_scoped3A_309, %dma_wait3A_600] : memref<16x128xi32, #tpu.memory_space<vmem>> -> memref<1x128xi32, #tpu.memory_space<vmem>>
          %dma_wait3A_602 = tpu.memref_squeeze %dma_wait3A_601 : memref<1x128xi32, #tpu.memory_space<vmem>> -> memref<128xi32, #tpu.memory_space<vmem>>
          %dma_wait3A_603 = arith.constant 0 : i32
          %dma_wait3A_604 = arith.constant 0 : i32
          %dma_wait3A_605 = tpu.memref_slice %arg15[%dma_wait3A_603, %dma_wait3A_604] : memref<10112x128xf32, #tpu.memory_space<vmem_shared>> -> memref<10112x128xf32, #tpu.memory_space<vmem_shared>>
          tpu.wait_indirect_dma semaphore(%run_scoped3A_593 : memref<!tpu.dma_semaphore, #tpu.memory_space<semaphore_mem>>) src(%arg13 : memref<128x128xf32, #tpu.memory_space<vmem>>) dst(%dma_wait3A_605 : memref<10112x128xf32, #tpu.memory_space<vmem_shared>>)
          tpu.yield
        }) : () -> ()
        %dma_wait3A_310 = arith.constant 0 : i32
        %dma_wait3A_311 = arith.constant 0 : i32
        %dma_wait3A_312 = tpu.memref_slice %arg4[%arg1, %dma_wait3A_310, %dma_wait3A_311] : memref<16x160x128xi32, #tpu.memory_space<hbm>> -> memref<1x16x128xi32, #tpu.memory_space<hbm>>
        %dma_wait3A_313 = tpu.memref_squeeze %dma_wait3A_312 : memref<1x16x128xi32, #tpu.memory_space<hbm>> -> memref<16x128xi32, #tpu.memory_space<hbm>>
        %dma_wait3A_314 = arith.constant 0 : i32
        %dma_wait3A_315 = arith.constant 0 : i32
        %dma_wait3A_316 = tpu.memref_slice %arg4[%arg1, %dma_wait3A_314, %dma_wait3A_315] : memref<16x160x128xi32, #tpu.memory_space<hbm>> -> memref<1x16x128xi32, #tpu.memory_space<hbm>>
        %dma_wait3A_317 = tpu.memref_squeeze %dma_wait3A_316 : memref<1x16x128xi32, #tpu.memory_space<hbm>> -> memref<16x128xi32, #tpu.memory_space<hbm>>
        tpu.wait_dma2 semaphore(%arg18 : memref<!tpu.dma_semaphore, #tpu.memory_space<semaphore_mem>>) src(%dma_wait3A_317 : memref<16x128xi32, #tpu.memory_space<hbm>>) dst(%arg10 : memref<16x128xi32, #tpu.memory_space<vmem>>)
        %dma_wait3A_318 = arith.constant 0 : i32
        %dma_wait3A_319 = arith.constant 0 : i32
        %dma_wait3A_320 = tpu.memref_slice %arg4[%arg1, %dma_wait3A_318, %dma_wait3A_319] : memref<16x160x128xi32, #tpu.memory_space<hbm>> -> memref<1x16x128xi32, #tpu.memory_space<hbm>>
        %dma_wait3A_321 = tpu.memref_squeeze %dma_wait3A_320 : memref<1x16x128xi32, #tpu.memory_space<hbm>> -> memref<16x128xi32, #tpu.memory_space<hbm>>
        %dma_wait3A_322 = arith.constant 0 : i32
        %dma_wait3A_323 = arith.constant 0 : i32
        %dma_wait3A_324 = tpu.memref_slice %arg4[%arg1, %dma_wait3A_322, %dma_wait3A_323] : memref<16x160x128xi32, #tpu.memory_space<hbm>> -> memref<1x16x128xi32, #tpu.memory_space<hbm>>
        %dma_wait3A_325 = tpu.memref_squeeze %dma_wait3A_324 : memref<1x16x128xi32, #tpu.memory_space<hbm>> -> memref<16x128xi32, #tpu.memory_space<hbm>>
        tpu.wait_dma2 semaphore(%arg18 : memref<!tpu.dma_semaphore, #tpu.memory_space<semaphore_mem>>) src(%dma_wait3A_325 : memref<16x128xi32, #tpu.memory_space<hbm>>) dst(%arg12 : memref<16x128xi32, #tpu.memory_space<vmem>>)
        %dma_start3A_326 = arith.constant 0 : i32
        %dma_start3A_327 = arith.constant 0 : i32
        %dma_start3A_328 = tpu.memref_slice %arg10[%dma_start3A_326, %dma_start3A_327] : memref<16x128xi32, #tpu.memory_space<vmem>> -> memref<1x128xi32, #tpu.memory_space<vmem>>
        %dma_start3A_329 = tpu.memref_squeeze %dma_start3A_328 : memref<1x128xi32, #tpu.memory_space<vmem>> -> memref<128xi32, #tpu.memory_space<vmem>>
        %dma_start3A_330 = arith.constant 0 : i32
        %dma_start3A_331 = arith.constant 0 : i32
        %dma_start3A_332 = tpu.memref_slice %arg2[%dma_start3A_330, %dma_start3A_331] : memref<10000x128xf32, #tpu.memory_space<hbm>> -> memref<10000x128xf32, #tpu.memory_space<hbm>>
        tpu.enqueue_indirect_dma source(%dma_start3A_332 : memref<10000x128xf32, #tpu.memory_space<hbm>>) target(%arg13 : memref<128x128xf32, #tpu.memory_space<vmem>>) offsets(%dma_start3A_329 : memref<128xi32, #tpu.memory_space<vmem>>) semaphore(%arg16 : memref<!tpu.dma_semaphore, #tpu.memory_space<semaphore_mem>>)
        %dma_wait3A_333 = arith.constant 0 : i32
        %dma_wait3A_334 = arith.constant 0 : i32
        %dma_wait3A_335 = tpu.memref_slice %arg9[%dma_wait3A_333, %dma_wait3A_334] : memref<16x128xi32, #tpu.memory_space<vmem>> -> memref<1x128xi32, #tpu.memory_space<vmem>>
        %dma_wait3A_336 = tpu.memref_squeeze %dma_wait3A_335 : memref<1x128xi32, #tpu.memory_space<vmem>> -> memref<128xi32, #tpu.memory_space<vmem>>
        %dma_wait3A_337 = arith.constant 0 : i32
        %dma_wait3A_338 = arith.constant 0 : i32
        %dma_wait3A_339 = tpu.memref_slice %arg2[%dma_wait3A_337, %dma_wait3A_338] : memref<10000x128xf32, #tpu.memory_space<hbm>> -> memref<10000x128xf32, #tpu.memory_space<hbm>>
        tpu.wait_indirect_dma semaphore(%arg17 : memref<!tpu.dma_semaphore, #tpu.memory_space<semaphore_mem>>) src(%dma_wait3A_339 : memref<10000x128xf32, #tpu.memory_space<hbm>>) dst(%arg14 : memref<128x128xf32, #tpu.memory_space<vmem>>)
        %run_scoped3A_340 = arith.constant 15 : i32
        "tpu.region"() ({
          %run_scoped3A_593 = tpu.sem_alloc : memref<!tpu.dma_semaphore, #tpu.memory_space<semaphore_mem>>
          %dma_start3A_594 = arith.constant 0 : i32
          %dma_start3A_595 = tpu.memref_slice %arg11[%run_scoped3A_340, %dma_start3A_594] : memref<16x128xi32, #tpu.memory_space<vmem>> -> memref<1x128xi32, #tpu.memory_space<vmem>>
          %dma_start3A_596 = tpu.memref_squeeze %dma_start3A_595 : memref<1x128xi32, #tpu.memory_space<vmem>> -> memref<128xi32, #tpu.memory_space<vmem>>
          %dma_start3A_597 = arith.constant 0 : i32
          %dma_start3A_598 = arith.constant 0 : i32
          %dma_start3A_599 = tpu.memref_slice %arg15[%dma_start3A_597, %dma_start3A_598] : memref<10112x128xf32, #tpu.memory_space<vmem_shared>> -> memref<10112x128xf32, #tpu.memory_space<vmem_shared>>
          tpu.enqueue_indirect_dma source(%arg14 : memref<128x128xf32, #tpu.memory_space<vmem>>) target(%dma_start3A_599 : memref<10112x128xf32, #tpu.memory_space<vmem_shared>>) offsets(%dma_start3A_596 : memref<128xi32, #tpu.memory_space<vmem>>) semaphore(%run_scoped3A_593 : memref<!tpu.dma_semaphore, #tpu.memory_space<semaphore_mem>>) {add = true}
          %dma_wait3A_600 = arith.constant 0 : i32
          %dma_wait3A_601 = tpu.memref_slice %arg11[%run_scoped3A_340, %dma_wait3A_600] : memref<16x128xi32, #tpu.memory_space<vmem>> -> memref<1x128xi32, #tpu.memory_space<vmem>>
          %dma_wait3A_602 = tpu.memref_squeeze %dma_wait3A_601 : memref<1x128xi32, #tpu.memory_space<vmem>> -> memref<128xi32, #tpu.memory_space<vmem>>
          %dma_wait3A_603 = arith.constant 0 : i32
          %dma_wait3A_604 = arith.constant 0 : i32
          %dma_wait3A_605 = tpu.memref_slice %arg15[%dma_wait3A_603, %dma_wait3A_604] : memref<10112x128xf32, #tpu.memory_space<vmem_shared>> -> memref<10112x128xf32, #tpu.memory_space<vmem_shared>>
          tpu.wait_indirect_dma semaphore(%run_scoped3A_593 : memref<!tpu.dma_semaphore, #tpu.memory_space<semaphore_mem>>) src(%arg14 : memref<128x128xf32, #tpu.memory_space<vmem>>) dst(%dma_wait3A_605 : memref<10112x128xf32, #tpu.memory_space<vmem_shared>>)
          tpu.yield
        }) : () -> ()
        %dma_start3A_341 = arith.constant 1 : i32
        %dma_start3A_342 = arith.constant 0 : i32
        %dma_start3A_343 = tpu.memref_slice %arg10[%dma_start3A_341, %dma_start3A_342] : memref<16x128xi32, #tpu.memory_space<vmem>> -> memref<1x128xi32, #tpu.memory_space<vmem>>
        %dma_start3A_344 = tpu.memref_squeeze %dma_start3A_343 : memref<1x128xi32, #tpu.memory_space<vmem>> -> memref<128xi32, #tpu.memory_space<vmem>>
        %dma_start3A_345 = arith.constant 0 : i32
        %dma_start3A_346 = arith.constant 0 : i32
        %dma_start3A_347 = tpu.memref_slice %arg2[%dma_start3A_345, %dma_start3A_346] : memref<10000x128xf32, #tpu.memory_space<hbm>> -> memref<10000x128xf32, #tpu.memory_space<hbm>>
        tpu.enqueue_indirect_dma source(%dma_start3A_347 : memref<10000x128xf32, #tpu.memory_space<hbm>>) target(%arg14 : memref<128x128xf32, #tpu.memory_space<vmem>>) offsets(%dma_start3A_344 : memref<128xi32, #tpu.memory_space<vmem>>) semaphore(%arg17 : memref<!tpu.dma_semaphore, #tpu.memory_space<semaphore_mem>>)
        %mul3A_348 = arith.constant 2 : i32
        %mul3A_349 = arith.muli %mul3A_348, %scan3A_85 : i32
        %add3A_350 = arith.constant 1 : i32
        %add3A_351 = arith.addi %mul3A_349, %add3A_350 : i32
        %lt3A_352 = arith.constant 4 : i32
        %lt3A_353 = arith.cmpi slt, %scan3A_85, %lt3A_352 : i32
        %convert_element_type3A_354 = arith.extui %lt3A_353 : i1 to i32
        %cond3A_355 = arith.constant 0 : i32
        %cond3A_356 = arith.cmpi ne, %convert_element_type3A_354, %cond3A_355 : i32
        scf.if %cond3A_356 {
          %add3A_593 = arith.constant 1 : i32
          %add3A_594 = arith.addi %add3A_351, %add3A_593 : i32
          %mul3A_595 = arith.constant 16 : i32
          %mul3A_596 = arith.muli %add3A_594, %mul3A_595 : i32
          %dma_start3A_597 = arith.constant 0 : i32
          %dma_start3A_598 = tpu.memref_slice %arg4[%arg1, %mul3A_596, %dma_start3A_597] : memref<16x160x128xi32, #tpu.memory_space<hbm>> -> memref<1x16x128xi32, #tpu.memory_space<hbm>>
          %dma_start3A_599 = tpu.memref_squeeze %dma_start3A_598 : memref<1x16x128xi32, #tpu.memory_space<hbm>> -> memref<16x128xi32, #tpu.memory_space<hbm>>
          %dma_start3A_600 = arith.constant 0 : i32
          %dma_start3A_601 = tpu.memref_slice %arg4[%arg1, %mul3A_596, %dma_start3A_600] : memref<16x160x128xi32, #tpu.memory_space<hbm>> -> memref<1x16x128xi32, #tpu.memory_space<hbm>>
          %dma_start3A_602 = tpu.memref_squeeze %dma_start3A_601 : memref<1x16x128xi32, #tpu.memory_space<hbm>> -> memref<16x128xi32, #tpu.memory_space<hbm>>
          tpu.enqueue_dma source(%dma_start3A_602 : memref<16x128xi32, #tpu.memory_space<hbm>>) target(%arg9 : memref<16x128xi32, #tpu.memory_space<vmem>>) target_semaphore(%arg18 : memref<!tpu.dma_semaphore, #tpu.memory_space<semaphore_mem>>)
          %mul3A_603 = arith.constant 16 : i32
          %mul3A_604 = arith.muli %add3A_594, %mul3A_603 : i32
          %dma_start3A_605 = arith.constant 0 : i32
          %dma_start3A_606 = tpu.memref_slice %arg5[%arg1, %mul3A_604, %dma_start3A_605] : memref<16x160x128xi32, #tpu.memory_space<hbm>> -> memref<1x16x128xi32, #tpu.memory_space<hbm>>
          %dma_start3A_607 = tpu.memref_squeeze %dma_start3A_606 : memref<1x16x128xi32, #tpu.memory_space<hbm>> -> memref<16x128xi32, #tpu.memory_space<hbm>>
          %dma_start3A_608 = arith.constant 0 : i32
          %dma_start3A_609 = tpu.memref_slice %arg5[%arg1, %mul3A_604, %dma_start3A_608] : memref<16x160x128xi32, #tpu.memory_space<hbm>> -> memref<1x16x128xi32, #tpu.memory_space<hbm>>
          %dma_start3A_610 = tpu.memref_squeeze %dma_start3A_609 : memref<1x16x128xi32, #tpu.memory_space<hbm>> -> memref<16x128xi32, #tpu.memory_space<hbm>>
          tpu.enqueue_dma source(%dma_start3A_610 : memref<16x128xi32, #tpu.memory_space<hbm>>) target(%arg11 : memref<16x128xi32, #tpu.memory_space<vmem>>) target_semaphore(%arg18 : memref<!tpu.dma_semaphore, #tpu.memory_space<semaphore_mem>>)
        } else {
        }
        %dma_wait3A_357 = arith.constant 0 : i32
        %dma_wait3A_358 = arith.constant 0 : i32
        %dma_wait3A_359 = tpu.memref_slice %arg9[%dma_wait3A_357, %dma_wait3A_358] : memref<16x128xi32, #tpu.memory_space<vmem>> -> memref<1x128xi32, #tpu.memory_space<vmem>>
        %dma_wait3A_360 = tpu.memref_squeeze %dma_wait3A_359 : memref<1x128xi32, #tpu.memory_space<vmem>> -> memref<128xi32, #tpu.memory_space<vmem>>
        %dma_wait3A_361 = arith.constant 0 : i32
        %dma_wait3A_362 = arith.constant 0 : i32
        %dma_wait3A_363 = tpu.memref_slice %arg2[%dma_wait3A_361, %dma_wait3A_362] : memref<10000x128xf32, #tpu.memory_space<hbm>> -> memref<10000x128xf32, #tpu.memory_space<hbm>>
        tpu.wait_indirect_dma semaphore(%arg16 : memref<!tpu.dma_semaphore, #tpu.memory_space<semaphore_mem>>) src(%dma_wait3A_363 : memref<10000x128xf32, #tpu.memory_space<hbm>>) dst(%arg13 : memref<128x128xf32, #tpu.memory_space<vmem>>)
        %run_scoped3A_364 = arith.constant 0 : i32
        "tpu.region"() ({
          %run_scoped3A_593 = tpu.sem_alloc : memref<!tpu.dma_semaphore, #tpu.memory_space<semaphore_mem>>
          %dma_start3A_594 = arith.constant 0 : i32
          %dma_start3A_595 = tpu.memref_slice %arg12[%run_scoped3A_364, %dma_start3A_594] : memref<16x128xi32, #tpu.memory_space<vmem>> -> memref<1x128xi32, #tpu.memory_space<vmem>>
          %dma_start3A_596 = tpu.memref_squeeze %dma_start3A_595 : memref<1x128xi32, #tpu.memory_space<vmem>> -> memref<128xi32, #tpu.memory_space<vmem>>
          %dma_start3A_597 = arith.constant 0 : i32
          %dma_start3A_598 = arith.constant 0 : i32
          %dma_start3A_599 = tpu.memref_slice %arg15[%dma_start3A_597, %dma_start3A_598] : memref<10112x128xf32, #tpu.memory_space<vmem_shared>> -> memref<10112x128xf32, #tpu.memory_space<vmem_shared>>
          tpu.enqueue_indirect_dma source(%arg13 : memref<128x128xf32, #tpu.memory_space<vmem>>) target(%dma_start3A_599 : memref<10112x128xf32, #tpu.memory_space<vmem_shared>>) offsets(%dma_start3A_596 : memref<128xi32, #tpu.memory_space<vmem>>) semaphore(%run_scoped3A_593 : memref<!tpu.dma_semaphore, #tpu.memory_space<semaphore_mem>>) {add = true}
          %dma_wait3A_600 = arith.constant 0 : i32
          %dma_wait3A_601 = tpu.memref_slice %arg12[%run_scoped3A_364, %dma_wait3A_600] : memref<16x128xi32, #tpu.memory_space<vmem>> -> memref<1x128xi32, #tpu.memory_space<vmem>>
          %dma_wait3A_602 = tpu.memref_squeeze %dma_wait3A_601 : memref<1x128xi32, #tpu.memory_space<vmem>> -> memref<128xi32, #tpu.memory_space<vmem>>
          %dma_wait3A_603 = arith.constant 0 : i32
          %dma_wait3A_604 = arith.constant 0 : i32
          %dma_wait3A_605 = tpu.memref_slice %arg15[%dma_wait3A_603, %dma_wait3A_604] : memref<10112x128xf32, #tpu.memory_space<vmem_shared>> -> memref<10112x128xf32, #tpu.memory_space<vmem_shared>>
          tpu.wait_indirect_dma semaphore(%run_scoped3A_593 : memref<!tpu.dma_semaphore, #tpu.memory_space<semaphore_mem>>) src(%arg13 : memref<128x128xf32, #tpu.memory_space<vmem>>) dst(%dma_wait3A_605 : memref<10112x128xf32, #tpu.memory_space<vmem_shared>>)
          tpu.yield
        }) : () -> ()
        %dma_start3A_365 = arith.constant 2 : i32
        %dma_start3A_366 = arith.constant 0 : i32
        %dma_start3A_367 = tpu.memref_slice %arg10[%dma_start3A_365, %dma_start3A_366] : memref<16x128xi32, #tpu.memory_space<vmem>> -> memref<1x128xi32, #tpu.memory_space<vmem>>
        %dma_start3A_368 = tpu.memref_squeeze %dma_start3A_367 : memref<1x128xi32, #tpu.memory_space<vmem>> -> memref<128xi32, #tpu.memory_space<vmem>>
        %dma_start3A_369 = arith.constant 0 : i32
        %dma_start3A_370 = arith.constant 0 : i32
        %dma_start3A_371 = tpu.memref_slice %arg2[%dma_start3A_369, %dma_start3A_370] : memref<10000x128xf32, #tpu.memory_space<hbm>> -> memref<10000x128xf32, #tpu.memory_space<hbm>>
        tpu.enqueue_indirect_dma source(%dma_start3A_371 : memref<10000x128xf32, #tpu.memory_space<hbm>>) target(%arg13 : memref<128x128xf32, #tpu.memory_space<vmem>>) offsets(%dma_start3A_368 : memref<128xi32, #tpu.memory_space<vmem>>) semaphore(%arg16 : memref<!tpu.dma_semaphore, #tpu.memory_space<semaphore_mem>>)
        %dma_wait3A_372 = arith.constant 0 : i32
        %dma_wait3A_373 = arith.constant 0 : i32
        %dma_wait3A_374 = tpu.memref_slice %arg9[%dma_wait3A_372, %dma_wait3A_373] : memref<16x128xi32, #tpu.memory_space<vmem>> -> memref<1x128xi32, #tpu.memory_space<vmem>>
        %dma_wait3A_375 = tpu.memref_squeeze %dma_wait3A_374 : memref<1x128xi32, #tpu.memory_space<vmem>> -> memref<128xi32, #tpu.memory_space<vmem>>
        %dma_wait3A_376 = arith.constant 0 : i32
        %dma_wait3A_377 = arith.constant 0 : i32
        %dma_wait3A_378 = tpu.memref_slice %arg2[%dma_wait3A_376, %dma_wait3A_377] : memref<10000x128xf32, #tpu.memory_space<hbm>> -> memref<10000x128xf32, #tpu.memory_space<hbm>>
        tpu.wait_indirect_dma semaphore(%arg17 : memref<!tpu.dma_semaphore, #tpu.memory_space<semaphore_mem>>) src(%dma_wait3A_378 : memref<10000x128xf32, #tpu.memory_space<hbm>>) dst(%arg14 : memref<128x128xf32, #tpu.memory_space<vmem>>)
        %run_scoped3A_379 = arith.constant 1 : i32
        "tpu.region"() ({
          %run_scoped3A_593 = tpu.sem_alloc : memref<!tpu.dma_semaphore, #tpu.memory_space<semaphore_mem>>
          %dma_start3A_594 = arith.constant 0 : i32
          %dma_start3A_595 = tpu.memref_slice %arg12[%run_scoped3A_379, %dma_start3A_594] : memref<16x128xi32, #tpu.memory_space<vmem>> -> memref<1x128xi32, #tpu.memory_space<vmem>>
          %dma_start3A_596 = tpu.memref_squeeze %dma_start3A_595 : memref<1x128xi32, #tpu.memory_space<vmem>> -> memref<128xi32, #tpu.memory_space<vmem>>
          %dma_start3A_597 = arith.constant 0 : i32
          %dma_start3A_598 = arith.constant 0 : i32
          %dma_start3A_599 = tpu.memref_slice %arg15[%dma_start3A_597, %dma_start3A_598] : memref<10112x128xf32, #tpu.memory_space<vmem_shared>> -> memref<10112x128xf32, #tpu.memory_space<vmem_shared>>
          tpu.enqueue_indirect_dma source(%arg14 : memref<128x128xf32, #tpu.memory_space<vmem>>) target(%dma_start3A_599 : memref<10112x128xf32, #tpu.memory_space<vmem_shared>>) offsets(%dma_start3A_596 : memref<128xi32, #tpu.memory_space<vmem>>) semaphore(%run_scoped3A_593 : memref<!tpu.dma_semaphore, #tpu.memory_space<semaphore_mem>>) {add = true}
          %dma_wait3A_600 = arith.constant 0 : i32
          %dma_wait3A_601 = tpu.memref_slice %arg12[%run_scoped3A_379, %dma_wait3A_600] : memref<16x128xi32, #tpu.memory_space<vmem>> -> memref<1x128xi32, #tpu.memory_space<vmem>>
          %dma_wait3A_602 = tpu.memref_squeeze %dma_wait3A_601 : memref<1x128xi32, #tpu.memory_space<vmem>> -> memref<128xi32, #tpu.memory_space<vmem>>
          %dma_wait3A_603 = arith.constant 0 : i32
          %dma_wait3A_604 = arith.constant 0 : i32
          %dma_wait3A_605 = tpu.memref_slice %arg15[%dma_wait3A_603, %dma_wait3A_604] : memref<10112x128xf32, #tpu.memory_space<vmem_shared>> -> memref<10112x128xf32, #tpu.memory_space<vmem_shared>>
          tpu.wait_indirect_dma semaphore(%run_scoped3A_593 : memref<!tpu.dma_semaphore, #tpu.memory_space<semaphore_mem>>) src(%arg14 : memref<128x128xf32, #tpu.memory_space<vmem>>) dst(%dma_wait3A_605 : memref<10112x128xf32, #tpu.memory_space<vmem_shared>>)
          tpu.yield
        }) : () -> ()
        %dma_start3A_380 = arith.constant 3 : i32
        %dma_start3A_381 = arith.constant 0 : i32
        %dma_start3A_382 = tpu.memref_slice %arg10[%dma_start3A_380, %dma_start3A_381] : memref<16x128xi32, #tpu.memory_space<vmem>> -> memref<1x128xi32, #tpu.memory_space<vmem>>
        %dma_start3A_383 = tpu.memref_squeeze %dma_start3A_382 : memref<1x128xi32, #tpu.memory_space<vmem>> -> memref<128xi32, #tpu.memory_space<vmem>>
        %dma_start3A_384 = arith.constant 0 : i32
        %dma_start3A_385 = arith.constant 0 : i32
        %dma_start3A_386 = tpu.memref_slice %arg2[%dma_start3A_384, %dma_start3A_385] : memref<10000x128xf32, #tpu.memory_space<hbm>> -> memref<10000x128xf32, #tpu.memory_space<hbm>>
        tpu.enqueue_indirect_dma source(%dma_start3A_386 : memref<10000x128xf32, #tpu.memory_space<hbm>>) target(%arg14 : memref<128x128xf32, #tpu.memory_space<vmem>>) offsets(%dma_start3A_383 : memref<128xi32, #tpu.memory_space<vmem>>) semaphore(%arg17 : memref<!tpu.dma_semaphore, #tpu.memory_space<semaphore_mem>>)
        %dma_wait3A_387 = arith.constant 0 : i32
        %dma_wait3A_388 = arith.constant 0 : i32
        %dma_wait3A_389 = tpu.memref_slice %arg9[%dma_wait3A_387, %dma_wait3A_388] : memref<16x128xi32, #tpu.memory_space<vmem>> -> memref<1x128xi32, #tpu.memory_space<vmem>>
        %dma_wait3A_390 = tpu.memref_squeeze %dma_wait3A_389 : memref<1x128xi32, #tpu.memory_space<vmem>> -> memref<128xi32, #tpu.memory_space<vmem>>
        %dma_wait3A_391 = arith.constant 0 : i32
        %dma_wait3A_392 = arith.constant 0 : i32
        %dma_wait3A_393 = tpu.memref_slice %arg2[%dma_wait3A_391, %dma_wait3A_392] : memref<10000x128xf32, #tpu.memory_space<hbm>> -> memref<10000x128xf32, #tpu.memory_space<hbm>>
        tpu.wait_indirect_dma semaphore(%arg16 : memref<!tpu.dma_semaphore, #tpu.memory_space<semaphore_mem>>) src(%dma_wait3A_393 : memref<10000x128xf32, #tpu.memory_space<hbm>>) dst(%arg13 : memref<128x128xf32, #tpu.memory_space<vmem>>)
        %run_scoped3A_394 = arith.constant 2 : i32
        "tpu.region"() ({
          %run_scoped3A_593 = tpu.sem_alloc : memref<!tpu.dma_semaphore, #tpu.memory_space<semaphore_mem>>
          %dma_start3A_594 = arith.constant 0 : i32
          %dma_start3A_595 = tpu.memref_slice %arg12[%run_scoped3A_394, %dma_start3A_594] : memref<16x128xi32, #tpu.memory_space<vmem>> -> memref<1x128xi32, #tpu.memory_space<vmem>>
          %dma_start3A_596 = tpu.memref_squeeze %dma_start3A_595 : memref<1x128xi32, #tpu.memory_space<vmem>> -> memref<128xi32, #tpu.memory_space<vmem>>
          %dma_start3A_597 = arith.constant 0 : i32
          %dma_start3A_598 = arith.constant 0 : i32
          %dma_start3A_599 = tpu.memref_slice %arg15[%dma_start3A_597, %dma_start3A_598] : memref<10112x128xf32, #tpu.memory_space<vmem_shared>> -> memref<10112x128xf32, #tpu.memory_space<vmem_shared>>
          tpu.enqueue_indirect_dma source(%arg13 : memref<128x128xf32, #tpu.memory_space<vmem>>) target(%dma_start3A_599 : memref<10112x128xf32, #tpu.memory_space<vmem_shared>>) offsets(%dma_start3A_596 : memref<128xi32, #tpu.memory_space<vmem>>) semaphore(%run_scoped3A_593 : memref<!tpu.dma_semaphore, #tpu.memory_space<semaphore_mem>>) {add = true}
          %dma_wait3A_600 = arith.constant 0 : i32
          %dma_wait3A_601 = tpu.memref_slice %arg12[%run_scoped3A_394, %dma_wait3A_600] : memref<16x128xi32, #tpu.memory_space<vmem>> -> memref<1x128xi32, #tpu.memory_space<vmem>>
          %dma_wait3A_602 = tpu.memref_squeeze %dma_wait3A_601 : memref<1x128xi32, #tpu.memory_space<vmem>> -> memref<128xi32, #tpu.memory_space<vmem>>
          %dma_wait3A_603 = arith.constant 0 : i32
          %dma_wait3A_604 = arith.constant 0 : i32
          %dma_wait3A_605 = tpu.memref_slice %arg15[%dma_wait3A_603, %dma_wait3A_604] : memref<10112x128xf32, #tpu.memory_space<vmem_shared>> -> memref<10112x128xf32, #tpu.memory_space<vmem_shared>>
          tpu.wait_indirect_dma semaphore(%run_scoped3A_593 : memref<!tpu.dma_semaphore, #tpu.memory_space<semaphore_mem>>) src(%arg13 : memref<128x128xf32, #tpu.memory_space<vmem>>) dst(%dma_wait3A_605 : memref<10112x128xf32, #tpu.memory_space<vmem_shared>>)
          tpu.yield
        }) : () -> ()
        %dma_start3A_395 = arith.constant 4 : i32
        %dma_start3A_396 = arith.constant 0 : i32
        %dma_start3A_397 = tpu.memref_slice %arg10[%dma_start3A_395, %dma_start3A_396] : memref<16x128xi32, #tpu.memory_space<vmem>> -> memref<1x128xi32, #tpu.memory_space<vmem>>
        %dma_start3A_398 = tpu.memref_squeeze %dma_start3A_397 : memref<1x128xi32, #tpu.memory_space<vmem>> -> memref<128xi32, #tpu.memory_space<vmem>>
        %dma_start3A_399 = arith.constant 0 : i32
        %dma_start3A_400 = arith.constant 0 : i32
        %dma_start3A_401 = tpu.memref_slice %arg2[%dma_start3A_399, %dma_start3A_400] : memref<10000x128xf32, #tpu.memory_space<hbm>> -> memref<10000x128xf32, #tpu.memory_space<hbm>>
        tpu.enqueue_indirect_dma source(%dma_start3A_401 : memref<10000x128xf32, #tpu.memory_space<hbm>>) target(%arg13 : memref<128x128xf32, #tpu.memory_space<vmem>>) offsets(%dma_start3A_398 : memref<128xi32, #tpu.memory_space<vmem>>) semaphore(%arg16 : memref<!tpu.dma_semaphore, #tpu.memory_space<semaphore_mem>>)
        %dma_wait3A_402 = arith.constant 0 : i32
        %dma_wait3A_403 = arith.constant 0 : i32
        %dma_wait3A_404 = tpu.memref_slice %arg9[%dma_wait3A_402, %dma_wait3A_403] : memref<16x128xi32, #tpu.memory_space<vmem>> -> memref<1x128xi32, #tpu.memory_space<vmem>>
        %dma_wait3A_405 = tpu.memref_squeeze %dma_wait3A_404 : memref<1x128xi32, #tpu.memory_space<vmem>> -> memref<128xi32, #tpu.memory_space<vmem>>
        %dma_wait3A_406 = arith.constant 0 : i32
        %dma_wait3A_407 = arith.constant 0 : i32
        %dma_wait3A_408 = tpu.memref_slice %arg2[%dma_wait3A_406, %dma_wait3A_407] : memref<10000x128xf32, #tpu.memory_space<hbm>> -> memref<10000x128xf32, #tpu.memory_space<hbm>>
        tpu.wait_indirect_dma semaphore(%arg17 : memref<!tpu.dma_semaphore, #tpu.memory_space<semaphore_mem>>) src(%dma_wait3A_408 : memref<10000x128xf32, #tpu.memory_space<hbm>>) dst(%arg14 : memref<128x128xf32, #tpu.memory_space<vmem>>)
        %run_scoped3A_409 = arith.constant 3 : i32
        "tpu.region"() ({
          %run_scoped3A_593 = tpu.sem_alloc : memref<!tpu.dma_semaphore, #tpu.memory_space<semaphore_mem>>
          %dma_start3A_594 = arith.constant 0 : i32
          %dma_start3A_595 = tpu.memref_slice %arg12[%run_scoped3A_409, %dma_start3A_594] : memref<16x128xi32, #tpu.memory_space<vmem>> -> memref<1x128xi32, #tpu.memory_space<vmem>>
          %dma_start3A_596 = tpu.memref_squeeze %dma_start3A_595 : memref<1x128xi32, #tpu.memory_space<vmem>> -> memref<128xi32, #tpu.memory_space<vmem>>
          %dma_start3A_597 = arith.constant 0 : i32
          %dma_start3A_598 = arith.constant 0 : i32
          %dma_start3A_599 = tpu.memref_slice %arg15[%dma_start3A_597, %dma_start3A_598] : memref<10112x128xf32, #tpu.memory_space<vmem_shared>> -> memref<10112x128xf32, #tpu.memory_space<vmem_shared>>
          tpu.enqueue_indirect_dma source(%arg14 : memref<128x128xf32, #tpu.memory_space<vmem>>) target(%dma_start3A_599 : memref<10112x128xf32, #tpu.memory_space<vmem_shared>>) offsets(%dma_start3A_596 : memref<128xi32, #tpu.memory_space<vmem>>) semaphore(%run_scoped3A_593 : memref<!tpu.dma_semaphore, #tpu.memory_space<semaphore_mem>>) {add = true}
          %dma_wait3A_600 = arith.constant 0 : i32
          %dma_wait3A_601 = tpu.memref_slice %arg12[%run_scoped3A_409, %dma_wait3A_600] : memref<16x128xi32, #tpu.memory_space<vmem>> -> memref<1x128xi32, #tpu.memory_space<vmem>>
          %dma_wait3A_602 = tpu.memref_squeeze %dma_wait3A_601 : memref<1x128xi32, #tpu.memory_space<vmem>> -> memref<128xi32, #tpu.memory_space<vmem>>
          %dma_wait3A_603 = arith.constant 0 : i32
          %dma_wait3A_604 = arith.constant 0 : i32
          %dma_wait3A_605 = tpu.memref_slice %arg15[%dma_wait3A_603, %dma_wait3A_604] : memref<10112x128xf32, #tpu.memory_space<vmem_shared>> -> memref<10112x128xf32, #tpu.memory_space<vmem_shared>>
          tpu.wait_indirect_dma semaphore(%run_scoped3A_593 : memref<!tpu.dma_semaphore, #tpu.memory_space<semaphore_mem>>) src(%arg14 : memref<128x128xf32, #tpu.memory_space<vmem>>) dst(%dma_wait3A_605 : memref<10112x128xf32, #tpu.memory_space<vmem_shared>>)
          tpu.yield
        }) : () -> ()
        %dma_start3A_410 = arith.constant 5 : i32
        %dma_start3A_411 = arith.constant 0 : i32
        %dma_start3A_412 = tpu.memref_slice %arg10[%dma_start3A_410, %dma_start3A_411] : memref<16x128xi32, #tpu.memory_space<vmem>> -> memref<1x128xi32, #tpu.memory_space<vmem>>
        %dma_start3A_413 = tpu.memref_squeeze %dma_start3A_412 : memref<1x128xi32, #tpu.memory_space<vmem>> -> memref<128xi32, #tpu.memory_space<vmem>>
        %dma_start3A_414 = arith.constant 0 : i32
        %dma_start3A_415 = arith.constant 0 : i32
        %dma_start3A_416 = tpu.memref_slice %arg2[%dma_start3A_414, %dma_start3A_415] : memref<10000x128xf32, #tpu.memory_space<hbm>> -> memref<10000x128xf32, #tpu.memory_space<hbm>>
        tpu.enqueue_indirect_dma source(%dma_start3A_416 : memref<10000x128xf32, #tpu.memory_space<hbm>>) target(%arg14 : memref<128x128xf32, #tpu.memory_space<vmem>>) offsets(%dma_start3A_413 : memref<128xi32, #tpu.memory_space<vmem>>) semaphore(%arg17 : memref<!tpu.dma_semaphore, #tpu.memory_space<semaphore_mem>>)
        %dma_wait3A_417 = arith.constant 0 : i32
        %dma_wait3A_418 = arith.constant 0 : i32
        %dma_wait3A_419 = tpu.memref_slice %arg9[%dma_wait3A_417, %dma_wait3A_418] : memref<16x128xi32, #tpu.memory_space<vmem>> -> memref<1x128xi32, #tpu.memory_space<vmem>>
        %dma_wait3A_420 = tpu.memref_squeeze %dma_wait3A_419 : memref<1x128xi32, #tpu.memory_space<vmem>> -> memref<128xi32, #tpu.memory_space<vmem>>
        %dma_wait3A_421 = arith.constant 0 : i32
        %dma_wait3A_422 = arith.constant 0 : i32
        %dma_wait3A_423 = tpu.memref_slice %arg2[%dma_wait3A_421, %dma_wait3A_422] : memref<10000x128xf32, #tpu.memory_space<hbm>> -> memref<10000x128xf32, #tpu.memory_space<hbm>>
        tpu.wait_indirect_dma semaphore(%arg16 : memref<!tpu.dma_semaphore, #tpu.memory_space<semaphore_mem>>) src(%dma_wait3A_423 : memref<10000x128xf32, #tpu.memory_space<hbm>>) dst(%arg13 : memref<128x128xf32, #tpu.memory_space<vmem>>)
        %run_scoped3A_424 = arith.constant 4 : i32
        "tpu.region"() ({
          %run_scoped3A_593 = tpu.sem_alloc : memref<!tpu.dma_semaphore, #tpu.memory_space<semaphore_mem>>
          %dma_start3A_594 = arith.constant 0 : i32
          %dma_start3A_595 = tpu.memref_slice %arg12[%run_scoped3A_424, %dma_start3A_594] : memref<16x128xi32, #tpu.memory_space<vmem>> -> memref<1x128xi32, #tpu.memory_space<vmem>>
          %dma_start3A_596 = tpu.memref_squeeze %dma_start3A_595 : memref<1x128xi32, #tpu.memory_space<vmem>> -> memref<128xi32, #tpu.memory_space<vmem>>
          %dma_start3A_597 = arith.constant 0 : i32
          %dma_start3A_598 = arith.constant 0 : i32
          %dma_start3A_599 = tpu.memref_slice %arg15[%dma_start3A_597, %dma_start3A_598] : memref<10112x128xf32, #tpu.memory_space<vmem_shared>> -> memref<10112x128xf32, #tpu.memory_space<vmem_shared>>
          tpu.enqueue_indirect_dma source(%arg13 : memref<128x128xf32, #tpu.memory_space<vmem>>) target(%dma_start3A_599 : memref<10112x128xf32, #tpu.memory_space<vmem_shared>>) offsets(%dma_start3A_596 : memref<128xi32, #tpu.memory_space<vmem>>) semaphore(%run_scoped3A_593 : memref<!tpu.dma_semaphore, #tpu.memory_space<semaphore_mem>>) {add = true}
          %dma_wait3A_600 = arith.constant 0 : i32
          %dma_wait3A_601 = tpu.memref_slice %arg12[%run_scoped3A_424, %dma_wait3A_600] : memref<16x128xi32, #tpu.memory_space<vmem>> -> memref<1x128xi32, #tpu.memory_space<vmem>>
          %dma_wait3A_602 = tpu.memref_squeeze %dma_wait3A_601 : memref<1x128xi32, #tpu.memory_space<vmem>> -> memref<128xi32, #tpu.memory_space<vmem>>
          %dma_wait3A_603 = arith.constant 0 : i32
          %dma_wait3A_604 = arith.constant 0 : i32
          %dma_wait3A_605 = tpu.memref_slice %arg15[%dma_wait3A_603, %dma_wait3A_604] : memref<10112x128xf32, #tpu.memory_space<vmem_shared>> -> memref<10112x128xf32, #tpu.memory_space<vmem_shared>>
          tpu.wait_indirect_dma semaphore(%run_scoped3A_593 : memref<!tpu.dma_semaphore, #tpu.memory_space<semaphore_mem>>) src(%arg13 : memref<128x128xf32, #tpu.memory_space<vmem>>) dst(%dma_wait3A_605 : memref<10112x128xf32, #tpu.memory_space<vmem_shared>>)
          tpu.yield
        }) : () -> ()
        %dma_start3A_425 = arith.constant 6 : i32
        %dma_start3A_426 = arith.constant 0 : i32
        %dma_start3A_427 = tpu.memref_slice %arg10[%dma_start3A_425, %dma_start3A_426] : memref<16x128xi32, #tpu.memory_space<vmem>> -> memref<1x128xi32, #tpu.memory_space<vmem>>
        %dma_start3A_428 = tpu.memref_squeeze %dma_start3A_427 : memref<1x128xi32, #tpu.memory_space<vmem>> -> memref<128xi32, #tpu.memory_space<vmem>>
        %dma_start3A_429 = arith.constant 0 : i32
        %dma_start3A_430 = arith.constant 0 : i32
        %dma_start3A_431 = tpu.memref_slice %arg2[%dma_start3A_429, %dma_start3A_430] : memref<10000x128xf32, #tpu.memory_space<hbm>> -> memref<10000x128xf32, #tpu.memory_space<hbm>>
        tpu.enqueue_indirect_dma source(%dma_start3A_431 : memref<10000x128xf32, #tpu.memory_space<hbm>>) target(%arg13 : memref<128x128xf32, #tpu.memory_space<vmem>>) offsets(%dma_start3A_428 : memref<128xi32, #tpu.memory_space<vmem>>) semaphore(%arg16 : memref<!tpu.dma_semaphore, #tpu.memory_space<semaphore_mem>>)
        %dma_wait3A_432 = arith.constant 0 : i32
        %dma_wait3A_433 = arith.constant 0 : i32
        %dma_wait3A_434 = tpu.memref_slice %arg9[%dma_wait3A_432, %dma_wait3A_433] : memref<16x128xi32, #tpu.memory_space<vmem>> -> memref<1x128xi32, #tpu.memory_space<vmem>>
        %dma_wait3A_435 = tpu.memref_squeeze %dma_wait3A_434 : memref<1x128xi32, #tpu.memory_space<vmem>> -> memref<128xi32, #tpu.memory_space<vmem>>
        %dma_wait3A_436 = arith.constant 0 : i32
        %dma_wait3A_437 = arith.constant 0 : i32
        %dma_wait3A_438 = tpu.memref_slice %arg2[%dma_wait3A_436, %dma_wait3A_437] : memref<10000x128xf32, #tpu.memory_space<hbm>> -> memref<10000x128xf32, #tpu.memory_space<hbm>>
        tpu.wait_indirect_dma semaphore(%arg17 : memref<!tpu.dma_semaphore, #tpu.memory_space<semaphore_mem>>) src(%dma_wait3A_438 : memref<10000x128xf32, #tpu.memory_space<hbm>>) dst(%arg14 : memref<128x128xf32, #tpu.memory_space<vmem>>)
        %run_scoped3A_439 = arith.constant 5 : i32
        "tpu.region"() ({
          %run_scoped3A_593 = tpu.sem_alloc : memref<!tpu.dma_semaphore, #tpu.memory_space<semaphore_mem>>
          %dma_start3A_594 = arith.constant 0 : i32
          %dma_start3A_595 = tpu.memref_slice %arg12[%run_scoped3A_439, %dma_start3A_594] : memref<16x128xi32, #tpu.memory_space<vmem>> -> memref<1x128xi32, #tpu.memory_space<vmem>>
          %dma_start3A_596 = tpu.memref_squeeze %dma_start3A_595 : memref<1x128xi32, #tpu.memory_space<vmem>> -> memref<128xi32, #tpu.memory_space<vmem>>
          %dma_start3A_597 = arith.constant 0 : i32
          %dma_start3A_598 = arith.constant 0 : i32
          %dma_start3A_599 = tpu.memref_slice %arg15[%dma_start3A_597, %dma_start3A_598] : memref<10112x128xf32, #tpu.memory_space<vmem_shared>> -> memref<10112x128xf32, #tpu.memory_space<vmem_shared>>
          tpu.enqueue_indirect_dma source(%arg14 : memref<128x128xf32, #tpu.memory_space<vmem>>) target(%dma_start3A_599 : memref<10112x128xf32, #tpu.memory_space<vmem_shared>>) offsets(%dma_start3A_596 : memref<128xi32, #tpu.memory_space<vmem>>) semaphore(%run_scoped3A_593 : memref<!tpu.dma_semaphore, #tpu.memory_space<semaphore_mem>>) {add = true}
          %dma_wait3A_600 = arith.constant 0 : i32
          %dma_wait3A_601 = tpu.memref_slice %arg12[%run_scoped3A_439, %dma_wait3A_600] : memref<16x128xi32, #tpu.memory_space<vmem>> -> memref<1x128xi32, #tpu.memory_space<vmem>>
          %dma_wait3A_602 = tpu.memref_squeeze %dma_wait3A_601 : memref<1x128xi32, #tpu.memory_space<vmem>> -> memref<128xi32, #tpu.memory_space<vmem>>
          %dma_wait3A_603 = arith.constant 0 : i32
          %dma_wait3A_604 = arith.constant 0 : i32
          %dma_wait3A_605 = tpu.memref_slice %arg15[%dma_wait3A_603, %dma_wait3A_604] : memref<10112x128xf32, #tpu.memory_space<vmem_shared>> -> memref<10112x128xf32, #tpu.memory_space<vmem_shared>>
          tpu.wait_indirect_dma semaphore(%run_scoped3A_593 : memref<!tpu.dma_semaphore, #tpu.memory_space<semaphore_mem>>) src(%arg14 : memref<128x128xf32, #tpu.memory_space<vmem>>) dst(%dma_wait3A_605 : memref<10112x128xf32, #tpu.memory_space<vmem_shared>>)
          tpu.yield
        }) : () -> ()
        %dma_start3A_440 = arith.constant 7 : i32
        %dma_start3A_441 = arith.constant 0 : i32
        %dma_start3A_442 = tpu.memref_slice %arg10[%dma_start3A_440, %dma_start3A_441] : memref<16x128xi32, #tpu.memory_space<vmem>> -> memref<1x128xi32, #tpu.memory_space<vmem>>
        %dma_start3A_443 = tpu.memref_squeeze %dma_start3A_442 : memref<1x128xi32, #tpu.memory_space<vmem>> -> memref<128xi32, #tpu.memory_space<vmem>>
        %dma_start3A_444 = arith.constant 0 : i32
        %dma_start3A_445 = arith.constant 0 : i32
        %dma_start3A_446 = tpu.memref_slice %arg2[%dma_start3A_444, %dma_start3A_445] : memref<10000x128xf32, #tpu.memory_space<hbm>> -> memref<10000x128xf32, #tpu.memory_space<hbm>>
        tpu.enqueue_indirect_dma source(%dma_start3A_446 : memref<10000x128xf32, #tpu.memory_space<hbm>>) target(%arg14 : memref<128x128xf32, #tpu.memory_space<vmem>>) offsets(%dma_start3A_443 : memref<128xi32, #tpu.memory_space<vmem>>) semaphore(%arg17 : memref<!tpu.dma_semaphore, #tpu.memory_space<semaphore_mem>>)
        %dma_wait3A_447 = arith.constant 0 : i32
        %dma_wait3A_448 = arith.constant 0 : i32
        %dma_wait3A_449 = tpu.memref_slice %arg9[%dma_wait3A_447, %dma_wait3A_448] : memref<16x128xi32, #tpu.memory_space<vmem>> -> memref<1x128xi32, #tpu.memory_space<vmem>>
        %dma_wait3A_450 = tpu.memref_squeeze %dma_wait3A_449 : memref<1x128xi32, #tpu.memory_space<vmem>> -> memref<128xi32, #tpu.memory_space<vmem>>
        %dma_wait3A_451 = arith.constant 0 : i32
        %dma_wait3A_452 = arith.constant 0 : i32
        %dma_wait3A_453 = tpu.memref_slice %arg2[%dma_wait3A_451, %dma_wait3A_452] : memref<10000x128xf32, #tpu.memory_space<hbm>> -> memref<10000x128xf32, #tpu.memory_space<hbm>>
        tpu.wait_indirect_dma semaphore(%arg16 : memref<!tpu.dma_semaphore, #tpu.memory_space<semaphore_mem>>) src(%dma_wait3A_453 : memref<10000x128xf32, #tpu.memory_space<hbm>>) dst(%arg13 : memref<128x128xf32, #tpu.memory_space<vmem>>)
        %run_scoped3A_454 = arith.constant 6 : i32
        "tpu.region"() ({
          %run_scoped3A_593 = tpu.sem_alloc : memref<!tpu.dma_semaphore, #tpu.memory_space<semaphore_mem>>
          %dma_start3A_594 = arith.constant 0 : i32
          %dma_start3A_595 = tpu.memref_slice %arg12[%run_scoped3A_454, %dma_start3A_594] : memref<16x128xi32, #tpu.memory_space<vmem>> -> memref<1x128xi32, #tpu.memory_space<vmem>>
          %dma_start3A_596 = tpu.memref_squeeze %dma_start3A_595 : memref<1x128xi32, #tpu.memory_space<vmem>> -> memref<128xi32, #tpu.memory_space<vmem>>
          %dma_start3A_597 = arith.constant 0 : i32
          %dma_start3A_598 = arith.constant 0 : i32
          %dma_start3A_599 = tpu.memref_slice %arg15[%dma_start3A_597, %dma_start3A_598] : memref<10112x128xf32, #tpu.memory_space<vmem_shared>> -> memref<10112x128xf32, #tpu.memory_space<vmem_shared>>
          tpu.enqueue_indirect_dma source(%arg13 : memref<128x128xf32, #tpu.memory_space<vmem>>) target(%dma_start3A_599 : memref<10112x128xf32, #tpu.memory_space<vmem_shared>>) offsets(%dma_start3A_596 : memref<128xi32, #tpu.memory_space<vmem>>) semaphore(%run_scoped3A_593 : memref<!tpu.dma_semaphore, #tpu.memory_space<semaphore_mem>>) {add = true}
          %dma_wait3A_600 = arith.constant 0 : i32
          %dma_wait3A_601 = tpu.memref_slice %arg12[%run_scoped3A_454, %dma_wait3A_600] : memref<16x128xi32, #tpu.memory_space<vmem>> -> memref<1x128xi32, #tpu.memory_space<vmem>>
          %dma_wait3A_602 = tpu.memref_squeeze %dma_wait3A_601 : memref<1x128xi32, #tpu.memory_space<vmem>> -> memref<128xi32, #tpu.memory_space<vmem>>
          %dma_wait3A_603 = arith.constant 0 : i32
          %dma_wait3A_604 = arith.constant 0 : i32
          %dma_wait3A_605 = tpu.memref_slice %arg15[%dma_wait3A_603, %dma_wait3A_604] : memref<10112x128xf32, #tpu.memory_space<vmem_shared>> -> memref<10112x128xf32, #tpu.memory_space<vmem_shared>>
          tpu.wait_indirect_dma semaphore(%run_scoped3A_593 : memref<!tpu.dma_semaphore, #tpu.memory_space<semaphore_mem>>) src(%arg13 : memref<128x128xf32, #tpu.memory_space<vmem>>) dst(%dma_wait3A_605 : memref<10112x128xf32, #tpu.memory_space<vmem_shared>>)
          tpu.yield
        }) : () -> ()
        %dma_start3A_455 = arith.constant 8 : i32
        %dma_start3A_456 = arith.constant 0 : i32
        %dma_start3A_457 = tpu.memref_slice %arg10[%dma_start3A_455, %dma_start3A_456] : memref<16x128xi32, #tpu.memory_space<vmem>> -> memref<1x128xi32, #tpu.memory_space<vmem>>
        %dma_start3A_458 = tpu.memref_squeeze %dma_start3A_457 : memref<1x128xi32, #tpu.memory_space<vmem>> -> memref<128xi32, #tpu.memory_space<vmem>>
        %dma_start3A_459 = arith.constant 0 : i32
        %dma_start3A_460 = arith.constant 0 : i32
        %dma_start3A_461 = tpu.memref_slice %arg2[%dma_start3A_459, %dma_start3A_460] : memref<10000x128xf32, #tpu.memory_space<hbm>> -> memref<10000x128xf32, #tpu.memory_space<hbm>>
        tpu.enqueue_indirect_dma source(%dma_start3A_461 : memref<10000x128xf32, #tpu.memory_space<hbm>>) target(%arg13 : memref<128x128xf32, #tpu.memory_space<vmem>>) offsets(%dma_start3A_458 : memref<128xi32, #tpu.memory_space<vmem>>) semaphore(%arg16 : memref<!tpu.dma_semaphore, #tpu.memory_space<semaphore_mem>>)
        %dma_wait3A_462 = arith.constant 0 : i32
        %dma_wait3A_463 = arith.constant 0 : i32
        %dma_wait3A_464 = tpu.memref_slice %arg9[%dma_wait3A_462, %dma_wait3A_463] : memref<16x128xi32, #tpu.memory_space<vmem>> -> memref<1x128xi32, #tpu.memory_space<vmem>>
        %dma_wait3A_465 = tpu.memref_squeeze %dma_wait3A_464 : memref<1x128xi32, #tpu.memory_space<vmem>> -> memref<128xi32, #tpu.memory_space<vmem>>
        %dma_wait3A_466 = arith.constant 0 : i32
        %dma_wait3A_467 = arith.constant 0 : i32
        %dma_wait3A_468 = tpu.memref_slice %arg2[%dma_wait3A_466, %dma_wait3A_467] : memref<10000x128xf32, #tpu.memory_space<hbm>> -> memref<10000x128xf32, #tpu.memory_space<hbm>>
        tpu.wait_indirect_dma semaphore(%arg17 : memref<!tpu.dma_semaphore, #tpu.memory_space<semaphore_mem>>) src(%dma_wait3A_468 : memref<10000x128xf32, #tpu.memory_space<hbm>>) dst(%arg14 : memref<128x128xf32, #tpu.memory_space<vmem>>)
        %run_scoped3A_469 = arith.constant 7 : i32
        "tpu.region"() ({
          %run_scoped3A_593 = tpu.sem_alloc : memref<!tpu.dma_semaphore, #tpu.memory_space<semaphore_mem>>
          %dma_start3A_594 = arith.constant 0 : i32
          %dma_start3A_595 = tpu.memref_slice %arg12[%run_scoped3A_469, %dma_start3A_594] : memref<16x128xi32, #tpu.memory_space<vmem>> -> memref<1x128xi32, #tpu.memory_space<vmem>>
          %dma_start3A_596 = tpu.memref_squeeze %dma_start3A_595 : memref<1x128xi32, #tpu.memory_space<vmem>> -> memref<128xi32, #tpu.memory_space<vmem>>
          %dma_start3A_597 = arith.constant 0 : i32
          %dma_start3A_598 = arith.constant 0 : i32
          %dma_start3A_599 = tpu.memref_slice %arg15[%dma_start3A_597, %dma_start3A_598] : memref<10112x128xf32, #tpu.memory_space<vmem_shared>> -> memref<10112x128xf32, #tpu.memory_space<vmem_shared>>
          tpu.enqueue_indirect_dma source(%arg14 : memref<128x128xf32, #tpu.memory_space<vmem>>) target(%dma_start3A_599 : memref<10112x128xf32, #tpu.memory_space<vmem_shared>>) offsets(%dma_start3A_596 : memref<128xi32, #tpu.memory_space<vmem>>) semaphore(%run_scoped3A_593 : memref<!tpu.dma_semaphore, #tpu.memory_space<semaphore_mem>>) {add = true}
          %dma_wait3A_600 = arith.constant 0 : i32
          %dma_wait3A_601 = tpu.memref_slice %arg12[%run_scoped3A_469, %dma_wait3A_600] : memref<16x128xi32, #tpu.memory_space<vmem>> -> memref<1x128xi32, #tpu.memory_space<vmem>>
          %dma_wait3A_602 = tpu.memref_squeeze %dma_wait3A_601 : memref<1x128xi32, #tpu.memory_space<vmem>> -> memref<128xi32, #tpu.memory_space<vmem>>
          %dma_wait3A_603 = arith.constant 0 : i32
          %dma_wait3A_604 = arith.constant 0 : i32
          %dma_wait3A_605 = tpu.memref_slice %arg15[%dma_wait3A_603, %dma_wait3A_604] : memref<10112x128xf32, #tpu.memory_space<vmem_shared>> -> memref<10112x128xf32, #tpu.memory_space<vmem_shared>>
          tpu.wait_indirect_dma semaphore(%run_scoped3A_593 : memref<!tpu.dma_semaphore, #tpu.memory_space<semaphore_mem>>) src(%arg14 : memref<128x128xf32, #tpu.memory_space<vmem>>) dst(%dma_wait3A_605 : memref<10112x128xf32, #tpu.memory_space<vmem_shared>>)
          tpu.yield
        }) : () -> ()
        %dma_start3A_470 = arith.constant 9 : i32
        %dma_start3A_471 = arith.constant 0 : i32
        %dma_start3A_472 = tpu.memref_slice %arg10[%dma_start3A_470, %dma_start3A_471] : memref<16x128xi32, #tpu.memory_space<vmem>> -> memref<1x128xi32, #tpu.memory_space<vmem>>
        %dma_start3A_473 = tpu.memref_squeeze %dma_start3A_472 : memref<1x128xi32, #tpu.memory_space<vmem>> -> memref<128xi32, #tpu.memory_space<vmem>>
        %dma_start3A_474 = arith.constant 0 : i32
        %dma_start3A_475 = arith.constant 0 : i32
        %dma_start3A_476 = tpu.memref_slice %arg2[%dma_start3A_474, %dma_start3A_475] : memref<10000x128xf32, #tpu.memory_space<hbm>> -> memref<10000x128xf32, #tpu.memory_space<hbm>>
        tpu.enqueue_indirect_dma source(%dma_start3A_476 : memref<10000x128xf32, #tpu.memory_space<hbm>>) target(%arg14 : memref<128x128xf32, #tpu.memory_space<vmem>>) offsets(%dma_start3A_473 : memref<128xi32, #tpu.memory_space<vmem>>) semaphore(%arg17 : memref<!tpu.dma_semaphore, #tpu.memory_space<semaphore_mem>>)
        %dma_wait3A_477 = arith.constant 0 : i32
        %dma_wait3A_478 = arith.constant 0 : i32
        %dma_wait3A_479 = tpu.memref_slice %arg9[%dma_wait3A_477, %dma_wait3A_478] : memref<16x128xi32, #tpu.memory_space<vmem>> -> memref<1x128xi32, #tpu.memory_space<vmem>>
        %dma_wait3A_480 = tpu.memref_squeeze %dma_wait3A_479 : memref<1x128xi32, #tpu.memory_space<vmem>> -> memref<128xi32, #tpu.memory_space<vmem>>
        %dma_wait3A_481 = arith.constant 0 : i32
        %dma_wait3A_482 = arith.constant 0 : i32
        %dma_wait3A_483 = tpu.memref_slice %arg2[%dma_wait3A_481, %dma_wait3A_482] : memref<10000x128xf32, #tpu.memory_space<hbm>> -> memref<10000x128xf32, #tpu.memory_space<hbm>>
        tpu.wait_indirect_dma semaphore(%arg16 : memref<!tpu.dma_semaphore, #tpu.memory_space<semaphore_mem>>) src(%dma_wait3A_483 : memref<10000x128xf32, #tpu.memory_space<hbm>>) dst(%arg13 : memref<128x128xf32, #tpu.memory_space<vmem>>)
        %run_scoped3A_484 = arith.constant 8 : i32
        "tpu.region"() ({
          %run_scoped3A_593 = tpu.sem_alloc : memref<!tpu.dma_semaphore, #tpu.memory_space<semaphore_mem>>
          %dma_start3A_594 = arith.constant 0 : i32
          %dma_start3A_595 = tpu.memref_slice %arg12[%run_scoped3A_484, %dma_start3A_594] : memref<16x128xi32, #tpu.memory_space<vmem>> -> memref<1x128xi32, #tpu.memory_space<vmem>>
          %dma_start3A_596 = tpu.memref_squeeze %dma_start3A_595 : memref<1x128xi32, #tpu.memory_space<vmem>> -> memref<128xi32, #tpu.memory_space<vmem>>
          %dma_start3A_597 = arith.constant 0 : i32
          %dma_start3A_598 = arith.constant 0 : i32
          %dma_start3A_599 = tpu.memref_slice %arg15[%dma_start3A_597, %dma_start3A_598] : memref<10112x128xf32, #tpu.memory_space<vmem_shared>> -> memref<10112x128xf32, #tpu.memory_space<vmem_shared>>
          tpu.enqueue_indirect_dma source(%arg13 : memref<128x128xf32, #tpu.memory_space<vmem>>) target(%dma_start3A_599 : memref<10112x128xf32, #tpu.memory_space<vmem_shared>>) offsets(%dma_start3A_596 : memref<128xi32, #tpu.memory_space<vmem>>) semaphore(%run_scoped3A_593 : memref<!tpu.dma_semaphore, #tpu.memory_space<semaphore_mem>>) {add = true}
          %dma_wait3A_600 = arith.constant 0 : i32
          %dma_wait3A_601 = tpu.memref_slice %arg12[%run_scoped3A_484, %dma_wait3A_600] : memref<16x128xi32, #tpu.memory_space<vmem>> -> memref<1x128xi32, #tpu.memory_space<vmem>>
          %dma_wait3A_602 = tpu.memref_squeeze %dma_wait3A_601 : memref<1x128xi32, #tpu.memory_space<vmem>> -> memref<128xi32, #tpu.memory_space<vmem>>
          %dma_wait3A_603 = arith.constant 0 : i32
          %dma_wait3A_604 = arith.constant 0 : i32
          %dma_wait3A_605 = tpu.memref_slice %arg15[%dma_wait3A_603, %dma_wait3A_604] : memref<10112x128xf32, #tpu.memory_space<vmem_shared>> -> memref<10112x128xf32, #tpu.memory_space<vmem_shared>>
          tpu.wait_indirect_dma semaphore(%run_scoped3A_593 : memref<!tpu.dma_semaphore, #tpu.memory_space<semaphore_mem>>) src(%arg13 : memref<128x128xf32, #tpu.memory_space<vmem>>) dst(%dma_wait3A_605 : memref<10112x128xf32, #tpu.memory_space<vmem_shared>>)
          tpu.yield
        }) : () -> ()
        %dma_start3A_485 = arith.constant 10 : i32
        %dma_start3A_486 = arith.constant 0 : i32
        %dma_start3A_487 = tpu.memref_slice %arg10[%dma_start3A_485, %dma_start3A_486] : memref<16x128xi32, #tpu.memory_space<vmem>> -> memref<1x128xi32, #tpu.memory_space<vmem>>
        %dma_start3A_488 = tpu.memref_squeeze %dma_start3A_487 : memref<1x128xi32, #tpu.memory_space<vmem>> -> memref<128xi32, #tpu.memory_space<vmem>>
        %dma_start3A_489 = arith.constant 0 : i32
        %dma_start3A_490 = arith.constant 0 : i32
        %dma_start3A_491 = tpu.memref_slice %arg2[%dma_start3A_489, %dma_start3A_490] : memref<10000x128xf32, #tpu.memory_space<hbm>> -> memref<10000x128xf32, #tpu.memory_space<hbm>>
        tpu.enqueue_indirect_dma source(%dma_start3A_491 : memref<10000x128xf32, #tpu.memory_space<hbm>>) target(%arg13 : memref<128x128xf32, #tpu.memory_space<vmem>>) offsets(%dma_start3A_488 : memref<128xi32, #tpu.memory_space<vmem>>) semaphore(%arg16 : memref<!tpu.dma_semaphore, #tpu.memory_space<semaphore_mem>>)
        %dma_wait3A_492 = arith.constant 0 : i32
        %dma_wait3A_493 = arith.constant 0 : i32
        %dma_wait3A_494 = tpu.memref_slice %arg9[%dma_wait3A_492, %dma_wait3A_493] : memref<16x128xi32, #tpu.memory_space<vmem>> -> memref<1x128xi32, #tpu.memory_space<vmem>>
        %dma_wait3A_495 = tpu.memref_squeeze %dma_wait3A_494 : memref<1x128xi32, #tpu.memory_space<vmem>> -> memref<128xi32, #tpu.memory_space<vmem>>
        %dma_wait3A_496 = arith.constant 0 : i32
        %dma_wait3A_497 = arith.constant 0 : i32
        %dma_wait3A_498 = tpu.memref_slice %arg2[%dma_wait3A_496, %dma_wait3A_497] : memref<10000x128xf32, #tpu.memory_space<hbm>> -> memref<10000x128xf32, #tpu.memory_space<hbm>>
        tpu.wait_indirect_dma semaphore(%arg17 : memref<!tpu.dma_semaphore, #tpu.memory_space<semaphore_mem>>) src(%dma_wait3A_498 : memref<10000x128xf32, #tpu.memory_space<hbm>>) dst(%arg14 : memref<128x128xf32, #tpu.memory_space<vmem>>)
        %run_scoped3A_499 = arith.constant 9 : i32
        "tpu.region"() ({
          %run_scoped3A_593 = tpu.sem_alloc : memref<!tpu.dma_semaphore, #tpu.memory_space<semaphore_mem>>
          %dma_start3A_594 = arith.constant 0 : i32
          %dma_start3A_595 = tpu.memref_slice %arg12[%run_scoped3A_499, %dma_start3A_594] : memref<16x128xi32, #tpu.memory_space<vmem>> -> memref<1x128xi32, #tpu.memory_space<vmem>>
          %dma_start3A_596 = tpu.memref_squeeze %dma_start3A_595 : memref<1x128xi32, #tpu.memory_space<vmem>> -> memref<128xi32, #tpu.memory_space<vmem>>
          %dma_start3A_597 = arith.constant 0 : i32
          %dma_start3A_598 = arith.constant 0 : i32
          %dma_start3A_599 = tpu.memref_slice %arg15[%dma_start3A_597, %dma_start3A_598] : memref<10112x128xf32, #tpu.memory_space<vmem_shared>> -> memref<10112x128xf32, #tpu.memory_space<vmem_shared>>
          tpu.enqueue_indirect_dma source(%arg14 : memref<128x128xf32, #tpu.memory_space<vmem>>) target(%dma_start3A_599 : memref<10112x128xf32, #tpu.memory_space<vmem_shared>>) offsets(%dma_start3A_596 : memref<128xi32, #tpu.memory_space<vmem>>) semaphore(%run_scoped3A_593 : memref<!tpu.dma_semaphore, #tpu.memory_space<semaphore_mem>>) {add = true}
          %dma_wait3A_600 = arith.constant 0 : i32
          %dma_wait3A_601 = tpu.memref_slice %arg12[%run_scoped3A_499, %dma_wait3A_600] : memref<16x128xi32, #tpu.memory_space<vmem>> -> memref<1x128xi32, #tpu.memory_space<vmem>>
          %dma_wait3A_602 = tpu.memref_squeeze %dma_wait3A_601 : memref<1x128xi32, #tpu.memory_space<vmem>> -> memref<128xi32, #tpu.memory_space<vmem>>
          %dma_wait3A_603 = arith.constant 0 : i32
          %dma_wait3A_604 = arith.constant 0 : i32
          %dma_wait3A_605 = tpu.memref_slice %arg15[%dma_wait3A_603, %dma_wait3A_604] : memref<10112x128xf32, #tpu.memory_space<vmem_shared>> -> memref<10112x128xf32, #tpu.memory_space<vmem_shared>>
          tpu.wait_indirect_dma semaphore(%run_scoped3A_593 : memref<!tpu.dma_semaphore, #tpu.memory_space<semaphore_mem>>) src(%arg14 : memref<128x128xf32, #tpu.memory_space<vmem>>) dst(%dma_wait3A_605 : memref<10112x128xf32, #tpu.memory_space<vmem_shared>>)
          tpu.yield
        }) : () -> ()
        %dma_start3A_500 = arith.constant 11 : i32
        %dma_start3A_501 = arith.constant 0 : i32
        %dma_start3A_502 = tpu.memref_slice %arg10[%dma_start3A_500, %dma_start3A_501] : memref<16x128xi32, #tpu.memory_space<vmem>> -> memref<1x128xi32, #tpu.memory_space<vmem>>
        %dma_start3A_503 = tpu.memref_squeeze %dma_start3A_502 : memref<1x128xi32, #tpu.memory_space<vmem>> -> memref<128xi32, #tpu.memory_space<vmem>>
        %dma_start3A_504 = arith.constant 0 : i32
        %dma_start3A_505 = arith.constant 0 : i32
        %dma_start3A_506 = tpu.memref_slice %arg2[%dma_start3A_504, %dma_start3A_505] : memref<10000x128xf32, #tpu.memory_space<hbm>> -> memref<10000x128xf32, #tpu.memory_space<hbm>>
        tpu.enqueue_indirect_dma source(%dma_start3A_506 : memref<10000x128xf32, #tpu.memory_space<hbm>>) target(%arg14 : memref<128x128xf32, #tpu.memory_space<vmem>>) offsets(%dma_start3A_503 : memref<128xi32, #tpu.memory_space<vmem>>) semaphore(%arg17 : memref<!tpu.dma_semaphore, #tpu.memory_space<semaphore_mem>>)
        %dma_wait3A_507 = arith.constant 0 : i32
        %dma_wait3A_508 = arith.constant 0 : i32
        %dma_wait3A_509 = tpu.memref_slice %arg9[%dma_wait3A_507, %dma_wait3A_508] : memref<16x128xi32, #tpu.memory_space<vmem>> -> memref<1x128xi32, #tpu.memory_space<vmem>>
        %dma_wait3A_510 = tpu.memref_squeeze %dma_wait3A_509 : memref<1x128xi32, #tpu.memory_space<vmem>> -> memref<128xi32, #tpu.memory_space<vmem>>
        %dma_wait3A_511 = arith.constant 0 : i32
        %dma_wait3A_512 = arith.constant 0 : i32
        %dma_wait3A_513 = tpu.memref_slice %arg2[%dma_wait3A_511, %dma_wait3A_512] : memref<10000x128xf32, #tpu.memory_space<hbm>> -> memref<10000x128xf32, #tpu.memory_space<hbm>>
        tpu.wait_indirect_dma semaphore(%arg16 : memref<!tpu.dma_semaphore, #tpu.memory_space<semaphore_mem>>) src(%dma_wait3A_513 : memref<10000x128xf32, #tpu.memory_space<hbm>>) dst(%arg13 : memref<128x128xf32, #tpu.memory_space<vmem>>)
        %run_scoped3A_514 = arith.constant 10 : i32
        "tpu.region"() ({
          %run_scoped3A_593 = tpu.sem_alloc : memref<!tpu.dma_semaphore, #tpu.memory_space<semaphore_mem>>
          %dma_start3A_594 = arith.constant 0 : i32
          %dma_start3A_595 = tpu.memref_slice %arg12[%run_scoped3A_514, %dma_start3A_594] : memref<16x128xi32, #tpu.memory_space<vmem>> -> memref<1x128xi32, #tpu.memory_space<vmem>>
          %dma_start3A_596 = tpu.memref_squeeze %dma_start3A_595 : memref<1x128xi32, #tpu.memory_space<vmem>> -> memref<128xi32, #tpu.memory_space<vmem>>
          %dma_start3A_597 = arith.constant 0 : i32
          %dma_start3A_598 = arith.constant 0 : i32
          %dma_start3A_599 = tpu.memref_slice %arg15[%dma_start3A_597, %dma_start3A_598] : memref<10112x128xf32, #tpu.memory_space<vmem_shared>> -> memref<10112x128xf32, #tpu.memory_space<vmem_shared>>
          tpu.enqueue_indirect_dma source(%arg13 : memref<128x128xf32, #tpu.memory_space<vmem>>) target(%dma_start3A_599 : memref<10112x128xf32, #tpu.memory_space<vmem_shared>>) offsets(%dma_start3A_596 : memref<128xi32, #tpu.memory_space<vmem>>) semaphore(%run_scoped3A_593 : memref<!tpu.dma_semaphore, #tpu.memory_space<semaphore_mem>>) {add = true}
          %dma_wait3A_600 = arith.constant 0 : i32
          %dma_wait3A_601 = tpu.memref_slice %arg12[%run_scoped3A_514, %dma_wait3A_600] : memref<16x128xi32, #tpu.memory_space<vmem>> -> memref<1x128xi32, #tpu.memory_space<vmem>>
          %dma_wait3A_602 = tpu.memref_squeeze %dma_wait3A_601 : memref<1x128xi32, #tpu.memory_space<vmem>> -> memref<128xi32, #tpu.memory_space<vmem>>
          %dma_wait3A_603 = arith.constant 0 : i32
          %dma_wait3A_604 = arith.constant 0 : i32
          %dma_wait3A_605 = tpu.memref_slice %arg15[%dma_wait3A_603, %dma_wait3A_604] : memref<10112x128xf32, #tpu.memory_space<vmem_shared>> -> memref<10112x128xf32, #tpu.memory_space<vmem_shared>>
          tpu.wait_indirect_dma semaphore(%run_scoped3A_593 : memref<!tpu.dma_semaphore, #tpu.memory_space<semaphore_mem>>) src(%arg13 : memref<128x128xf32, #tpu.memory_space<vmem>>) dst(%dma_wait3A_605 : memref<10112x128xf32, #tpu.memory_space<vmem_shared>>)
          tpu.yield
        }) : () -> ()
        %dma_start3A_515 = arith.constant 12 : i32
        %dma_start3A_516 = arith.constant 0 : i32
        %dma_start3A_517 = tpu.memref_slice %arg10[%dma_start3A_515, %dma_start3A_516] : memref<16x128xi32, #tpu.memory_space<vmem>> -> memref<1x128xi32, #tpu.memory_space<vmem>>
        %dma_start3A_518 = tpu.memref_squeeze %dma_start3A_517 : memref<1x128xi32, #tpu.memory_space<vmem>> -> memref<128xi32, #tpu.memory_space<vmem>>
        %dma_start3A_519 = arith.constant 0 : i32
        %dma_start3A_520 = arith.constant 0 : i32
        %dma_start3A_521 = tpu.memref_slice %arg2[%dma_start3A_519, %dma_start3A_520] : memref<10000x128xf32, #tpu.memory_space<hbm>> -> memref<10000x128xf32, #tpu.memory_space<hbm>>
        tpu.enqueue_indirect_dma source(%dma_start3A_521 : memref<10000x128xf32, #tpu.memory_space<hbm>>) target(%arg13 : memref<128x128xf32, #tpu.memory_space<vmem>>) offsets(%dma_start3A_518 : memref<128xi32, #tpu.memory_space<vmem>>) semaphore(%arg16 : memref<!tpu.dma_semaphore, #tpu.memory_space<semaphore_mem>>)
        %dma_wait3A_522 = arith.constant 0 : i32
        %dma_wait3A_523 = arith.constant 0 : i32
        %dma_wait3A_524 = tpu.memref_slice %arg9[%dma_wait3A_522, %dma_wait3A_523] : memref<16x128xi32, #tpu.memory_space<vmem>> -> memref<1x128xi32, #tpu.memory_space<vmem>>
        %dma_wait3A_525 = tpu.memref_squeeze %dma_wait3A_524 : memref<1x128xi32, #tpu.memory_space<vmem>> -> memref<128xi32, #tpu.memory_space<vmem>>
        %dma_wait3A_526 = arith.constant 0 : i32
        %dma_wait3A_527 = arith.constant 0 : i32
        %dma_wait3A_528 = tpu.memref_slice %arg2[%dma_wait3A_526, %dma_wait3A_527] : memref<10000x128xf32, #tpu.memory_space<hbm>> -> memref<10000x128xf32, #tpu.memory_space<hbm>>
        tpu.wait_indirect_dma semaphore(%arg17 : memref<!tpu.dma_semaphore, #tpu.memory_space<semaphore_mem>>) src(%dma_wait3A_528 : memref<10000x128xf32, #tpu.memory_space<hbm>>) dst(%arg14 : memref<128x128xf32, #tpu.memory_space<vmem>>)
        %run_scoped3A_529 = arith.constant 11 : i32
        "tpu.region"() ({
          %run_scoped3A_593 = tpu.sem_alloc : memref<!tpu.dma_semaphore, #tpu.memory_space<semaphore_mem>>
          %dma_start3A_594 = arith.constant 0 : i32
          %dma_start3A_595 = tpu.memref_slice %arg12[%run_scoped3A_529, %dma_start3A_594] : memref<16x128xi32, #tpu.memory_space<vmem>> -> memref<1x128xi32, #tpu.memory_space<vmem>>
          %dma_start3A_596 = tpu.memref_squeeze %dma_start3A_595 : memref<1x128xi32, #tpu.memory_space<vmem>> -> memref<128xi32, #tpu.memory_space<vmem>>
          %dma_start3A_597 = arith.constant 0 : i32
          %dma_start3A_598 = arith.constant 0 : i32
          %dma_start3A_599 = tpu.memref_slice %arg15[%dma_start3A_597, %dma_start3A_598] : memref<10112x128xf32, #tpu.memory_space<vmem_shared>> -> memref<10112x128xf32, #tpu.memory_space<vmem_shared>>
          tpu.enqueue_indirect_dma source(%arg14 : memref<128x128xf32, #tpu.memory_space<vmem>>) target(%dma_start3A_599 : memref<10112x128xf32, #tpu.memory_space<vmem_shared>>) offsets(%dma_start3A_596 : memref<128xi32, #tpu.memory_space<vmem>>) semaphore(%run_scoped3A_593 : memref<!tpu.dma_semaphore, #tpu.memory_space<semaphore_mem>>) {add = true}
          %dma_wait3A_600 = arith.constant 0 : i32
          %dma_wait3A_601 = tpu.memref_slice %arg12[%run_scoped3A_529, %dma_wait3A_600] : memref<16x128xi32, #tpu.memory_space<vmem>> -> memref<1x128xi32, #tpu.memory_space<vmem>>
          %dma_wait3A_602 = tpu.memref_squeeze %dma_wait3A_601 : memref<1x128xi32, #tpu.memory_space<vmem>> -> memref<128xi32, #tpu.memory_space<vmem>>
          %dma_wait3A_603 = arith.constant 0 : i32
          %dma_wait3A_604 = arith.constant 0 : i32
          %dma_wait3A_605 = tpu.memref_slice %arg15[%dma_wait3A_603, %dma_wait3A_604] : memref<10112x128xf32, #tpu.memory_space<vmem_shared>> -> memref<10112x128xf32, #tpu.memory_space<vmem_shared>>
          tpu.wait_indirect_dma semaphore(%run_scoped3A_593 : memref<!tpu.dma_semaphore, #tpu.memory_space<semaphore_mem>>) src(%arg14 : memref<128x128xf32, #tpu.memory_space<vmem>>) dst(%dma_wait3A_605 : memref<10112x128xf32, #tpu.memory_space<vmem_shared>>)
          tpu.yield
        }) : () -> ()
        %dma_start3A_530 = arith.constant 13 : i32
        %dma_start3A_531 = arith.constant 0 : i32
        %dma_start3A_532 = tpu.memref_slice %arg10[%dma_start3A_530, %dma_start3A_531] : memref<16x128xi32, #tpu.memory_space<vmem>> -> memref<1x128xi32, #tpu.memory_space<vmem>>
        %dma_start3A_533 = tpu.memref_squeeze %dma_start3A_532 : memref<1x128xi32, #tpu.memory_space<vmem>> -> memref<128xi32, #tpu.memory_space<vmem>>
        %dma_start3A_534 = arith.constant 0 : i32
        %dma_start3A_535 = arith.constant 0 : i32
        %dma_start3A_536 = tpu.memref_slice %arg2[%dma_start3A_534, %dma_start3A_535] : memref<10000x128xf32, #tpu.memory_space<hbm>> -> memref<10000x128xf32, #tpu.memory_space<hbm>>
        tpu.enqueue_indirect_dma source(%dma_start3A_536 : memref<10000x128xf32, #tpu.memory_space<hbm>>) target(%arg14 : memref<128x128xf32, #tpu.memory_space<vmem>>) offsets(%dma_start3A_533 : memref<128xi32, #tpu.memory_space<vmem>>) semaphore(%arg17 : memref<!tpu.dma_semaphore, #tpu.memory_space<semaphore_mem>>)
        %dma_wait3A_537 = arith.constant 0 : i32
        %dma_wait3A_538 = arith.constant 0 : i32
        %dma_wait3A_539 = tpu.memref_slice %arg9[%dma_wait3A_537, %dma_wait3A_538] : memref<16x128xi32, #tpu.memory_space<vmem>> -> memref<1x128xi32, #tpu.memory_space<vmem>>
        %dma_wait3A_540 = tpu.memref_squeeze %dma_wait3A_539 : memref<1x128xi32, #tpu.memory_space<vmem>> -> memref<128xi32, #tpu.memory_space<vmem>>
        %dma_wait3A_541 = arith.constant 0 : i32
        %dma_wait3A_542 = arith.constant 0 : i32
        %dma_wait3A_543 = tpu.memref_slice %arg2[%dma_wait3A_541, %dma_wait3A_542] : memref<10000x128xf32, #tpu.memory_space<hbm>> -> memref<10000x128xf32, #tpu.memory_space<hbm>>
        tpu.wait_indirect_dma semaphore(%arg16 : memref<!tpu.dma_semaphore, #tpu.memory_space<semaphore_mem>>) src(%dma_wait3A_543 : memref<10000x128xf32, #tpu.memory_space<hbm>>) dst(%arg13 : memref<128x128xf32, #tpu.memory_space<vmem>>)
        %run_scoped3A_544 = arith.constant 12 : i32
        "tpu.region"() ({
          %run_scoped3A_593 = tpu.sem_alloc : memref<!tpu.dma_semaphore, #tpu.memory_space<semaphore_mem>>
          %dma_start3A_594 = arith.constant 0 : i32
          %dma_start3A_595 = tpu.memref_slice %arg12[%run_scoped3A_544, %dma_start3A_594] : memref<16x128xi32, #tpu.memory_space<vmem>> -> memref<1x128xi32, #tpu.memory_space<vmem>>
          %dma_start3A_596 = tpu.memref_squeeze %dma_start3A_595 : memref<1x128xi32, #tpu.memory_space<vmem>> -> memref<128xi32, #tpu.memory_space<vmem>>
          %dma_start3A_597 = arith.constant 0 : i32
          %dma_start3A_598 = arith.constant 0 : i32
          %dma_start3A_599 = tpu.memref_slice %arg15[%dma_start3A_597, %dma_start3A_598] : memref<10112x128xf32, #tpu.memory_space<vmem_shared>> -> memref<10112x128xf32, #tpu.memory_space<vmem_shared>>
          tpu.enqueue_indirect_dma source(%arg13 : memref<128x128xf32, #tpu.memory_space<vmem>>) target(%dma_start3A_599 : memref<10112x128xf32, #tpu.memory_space<vmem_shared>>) offsets(%dma_start3A_596 : memref<128xi32, #tpu.memory_space<vmem>>) semaphore(%run_scoped3A_593 : memref<!tpu.dma_semaphore, #tpu.memory_space<semaphore_mem>>) {add = true}
          %dma_wait3A_600 = arith.constant 0 : i32
          %dma_wait3A_601 = tpu.memref_slice %arg12[%run_scoped3A_544, %dma_wait3A_600] : memref<16x128xi32, #tpu.memory_space<vmem>> -> memref<1x128xi32, #tpu.memory_space<vmem>>
          %dma_wait3A_602 = tpu.memref_squeeze %dma_wait3A_601 : memref<1x128xi32, #tpu.memory_space<vmem>> -> memref<128xi32, #tpu.memory_space<vmem>>
          %dma_wait3A_603 = arith.constant 0 : i32
          %dma_wait3A_604 = arith.constant 0 : i32
          %dma_wait3A_605 = tpu.memref_slice %arg15[%dma_wait3A_603, %dma_wait3A_604] : memref<10112x128xf32, #tpu.memory_space<vmem_shared>> -> memref<10112x128xf32, #tpu.memory_space<vmem_shared>>
          tpu.wait_indirect_dma semaphore(%run_scoped3A_593 : memref<!tpu.dma_semaphore, #tpu.memory_space<semaphore_mem>>) src(%arg13 : memref<128x128xf32, #tpu.memory_space<vmem>>) dst(%dma_wait3A_605 : memref<10112x128xf32, #tpu.memory_space<vmem_shared>>)
          tpu.yield
        }) : () -> ()
        %dma_start3A_545 = arith.constant 14 : i32
        %dma_start3A_546 = arith.constant 0 : i32
        %dma_start3A_547 = tpu.memref_slice %arg10[%dma_start3A_545, %dma_start3A_546] : memref<16x128xi32, #tpu.memory_space<vmem>> -> memref<1x128xi32, #tpu.memory_space<vmem>>
        %dma_start3A_548 = tpu.memref_squeeze %dma_start3A_547 : memref<1x128xi32, #tpu.memory_space<vmem>> -> memref<128xi32, #tpu.memory_space<vmem>>
        %dma_start3A_549 = arith.constant 0 : i32
        %dma_start3A_550 = arith.constant 0 : i32
        %dma_start3A_551 = tpu.memref_slice %arg2[%dma_start3A_549, %dma_start3A_550] : memref<10000x128xf32, #tpu.memory_space<hbm>> -> memref<10000x128xf32, #tpu.memory_space<hbm>>
        tpu.enqueue_indirect_dma source(%dma_start3A_551 : memref<10000x128xf32, #tpu.memory_space<hbm>>) target(%arg13 : memref<128x128xf32, #tpu.memory_space<vmem>>) offsets(%dma_start3A_548 : memref<128xi32, #tpu.memory_space<vmem>>) semaphore(%arg16 : memref<!tpu.dma_semaphore, #tpu.memory_space<semaphore_mem>>)
        %dma_wait3A_552 = arith.constant 0 : i32
        %dma_wait3A_553 = arith.constant 0 : i32
        %dma_wait3A_554 = tpu.memref_slice %arg9[%dma_wait3A_552, %dma_wait3A_553] : memref<16x128xi32, #tpu.memory_space<vmem>> -> memref<1x128xi32, #tpu.memory_space<vmem>>
        %dma_wait3A_555 = tpu.memref_squeeze %dma_wait3A_554 : memref<1x128xi32, #tpu.memory_space<vmem>> -> memref<128xi32, #tpu.memory_space<vmem>>
        %dma_wait3A_556 = arith.constant 0 : i32
        %dma_wait3A_557 = arith.constant 0 : i32
        %dma_wait3A_558 = tpu.memref_slice %arg2[%dma_wait3A_556, %dma_wait3A_557] : memref<10000x128xf32, #tpu.memory_space<hbm>> -> memref<10000x128xf32, #tpu.memory_space<hbm>>
        tpu.wait_indirect_dma semaphore(%arg17 : memref<!tpu.dma_semaphore, #tpu.memory_space<semaphore_mem>>) src(%dma_wait3A_558 : memref<10000x128xf32, #tpu.memory_space<hbm>>) dst(%arg14 : memref<128x128xf32, #tpu.memory_space<vmem>>)
        %run_scoped3A_559 = arith.constant 13 : i32
        "tpu.region"() ({
          %run_scoped3A_593 = tpu.sem_alloc : memref<!tpu.dma_semaphore, #tpu.memory_space<semaphore_mem>>
          %dma_start3A_594 = arith.constant 0 : i32
          %dma_start3A_595 = tpu.memref_slice %arg12[%run_scoped3A_559, %dma_start3A_594] : memref<16x128xi32, #tpu.memory_space<vmem>> -> memref<1x128xi32, #tpu.memory_space<vmem>>
          %dma_start3A_596 = tpu.memref_squeeze %dma_start3A_595 : memref<1x128xi32, #tpu.memory_space<vmem>> -> memref<128xi32, #tpu.memory_space<vmem>>
          %dma_start3A_597 = arith.constant 0 : i32
          %dma_start3A_598 = arith.constant 0 : i32
          %dma_start3A_599 = tpu.memref_slice %arg15[%dma_start3A_597, %dma_start3A_598] : memref<10112x128xf32, #tpu.memory_space<vmem_shared>> -> memref<10112x128xf32, #tpu.memory_space<vmem_shared>>
          tpu.enqueue_indirect_dma source(%arg14 : memref<128x128xf32, #tpu.memory_space<vmem>>) target(%dma_start3A_599 : memref<10112x128xf32, #tpu.memory_space<vmem_shared>>) offsets(%dma_start3A_596 : memref<128xi32, #tpu.memory_space<vmem>>) semaphore(%run_scoped3A_593 : memref<!tpu.dma_semaphore, #tpu.memory_space<semaphore_mem>>) {add = true}
          %dma_wait3A_600 = arith.constant 0 : i32
          %dma_wait3A_601 = tpu.memref_slice %arg12[%run_scoped3A_559, %dma_wait3A_600] : memref<16x128xi32, #tpu.memory_space<vmem>> -> memref<1x128xi32, #tpu.memory_space<vmem>>
          %dma_wait3A_602 = tpu.memref_squeeze %dma_wait3A_601 : memref<1x128xi32, #tpu.memory_space<vmem>> -> memref<128xi32, #tpu.memory_space<vmem>>
          %dma_wait3A_603 = arith.constant 0 : i32
          %dma_wait3A_604 = arith.constant 0 : i32
          %dma_wait3A_605 = tpu.memref_slice %arg15[%dma_wait3A_603, %dma_wait3A_604] : memref<10112x128xf32, #tpu.memory_space<vmem_shared>> -> memref<10112x128xf32, #tpu.memory_space<vmem_shared>>
          tpu.wait_indirect_dma semaphore(%run_scoped3A_593 : memref<!tpu.dma_semaphore, #tpu.memory_space<semaphore_mem>>) src(%arg14 : memref<128x128xf32, #tpu.memory_space<vmem>>) dst(%dma_wait3A_605 : memref<10112x128xf32, #tpu.memory_space<vmem_shared>>)
          tpu.yield
        }) : () -> ()
        %dma_start3A_560 = arith.constant 15 : i32
        %dma_start3A_561 = arith.constant 0 : i32
        %dma_start3A_562 = tpu.memref_slice %arg10[%dma_start3A_560, %dma_start3A_561] : memref<16x128xi32, #tpu.memory_space<vmem>> -> memref<1x128xi32, #tpu.memory_space<vmem>>
        %dma_start3A_563 = tpu.memref_squeeze %dma_start3A_562 : memref<1x128xi32, #tpu.memory_space<vmem>> -> memref<128xi32, #tpu.memory_space<vmem>>
        %dma_start3A_564 = arith.constant 0 : i32
        %dma_start3A_565 = arith.constant 0 : i32
        %dma_start3A_566 = tpu.memref_slice %arg2[%dma_start3A_564, %dma_start3A_565] : memref<10000x128xf32, #tpu.memory_space<hbm>> -> memref<10000x128xf32, #tpu.memory_space<hbm>>
        tpu.enqueue_indirect_dma source(%dma_start3A_566 : memref<10000x128xf32, #tpu.memory_space<hbm>>) target(%arg14 : memref<128x128xf32, #tpu.memory_space<vmem>>) offsets(%dma_start3A_563 : memref<128xi32, #tpu.memory_space<vmem>>) semaphore(%arg17 : memref<!tpu.dma_semaphore, #tpu.memory_space<semaphore_mem>>)
        %dma_wait3A_567 = arith.constant 0 : i32
        %dma_wait3A_568 = arith.constant 0 : i32
        %dma_wait3A_569 = tpu.memref_slice %arg9[%dma_wait3A_567, %dma_wait3A_568] : memref<16x128xi32, #tpu.memory_space<vmem>> -> memref<1x128xi32, #tpu.memory_space<vmem>>
        %dma_wait3A_570 = tpu.memref_squeeze %dma_wait3A_569 : memref<1x128xi32, #tpu.memory_space<vmem>> -> memref<128xi32, #tpu.memory_space<vmem>>
        %dma_wait3A_571 = arith.constant 0 : i32
        %dma_wait3A_572 = arith.constant 0 : i32
        %dma_wait3A_573 = tpu.memref_slice %arg2[%dma_wait3A_571, %dma_wait3A_572] : memref<10000x128xf32, #tpu.memory_space<hbm>> -> memref<10000x128xf32, #tpu.memory_space<hbm>>
        tpu.wait_indirect_dma semaphore(%arg16 : memref<!tpu.dma_semaphore, #tpu.memory_space<semaphore_mem>>) src(%dma_wait3A_573 : memref<10000x128xf32, #tpu.memory_space<hbm>>) dst(%arg13 : memref<128x128xf32, #tpu.memory_space<vmem>>)
        %run_scoped3A_574 = arith.constant 14 : i32
        "tpu.region"() ({
          %run_scoped3A_593 = tpu.sem_alloc : memref<!tpu.dma_semaphore, #tpu.memory_space<semaphore_mem>>
          %dma_start3A_594 = arith.constant 0 : i32
          %dma_start3A_595 = tpu.memref_slice %arg12[%run_scoped3A_574, %dma_start3A_594] : memref<16x128xi32, #tpu.memory_space<vmem>> -> memref<1x128xi32, #tpu.memory_space<vmem>>
          %dma_start3A_596 = tpu.memref_squeeze %dma_start3A_595 : memref<1x128xi32, #tpu.memory_space<vmem>> -> memref<128xi32, #tpu.memory_space<vmem>>
          %dma_start3A_597 = arith.constant 0 : i32
          %dma_start3A_598 = arith.constant 0 : i32
          %dma_start3A_599 = tpu.memref_slice %arg15[%dma_start3A_597, %dma_start3A_598] : memref<10112x128xf32, #tpu.memory_space<vmem_shared>> -> memref<10112x128xf32, #tpu.memory_space<vmem_shared>>
          tpu.enqueue_indirect_dma source(%arg13 : memref<128x128xf32, #tpu.memory_space<vmem>>) target(%dma_start3A_599 : memref<10112x128xf32, #tpu.memory_space<vmem_shared>>) offsets(%dma_start3A_596 : memref<128xi32, #tpu.memory_space<vmem>>) semaphore(%run_scoped3A_593 : memref<!tpu.dma_semaphore, #tpu.memory_space<semaphore_mem>>) {add = true}
          %dma_wait3A_600 = arith.constant 0 : i32
          %dma_wait3A_601 = tpu.memref_slice %arg12[%run_scoped3A_574, %dma_wait3A_600] : memref<16x128xi32, #tpu.memory_space<vmem>> -> memref<1x128xi32, #tpu.memory_space<vmem>>
          %dma_wait3A_602 = tpu.memref_squeeze %dma_wait3A_601 : memref<1x128xi32, #tpu.memory_space<vmem>> -> memref<128xi32, #tpu.memory_space<vmem>>
          %dma_wait3A_603 = arith.constant 0 : i32
          %dma_wait3A_604 = arith.constant 0 : i32
          %dma_wait3A_605 = tpu.memref_slice %arg15[%dma_wait3A_603, %dma_wait3A_604] : memref<10112x128xf32, #tpu.memory_space<vmem_shared>> -> memref<10112x128xf32, #tpu.memory_space<vmem_shared>>
          tpu.wait_indirect_dma semaphore(%run_scoped3A_593 : memref<!tpu.dma_semaphore, #tpu.memory_space<semaphore_mem>>) src(%arg13 : memref<128x128xf32, #tpu.memory_space<vmem>>) dst(%dma_wait3A_605 : memref<10112x128xf32, #tpu.memory_space<vmem_shared>>)
          tpu.yield
        }) : () -> ()
        %lt3A_575 = arith.constant 4 : i32
        %lt3A_576 = arith.cmpi slt, %scan3A_85, %lt3A_575 : i32
        %convert_element_type3A_577 = arith.extui %lt3A_576 : i1 to i32
        %cond3A_578 = arith.constant 0 : i32
        %cond3A_579 = arith.cmpi ne, %convert_element_type3A_577, %cond3A_578 : i32
        scf.if %cond3A_579 {
          %dma_wait3A_593 = arith.constant 0 : i32
          %dma_wait3A_594 = arith.constant 0 : i32
          %dma_wait3A_595 = tpu.memref_slice %arg4[%arg1, %dma_wait3A_593, %dma_wait3A_594] : memref<16x160x128xi32, #tpu.memory_space<hbm>> -> memref<1x16x128xi32, #tpu.memory_space<hbm>>
          %dma_wait3A_596 = tpu.memref_squeeze %dma_wait3A_595 : memref<1x16x128xi32, #tpu.memory_space<hbm>> -> memref<16x128xi32, #tpu.memory_space<hbm>>
          %dma_wait3A_597 = arith.constant 0 : i32
          %dma_wait3A_598 = arith.constant 0 : i32
          %dma_wait3A_599 = tpu.memref_slice %arg4[%arg1, %dma_wait3A_597, %dma_wait3A_598] : memref<16x160x128xi32, #tpu.memory_space<hbm>> -> memref<1x16x128xi32, #tpu.memory_space<hbm>>
          %dma_wait3A_600 = tpu.memref_squeeze %dma_wait3A_599 : memref<1x16x128xi32, #tpu.memory_space<hbm>> -> memref<16x128xi32, #tpu.memory_space<hbm>>
          tpu.wait_dma2 semaphore(%arg18 : memref<!tpu.dma_semaphore, #tpu.memory_space<semaphore_mem>>) src(%dma_wait3A_600 : memref<16x128xi32, #tpu.memory_space<hbm>>) dst(%arg9 : memref<16x128xi32, #tpu.memory_space<vmem>>)
          %dma_wait3A_601 = arith.constant 0 : i32
          %dma_wait3A_602 = arith.constant 0 : i32
          %dma_wait3A_603 = tpu.memref_slice %arg4[%arg1, %dma_wait3A_601, %dma_wait3A_602] : memref<16x160x128xi32, #tpu.memory_space<hbm>> -> memref<1x16x128xi32, #tpu.memory_space<hbm>>
          %dma_wait3A_604 = tpu.memref_squeeze %dma_wait3A_603 : memref<1x16x128xi32, #tpu.memory_space<hbm>> -> memref<16x128xi32, #tpu.memory_space<hbm>>
          %dma_wait3A_605 = arith.constant 0 : i32
          %dma_wait3A_606 = arith.constant 0 : i32
          %dma_wait3A_607 = tpu.memref_slice %arg4[%arg1, %dma_wait3A_605, %dma_wait3A_606] : memref<16x160x128xi32, #tpu.memory_space<hbm>> -> memref<1x16x128xi32, #tpu.memory_space<hbm>>
          %dma_wait3A_608 = tpu.memref_squeeze %dma_wait3A_607 : memref<1x16x128xi32, #tpu.memory_space<hbm>> -> memref<16x128xi32, #tpu.memory_space<hbm>>
          tpu.wait_dma2 semaphore(%arg18 : memref<!tpu.dma_semaphore, #tpu.memory_space<semaphore_mem>>) src(%dma_wait3A_608 : memref<16x128xi32, #tpu.memory_space<hbm>>) dst(%arg11 : memref<16x128xi32, #tpu.memory_space<vmem>>)
          %dma_start3A_609 = arith.constant 0 : i32
          %dma_start3A_610 = arith.constant 0 : i32
          %dma_start3A_611 = tpu.memref_slice %arg9[%dma_start3A_609, %dma_start3A_610] : memref<16x128xi32, #tpu.memory_space<vmem>> -> memref<1x128xi32, #tpu.memory_space<vmem>>
          %dma_start3A_612 = tpu.memref_squeeze %dma_start3A_611 : memref<1x128xi32, #tpu.memory_space<vmem>> -> memref<128xi32, #tpu.memory_space<vmem>>
          %dma_start3A_613 = arith.constant 0 : i32
          %dma_start3A_614 = arith.constant 0 : i32
          %dma_start3A_615 = tpu.memref_slice %arg2[%dma_start3A_613, %dma_start3A_614] : memref<10000x128xf32, #tpu.memory_space<hbm>> -> memref<10000x128xf32, #tpu.memory_space<hbm>>
          tpu.enqueue_indirect_dma source(%dma_start3A_615 : memref<10000x128xf32, #tpu.memory_space<hbm>>) target(%arg13 : memref<128x128xf32, #tpu.memory_space<vmem>>) offsets(%dma_start3A_612 : memref<128xi32, #tpu.memory_space<vmem>>) semaphore(%arg16 : memref<!tpu.dma_semaphore, #tpu.memory_space<semaphore_mem>>)
        } else {
        }
        %dma_wait3A_580 = arith.constant 0 : i32
        %dma_wait3A_581 = arith.constant 0 : i32
        %dma_wait3A_582 = tpu.memref_slice %arg9[%dma_wait3A_580, %dma_wait3A_581] : memref<16x128xi32, #tpu.memory_space<vmem>> -> memref<1x128xi32, #tpu.memory_space<vmem>>
        %dma_wait3A_583 = tpu.memref_squeeze %dma_wait3A_582 : memref<1x128xi32, #tpu.memory_space<vmem>> -> memref<128xi32, #tpu.memory_space<vmem>>
        %dma_wait3A_584 = arith.constant 0 : i32
        %dma_wait3A_585 = arith.constant 0 : i32
        %dma_wait3A_586 = tpu.memref_slice %arg2[%dma_wait3A_584, %dma_wait3A_585] : memref<10000x128xf32, #tpu.memory_space<hbm>> -> memref<10000x128xf32, #tpu.memory_space<hbm>>
        tpu.wait_indirect_dma semaphore(%arg17 : memref<!tpu.dma_semaphore, #tpu.memory_space<semaphore_mem>>) src(%dma_wait3A_586 : memref<10000x128xf32, #tpu.memory_space<hbm>>) dst(%arg14 : memref<128x128xf32, #tpu.memory_space<vmem>>)
        %run_scoped3A_587 = arith.constant 15 : i32
        "tpu.region"() ({
          %run_scoped3A_593 = tpu.sem_alloc : memref<!tpu.dma_semaphore, #tpu.memory_space<semaphore_mem>>
          %dma_start3A_594 = arith.constant 0 : i32
          %dma_start3A_595 = tpu.memref_slice %arg12[%run_scoped3A_587, %dma_start3A_594] : memref<16x128xi32, #tpu.memory_space<vmem>> -> memref<1x128xi32, #tpu.memory_space<vmem>>
          %dma_start3A_596 = tpu.memref_squeeze %dma_start3A_595 : memref<1x128xi32, #tpu.memory_space<vmem>> -> memref<128xi32, #tpu.memory_space<vmem>>
          %dma_start3A_597 = arith.constant 0 : i32
          %dma_start3A_598 = arith.constant 0 : i32
          %dma_start3A_599 = tpu.memref_slice %arg15[%dma_start3A_597, %dma_start3A_598] : memref<10112x128xf32, #tpu.memory_space<vmem_shared>> -> memref<10112x128xf32, #tpu.memory_space<vmem_shared>>
          tpu.enqueue_indirect_dma source(%arg14 : memref<128x128xf32, #tpu.memory_space<vmem>>) target(%dma_start3A_599 : memref<10112x128xf32, #tpu.memory_space<vmem_shared>>) offsets(%dma_start3A_596 : memref<128xi32, #tpu.memory_space<vmem>>) semaphore(%run_scoped3A_593 : memref<!tpu.dma_semaphore, #tpu.memory_space<semaphore_mem>>) {add = true}
          %dma_wait3A_600 = arith.constant 0 : i32
          %dma_wait3A_601 = tpu.memref_slice %arg12[%run_scoped3A_587, %dma_wait3A_600] : memref<16x128xi32, #tpu.memory_space<vmem>> -> memref<1x128xi32, #tpu.memory_space<vmem>>
          %dma_wait3A_602 = tpu.memref_squeeze %dma_wait3A_601 : memref<1x128xi32, #tpu.memory_space<vmem>> -> memref<128xi32, #tpu.memory_space<vmem>>
          %dma_wait3A_603 = arith.constant 0 : i32
          %dma_wait3A_604 = arith.constant 0 : i32
          %dma_wait3A_605 = tpu.memref_slice %arg15[%dma_wait3A_603, %dma_wait3A_604] : memref<10112x128xf32, #tpu.memory_space<vmem_shared>> -> memref<10112x128xf32, #tpu.memory_space<vmem_shared>>
          tpu.wait_indirect_dma semaphore(%run_scoped3A_593 : memref<!tpu.dma_semaphore, #tpu.memory_space<semaphore_mem>>) src(%arg14 : memref<128x128xf32, #tpu.memory_space<vmem>>) dst(%dma_wait3A_605 : memref<10112x128xf32, #tpu.memory_space<vmem_shared>>)
          tpu.yield
        }) : () -> ()
        %lt3A_588 = arith.constant 4 : i32
        %lt3A_589 = arith.cmpi slt, %scan3A_85, %lt3A_588 : i32
        %convert_element_type3A_590 = arith.extui %lt3A_589 : i1 to i32
        %cond3A_591 = arith.constant 0 : i32
        %cond3A_592 = arith.cmpi ne, %convert_element_type3A_590, %cond3A_591 : i32
        scf.if %cond3A_592 {
          %dma_start3A_593 = arith.constant 1 : i32
          %dma_start3A_594 = arith.constant 0 : i32
          %dma_start3A_595 = tpu.memref_slice %arg9[%dma_start3A_593, %dma_start3A_594] : memref<16x128xi32, #tpu.memory_space<vmem>> -> memref<1x128xi32, #tpu.memory_space<vmem>>
          %dma_start3A_596 = tpu.memref_squeeze %dma_start3A_595 : memref<1x128xi32, #tpu.memory_space<vmem>> -> memref<128xi32, #tpu.memory_space<vmem>>
          %dma_start3A_597 = arith.constant 0 : i32
          %dma_start3A_598 = arith.constant 0 : i32
          %dma_start3A_599 = tpu.memref_slice %arg2[%dma_start3A_597, %dma_start3A_598] : memref<10000x128xf32, #tpu.memory_space<hbm>> -> memref<10000x128xf32, #tpu.memory_space<hbm>>
          tpu.enqueue_indirect_dma source(%dma_start3A_599 : memref<10000x128xf32, #tpu.memory_space<hbm>>) target(%arg14 : memref<128x128xf32, #tpu.memory_space<vmem>>) offsets(%dma_start3A_596 : memref<128xi32, #tpu.memory_space<vmem>>) semaphore(%arg17 : memref<!tpu.dma_semaphore, #tpu.memory_space<semaphore_mem>>)
        } else {
        }
      }
      %scan3A_74 = arith.constant 5 : i32
      %barrier3A_75 = arith.constant 0 : index
      tpu.barrier barrier_id(%barrier3A_75)
      %lt3A = arith.constant 15 : i32
      %lt3A_76 = arith.cmpi slt, %arg1, %lt3A : i32
      %convert_element_type3A_77 = arith.extui %lt3A_76 : i1 to i32
      %cond3A_78 = arith.constant 0 : i32
      %cond3A_79 = arith.cmpi ne, %convert_element_type3A_77, %cond3A_78 : i32
      scf.if %cond3A_79 {
        %mul3A_85 = arith.constant 632 : i32
        %mul3A_86 = arith.muli %arg1, %mul3A_85 : i32
        %mul3A_87 = arith.constant 632 : i32
        %mul3A_88 = arith.muli %arg1, %mul3A_87 : i32
        "tpu.region"() ({
          %run_scoped3A = tpu.sem_alloc : memref<!tpu.dma_semaphore, #tpu.memory_space<semaphore_mem>>
          %dma_start3A_89 = arith.constant 0 : i32
          %dma_start3A_90 = tpu.memref_slice %arg7[%mul3A_88, %dma_start3A_89] : memref<10000x128xf32, #tpu.memory_space<hbm>> -> memref<632x128xf32, #tpu.memory_space<hbm>>
          %dma_start3A_91 = arith.constant 0 : i32
          %dma_start3A_92 = tpu.memref_slice %arg15[%mul3A_86, %dma_start3A_91] : memref<10112x128xf32, #tpu.memory_space<vmem_shared>> -> memref<632x128xf32, #tpu.memory_space<vmem_shared>>
          tpu.enqueue_dma source(%dma_start3A_92 : memref<632x128xf32, #tpu.memory_space<vmem_shared>>) target(%dma_start3A_90 : memref<632x128xf32, #tpu.memory_space<hbm>>) target_semaphore(%run_scoped3A : memref<!tpu.dma_semaphore, #tpu.memory_space<semaphore_mem>>)
          %dma_wait3A_93 = arith.constant 0 : i32
          %dma_wait3A_94 = tpu.memref_slice %arg7[%mul3A_88, %dma_wait3A_93] : memref<10000x128xf32, #tpu.memory_space<hbm>> -> memref<632x128xf32, #tpu.memory_space<hbm>>
          %dma_wait3A_95 = arith.constant 0 : i32
          %dma_wait3A_96 = tpu.memref_slice %arg15[%mul3A_86, %dma_wait3A_95] : memref<10112x128xf32, #tpu.memory_space<vmem_shared>> -> memref<632x128xf32, #tpu.memory_space<vmem_shared>>
          tpu.wait_dma2 semaphore(%run_scoped3A : memref<!tpu.dma_semaphore, #tpu.memory_space<semaphore_mem>>) src(%dma_wait3A_96 : memref<632x128xf32, #tpu.memory_space<vmem_shared>>) dst(%dma_wait3A_94 : memref<632x128xf32, #tpu.memory_space<hbm>>)
          tpu.yield
        }) : () -> ()
      } else {
      }
      %eq3A_80 = arith.constant 15 : i32
      %eq3A_81 = arith.cmpi eq, %arg1, %eq3A_80 : i32
      %convert_element_type3A_82 = arith.extui %eq3A_81 : i1 to i32
      %cond3A_83 = arith.constant 0 : i32
      %cond3A_84 = arith.cmpi ne, %convert_element_type3A_82, %cond3A_83 : i32
      scf.if %cond3A_84 {
        "tpu.region"() ({
          %run_scoped3A = tpu.sem_alloc : memref<!tpu.dma_semaphore, #tpu.memory_space<semaphore_mem>>
          %dma_start3A_85 = arith.constant 9480 : i32
          %dma_start3A_86 = arith.constant 0 : i32
          %dma_start3A_87 = tpu.memref_slice %arg7[%dma_start3A_85, %dma_start3A_86] : memref<10000x128xf32, #tpu.memory_space<hbm>> -> memref<520x128xf32, #tpu.memory_space<hbm>>
          %dma_start3A_88 = arith.constant 9480 : i32
          %dma_start3A_89 = arith.constant 0 : i32
          %dma_start3A_90 = tpu.memref_slice %arg15[%dma_start3A_88, %dma_start3A_89] : memref<10112x128xf32, #tpu.memory_space<vmem_shared>> -> memref<520x128xf32, #tpu.memory_space<vmem_shared>>
          tpu.enqueue_dma source(%dma_start3A_90 : memref<520x128xf32, #tpu.memory_space<vmem_shared>>) target(%dma_start3A_87 : memref<520x128xf32, #tpu.memory_space<hbm>>) target_semaphore(%run_scoped3A : memref<!tpu.dma_semaphore, #tpu.memory_space<semaphore_mem>>)
          %dma_wait3A_91 = arith.constant 9480 : i32
          %dma_wait3A_92 = arith.constant 0 : i32
          %dma_wait3A_93 = tpu.memref_slice %arg7[%dma_wait3A_91, %dma_wait3A_92] : memref<10000x128xf32, #tpu.memory_space<hbm>> -> memref<520x128xf32, #tpu.memory_space<hbm>>
          %dma_wait3A_94 = arith.constant 9480 : i32
          %dma_wait3A_95 = arith.constant 0 : i32
          %dma_wait3A_96 = tpu.memref_slice %arg15[%dma_wait3A_94, %dma_wait3A_95] : memref<10112x128xf32, #tpu.memory_space<vmem_shared>> -> memref<520x128xf32, #tpu.memory_space<vmem_shared>>
          tpu.wait_dma2 semaphore(%run_scoped3A : memref<!tpu.dma_semaphore, #tpu.memory_space<semaphore_mem>>) src(%dma_wait3A_96 : memref<520x128xf32, #tpu.memory_space<vmem_shared>>) dst(%dma_wait3A_93 : memref<520x128xf32, #tpu.memory_space<hbm>>)
          tpu.yield
        }) : () -> ()
      } else {
      }
    } else {
    }
    %eq3A_5 = arith.constant 1 : i32
    %eq3A_6 = arith.cmpi eq, %arg0, %eq3A_5 : i32
    %convert_element_type3A_7 = arith.extui %eq3A_6 : i1 to i32
    %cond3A_8 = arith.constant 0 : i32
    %cond3A_9 = arith.cmpi ne, %convert_element_type3A_7, %cond3A_8 : i32
    scf.if %cond3A_9 {
      %dma_start3A = arith.constant 0 : i32
      %dma_start3A_10 = arith.constant 0 : i32
      %dma_start3A_11 = tpu.memref_slice %arg4[%arg1, %dma_start3A, %dma_start3A_10] : memref<16x160x128xi32, #tpu.memory_space<hbm>> -> memref<1x16x128xi32, #tpu.memory_space<hbm>>
      %dma_start3A_12 = tpu.memref_squeeze %dma_start3A_11 : memref<1x16x128xi32, #tpu.memory_space<hbm>> -> memref<16x128xi32, #tpu.memory_space<hbm>>
      %dma_start3A_13 = arith.constant 0 : i32
      %dma_start3A_14 = arith.constant 0 : i32
      %dma_start3A_15 = tpu.memref_slice %arg4[%arg1, %dma_start3A_13, %dma_start3A_14] : memref<16x160x128xi32, #tpu.memory_space<hbm>> -> memref<1x16x128xi32, #tpu.memory_space<hbm>>
      %dma_start3A_16 = tpu.memref_squeeze %dma_start3A_15 : memref<1x16x128xi32, #tpu.memory_space<hbm>> -> memref<16x128xi32, #tpu.memory_space<hbm>>
      tpu.enqueue_dma source(%dma_start3A_16 : memref<16x128xi32, #tpu.memory_space<hbm>>) target(%arg9 : memref<16x128xi32, #tpu.memory_space<vmem>>) target_semaphore(%arg18 : memref<!tpu.dma_semaphore, #tpu.memory_space<semaphore_mem>>)
      %dma_start3A_17 = arith.constant 0 : i32
      %dma_start3A_18 = arith.constant 0 : i32
      %dma_start3A_19 = tpu.memref_slice %arg5[%arg1, %dma_start3A_17, %dma_start3A_18] : memref<16x160x128xi32, #tpu.memory_space<hbm>> -> memref<1x16x128xi32, #tpu.memory_space<hbm>>
      %dma_start3A_20 = tpu.memref_squeeze %dma_start3A_19 : memref<1x16x128xi32, #tpu.memory_space<hbm>> -> memref<16x128xi32, #tpu.memory_space<hbm>>
      %dma_start3A_21 = arith.constant 0 : i32
      %dma_start3A_22 = arith.constant 0 : i32
      %dma_start3A_23 = tpu.memref_slice %arg5[%arg1, %dma_start3A_21, %dma_start3A_22] : memref<16x160x128xi32, #tpu.memory_space<hbm>> -> memref<1x16x128xi32, #tpu.memory_space<hbm>>
      %dma_start3A_24 = tpu.memref_squeeze %dma_start3A_23 : memref<1x16x128xi32, #tpu.memory_space<hbm>> -> memref<16x128xi32, #tpu.memory_space<hbm>>
      tpu.enqueue_dma source(%dma_start3A_24 : memref<16x128xi32, #tpu.memory_space<hbm>>) target(%arg11 : memref<16x128xi32, #tpu.memory_space<vmem>>) target_semaphore(%arg18 : memref<!tpu.dma_semaphore, #tpu.memory_space<semaphore_mem>>)
      %dma_wait3A = arith.constant 0 : i32
      %dma_wait3A_25 = arith.constant 0 : i32
      %dma_wait3A_26 = tpu.memref_slice %arg4[%arg1, %dma_wait3A, %dma_wait3A_25] : memref<16x160x128xi32, #tpu.memory_space<hbm>> -> memref<1x16x128xi32, #tpu.memory_space<hbm>>
      %dma_wait3A_27 = tpu.memref_squeeze %dma_wait3A_26 : memref<1x16x128xi32, #tpu.memory_space<hbm>> -> memref<16x128xi32, #tpu.memory_space<hbm>>
      %dma_wait3A_28 = arith.constant 0 : i32
      %dma_wait3A_29 = arith.constant 0 : i32
      %dma_wait3A_30 = tpu.memref_slice %arg4[%arg1, %dma_wait3A_28, %dma_wait3A_29] : memref<16x160x128xi32, #tpu.memory_space<hbm>> -> memref<1x16x128xi32, #tpu.memory_space<hbm>>
      %dma_wait3A_31 = tpu.memref_squeeze %dma_wait3A_30 : memref<1x16x128xi32, #tpu.memory_space<hbm>> -> memref<16x128xi32, #tpu.memory_space<hbm>>
      tpu.wait_dma2 semaphore(%arg18 : memref<!tpu.dma_semaphore, #tpu.memory_space<semaphore_mem>>) src(%dma_wait3A_31 : memref<16x128xi32, #tpu.memory_space<hbm>>) dst(%arg9 : memref<16x128xi32, #tpu.memory_space<vmem>>)
      %dma_wait3A_32 = arith.constant 0 : i32
      %dma_wait3A_33 = arith.constant 0 : i32
      %dma_wait3A_34 = tpu.memref_slice %arg4[%arg1, %dma_wait3A_32, %dma_wait3A_33] : memref<16x160x128xi32, #tpu.memory_space<hbm>> -> memref<1x16x128xi32, #tpu.memory_space<hbm>>
      %dma_wait3A_35 = tpu.memref_squeeze %dma_wait3A_34 : memref<1x16x128xi32, #tpu.memory_space<hbm>> -> memref<16x128xi32, #tpu.memory_space<hbm>>
      %dma_wait3A_36 = arith.constant 0 : i32
      %dma_wait3A_37 = arith.constant 0 : i32
      %dma_wait3A_38 = tpu.memref_slice %arg4[%arg1, %dma_wait3A_36, %dma_wait3A_37] : memref<16x160x128xi32, #tpu.memory_space<hbm>> -> memref<1x16x128xi32, #tpu.memory_space<hbm>>
      %dma_wait3A_39 = tpu.memref_squeeze %dma_wait3A_38 : memref<1x16x128xi32, #tpu.memory_space<hbm>> -> memref<16x128xi32, #tpu.memory_space<hbm>>
      tpu.wait_dma2 semaphore(%arg18 : memref<!tpu.dma_semaphore, #tpu.memory_space<semaphore_mem>>) src(%dma_wait3A_39 : memref<16x128xi32, #tpu.memory_space<hbm>>) dst(%arg11 : memref<16x128xi32, #tpu.memory_space<vmem>>)
      %dma_start3A_40 = arith.constant 16 : i32
      %dma_start3A_41 = arith.constant 0 : i32
      %dma_start3A_42 = tpu.memref_slice %arg4[%arg1, %dma_start3A_40, %dma_start3A_41] : memref<16x160x128xi32, #tpu.memory_space<hbm>> -> memref<1x16x128xi32, #tpu.memory_space<hbm>>
      %dma_start3A_43 = tpu.memref_squeeze %dma_start3A_42 : memref<1x16x128xi32, #tpu.memory_space<hbm>> -> memref<16x128xi32, #tpu.memory_space<hbm>>
      %dma_start3A_44 = arith.constant 16 : i32
      %dma_start3A_45 = arith.constant 0 : i32
      %dma_start3A_46 = tpu.memref_slice %arg4[%arg1, %dma_start3A_44, %dma_start3A_45] : memref<16x160x128xi32, #tpu.memory_space<hbm>> -> memref<1x16x128xi32, #tpu.memory_space<hbm>>
      %dma_start3A_47 = tpu.memref_squeeze %dma_start3A_46 : memref<1x16x128xi32, #tpu.memory_space<hbm>> -> memref<16x128xi32, #tpu.memory_space<hbm>>
      tpu.enqueue_dma source(%dma_start3A_47 : memref<16x128xi32, #tpu.memory_space<hbm>>) target(%arg10 : memref<16x128xi32, #tpu.memory_space<vmem>>) target_semaphore(%arg18 : memref<!tpu.dma_semaphore, #tpu.memory_space<semaphore_mem>>)
      %dma_start3A_48 = arith.constant 16 : i32
      %dma_start3A_49 = arith.constant 0 : i32
      %dma_start3A_50 = tpu.memref_slice %arg5[%arg1, %dma_start3A_48, %dma_start3A_49] : memref<16x160x128xi32, #tpu.memory_space<hbm>> -> memref<1x16x128xi32, #tpu.memory_space<hbm>>
      %dma_start3A_51 = tpu.memref_squeeze %dma_start3A_50 : memref<1x16x128xi32, #tpu.memory_space<hbm>> -> memref<16x128xi32, #tpu.memory_space<hbm>>
      %dma_start3A_52 = arith.constant 16 : i32
      %dma_start3A_53 = arith.constant 0 : i32
      %dma_start3A_54 = tpu.memref_slice %arg5[%arg1, %dma_start3A_52, %dma_start3A_53] : memref<16x160x128xi32, #tpu.memory_space<hbm>> -> memref<1x16x128xi32, #tpu.memory_space<hbm>>
      %dma_start3A_55 = tpu.memref_squeeze %dma_start3A_54 : memref<1x16x128xi32, #tpu.memory_space<hbm>> -> memref<16x128xi32, #tpu.memory_space<hbm>>
      tpu.enqueue_dma source(%dma_start3A_55 : memref<16x128xi32, #tpu.memory_space<hbm>>) target(%arg12 : memref<16x128xi32, #tpu.memory_space<vmem>>) target_semaphore(%arg18 : memref<!tpu.dma_semaphore, #tpu.memory_space<semaphore_mem>>)
      %dma_start3A_56 = arith.constant 0 : i32
      %dma_start3A_57 = arith.constant 0 : i32
      %dma_start3A_58 = tpu.memref_slice %arg9[%dma_start3A_56, %dma_start3A_57] : memref<16x128xi32, #tpu.memory_space<vmem>> -> memref<1x128xi32, #tpu.memory_space<vmem>>
      %dma_start3A_59 = tpu.memref_squeeze %dma_start3A_58 : memref<1x128xi32, #tpu.memory_space<vmem>> -> memref<128xi32, #tpu.memory_space<vmem>>
      %dma_start3A_60 = arith.constant 0 : i32
      %dma_start3A_61 = arith.constant 0 : i32
      %dma_start3A_62 = tpu.memref_slice %arg3[%dma_start3A_60, %dma_start3A_61] : memref<10000x128xf32, #tpu.memory_space<hbm>> -> memref<10000x128xf32, #tpu.memory_space<hbm>>
      tpu.enqueue_indirect_dma source(%dma_start3A_62 : memref<10000x128xf32, #tpu.memory_space<hbm>>) target(%arg13 : memref<128x128xf32, #tpu.memory_space<vmem>>) offsets(%dma_start3A_59 : memref<128xi32, #tpu.memory_space<vmem>>) semaphore(%arg16 : memref<!tpu.dma_semaphore, #tpu.memory_space<semaphore_mem>>)
      %dma_start3A_63 = arith.constant 1 : i32
      %dma_start3A_64 = arith.constant 0 : i32
      %dma_start3A_65 = tpu.memref_slice %arg9[%dma_start3A_63, %dma_start3A_64] : memref<16x128xi32, #tpu.memory_space<vmem>> -> memref<1x128xi32, #tpu.memory_space<vmem>>
      %dma_start3A_66 = tpu.memref_squeeze %dma_start3A_65 : memref<1x128xi32, #tpu.memory_space<vmem>> -> memref<128xi32, #tpu.memory_space<vmem>>
      %dma_start3A_67 = arith.constant 0 : i32
      %dma_start3A_68 = arith.constant 0 : i32
      %dma_start3A_69 = tpu.memref_slice %arg3[%dma_start3A_67, %dma_start3A_68] : memref<10000x128xf32, #tpu.memory_space<hbm>> -> memref<10000x128xf32, #tpu.memory_space<hbm>>
      tpu.enqueue_indirect_dma source(%dma_start3A_69 : memref<10000x128xf32, #tpu.memory_space<hbm>>) target(%arg14 : memref<128x128xf32, #tpu.memory_space<vmem>>) offsets(%dma_start3A_66 : memref<128xi32, #tpu.memory_space<vmem>>) semaphore(%arg17 : memref<!tpu.dma_semaphore, #tpu.memory_space<semaphore_mem>>)
      %scan3A = arith.constant 0 : i32
      %scan3A_70 = arith.constant 0 : i32
      %scan3A_71 = arith.constant 5 : i32
      %scan3A_72 = arith.addi %scan3A_70, %scan3A_71 : i32
      %scan3A_73 = arith.constant 1 : i32
      scf.for %scan3A_85 = %scan3A_70 to %scan3A_72 step %scan3A_73  : i32 {
        %mul3A_86 = arith.constant 2 : i32
        %mul3A_87 = arith.muli %mul3A_86, %scan3A_85 : i32
        %add3A = arith.constant 0 : i32
        %add3A_88 = arith.addi %mul3A_87, %add3A : i32
        %gt3A = arith.constant 0 : i32
        %gt3A_89 = arith.cmpi sgt, %scan3A_85, %gt3A : i32
        %convert_element_type3A_90 = arith.extui %gt3A_89 : i1 to i32
        %cond3A_91 = arith.constant 0 : i32
        %cond3A_92 = arith.cmpi ne, %convert_element_type3A_90, %cond3A_91 : i32
        scf.if %cond3A_92 {
          %add3A_593 = arith.constant 1 : i32
          %add3A_594 = arith.addi %add3A_88, %add3A_593 : i32
          %mul3A_595 = arith.constant 16 : i32
          %mul3A_596 = arith.muli %add3A_594, %mul3A_595 : i32
          %dma_start3A_597 = arith.constant 0 : i32
          %dma_start3A_598 = tpu.memref_slice %arg4[%arg1, %mul3A_596, %dma_start3A_597] : memref<16x160x128xi32, #tpu.memory_space<hbm>> -> memref<1x16x128xi32, #tpu.memory_space<hbm>>
          %dma_start3A_599 = tpu.memref_squeeze %dma_start3A_598 : memref<1x16x128xi32, #tpu.memory_space<hbm>> -> memref<16x128xi32, #tpu.memory_space<hbm>>
          %dma_start3A_600 = arith.constant 0 : i32
          %dma_start3A_601 = tpu.memref_slice %arg4[%arg1, %mul3A_596, %dma_start3A_600] : memref<16x160x128xi32, #tpu.memory_space<hbm>> -> memref<1x16x128xi32, #tpu.memory_space<hbm>>
          %dma_start3A_602 = tpu.memref_squeeze %dma_start3A_601 : memref<1x16x128xi32, #tpu.memory_space<hbm>> -> memref<16x128xi32, #tpu.memory_space<hbm>>
          tpu.enqueue_dma source(%dma_start3A_602 : memref<16x128xi32, #tpu.memory_space<hbm>>) target(%arg10 : memref<16x128xi32, #tpu.memory_space<vmem>>) target_semaphore(%arg18 : memref<!tpu.dma_semaphore, #tpu.memory_space<semaphore_mem>>)
          %mul3A_603 = arith.constant 16 : i32
          %mul3A_604 = arith.muli %add3A_594, %mul3A_603 : i32
          %dma_start3A_605 = arith.constant 0 : i32
          %dma_start3A_606 = tpu.memref_slice %arg5[%arg1, %mul3A_604, %dma_start3A_605] : memref<16x160x128xi32, #tpu.memory_space<hbm>> -> memref<1x16x128xi32, #tpu.memory_space<hbm>>
          %dma_start3A_607 = tpu.memref_squeeze %dma_start3A_606 : memref<1x16x128xi32, #tpu.memory_space<hbm>> -> memref<16x128xi32, #tpu.memory_space<hbm>>
          %dma_start3A_608 = arith.constant 0 : i32
          %dma_start3A_609 = tpu.memref_slice %arg5[%arg1, %mul3A_604, %dma_start3A_608] : memref<16x160x128xi32, #tpu.memory_space<hbm>> -> memref<1x16x128xi32, #tpu.memory_space<hbm>>
          %dma_start3A_610 = tpu.memref_squeeze %dma_start3A_609 : memref<1x16x128xi32, #tpu.memory_space<hbm>> -> memref<16x128xi32, #tpu.memory_space<hbm>>
          tpu.enqueue_dma source(%dma_start3A_610 : memref<16x128xi32, #tpu.memory_space<hbm>>) target(%arg12 : memref<16x128xi32, #tpu.memory_space<vmem>>) target_semaphore(%arg18 : memref<!tpu.dma_semaphore, #tpu.memory_space<semaphore_mem>>)
        } else {
        }
        %dma_wait3A_93 = arith.constant 0 : i32
        %dma_wait3A_94 = arith.constant 0 : i32
        %dma_wait3A_95 = tpu.memref_slice %arg9[%dma_wait3A_93, %dma_wait3A_94] : memref<16x128xi32, #tpu.memory_space<vmem>> -> memref<1x128xi32, #tpu.memory_space<vmem>>
        %dma_wait3A_96 = tpu.memref_squeeze %dma_wait3A_95 : memref<1x128xi32, #tpu.memory_space<vmem>> -> memref<128xi32, #tpu.memory_space<vmem>>
        %dma_wait3A_97 = arith.constant 0 : i32
        %dma_wait3A_98 = arith.constant 0 : i32
        %dma_wait3A_99 = tpu.memref_slice %arg3[%dma_wait3A_97, %dma_wait3A_98] : memref<10000x128xf32, #tpu.memory_space<hbm>> -> memref<10000x128xf32, #tpu.memory_space<hbm>>
        tpu.wait_indirect_dma semaphore(%arg16 : memref<!tpu.dma_semaphore, #tpu.memory_space<semaphore_mem>>) src(%dma_wait3A_99 : memref<10000x128xf32, #tpu.memory_space<hbm>>) dst(%arg13 : memref<128x128xf32, #tpu.memory_space<vmem>>)
        %run_scoped3A = arith.constant 0 : i32
        "tpu.region"() ({
          %run_scoped3A_593 = tpu.sem_alloc : memref<!tpu.dma_semaphore, #tpu.memory_space<semaphore_mem>>
          %dma_start3A_594 = arith.constant 0 : i32
          %dma_start3A_595 = tpu.memref_slice %arg11[%run_scoped3A, %dma_start3A_594] : memref<16x128xi32, #tpu.memory_space<vmem>> -> memref<1x128xi32, #tpu.memory_space<vmem>>
          %dma_start3A_596 = tpu.memref_squeeze %dma_start3A_595 : memref<1x128xi32, #tpu.memory_space<vmem>> -> memref<128xi32, #tpu.memory_space<vmem>>
          %dma_start3A_597 = arith.constant 0 : i32
          %dma_start3A_598 = arith.constant 0 : i32
          %dma_start3A_599 = tpu.memref_slice %arg15[%dma_start3A_597, %dma_start3A_598] : memref<10112x128xf32, #tpu.memory_space<vmem_shared>> -> memref<10112x128xf32, #tpu.memory_space<vmem_shared>>
          tpu.enqueue_indirect_dma source(%arg13 : memref<128x128xf32, #tpu.memory_space<vmem>>) target(%dma_start3A_599 : memref<10112x128xf32, #tpu.memory_space<vmem_shared>>) offsets(%dma_start3A_596 : memref<128xi32, #tpu.memory_space<vmem>>) semaphore(%run_scoped3A_593 : memref<!tpu.dma_semaphore, #tpu.memory_space<semaphore_mem>>) {add = true}
          %dma_wait3A_600 = arith.constant 0 : i32
          %dma_wait3A_601 = tpu.memref_slice %arg11[%run_scoped3A, %dma_wait3A_600] : memref<16x128xi32, #tpu.memory_space<vmem>> -> memref<1x128xi32, #tpu.memory_space<vmem>>
          %dma_wait3A_602 = tpu.memref_squeeze %dma_wait3A_601 : memref<1x128xi32, #tpu.memory_space<vmem>> -> memref<128xi32, #tpu.memory_space<vmem>>
          %dma_wait3A_603 = arith.constant 0 : i32
          %dma_wait3A_604 = arith.constant 0 : i32
          %dma_wait3A_605 = tpu.memref_slice %arg15[%dma_wait3A_603, %dma_wait3A_604] : memref<10112x128xf32, #tpu.memory_space<vmem_shared>> -> memref<10112x128xf32, #tpu.memory_space<vmem_shared>>
          tpu.wait_indirect_dma semaphore(%run_scoped3A_593 : memref<!tpu.dma_semaphore, #tpu.memory_space<semaphore_mem>>) src(%arg13 : memref<128x128xf32, #tpu.memory_space<vmem>>) dst(%dma_wait3A_605 : memref<10112x128xf32, #tpu.memory_space<vmem_shared>>)
          tpu.yield
        }) : () -> ()
        %dma_start3A_100 = arith.constant 2 : i32
        %dma_start3A_101 = arith.constant 0 : i32
        %dma_start3A_102 = tpu.memref_slice %arg9[%dma_start3A_100, %dma_start3A_101] : memref<16x128xi32, #tpu.memory_space<vmem>> -> memref<1x128xi32, #tpu.memory_space<vmem>>
        %dma_start3A_103 = tpu.memref_squeeze %dma_start3A_102 : memref<1x128xi32, #tpu.memory_space<vmem>> -> memref<128xi32, #tpu.memory_space<vmem>>
        %dma_start3A_104 = arith.constant 0 : i32
        %dma_start3A_105 = arith.constant 0 : i32
        %dma_start3A_106 = tpu.memref_slice %arg3[%dma_start3A_104, %dma_start3A_105] : memref<10000x128xf32, #tpu.memory_space<hbm>> -> memref<10000x128xf32, #tpu.memory_space<hbm>>
        tpu.enqueue_indirect_dma source(%dma_start3A_106 : memref<10000x128xf32, #tpu.memory_space<hbm>>) target(%arg13 : memref<128x128xf32, #tpu.memory_space<vmem>>) offsets(%dma_start3A_103 : memref<128xi32, #tpu.memory_space<vmem>>) semaphore(%arg16 : memref<!tpu.dma_semaphore, #tpu.memory_space<semaphore_mem>>)
        %dma_wait3A_107 = arith.constant 0 : i32
        %dma_wait3A_108 = arith.constant 0 : i32
        %dma_wait3A_109 = tpu.memref_slice %arg9[%dma_wait3A_107, %dma_wait3A_108] : memref<16x128xi32, #tpu.memory_space<vmem>> -> memref<1x128xi32, #tpu.memory_space<vmem>>
        %dma_wait3A_110 = tpu.memref_squeeze %dma_wait3A_109 : memref<1x128xi32, #tpu.memory_space<vmem>> -> memref<128xi32, #tpu.memory_space<vmem>>
        %dma_wait3A_111 = arith.constant 0 : i32
        %dma_wait3A_112 = arith.constant 0 : i32
        %dma_wait3A_113 = tpu.memref_slice %arg3[%dma_wait3A_111, %dma_wait3A_112] : memref<10000x128xf32, #tpu.memory_space<hbm>> -> memref<10000x128xf32, #tpu.memory_space<hbm>>
        tpu.wait_indirect_dma semaphore(%arg17 : memref<!tpu.dma_semaphore, #tpu.memory_space<semaphore_mem>>) src(%dma_wait3A_113 : memref<10000x128xf32, #tpu.memory_space<hbm>>) dst(%arg14 : memref<128x128xf32, #tpu.memory_space<vmem>>)
        %run_scoped3A_114 = arith.constant 1 : i32
        "tpu.region"() ({
          %run_scoped3A_593 = tpu.sem_alloc : memref<!tpu.dma_semaphore, #tpu.memory_space<semaphore_mem>>
          %dma_start3A_594 = arith.constant 0 : i32
          %dma_start3A_595 = tpu.memref_slice %arg11[%run_scoped3A_114, %dma_start3A_594] : memref<16x128xi32, #tpu.memory_space<vmem>> -> memref<1x128xi32, #tpu.memory_space<vmem>>
          %dma_start3A_596 = tpu.memref_squeeze %dma_start3A_595 : memref<1x128xi32, #tpu.memory_space<vmem>> -> memref<128xi32, #tpu.memory_space<vmem>>
          %dma_start3A_597 = arith.constant 0 : i32
          %dma_start3A_598 = arith.constant 0 : i32
          %dma_start3A_599 = tpu.memref_slice %arg15[%dma_start3A_597, %dma_start3A_598] : memref<10112x128xf32, #tpu.memory_space<vmem_shared>> -> memref<10112x128xf32, #tpu.memory_space<vmem_shared>>
          tpu.enqueue_indirect_dma source(%arg14 : memref<128x128xf32, #tpu.memory_space<vmem>>) target(%dma_start3A_599 : memref<10112x128xf32, #tpu.memory_space<vmem_shared>>) offsets(%dma_start3A_596 : memref<128xi32, #tpu.memory_space<vmem>>) semaphore(%run_scoped3A_593 : memref<!tpu.dma_semaphore, #tpu.memory_space<semaphore_mem>>) {add = true}
          %dma_wait3A_600 = arith.constant 0 : i32
          %dma_wait3A_601 = tpu.memref_slice %arg11[%run_scoped3A_114, %dma_wait3A_600] : memref<16x128xi32, #tpu.memory_space<vmem>> -> memref<1x128xi32, #tpu.memory_space<vmem>>
          %dma_wait3A_602 = tpu.memref_squeeze %dma_wait3A_601 : memref<1x128xi32, #tpu.memory_space<vmem>> -> memref<128xi32, #tpu.memory_space<vmem>>
          %dma_wait3A_603 = arith.constant 0 : i32
          %dma_wait3A_604 = arith.constant 0 : i32
          %dma_wait3A_605 = tpu.memref_slice %arg15[%dma_wait3A_603, %dma_wait3A_604] : memref<10112x128xf32, #tpu.memory_space<vmem_shared>> -> memref<10112x128xf32, #tpu.memory_space<vmem_shared>>
          tpu.wait_indirect_dma semaphore(%run_scoped3A_593 : memref<!tpu.dma_semaphore, #tpu.memory_space<semaphore_mem>>) src(%arg14 : memref<128x128xf32, #tpu.memory_space<vmem>>) dst(%dma_wait3A_605 : memref<10112x128xf32, #tpu.memory_space<vmem_shared>>)
          tpu.yield
        }) : () -> ()
        %dma_start3A_115 = arith.constant 3 : i32
        %dma_start3A_116 = arith.constant 0 : i32
        %dma_start3A_117 = tpu.memref_slice %arg9[%dma_start3A_115, %dma_start3A_116] : memref<16x128xi32, #tpu.memory_space<vmem>> -> memref<1x128xi32, #tpu.memory_space<vmem>>
        %dma_start3A_118 = tpu.memref_squeeze %dma_start3A_117 : memref<1x128xi32, #tpu.memory_space<vmem>> -> memref<128xi32, #tpu.memory_space<vmem>>
        %dma_start3A_119 = arith.constant 0 : i32
        %dma_start3A_120 = arith.constant 0 : i32
        %dma_start3A_121 = tpu.memref_slice %arg3[%dma_start3A_119, %dma_start3A_120] : memref<10000x128xf32, #tpu.memory_space<hbm>> -> memref<10000x128xf32, #tpu.memory_space<hbm>>
        tpu.enqueue_indirect_dma source(%dma_start3A_121 : memref<10000x128xf32, #tpu.memory_space<hbm>>) target(%arg14 : memref<128x128xf32, #tpu.memory_space<vmem>>) offsets(%dma_start3A_118 : memref<128xi32, #tpu.memory_space<vmem>>) semaphore(%arg17 : memref<!tpu.dma_semaphore, #tpu.memory_space<semaphore_mem>>)
        %dma_wait3A_122 = arith.constant 0 : i32
        %dma_wait3A_123 = arith.constant 0 : i32
        %dma_wait3A_124 = tpu.memref_slice %arg9[%dma_wait3A_122, %dma_wait3A_123] : memref<16x128xi32, #tpu.memory_space<vmem>> -> memref<1x128xi32, #tpu.memory_space<vmem>>
        %dma_wait3A_125 = tpu.memref_squeeze %dma_wait3A_124 : memref<1x128xi32, #tpu.memory_space<vmem>> -> memref<128xi32, #tpu.memory_space<vmem>>
        %dma_wait3A_126 = arith.constant 0 : i32
        %dma_wait3A_127 = arith.constant 0 : i32
        %dma_wait3A_128 = tpu.memref_slice %arg3[%dma_wait3A_126, %dma_wait3A_127] : memref<10000x128xf32, #tpu.memory_space<hbm>> -> memref<10000x128xf32, #tpu.memory_space<hbm>>
        tpu.wait_indirect_dma semaphore(%arg16 : memref<!tpu.dma_semaphore, #tpu.memory_space<semaphore_mem>>) src(%dma_wait3A_128 : memref<10000x128xf32, #tpu.memory_space<hbm>>) dst(%arg13 : memref<128x128xf32, #tpu.memory_space<vmem>>)
        %run_scoped3A_129 = arith.constant 2 : i32
        "tpu.region"() ({
          %run_scoped3A_593 = tpu.sem_alloc : memref<!tpu.dma_semaphore, #tpu.memory_space<semaphore_mem>>
          %dma_start3A_594 = arith.constant 0 : i32
          %dma_start3A_595 = tpu.memref_slice %arg11[%run_scoped3A_129, %dma_start3A_594] : memref<16x128xi32, #tpu.memory_space<vmem>> -> memref<1x128xi32, #tpu.memory_space<vmem>>
          %dma_start3A_596 = tpu.memref_squeeze %dma_start3A_595 : memref<1x128xi32, #tpu.memory_space<vmem>> -> memref<128xi32, #tpu.memory_space<vmem>>
          %dma_start3A_597 = arith.constant 0 : i32
          %dma_start3A_598 = arith.constant 0 : i32
          %dma_start3A_599 = tpu.memref_slice %arg15[%dma_start3A_597, %dma_start3A_598] : memref<10112x128xf32, #tpu.memory_space<vmem_shared>> -> memref<10112x128xf32, #tpu.memory_space<vmem_shared>>
          tpu.enqueue_indirect_dma source(%arg13 : memref<128x128xf32, #tpu.memory_space<vmem>>) target(%dma_start3A_599 : memref<10112x128xf32, #tpu.memory_space<vmem_shared>>) offsets(%dma_start3A_596 : memref<128xi32, #tpu.memory_space<vmem>>) semaphore(%run_scoped3A_593 : memref<!tpu.dma_semaphore, #tpu.memory_space<semaphore_mem>>) {add = true}
          %dma_wait3A_600 = arith.constant 0 : i32
          %dma_wait3A_601 = tpu.memref_slice %arg11[%run_scoped3A_129, %dma_wait3A_600] : memref<16x128xi32, #tpu.memory_space<vmem>> -> memref<1x128xi32, #tpu.memory_space<vmem>>
          %dma_wait3A_602 = tpu.memref_squeeze %dma_wait3A_601 : memref<1x128xi32, #tpu.memory_space<vmem>> -> memref<128xi32, #tpu.memory_space<vmem>>
          %dma_wait3A_603 = arith.constant 0 : i32
          %dma_wait3A_604 = arith.constant 0 : i32
          %dma_wait3A_605 = tpu.memref_slice %arg15[%dma_wait3A_603, %dma_wait3A_604] : memref<10112x128xf32, #tpu.memory_space<vmem_shared>> -> memref<10112x128xf32, #tpu.memory_space<vmem_shared>>
          tpu.wait_indirect_dma semaphore(%run_scoped3A_593 : memref<!tpu.dma_semaphore, #tpu.memory_space<semaphore_mem>>) src(%arg13 : memref<128x128xf32, #tpu.memory_space<vmem>>) dst(%dma_wait3A_605 : memref<10112x128xf32, #tpu.memory_space<vmem_shared>>)
          tpu.yield
        }) : () -> ()
        %dma_start3A_130 = arith.constant 4 : i32
        %dma_start3A_131 = arith.constant 0 : i32
        %dma_start3A_132 = tpu.memref_slice %arg9[%dma_start3A_130, %dma_start3A_131] : memref<16x128xi32, #tpu.memory_space<vmem>> -> memref<1x128xi32, #tpu.memory_space<vmem>>
        %dma_start3A_133 = tpu.memref_squeeze %dma_start3A_132 : memref<1x128xi32, #tpu.memory_space<vmem>> -> memref<128xi32, #tpu.memory_space<vmem>>
        %dma_start3A_134 = arith.constant 0 : i32
        %dma_start3A_135 = arith.constant 0 : i32
        %dma_start3A_136 = tpu.memref_slice %arg3[%dma_start3A_134, %dma_start3A_135] : memref<10000x128xf32, #tpu.memory_space<hbm>> -> memref<10000x128xf32, #tpu.memory_space<hbm>>
        tpu.enqueue_indirect_dma source(%dma_start3A_136 : memref<10000x128xf32, #tpu.memory_space<hbm>>) target(%arg13 : memref<128x128xf32, #tpu.memory_space<vmem>>) offsets(%dma_start3A_133 : memref<128xi32, #tpu.memory_space<vmem>>) semaphore(%arg16 : memref<!tpu.dma_semaphore, #tpu.memory_space<semaphore_mem>>)
        %dma_wait3A_137 = arith.constant 0 : i32
        %dma_wait3A_138 = arith.constant 0 : i32
        %dma_wait3A_139 = tpu.memref_slice %arg9[%dma_wait3A_137, %dma_wait3A_138] : memref<16x128xi32, #tpu.memory_space<vmem>> -> memref<1x128xi32, #tpu.memory_space<vmem>>
        %dma_wait3A_140 = tpu.memref_squeeze %dma_wait3A_139 : memref<1x128xi32, #tpu.memory_space<vmem>> -> memref<128xi32, #tpu.memory_space<vmem>>
        %dma_wait3A_141 = arith.constant 0 : i32
        %dma_wait3A_142 = arith.constant 0 : i32
        %dma_wait3A_143 = tpu.memref_slice %arg3[%dma_wait3A_141, %dma_wait3A_142] : memref<10000x128xf32, #tpu.memory_space<hbm>> -> memref<10000x128xf32, #tpu.memory_space<hbm>>
        tpu.wait_indirect_dma semaphore(%arg17 : memref<!tpu.dma_semaphore, #tpu.memory_space<semaphore_mem>>) src(%dma_wait3A_143 : memref<10000x128xf32, #tpu.memory_space<hbm>>) dst(%arg14 : memref<128x128xf32, #tpu.memory_space<vmem>>)
        %run_scoped3A_144 = arith.constant 3 : i32
        "tpu.region"() ({
          %run_scoped3A_593 = tpu.sem_alloc : memref<!tpu.dma_semaphore, #tpu.memory_space<semaphore_mem>>
          %dma_start3A_594 = arith.constant 0 : i32
          %dma_start3A_595 = tpu.memref_slice %arg11[%run_scoped3A_144, %dma_start3A_594] : memref<16x128xi32, #tpu.memory_space<vmem>> -> memref<1x128xi32, #tpu.memory_space<vmem>>
          %dma_start3A_596 = tpu.memref_squeeze %dma_start3A_595 : memref<1x128xi32, #tpu.memory_space<vmem>> -> memref<128xi32, #tpu.memory_space<vmem>>
          %dma_start3A_597 = arith.constant 0 : i32
          %dma_start3A_598 = arith.constant 0 : i32
          %dma_start3A_599 = tpu.memref_slice %arg15[%dma_start3A_597, %dma_start3A_598] : memref<10112x128xf32, #tpu.memory_space<vmem_shared>> -> memref<10112x128xf32, #tpu.memory_space<vmem_shared>>
          tpu.enqueue_indirect_dma source(%arg14 : memref<128x128xf32, #tpu.memory_space<vmem>>) target(%dma_start3A_599 : memref<10112x128xf32, #tpu.memory_space<vmem_shared>>) offsets(%dma_start3A_596 : memref<128xi32, #tpu.memory_space<vmem>>) semaphore(%run_scoped3A_593 : memref<!tpu.dma_semaphore, #tpu.memory_space<semaphore_mem>>) {add = true}
          %dma_wait3A_600 = arith.constant 0 : i32
          %dma_wait3A_601 = tpu.memref_slice %arg11[%run_scoped3A_144, %dma_wait3A_600] : memref<16x128xi32, #tpu.memory_space<vmem>> -> memref<1x128xi32, #tpu.memory_space<vmem>>
          %dma_wait3A_602 = tpu.memref_squeeze %dma_wait3A_601 : memref<1x128xi32, #tpu.memory_space<vmem>> -> memref<128xi32, #tpu.memory_space<vmem>>
          %dma_wait3A_603 = arith.constant 0 : i32
          %dma_wait3A_604 = arith.constant 0 : i32
          %dma_wait3A_605 = tpu.memref_slice %arg15[%dma_wait3A_603, %dma_wait3A_604] : memref<10112x128xf32, #tpu.memory_space<vmem_shared>> -> memref<10112x128xf32, #tpu.memory_space<vmem_shared>>
          tpu.wait_indirect_dma semaphore(%run_scoped3A_593 : memref<!tpu.dma_semaphore, #tpu.memory_space<semaphore_mem>>) src(%arg14 : memref<128x128xf32, #tpu.memory_space<vmem>>) dst(%dma_wait3A_605 : memref<10112x128xf32, #tpu.memory_space<vmem_shared>>)
          tpu.yield
        }) : () -> ()
        %dma_start3A_145 = arith.constant 5 : i32
        %dma_start3A_146 = arith.constant 0 : i32
        %dma_start3A_147 = tpu.memref_slice %arg9[%dma_start3A_145, %dma_start3A_146] : memref<16x128xi32, #tpu.memory_space<vmem>> -> memref<1x128xi32, #tpu.memory_space<vmem>>
        %dma_start3A_148 = tpu.memref_squeeze %dma_start3A_147 : memref<1x128xi32, #tpu.memory_space<vmem>> -> memref<128xi32, #tpu.memory_space<vmem>>
        %dma_start3A_149 = arith.constant 0 : i32
        %dma_start3A_150 = arith.constant 0 : i32
        %dma_start3A_151 = tpu.memref_slice %arg3[%dma_start3A_149, %dma_start3A_150] : memref<10000x128xf32, #tpu.memory_space<hbm>> -> memref<10000x128xf32, #tpu.memory_space<hbm>>
        tpu.enqueue_indirect_dma source(%dma_start3A_151 : memref<10000x128xf32, #tpu.memory_space<hbm>>) target(%arg14 : memref<128x128xf32, #tpu.memory_space<vmem>>) offsets(%dma_start3A_148 : memref<128xi32, #tpu.memory_space<vmem>>) semaphore(%arg17 : memref<!tpu.dma_semaphore, #tpu.memory_space<semaphore_mem>>)
        %dma_wait3A_152 = arith.constant 0 : i32
        %dma_wait3A_153 = arith.constant 0 : i32
        %dma_wait3A_154 = tpu.memref_slice %arg9[%dma_wait3A_152, %dma_wait3A_153] : memref<16x128xi32, #tpu.memory_space<vmem>> -> memref<1x128xi32, #tpu.memory_space<vmem>>
        %dma_wait3A_155 = tpu.memref_squeeze %dma_wait3A_154 : memref<1x128xi32, #tpu.memory_space<vmem>> -> memref<128xi32, #tpu.memory_space<vmem>>
        %dma_wait3A_156 = arith.constant 0 : i32
        %dma_wait3A_157 = arith.constant 0 : i32
        %dma_wait3A_158 = tpu.memref_slice %arg3[%dma_wait3A_156, %dma_wait3A_157] : memref<10000x128xf32, #tpu.memory_space<hbm>> -> memref<10000x128xf32, #tpu.memory_space<hbm>>
        tpu.wait_indirect_dma semaphore(%arg16 : memref<!tpu.dma_semaphore, #tpu.memory_space<semaphore_mem>>) src(%dma_wait3A_158 : memref<10000x128xf32, #tpu.memory_space<hbm>>) dst(%arg13 : memref<128x128xf32, #tpu.memory_space<vmem>>)
        %run_scoped3A_159 = arith.constant 4 : i32
        "tpu.region"() ({
          %run_scoped3A_593 = tpu.sem_alloc : memref<!tpu.dma_semaphore, #tpu.memory_space<semaphore_mem>>
          %dma_start3A_594 = arith.constant 0 : i32
          %dma_start3A_595 = tpu.memref_slice %arg11[%run_scoped3A_159, %dma_start3A_594] : memref<16x128xi32, #tpu.memory_space<vmem>> -> memref<1x128xi32, #tpu.memory_space<vmem>>
          %dma_start3A_596 = tpu.memref_squeeze %dma_start3A_595 : memref<1x128xi32, #tpu.memory_space<vmem>> -> memref<128xi32, #tpu.memory_space<vmem>>
          %dma_start3A_597 = arith.constant 0 : i32
          %dma_start3A_598 = arith.constant 0 : i32
          %dma_start3A_599 = tpu.memref_slice %arg15[%dma_start3A_597, %dma_start3A_598] : memref<10112x128xf32, #tpu.memory_space<vmem_shared>> -> memref<10112x128xf32, #tpu.memory_space<vmem_shared>>
          tpu.enqueue_indirect_dma source(%arg13 : memref<128x128xf32, #tpu.memory_space<vmem>>) target(%dma_start3A_599 : memref<10112x128xf32, #tpu.memory_space<vmem_shared>>) offsets(%dma_start3A_596 : memref<128xi32, #tpu.memory_space<vmem>>) semaphore(%run_scoped3A_593 : memref<!tpu.dma_semaphore, #tpu.memory_space<semaphore_mem>>) {add = true}
          %dma_wait3A_600 = arith.constant 0 : i32
          %dma_wait3A_601 = tpu.memref_slice %arg11[%run_scoped3A_159, %dma_wait3A_600] : memref<16x128xi32, #tpu.memory_space<vmem>> -> memref<1x128xi32, #tpu.memory_space<vmem>>
          %dma_wait3A_602 = tpu.memref_squeeze %dma_wait3A_601 : memref<1x128xi32, #tpu.memory_space<vmem>> -> memref<128xi32, #tpu.memory_space<vmem>>
          %dma_wait3A_603 = arith.constant 0 : i32
          %dma_wait3A_604 = arith.constant 0 : i32
          %dma_wait3A_605 = tpu.memref_slice %arg15[%dma_wait3A_603, %dma_wait3A_604] : memref<10112x128xf32, #tpu.memory_space<vmem_shared>> -> memref<10112x128xf32, #tpu.memory_space<vmem_shared>>
          tpu.wait_indirect_dma semaphore(%run_scoped3A_593 : memref<!tpu.dma_semaphore, #tpu.memory_space<semaphore_mem>>) src(%arg13 : memref<128x128xf32, #tpu.memory_space<vmem>>) dst(%dma_wait3A_605 : memref<10112x128xf32, #tpu.memory_space<vmem_shared>>)
          tpu.yield
        }) : () -> ()
        %dma_start3A_160 = arith.constant 6 : i32
        %dma_start3A_161 = arith.constant 0 : i32
        %dma_start3A_162 = tpu.memref_slice %arg9[%dma_start3A_160, %dma_start3A_161] : memref<16x128xi32, #tpu.memory_space<vmem>> -> memref<1x128xi32, #tpu.memory_space<vmem>>
        %dma_start3A_163 = tpu.memref_squeeze %dma_start3A_162 : memref<1x128xi32, #tpu.memory_space<vmem>> -> memref<128xi32, #tpu.memory_space<vmem>>
        %dma_start3A_164 = arith.constant 0 : i32
        %dma_start3A_165 = arith.constant 0 : i32
        %dma_start3A_166 = tpu.memref_slice %arg3[%dma_start3A_164, %dma_start3A_165] : memref<10000x128xf32, #tpu.memory_space<hbm>> -> memref<10000x128xf32, #tpu.memory_space<hbm>>
        tpu.enqueue_indirect_dma source(%dma_start3A_166 : memref<10000x128xf32, #tpu.memory_space<hbm>>) target(%arg13 : memref<128x128xf32, #tpu.memory_space<vmem>>) offsets(%dma_start3A_163 : memref<128xi32, #tpu.memory_space<vmem>>) semaphore(%arg16 : memref<!tpu.dma_semaphore, #tpu.memory_space<semaphore_mem>>)
        %dma_wait3A_167 = arith.constant 0 : i32
        %dma_wait3A_168 = arith.constant 0 : i32
        %dma_wait3A_169 = tpu.memref_slice %arg9[%dma_wait3A_167, %dma_wait3A_168] : memref<16x128xi32, #tpu.memory_space<vmem>> -> memref<1x128xi32, #tpu.memory_space<vmem>>
        %dma_wait3A_170 = tpu.memref_squeeze %dma_wait3A_169 : memref<1x128xi32, #tpu.memory_space<vmem>> -> memref<128xi32, #tpu.memory_space<vmem>>
        %dma_wait3A_171 = arith.constant 0 : i32
        %dma_wait3A_172 = arith.constant 0 : i32
        %dma_wait3A_173 = tpu.memref_slice %arg3[%dma_wait3A_171, %dma_wait3A_172] : memref<10000x128xf32, #tpu.memory_space<hbm>> -> memref<10000x128xf32, #tpu.memory_space<hbm>>
        tpu.wait_indirect_dma semaphore(%arg17 : memref<!tpu.dma_semaphore, #tpu.memory_space<semaphore_mem>>) src(%dma_wait3A_173 : memref<10000x128xf32, #tpu.memory_space<hbm>>) dst(%arg14 : memref<128x128xf32, #tpu.memory_space<vmem>>)
        %run_scoped3A_174 = arith.constant 5 : i32
        "tpu.region"() ({
          %run_scoped3A_593 = tpu.sem_alloc : memref<!tpu.dma_semaphore, #tpu.memory_space<semaphore_mem>>
          %dma_start3A_594 = arith.constant 0 : i32
          %dma_start3A_595 = tpu.memref_slice %arg11[%run_scoped3A_174, %dma_start3A_594] : memref<16x128xi32, #tpu.memory_space<vmem>> -> memref<1x128xi32, #tpu.memory_space<vmem>>
          %dma_start3A_596 = tpu.memref_squeeze %dma_start3A_595 : memref<1x128xi32, #tpu.memory_space<vmem>> -> memref<128xi32, #tpu.memory_space<vmem>>
          %dma_start3A_597 = arith.constant 0 : i32
          %dma_start3A_598 = arith.constant 0 : i32
          %dma_start3A_599 = tpu.memref_slice %arg15[%dma_start3A_597, %dma_start3A_598] : memref<10112x128xf32, #tpu.memory_space<vmem_shared>> -> memref<10112x128xf32, #tpu.memory_space<vmem_shared>>
          tpu.enqueue_indirect_dma source(%arg14 : memref<128x128xf32, #tpu.memory_space<vmem>>) target(%dma_start3A_599 : memref<10112x128xf32, #tpu.memory_space<vmem_shared>>) offsets(%dma_start3A_596 : memref<128xi32, #tpu.memory_space<vmem>>) semaphore(%run_scoped3A_593 : memref<!tpu.dma_semaphore, #tpu.memory_space<semaphore_mem>>) {add = true}
          %dma_wait3A_600 = arith.constant 0 : i32
          %dma_wait3A_601 = tpu.memref_slice %arg11[%run_scoped3A_174, %dma_wait3A_600] : memref<16x128xi32, #tpu.memory_space<vmem>> -> memref<1x128xi32, #tpu.memory_space<vmem>>
          %dma_wait3A_602 = tpu.memref_squeeze %dma_wait3A_601 : memref<1x128xi32, #tpu.memory_space<vmem>> -> memref<128xi32, #tpu.memory_space<vmem>>
          %dma_wait3A_603 = arith.constant 0 : i32
          %dma_wait3A_604 = arith.constant 0 : i32
          %dma_wait3A_605 = tpu.memref_slice %arg15[%dma_wait3A_603, %dma_wait3A_604] : memref<10112x128xf32, #tpu.memory_space<vmem_shared>> -> memref<10112x128xf32, #tpu.memory_space<vmem_shared>>
          tpu.wait_indirect_dma semaphore(%run_scoped3A_593 : memref<!tpu.dma_semaphore, #tpu.memory_space<semaphore_mem>>) src(%arg14 : memref<128x128xf32, #tpu.memory_space<vmem>>) dst(%dma_wait3A_605 : memref<10112x128xf32, #tpu.memory_space<vmem_shared>>)
          tpu.yield
        }) : () -> ()
        %dma_start3A_175 = arith.constant 7 : i32
        %dma_start3A_176 = arith.constant 0 : i32
        %dma_start3A_177 = tpu.memref_slice %arg9[%dma_start3A_175, %dma_start3A_176] : memref<16x128xi32, #tpu.memory_space<vmem>> -> memref<1x128xi32, #tpu.memory_space<vmem>>
        %dma_start3A_178 = tpu.memref_squeeze %dma_start3A_177 : memref<1x128xi32, #tpu.memory_space<vmem>> -> memref<128xi32, #tpu.memory_space<vmem>>
        %dma_start3A_179 = arith.constant 0 : i32
        %dma_start3A_180 = arith.constant 0 : i32
        %dma_start3A_181 = tpu.memref_slice %arg3[%dma_start3A_179, %dma_start3A_180] : memref<10000x128xf32, #tpu.memory_space<hbm>> -> memref<10000x128xf32, #tpu.memory_space<hbm>>
        tpu.enqueue_indirect_dma source(%dma_start3A_181 : memref<10000x128xf32, #tpu.memory_space<hbm>>) target(%arg14 : memref<128x128xf32, #tpu.memory_space<vmem>>) offsets(%dma_start3A_178 : memref<128xi32, #tpu.memory_space<vmem>>) semaphore(%arg17 : memref<!tpu.dma_semaphore, #tpu.memory_space<semaphore_mem>>)
        %dma_wait3A_182 = arith.constant 0 : i32
        %dma_wait3A_183 = arith.constant 0 : i32
        %dma_wait3A_184 = tpu.memref_slice %arg9[%dma_wait3A_182, %dma_wait3A_183] : memref<16x128xi32, #tpu.memory_space<vmem>> -> memref<1x128xi32, #tpu.memory_space<vmem>>
        %dma_wait3A_185 = tpu.memref_squeeze %dma_wait3A_184 : memref<1x128xi32, #tpu.memory_space<vmem>> -> memref<128xi32, #tpu.memory_space<vmem>>
        %dma_wait3A_186 = arith.constant 0 : i32
        %dma_wait3A_187 = arith.constant 0 : i32
        %dma_wait3A_188 = tpu.memref_slice %arg3[%dma_wait3A_186, %dma_wait3A_187] : memref<10000x128xf32, #tpu.memory_space<hbm>> -> memref<10000x128xf32, #tpu.memory_space<hbm>>
        tpu.wait_indirect_dma semaphore(%arg16 : memref<!tpu.dma_semaphore, #tpu.memory_space<semaphore_mem>>) src(%dma_wait3A_188 : memref<10000x128xf32, #tpu.memory_space<hbm>>) dst(%arg13 : memref<128x128xf32, #tpu.memory_space<vmem>>)
        %run_scoped3A_189 = arith.constant 6 : i32
        "tpu.region"() ({
          %run_scoped3A_593 = tpu.sem_alloc : memref<!tpu.dma_semaphore, #tpu.memory_space<semaphore_mem>>
          %dma_start3A_594 = arith.constant 0 : i32
          %dma_start3A_595 = tpu.memref_slice %arg11[%run_scoped3A_189, %dma_start3A_594] : memref<16x128xi32, #tpu.memory_space<vmem>> -> memref<1x128xi32, #tpu.memory_space<vmem>>
          %dma_start3A_596 = tpu.memref_squeeze %dma_start3A_595 : memref<1x128xi32, #tpu.memory_space<vmem>> -> memref<128xi32, #tpu.memory_space<vmem>>
          %dma_start3A_597 = arith.constant 0 : i32
          %dma_start3A_598 = arith.constant 0 : i32
          %dma_start3A_599 = tpu.memref_slice %arg15[%dma_start3A_597, %dma_start3A_598] : memref<10112x128xf32, #tpu.memory_space<vmem_shared>> -> memref<10112x128xf32, #tpu.memory_space<vmem_shared>>
          tpu.enqueue_indirect_dma source(%arg13 : memref<128x128xf32, #tpu.memory_space<vmem>>) target(%dma_start3A_599 : memref<10112x128xf32, #tpu.memory_space<vmem_shared>>) offsets(%dma_start3A_596 : memref<128xi32, #tpu.memory_space<vmem>>) semaphore(%run_scoped3A_593 : memref<!tpu.dma_semaphore, #tpu.memory_space<semaphore_mem>>) {add = true}
          %dma_wait3A_600 = arith.constant 0 : i32
          %dma_wait3A_601 = tpu.memref_slice %arg11[%run_scoped3A_189, %dma_wait3A_600] : memref<16x128xi32, #tpu.memory_space<vmem>> -> memref<1x128xi32, #tpu.memory_space<vmem>>
          %dma_wait3A_602 = tpu.memref_squeeze %dma_wait3A_601 : memref<1x128xi32, #tpu.memory_space<vmem>> -> memref<128xi32, #tpu.memory_space<vmem>>
          %dma_wait3A_603 = arith.constant 0 : i32
          %dma_wait3A_604 = arith.constant 0 : i32
          %dma_wait3A_605 = tpu.memref_slice %arg15[%dma_wait3A_603, %dma_wait3A_604] : memref<10112x128xf32, #tpu.memory_space<vmem_shared>> -> memref<10112x128xf32, #tpu.memory_space<vmem_shared>>
          tpu.wait_indirect_dma semaphore(%run_scoped3A_593 : memref<!tpu.dma_semaphore, #tpu.memory_space<semaphore_mem>>) src(%arg13 : memref<128x128xf32, #tpu.memory_space<vmem>>) dst(%dma_wait3A_605 : memref<10112x128xf32, #tpu.memory_space<vmem_shared>>)
          tpu.yield
        }) : () -> ()
        %dma_start3A_190 = arith.constant 8 : i32
        %dma_start3A_191 = arith.constant 0 : i32
        %dma_start3A_192 = tpu.memref_slice %arg9[%dma_start3A_190, %dma_start3A_191] : memref<16x128xi32, #tpu.memory_space<vmem>> -> memref<1x128xi32, #tpu.memory_space<vmem>>
        %dma_start3A_193 = tpu.memref_squeeze %dma_start3A_192 : memref<1x128xi32, #tpu.memory_space<vmem>> -> memref<128xi32, #tpu.memory_space<vmem>>
        %dma_start3A_194 = arith.constant 0 : i32
        %dma_start3A_195 = arith.constant 0 : i32
        %dma_start3A_196 = tpu.memref_slice %arg3[%dma_start3A_194, %dma_start3A_195] : memref<10000x128xf32, #tpu.memory_space<hbm>> -> memref<10000x128xf32, #tpu.memory_space<hbm>>
        tpu.enqueue_indirect_dma source(%dma_start3A_196 : memref<10000x128xf32, #tpu.memory_space<hbm>>) target(%arg13 : memref<128x128xf32, #tpu.memory_space<vmem>>) offsets(%dma_start3A_193 : memref<128xi32, #tpu.memory_space<vmem>>) semaphore(%arg16 : memref<!tpu.dma_semaphore, #tpu.memory_space<semaphore_mem>>)
        %dma_wait3A_197 = arith.constant 0 : i32
        %dma_wait3A_198 = arith.constant 0 : i32
        %dma_wait3A_199 = tpu.memref_slice %arg9[%dma_wait3A_197, %dma_wait3A_198] : memref<16x128xi32, #tpu.memory_space<vmem>> -> memref<1x128xi32, #tpu.memory_space<vmem>>
        %dma_wait3A_200 = tpu.memref_squeeze %dma_wait3A_199 : memref<1x128xi32, #tpu.memory_space<vmem>> -> memref<128xi32, #tpu.memory_space<vmem>>
        %dma_wait3A_201 = arith.constant 0 : i32
        %dma_wait3A_202 = arith.constant 0 : i32
        %dma_wait3A_203 = tpu.memref_slice %arg3[%dma_wait3A_201, %dma_wait3A_202] : memref<10000x128xf32, #tpu.memory_space<hbm>> -> memref<10000x128xf32, #tpu.memory_space<hbm>>
        tpu.wait_indirect_dma semaphore(%arg17 : memref<!tpu.dma_semaphore, #tpu.memory_space<semaphore_mem>>) src(%dma_wait3A_203 : memref<10000x128xf32, #tpu.memory_space<hbm>>) dst(%arg14 : memref<128x128xf32, #tpu.memory_space<vmem>>)
        %run_scoped3A_204 = arith.constant 7 : i32
        "tpu.region"() ({
          %run_scoped3A_593 = tpu.sem_alloc : memref<!tpu.dma_semaphore, #tpu.memory_space<semaphore_mem>>
          %dma_start3A_594 = arith.constant 0 : i32
          %dma_start3A_595 = tpu.memref_slice %arg11[%run_scoped3A_204, %dma_start3A_594] : memref<16x128xi32, #tpu.memory_space<vmem>> -> memref<1x128xi32, #tpu.memory_space<vmem>>
          %dma_start3A_596 = tpu.memref_squeeze %dma_start3A_595 : memref<1x128xi32, #tpu.memory_space<vmem>> -> memref<128xi32, #tpu.memory_space<vmem>>
          %dma_start3A_597 = arith.constant 0 : i32
          %dma_start3A_598 = arith.constant 0 : i32
          %dma_start3A_599 = tpu.memref_slice %arg15[%dma_start3A_597, %dma_start3A_598] : memref<10112x128xf32, #tpu.memory_space<vmem_shared>> -> memref<10112x128xf32, #tpu.memory_space<vmem_shared>>
          tpu.enqueue_indirect_dma source(%arg14 : memref<128x128xf32, #tpu.memory_space<vmem>>) target(%dma_start3A_599 : memref<10112x128xf32, #tpu.memory_space<vmem_shared>>) offsets(%dma_start3A_596 : memref<128xi32, #tpu.memory_space<vmem>>) semaphore(%run_scoped3A_593 : memref<!tpu.dma_semaphore, #tpu.memory_space<semaphore_mem>>) {add = true}
          %dma_wait3A_600 = arith.constant 0 : i32
          %dma_wait3A_601 = tpu.memref_slice %arg11[%run_scoped3A_204, %dma_wait3A_600] : memref<16x128xi32, #tpu.memory_space<vmem>> -> memref<1x128xi32, #tpu.memory_space<vmem>>
          %dma_wait3A_602 = tpu.memref_squeeze %dma_wait3A_601 : memref<1x128xi32, #tpu.memory_space<vmem>> -> memref<128xi32, #tpu.memory_space<vmem>>
          %dma_wait3A_603 = arith.constant 0 : i32
          %dma_wait3A_604 = arith.constant 0 : i32
          %dma_wait3A_605 = tpu.memref_slice %arg15[%dma_wait3A_603, %dma_wait3A_604] : memref<10112x128xf32, #tpu.memory_space<vmem_shared>> -> memref<10112x128xf32, #tpu.memory_space<vmem_shared>>
          tpu.wait_indirect_dma semaphore(%run_scoped3A_593 : memref<!tpu.dma_semaphore, #tpu.memory_space<semaphore_mem>>) src(%arg14 : memref<128x128xf32, #tpu.memory_space<vmem>>) dst(%dma_wait3A_605 : memref<10112x128xf32, #tpu.memory_space<vmem_shared>>)
          tpu.yield
        }) : () -> ()
        %dma_start3A_205 = arith.constant 9 : i32
        %dma_start3A_206 = arith.constant 0 : i32
        %dma_start3A_207 = tpu.memref_slice %arg9[%dma_start3A_205, %dma_start3A_206] : memref<16x128xi32, #tpu.memory_space<vmem>> -> memref<1x128xi32, #tpu.memory_space<vmem>>
        %dma_start3A_208 = tpu.memref_squeeze %dma_start3A_207 : memref<1x128xi32, #tpu.memory_space<vmem>> -> memref<128xi32, #tpu.memory_space<vmem>>
        %dma_start3A_209 = arith.constant 0 : i32
        %dma_start3A_210 = arith.constant 0 : i32
        %dma_start3A_211 = tpu.memref_slice %arg3[%dma_start3A_209, %dma_start3A_210] : memref<10000x128xf32, #tpu.memory_space<hbm>> -> memref<10000x128xf32, #tpu.memory_space<hbm>>
        tpu.enqueue_indirect_dma source(%dma_start3A_211 : memref<10000x128xf32, #tpu.memory_space<hbm>>) target(%arg14 : memref<128x128xf32, #tpu.memory_space<vmem>>) offsets(%dma_start3A_208 : memref<128xi32, #tpu.memory_space<vmem>>) semaphore(%arg17 : memref<!tpu.dma_semaphore, #tpu.memory_space<semaphore_mem>>)
        %dma_wait3A_212 = arith.constant 0 : i32
        %dma_wait3A_213 = arith.constant 0 : i32
        %dma_wait3A_214 = tpu.memref_slice %arg9[%dma_wait3A_212, %dma_wait3A_213] : memref<16x128xi32, #tpu.memory_space<vmem>> -> memref<1x128xi32, #tpu.memory_space<vmem>>
        %dma_wait3A_215 = tpu.memref_squeeze %dma_wait3A_214 : memref<1x128xi32, #tpu.memory_space<vmem>> -> memref<128xi32, #tpu.memory_space<vmem>>
        %dma_wait3A_216 = arith.constant 0 : i32
        %dma_wait3A_217 = arith.constant 0 : i32
        %dma_wait3A_218 = tpu.memref_slice %arg3[%dma_wait3A_216, %dma_wait3A_217] : memref<10000x128xf32, #tpu.memory_space<hbm>> -> memref<10000x128xf32, #tpu.memory_space<hbm>>
        tpu.wait_indirect_dma semaphore(%arg16 : memref<!tpu.dma_semaphore, #tpu.memory_space<semaphore_mem>>) src(%dma_wait3A_218 : memref<10000x128xf32, #tpu.memory_space<hbm>>) dst(%arg13 : memref<128x128xf32, #tpu.memory_space<vmem>>)
        %run_scoped3A_219 = arith.constant 8 : i32
        "tpu.region"() ({
          %run_scoped3A_593 = tpu.sem_alloc : memref<!tpu.dma_semaphore, #tpu.memory_space<semaphore_mem>>
          %dma_start3A_594 = arith.constant 0 : i32
          %dma_start3A_595 = tpu.memref_slice %arg11[%run_scoped3A_219, %dma_start3A_594] : memref<16x128xi32, #tpu.memory_space<vmem>> -> memref<1x128xi32, #tpu.memory_space<vmem>>
          %dma_start3A_596 = tpu.memref_squeeze %dma_start3A_595 : memref<1x128xi32, #tpu.memory_space<vmem>> -> memref<128xi32, #tpu.memory_space<vmem>>
          %dma_start3A_597 = arith.constant 0 : i32
          %dma_start3A_598 = arith.constant 0 : i32
          %dma_start3A_599 = tpu.memref_slice %arg15[%dma_start3A_597, %dma_start3A_598] : memref<10112x128xf32, #tpu.memory_space<vmem_shared>> -> memref<10112x128xf32, #tpu.memory_space<vmem_shared>>
          tpu.enqueue_indirect_dma source(%arg13 : memref<128x128xf32, #tpu.memory_space<vmem>>) target(%dma_start3A_599 : memref<10112x128xf32, #tpu.memory_space<vmem_shared>>) offsets(%dma_start3A_596 : memref<128xi32, #tpu.memory_space<vmem>>) semaphore(%run_scoped3A_593 : memref<!tpu.dma_semaphore, #tpu.memory_space<semaphore_mem>>) {add = true}
          %dma_wait3A_600 = arith.constant 0 : i32
          %dma_wait3A_601 = tpu.memref_slice %arg11[%run_scoped3A_219, %dma_wait3A_600] : memref<16x128xi32, #tpu.memory_space<vmem>> -> memref<1x128xi32, #tpu.memory_space<vmem>>
          %dma_wait3A_602 = tpu.memref_squeeze %dma_wait3A_601 : memref<1x128xi32, #tpu.memory_space<vmem>> -> memref<128xi32, #tpu.memory_space<vmem>>
          %dma_wait3A_603 = arith.constant 0 : i32
          %dma_wait3A_604 = arith.constant 0 : i32
          %dma_wait3A_605 = tpu.memref_slice %arg15[%dma_wait3A_603, %dma_wait3A_604] : memref<10112x128xf32, #tpu.memory_space<vmem_shared>> -> memref<10112x128xf32, #tpu.memory_space<vmem_shared>>
          tpu.wait_indirect_dma semaphore(%run_scoped3A_593 : memref<!tpu.dma_semaphore, #tpu.memory_space<semaphore_mem>>) src(%arg13 : memref<128x128xf32, #tpu.memory_space<vmem>>) dst(%dma_wait3A_605 : memref<10112x128xf32, #tpu.memory_space<vmem_shared>>)
          tpu.yield
        }) : () -> ()
        %dma_start3A_220 = arith.constant 10 : i32
        %dma_start3A_221 = arith.constant 0 : i32
        %dma_start3A_222 = tpu.memref_slice %arg9[%dma_start3A_220, %dma_start3A_221] : memref<16x128xi32, #tpu.memory_space<vmem>> -> memref<1x128xi32, #tpu.memory_space<vmem>>
        %dma_start3A_223 = tpu.memref_squeeze %dma_start3A_222 : memref<1x128xi32, #tpu.memory_space<vmem>> -> memref<128xi32, #tpu.memory_space<vmem>>
        %dma_start3A_224 = arith.constant 0 : i32
        %dma_start3A_225 = arith.constant 0 : i32
        %dma_start3A_226 = tpu.memref_slice %arg3[%dma_start3A_224, %dma_start3A_225] : memref<10000x128xf32, #tpu.memory_space<hbm>> -> memref<10000x128xf32, #tpu.memory_space<hbm>>
        tpu.enqueue_indirect_dma source(%dma_start3A_226 : memref<10000x128xf32, #tpu.memory_space<hbm>>) target(%arg13 : memref<128x128xf32, #tpu.memory_space<vmem>>) offsets(%dma_start3A_223 : memref<128xi32, #tpu.memory_space<vmem>>) semaphore(%arg16 : memref<!tpu.dma_semaphore, #tpu.memory_space<semaphore_mem>>)
        %dma_wait3A_227 = arith.constant 0 : i32
        %dma_wait3A_228 = arith.constant 0 : i32
        %dma_wait3A_229 = tpu.memref_slice %arg9[%dma_wait3A_227, %dma_wait3A_228] : memref<16x128xi32, #tpu.memory_space<vmem>> -> memref<1x128xi32, #tpu.memory_space<vmem>>
        %dma_wait3A_230 = tpu.memref_squeeze %dma_wait3A_229 : memref<1x128xi32, #tpu.memory_space<vmem>> -> memref<128xi32, #tpu.memory_space<vmem>>
        %dma_wait3A_231 = arith.constant 0 : i32
        %dma_wait3A_232 = arith.constant 0 : i32
        %dma_wait3A_233 = tpu.memref_slice %arg3[%dma_wait3A_231, %dma_wait3A_232] : memref<10000x128xf32, #tpu.memory_space<hbm>> -> memref<10000x128xf32, #tpu.memory_space<hbm>>
        tpu.wait_indirect_dma semaphore(%arg17 : memref<!tpu.dma_semaphore, #tpu.memory_space<semaphore_mem>>) src(%dma_wait3A_233 : memref<10000x128xf32, #tpu.memory_space<hbm>>) dst(%arg14 : memref<128x128xf32, #tpu.memory_space<vmem>>)
        %run_scoped3A_234 = arith.constant 9 : i32
        "tpu.region"() ({
          %run_scoped3A_593 = tpu.sem_alloc : memref<!tpu.dma_semaphore, #tpu.memory_space<semaphore_mem>>
          %dma_start3A_594 = arith.constant 0 : i32
          %dma_start3A_595 = tpu.memref_slice %arg11[%run_scoped3A_234, %dma_start3A_594] : memref<16x128xi32, #tpu.memory_space<vmem>> -> memref<1x128xi32, #tpu.memory_space<vmem>>
          %dma_start3A_596 = tpu.memref_squeeze %dma_start3A_595 : memref<1x128xi32, #tpu.memory_space<vmem>> -> memref<128xi32, #tpu.memory_space<vmem>>
          %dma_start3A_597 = arith.constant 0 : i32
          %dma_start3A_598 = arith.constant 0 : i32
          %dma_start3A_599 = tpu.memref_slice %arg15[%dma_start3A_597, %dma_start3A_598] : memref<10112x128xf32, #tpu.memory_space<vmem_shared>> -> memref<10112x128xf32, #tpu.memory_space<vmem_shared>>
          tpu.enqueue_indirect_dma source(%arg14 : memref<128x128xf32, #tpu.memory_space<vmem>>) target(%dma_start3A_599 : memref<10112x128xf32, #tpu.memory_space<vmem_shared>>) offsets(%dma_start3A_596 : memref<128xi32, #tpu.memory_space<vmem>>) semaphore(%run_scoped3A_593 : memref<!tpu.dma_semaphore, #tpu.memory_space<semaphore_mem>>) {add = true}
          %dma_wait3A_600 = arith.constant 0 : i32
          %dma_wait3A_601 = tpu.memref_slice %arg11[%run_scoped3A_234, %dma_wait3A_600] : memref<16x128xi32, #tpu.memory_space<vmem>> -> memref<1x128xi32, #tpu.memory_space<vmem>>
          %dma_wait3A_602 = tpu.memref_squeeze %dma_wait3A_601 : memref<1x128xi32, #tpu.memory_space<vmem>> -> memref<128xi32, #tpu.memory_space<vmem>>
          %dma_wait3A_603 = arith.constant 0 : i32
          %dma_wait3A_604 = arith.constant 0 : i32
          %dma_wait3A_605 = tpu.memref_slice %arg15[%dma_wait3A_603, %dma_wait3A_604] : memref<10112x128xf32, #tpu.memory_space<vmem_shared>> -> memref<10112x128xf32, #tpu.memory_space<vmem_shared>>
          tpu.wait_indirect_dma semaphore(%run_scoped3A_593 : memref<!tpu.dma_semaphore, #tpu.memory_space<semaphore_mem>>) src(%arg14 : memref<128x128xf32, #tpu.memory_space<vmem>>) dst(%dma_wait3A_605 : memref<10112x128xf32, #tpu.memory_space<vmem_shared>>)
          tpu.yield
        }) : () -> ()
        %dma_start3A_235 = arith.constant 11 : i32
        %dma_start3A_236 = arith.constant 0 : i32
        %dma_start3A_237 = tpu.memref_slice %arg9[%dma_start3A_235, %dma_start3A_236] : memref<16x128xi32, #tpu.memory_space<vmem>> -> memref<1x128xi32, #tpu.memory_space<vmem>>
        %dma_start3A_238 = tpu.memref_squeeze %dma_start3A_237 : memref<1x128xi32, #tpu.memory_space<vmem>> -> memref<128xi32, #tpu.memory_space<vmem>>
        %dma_start3A_239 = arith.constant 0 : i32
        %dma_start3A_240 = arith.constant 0 : i32
        %dma_start3A_241 = tpu.memref_slice %arg3[%dma_start3A_239, %dma_start3A_240] : memref<10000x128xf32, #tpu.memory_space<hbm>> -> memref<10000x128xf32, #tpu.memory_space<hbm>>
        tpu.enqueue_indirect_dma source(%dma_start3A_241 : memref<10000x128xf32, #tpu.memory_space<hbm>>) target(%arg14 : memref<128x128xf32, #tpu.memory_space<vmem>>) offsets(%dma_start3A_238 : memref<128xi32, #tpu.memory_space<vmem>>) semaphore(%arg17 : memref<!tpu.dma_semaphore, #tpu.memory_space<semaphore_mem>>)
        %dma_wait3A_242 = arith.constant 0 : i32
        %dma_wait3A_243 = arith.constant 0 : i32
        %dma_wait3A_244 = tpu.memref_slice %arg9[%dma_wait3A_242, %dma_wait3A_243] : memref<16x128xi32, #tpu.memory_space<vmem>> -> memref<1x128xi32, #tpu.memory_space<vmem>>
        %dma_wait3A_245 = tpu.memref_squeeze %dma_wait3A_244 : memref<1x128xi32, #tpu.memory_space<vmem>> -> memref<128xi32, #tpu.memory_space<vmem>>
        %dma_wait3A_246 = arith.constant 0 : i32
        %dma_wait3A_247 = arith.constant 0 : i32
        %dma_wait3A_248 = tpu.memref_slice %arg3[%dma_wait3A_246, %dma_wait3A_247] : memref<10000x128xf32, #tpu.memory_space<hbm>> -> memref<10000x128xf32, #tpu.memory_space<hbm>>
        tpu.wait_indirect_dma semaphore(%arg16 : memref<!tpu.dma_semaphore, #tpu.memory_space<semaphore_mem>>) src(%dma_wait3A_248 : memref<10000x128xf32, #tpu.memory_space<hbm>>) dst(%arg13 : memref<128x128xf32, #tpu.memory_space<vmem>>)
        %run_scoped3A_249 = arith.constant 10 : i32
        "tpu.region"() ({
          %run_scoped3A_593 = tpu.sem_alloc : memref<!tpu.dma_semaphore, #tpu.memory_space<semaphore_mem>>
          %dma_start3A_594 = arith.constant 0 : i32
          %dma_start3A_595 = tpu.memref_slice %arg11[%run_scoped3A_249, %dma_start3A_594] : memref<16x128xi32, #tpu.memory_space<vmem>> -> memref<1x128xi32, #tpu.memory_space<vmem>>
          %dma_start3A_596 = tpu.memref_squeeze %dma_start3A_595 : memref<1x128xi32, #tpu.memory_space<vmem>> -> memref<128xi32, #tpu.memory_space<vmem>>
          %dma_start3A_597 = arith.constant 0 : i32
          %dma_start3A_598 = arith.constant 0 : i32
          %dma_start3A_599 = tpu.memref_slice %arg15[%dma_start3A_597, %dma_start3A_598] : memref<10112x128xf32, #tpu.memory_space<vmem_shared>> -> memref<10112x128xf32, #tpu.memory_space<vmem_shared>>
          tpu.enqueue_indirect_dma source(%arg13 : memref<128x128xf32, #tpu.memory_space<vmem>>) target(%dma_start3A_599 : memref<10112x128xf32, #tpu.memory_space<vmem_shared>>) offsets(%dma_start3A_596 : memref<128xi32, #tpu.memory_space<vmem>>) semaphore(%run_scoped3A_593 : memref<!tpu.dma_semaphore, #tpu.memory_space<semaphore_mem>>) {add = true}
          %dma_wait3A_600 = arith.constant 0 : i32
          %dma_wait3A_601 = tpu.memref_slice %arg11[%run_scoped3A_249, %dma_wait3A_600] : memref<16x128xi32, #tpu.memory_space<vmem>> -> memref<1x128xi32, #tpu.memory_space<vmem>>
          %dma_wait3A_602 = tpu.memref_squeeze %dma_wait3A_601 : memref<1x128xi32, #tpu.memory_space<vmem>> -> memref<128xi32, #tpu.memory_space<vmem>>
          %dma_wait3A_603 = arith.constant 0 : i32
          %dma_wait3A_604 = arith.constant 0 : i32
          %dma_wait3A_605 = tpu.memref_slice %arg15[%dma_wait3A_603, %dma_wait3A_604] : memref<10112x128xf32, #tpu.memory_space<vmem_shared>> -> memref<10112x128xf32, #tpu.memory_space<vmem_shared>>
          tpu.wait_indirect_dma semaphore(%run_scoped3A_593 : memref<!tpu.dma_semaphore, #tpu.memory_space<semaphore_mem>>) src(%arg13 : memref<128x128xf32, #tpu.memory_space<vmem>>) dst(%dma_wait3A_605 : memref<10112x128xf32, #tpu.memory_space<vmem_shared>>)
          tpu.yield
        }) : () -> ()
        %dma_start3A_250 = arith.constant 12 : i32
        %dma_start3A_251 = arith.constant 0 : i32
        %dma_start3A_252 = tpu.memref_slice %arg9[%dma_start3A_250, %dma_start3A_251] : memref<16x128xi32, #tpu.memory_space<vmem>> -> memref<1x128xi32, #tpu.memory_space<vmem>>
        %dma_start3A_253 = tpu.memref_squeeze %dma_start3A_252 : memref<1x128xi32, #tpu.memory_space<vmem>> -> memref<128xi32, #tpu.memory_space<vmem>>
        %dma_start3A_254 = arith.constant 0 : i32
        %dma_start3A_255 = arith.constant 0 : i32
        %dma_start3A_256 = tpu.memref_slice %arg3[%dma_start3A_254, %dma_start3A_255] : memref<10000x128xf32, #tpu.memory_space<hbm>> -> memref<10000x128xf32, #tpu.memory_space<hbm>>
        tpu.enqueue_indirect_dma source(%dma_start3A_256 : memref<10000x128xf32, #tpu.memory_space<hbm>>) target(%arg13 : memref<128x128xf32, #tpu.memory_space<vmem>>) offsets(%dma_start3A_253 : memref<128xi32, #tpu.memory_space<vmem>>) semaphore(%arg16 : memref<!tpu.dma_semaphore, #tpu.memory_space<semaphore_mem>>)
        %dma_wait3A_257 = arith.constant 0 : i32
        %dma_wait3A_258 = arith.constant 0 : i32
        %dma_wait3A_259 = tpu.memref_slice %arg9[%dma_wait3A_257, %dma_wait3A_258] : memref<16x128xi32, #tpu.memory_space<vmem>> -> memref<1x128xi32, #tpu.memory_space<vmem>>
        %dma_wait3A_260 = tpu.memref_squeeze %dma_wait3A_259 : memref<1x128xi32, #tpu.memory_space<vmem>> -> memref<128xi32, #tpu.memory_space<vmem>>
        %dma_wait3A_261 = arith.constant 0 : i32
        %dma_wait3A_262 = arith.constant 0 : i32
        %dma_wait3A_263 = tpu.memref_slice %arg3[%dma_wait3A_261, %dma_wait3A_262] : memref<10000x128xf32, #tpu.memory_space<hbm>> -> memref<10000x128xf32, #tpu.memory_space<hbm>>
        tpu.wait_indirect_dma semaphore(%arg17 : memref<!tpu.dma_semaphore, #tpu.memory_space<semaphore_mem>>) src(%dma_wait3A_263 : memref<10000x128xf32, #tpu.memory_space<hbm>>) dst(%arg14 : memref<128x128xf32, #tpu.memory_space<vmem>>)
        %run_scoped3A_264 = arith.constant 11 : i32
        "tpu.region"() ({
          %run_scoped3A_593 = tpu.sem_alloc : memref<!tpu.dma_semaphore, #tpu.memory_space<semaphore_mem>>
          %dma_start3A_594 = arith.constant 0 : i32
          %dma_start3A_595 = tpu.memref_slice %arg11[%run_scoped3A_264, %dma_start3A_594] : memref<16x128xi32, #tpu.memory_space<vmem>> -> memref<1x128xi32, #tpu.memory_space<vmem>>
          %dma_start3A_596 = tpu.memref_squeeze %dma_start3A_595 : memref<1x128xi32, #tpu.memory_space<vmem>> -> memref<128xi32, #tpu.memory_space<vmem>>
          %dma_start3A_597 = arith.constant 0 : i32
          %dma_start3A_598 = arith.constant 0 : i32
          %dma_start3A_599 = tpu.memref_slice %arg15[%dma_start3A_597, %dma_start3A_598] : memref<10112x128xf32, #tpu.memory_space<vmem_shared>> -> memref<10112x128xf32, #tpu.memory_space<vmem_shared>>
          tpu.enqueue_indirect_dma source(%arg14 : memref<128x128xf32, #tpu.memory_space<vmem>>) target(%dma_start3A_599 : memref<10112x128xf32, #tpu.memory_space<vmem_shared>>) offsets(%dma_start3A_596 : memref<128xi32, #tpu.memory_space<vmem>>) semaphore(%run_scoped3A_593 : memref<!tpu.dma_semaphore, #tpu.memory_space<semaphore_mem>>) {add = true}
          %dma_wait3A_600 = arith.constant 0 : i32
          %dma_wait3A_601 = tpu.memref_slice %arg11[%run_scoped3A_264, %dma_wait3A_600] : memref<16x128xi32, #tpu.memory_space<vmem>> -> memref<1x128xi32, #tpu.memory_space<vmem>>
          %dma_wait3A_602 = tpu.memref_squeeze %dma_wait3A_601 : memref<1x128xi32, #tpu.memory_space<vmem>> -> memref<128xi32, #tpu.memory_space<vmem>>
          %dma_wait3A_603 = arith.constant 0 : i32
          %dma_wait3A_604 = arith.constant 0 : i32
          %dma_wait3A_605 = tpu.memref_slice %arg15[%dma_wait3A_603, %dma_wait3A_604] : memref<10112x128xf32, #tpu.memory_space<vmem_shared>> -> memref<10112x128xf32, #tpu.memory_space<vmem_shared>>
          tpu.wait_indirect_dma semaphore(%run_scoped3A_593 : memref<!tpu.dma_semaphore, #tpu.memory_space<semaphore_mem>>) src(%arg14 : memref<128x128xf32, #tpu.memory_space<vmem>>) dst(%dma_wait3A_605 : memref<10112x128xf32, #tpu.memory_space<vmem_shared>>)
          tpu.yield
        }) : () -> ()
        %dma_start3A_265 = arith.constant 13 : i32
        %dma_start3A_266 = arith.constant 0 : i32
        %dma_start3A_267 = tpu.memref_slice %arg9[%dma_start3A_265, %dma_start3A_266] : memref<16x128xi32, #tpu.memory_space<vmem>> -> memref<1x128xi32, #tpu.memory_space<vmem>>
        %dma_start3A_268 = tpu.memref_squeeze %dma_start3A_267 : memref<1x128xi32, #tpu.memory_space<vmem>> -> memref<128xi32, #tpu.memory_space<vmem>>
        %dma_start3A_269 = arith.constant 0 : i32
        %dma_start3A_270 = arith.constant 0 : i32
        %dma_start3A_271 = tpu.memref_slice %arg3[%dma_start3A_269, %dma_start3A_270] : memref<10000x128xf32, #tpu.memory_space<hbm>> -> memref<10000x128xf32, #tpu.memory_space<hbm>>
        tpu.enqueue_indirect_dma source(%dma_start3A_271 : memref<10000x128xf32, #tpu.memory_space<hbm>>) target(%arg14 : memref<128x128xf32, #tpu.memory_space<vmem>>) offsets(%dma_start3A_268 : memref<128xi32, #tpu.memory_space<vmem>>) semaphore(%arg17 : memref<!tpu.dma_semaphore, #tpu.memory_space<semaphore_mem>>)
        %dma_wait3A_272 = arith.constant 0 : i32
        %dma_wait3A_273 = arith.constant 0 : i32
        %dma_wait3A_274 = tpu.memref_slice %arg9[%dma_wait3A_272, %dma_wait3A_273] : memref<16x128xi32, #tpu.memory_space<vmem>> -> memref<1x128xi32, #tpu.memory_space<vmem>>
        %dma_wait3A_275 = tpu.memref_squeeze %dma_wait3A_274 : memref<1x128xi32, #tpu.memory_space<vmem>> -> memref<128xi32, #tpu.memory_space<vmem>>
        %dma_wait3A_276 = arith.constant 0 : i32
        %dma_wait3A_277 = arith.constant 0 : i32
        %dma_wait3A_278 = tpu.memref_slice %arg3[%dma_wait3A_276, %dma_wait3A_277] : memref<10000x128xf32, #tpu.memory_space<hbm>> -> memref<10000x128xf32, #tpu.memory_space<hbm>>
        tpu.wait_indirect_dma semaphore(%arg16 : memref<!tpu.dma_semaphore, #tpu.memory_space<semaphore_mem>>) src(%dma_wait3A_278 : memref<10000x128xf32, #tpu.memory_space<hbm>>) dst(%arg13 : memref<128x128xf32, #tpu.memory_space<vmem>>)
        %run_scoped3A_279 = arith.constant 12 : i32
        "tpu.region"() ({
          %run_scoped3A_593 = tpu.sem_alloc : memref<!tpu.dma_semaphore, #tpu.memory_space<semaphore_mem>>
          %dma_start3A_594 = arith.constant 0 : i32
          %dma_start3A_595 = tpu.memref_slice %arg11[%run_scoped3A_279, %dma_start3A_594] : memref<16x128xi32, #tpu.memory_space<vmem>> -> memref<1x128xi32, #tpu.memory_space<vmem>>
          %dma_start3A_596 = tpu.memref_squeeze %dma_start3A_595 : memref<1x128xi32, #tpu.memory_space<vmem>> -> memref<128xi32, #tpu.memory_space<vmem>>
          %dma_start3A_597 = arith.constant 0 : i32
          %dma_start3A_598 = arith.constant 0 : i32
          %dma_start3A_599 = tpu.memref_slice %arg15[%dma_start3A_597, %dma_start3A_598] : memref<10112x128xf32, #tpu.memory_space<vmem_shared>> -> memref<10112x128xf32, #tpu.memory_space<vmem_shared>>
          tpu.enqueue_indirect_dma source(%arg13 : memref<128x128xf32, #tpu.memory_space<vmem>>) target(%dma_start3A_599 : memref<10112x128xf32, #tpu.memory_space<vmem_shared>>) offsets(%dma_start3A_596 : memref<128xi32, #tpu.memory_space<vmem>>) semaphore(%run_scoped3A_593 : memref<!tpu.dma_semaphore, #tpu.memory_space<semaphore_mem>>) {add = true}
          %dma_wait3A_600 = arith.constant 0 : i32
          %dma_wait3A_601 = tpu.memref_slice %arg11[%run_scoped3A_279, %dma_wait3A_600] : memref<16x128xi32, #tpu.memory_space<vmem>> -> memref<1x128xi32, #tpu.memory_space<vmem>>
          %dma_wait3A_602 = tpu.memref_squeeze %dma_wait3A_601 : memref<1x128xi32, #tpu.memory_space<vmem>> -> memref<128xi32, #tpu.memory_space<vmem>>
          %dma_wait3A_603 = arith.constant 0 : i32
          %dma_wait3A_604 = arith.constant 0 : i32
          %dma_wait3A_605 = tpu.memref_slice %arg15[%dma_wait3A_603, %dma_wait3A_604] : memref<10112x128xf32, #tpu.memory_space<vmem_shared>> -> memref<10112x128xf32, #tpu.memory_space<vmem_shared>>
          tpu.wait_indirect_dma semaphore(%run_scoped3A_593 : memref<!tpu.dma_semaphore, #tpu.memory_space<semaphore_mem>>) src(%arg13 : memref<128x128xf32, #tpu.memory_space<vmem>>) dst(%dma_wait3A_605 : memref<10112x128xf32, #tpu.memory_space<vmem_shared>>)
          tpu.yield
        }) : () -> ()
        %dma_start3A_280 = arith.constant 14 : i32
        %dma_start3A_281 = arith.constant 0 : i32
        %dma_start3A_282 = tpu.memref_slice %arg9[%dma_start3A_280, %dma_start3A_281] : memref<16x128xi32, #tpu.memory_space<vmem>> -> memref<1x128xi32, #tpu.memory_space<vmem>>
        %dma_start3A_283 = tpu.memref_squeeze %dma_start3A_282 : memref<1x128xi32, #tpu.memory_space<vmem>> -> memref<128xi32, #tpu.memory_space<vmem>>
        %dma_start3A_284 = arith.constant 0 : i32
        %dma_start3A_285 = arith.constant 0 : i32
        %dma_start3A_286 = tpu.memref_slice %arg3[%dma_start3A_284, %dma_start3A_285] : memref<10000x128xf32, #tpu.memory_space<hbm>> -> memref<10000x128xf32, #tpu.memory_space<hbm>>
        tpu.enqueue_indirect_dma source(%dma_start3A_286 : memref<10000x128xf32, #tpu.memory_space<hbm>>) target(%arg13 : memref<128x128xf32, #tpu.memory_space<vmem>>) offsets(%dma_start3A_283 : memref<128xi32, #tpu.memory_space<vmem>>) semaphore(%arg16 : memref<!tpu.dma_semaphore, #tpu.memory_space<semaphore_mem>>)
        %dma_wait3A_287 = arith.constant 0 : i32
        %dma_wait3A_288 = arith.constant 0 : i32
        %dma_wait3A_289 = tpu.memref_slice %arg9[%dma_wait3A_287, %dma_wait3A_288] : memref<16x128xi32, #tpu.memory_space<vmem>> -> memref<1x128xi32, #tpu.memory_space<vmem>>
        %dma_wait3A_290 = tpu.memref_squeeze %dma_wait3A_289 : memref<1x128xi32, #tpu.memory_space<vmem>> -> memref<128xi32, #tpu.memory_space<vmem>>
        %dma_wait3A_291 = arith.constant 0 : i32
        %dma_wait3A_292 = arith.constant 0 : i32
        %dma_wait3A_293 = tpu.memref_slice %arg3[%dma_wait3A_291, %dma_wait3A_292] : memref<10000x128xf32, #tpu.memory_space<hbm>> -> memref<10000x128xf32, #tpu.memory_space<hbm>>
        tpu.wait_indirect_dma semaphore(%arg17 : memref<!tpu.dma_semaphore, #tpu.memory_space<semaphore_mem>>) src(%dma_wait3A_293 : memref<10000x128xf32, #tpu.memory_space<hbm>>) dst(%arg14 : memref<128x128xf32, #tpu.memory_space<vmem>>)
        %run_scoped3A_294 = arith.constant 13 : i32
        "tpu.region"() ({
          %run_scoped3A_593 = tpu.sem_alloc : memref<!tpu.dma_semaphore, #tpu.memory_space<semaphore_mem>>
          %dma_start3A_594 = arith.constant 0 : i32
          %dma_start3A_595 = tpu.memref_slice %arg11[%run_scoped3A_294, %dma_start3A_594] : memref<16x128xi32, #tpu.memory_space<vmem>> -> memref<1x128xi32, #tpu.memory_space<vmem>>
          %dma_start3A_596 = tpu.memref_squeeze %dma_start3A_595 : memref<1x128xi32, #tpu.memory_space<vmem>> -> memref<128xi32, #tpu.memory_space<vmem>>
          %dma_start3A_597 = arith.constant 0 : i32
          %dma_start3A_598 = arith.constant 0 : i32
          %dma_start3A_599 = tpu.memref_slice %arg15[%dma_start3A_597, %dma_start3A_598] : memref<10112x128xf32, #tpu.memory_space<vmem_shared>> -> memref<10112x128xf32, #tpu.memory_space<vmem_shared>>
          tpu.enqueue_indirect_dma source(%arg14 : memref<128x128xf32, #tpu.memory_space<vmem>>) target(%dma_start3A_599 : memref<10112x128xf32, #tpu.memory_space<vmem_shared>>) offsets(%dma_start3A_596 : memref<128xi32, #tpu.memory_space<vmem>>) semaphore(%run_scoped3A_593 : memref<!tpu.dma_semaphore, #tpu.memory_space<semaphore_mem>>) {add = true}
          %dma_wait3A_600 = arith.constant 0 : i32
          %dma_wait3A_601 = tpu.memref_slice %arg11[%run_scoped3A_294, %dma_wait3A_600] : memref<16x128xi32, #tpu.memory_space<vmem>> -> memref<1x128xi32, #tpu.memory_space<vmem>>
          %dma_wait3A_602 = tpu.memref_squeeze %dma_wait3A_601 : memref<1x128xi32, #tpu.memory_space<vmem>> -> memref<128xi32, #tpu.memory_space<vmem>>
          %dma_wait3A_603 = arith.constant 0 : i32
          %dma_wait3A_604 = arith.constant 0 : i32
          %dma_wait3A_605 = tpu.memref_slice %arg15[%dma_wait3A_603, %dma_wait3A_604] : memref<10112x128xf32, #tpu.memory_space<vmem_shared>> -> memref<10112x128xf32, #tpu.memory_space<vmem_shared>>
          tpu.wait_indirect_dma semaphore(%run_scoped3A_593 : memref<!tpu.dma_semaphore, #tpu.memory_space<semaphore_mem>>) src(%arg14 : memref<128x128xf32, #tpu.memory_space<vmem>>) dst(%dma_wait3A_605 : memref<10112x128xf32, #tpu.memory_space<vmem_shared>>)
          tpu.yield
        }) : () -> ()
        %dma_start3A_295 = arith.constant 15 : i32
        %dma_start3A_296 = arith.constant 0 : i32
        %dma_start3A_297 = tpu.memref_slice %arg9[%dma_start3A_295, %dma_start3A_296] : memref<16x128xi32, #tpu.memory_space<vmem>> -> memref<1x128xi32, #tpu.memory_space<vmem>>
        %dma_start3A_298 = tpu.memref_squeeze %dma_start3A_297 : memref<1x128xi32, #tpu.memory_space<vmem>> -> memref<128xi32, #tpu.memory_space<vmem>>
        %dma_start3A_299 = arith.constant 0 : i32
        %dma_start3A_300 = arith.constant 0 : i32
        %dma_start3A_301 = tpu.memref_slice %arg3[%dma_start3A_299, %dma_start3A_300] : memref<10000x128xf32, #tpu.memory_space<hbm>> -> memref<10000x128xf32, #tpu.memory_space<hbm>>
        tpu.enqueue_indirect_dma source(%dma_start3A_301 : memref<10000x128xf32, #tpu.memory_space<hbm>>) target(%arg14 : memref<128x128xf32, #tpu.memory_space<vmem>>) offsets(%dma_start3A_298 : memref<128xi32, #tpu.memory_space<vmem>>) semaphore(%arg17 : memref<!tpu.dma_semaphore, #tpu.memory_space<semaphore_mem>>)
        %dma_wait3A_302 = arith.constant 0 : i32
        %dma_wait3A_303 = arith.constant 0 : i32
        %dma_wait3A_304 = tpu.memref_slice %arg9[%dma_wait3A_302, %dma_wait3A_303] : memref<16x128xi32, #tpu.memory_space<vmem>> -> memref<1x128xi32, #tpu.memory_space<vmem>>
        %dma_wait3A_305 = tpu.memref_squeeze %dma_wait3A_304 : memref<1x128xi32, #tpu.memory_space<vmem>> -> memref<128xi32, #tpu.memory_space<vmem>>
        %dma_wait3A_306 = arith.constant 0 : i32
        %dma_wait3A_307 = arith.constant 0 : i32
        %dma_wait3A_308 = tpu.memref_slice %arg3[%dma_wait3A_306, %dma_wait3A_307] : memref<10000x128xf32, #tpu.memory_space<hbm>> -> memref<10000x128xf32, #tpu.memory_space<hbm>>
        tpu.wait_indirect_dma semaphore(%arg16 : memref<!tpu.dma_semaphore, #tpu.memory_space<semaphore_mem>>) src(%dma_wait3A_308 : memref<10000x128xf32, #tpu.memory_space<hbm>>) dst(%arg13 : memref<128x128xf32, #tpu.memory_space<vmem>>)
        %run_scoped3A_309 = arith.constant 14 : i32
        "tpu.region"() ({
          %run_scoped3A_593 = tpu.sem_alloc : memref<!tpu.dma_semaphore, #tpu.memory_space<semaphore_mem>>
          %dma_start3A_594 = arith.constant 0 : i32
          %dma_start3A_595 = tpu.memref_slice %arg11[%run_scoped3A_309, %dma_start3A_594] : memref<16x128xi32, #tpu.memory_space<vmem>> -> memref<1x128xi32, #tpu.memory_space<vmem>>
          %dma_start3A_596 = tpu.memref_squeeze %dma_start3A_595 : memref<1x128xi32, #tpu.memory_space<vmem>> -> memref<128xi32, #tpu.memory_space<vmem>>
          %dma_start3A_597 = arith.constant 0 : i32
          %dma_start3A_598 = arith.constant 0 : i32
          %dma_start3A_599 = tpu.memref_slice %arg15[%dma_start3A_597, %dma_start3A_598] : memref<10112x128xf32, #tpu.memory_space<vmem_shared>> -> memref<10112x128xf32, #tpu.memory_space<vmem_shared>>
          tpu.enqueue_indirect_dma source(%arg13 : memref<128x128xf32, #tpu.memory_space<vmem>>) target(%dma_start3A_599 : memref<10112x128xf32, #tpu.memory_space<vmem_shared>>) offsets(%dma_start3A_596 : memref<128xi32, #tpu.memory_space<vmem>>) semaphore(%run_scoped3A_593 : memref<!tpu.dma_semaphore, #tpu.memory_space<semaphore_mem>>) {add = true}
          %dma_wait3A_600 = arith.constant 0 : i32
          %dma_wait3A_601 = tpu.memref_slice %arg11[%run_scoped3A_309, %dma_wait3A_600] : memref<16x128xi32, #tpu.memory_space<vmem>> -> memref<1x128xi32, #tpu.memory_space<vmem>>
          %dma_wait3A_602 = tpu.memref_squeeze %dma_wait3A_601 : memref<1x128xi32, #tpu.memory_space<vmem>> -> memref<128xi32, #tpu.memory_space<vmem>>
          %dma_wait3A_603 = arith.constant 0 : i32
          %dma_wait3A_604 = arith.constant 0 : i32
          %dma_wait3A_605 = tpu.memref_slice %arg15[%dma_wait3A_603, %dma_wait3A_604] : memref<10112x128xf32, #tpu.memory_space<vmem_shared>> -> memref<10112x128xf32, #tpu.memory_space<vmem_shared>>
          tpu.wait_indirect_dma semaphore(%run_scoped3A_593 : memref<!tpu.dma_semaphore, #tpu.memory_space<semaphore_mem>>) src(%arg13 : memref<128x128xf32, #tpu.memory_space<vmem>>) dst(%dma_wait3A_605 : memref<10112x128xf32, #tpu.memory_space<vmem_shared>>)
          tpu.yield
        }) : () -> ()
        %dma_wait3A_310 = arith.constant 0 : i32
        %dma_wait3A_311 = arith.constant 0 : i32
        %dma_wait3A_312 = tpu.memref_slice %arg4[%arg1, %dma_wait3A_310, %dma_wait3A_311] : memref<16x160x128xi32, #tpu.memory_space<hbm>> -> memref<1x16x128xi32, #tpu.memory_space<hbm>>
        %dma_wait3A_313 = tpu.memref_squeeze %dma_wait3A_312 : memref<1x16x128xi32, #tpu.memory_space<hbm>> -> memref<16x128xi32, #tpu.memory_space<hbm>>
        %dma_wait3A_314 = arith.constant 0 : i32
        %dma_wait3A_315 = arith.constant 0 : i32
        %dma_wait3A_316 = tpu.memref_slice %arg4[%arg1, %dma_wait3A_314, %dma_wait3A_315] : memref<16x160x128xi32, #tpu.memory_space<hbm>> -> memref<1x16x128xi32, #tpu.memory_space<hbm>>
        %dma_wait3A_317 = tpu.memref_squeeze %dma_wait3A_316 : memref<1x16x128xi32, #tpu.memory_space<hbm>> -> memref<16x128xi32, #tpu.memory_space<hbm>>
        tpu.wait_dma2 semaphore(%arg18 : memref<!tpu.dma_semaphore, #tpu.memory_space<semaphore_mem>>) src(%dma_wait3A_317 : memref<16x128xi32, #tpu.memory_space<hbm>>) dst(%arg10 : memref<16x128xi32, #tpu.memory_space<vmem>>)
        %dma_wait3A_318 = arith.constant 0 : i32
        %dma_wait3A_319 = arith.constant 0 : i32
        %dma_wait3A_320 = tpu.memref_slice %arg4[%arg1, %dma_wait3A_318, %dma_wait3A_319] : memref<16x160x128xi32, #tpu.memory_space<hbm>> -> memref<1x16x128xi32, #tpu.memory_space<hbm>>
        %dma_wait3A_321 = tpu.memref_squeeze %dma_wait3A_320 : memref<1x16x128xi32, #tpu.memory_space<hbm>> -> memref<16x128xi32, #tpu.memory_space<hbm>>
        %dma_wait3A_322 = arith.constant 0 : i32
        %dma_wait3A_323 = arith.constant 0 : i32
        %dma_wait3A_324 = tpu.memref_slice %arg4[%arg1, %dma_wait3A_322, %dma_wait3A_323] : memref<16x160x128xi32, #tpu.memory_space<hbm>> -> memref<1x16x128xi32, #tpu.memory_space<hbm>>
        %dma_wait3A_325 = tpu.memref_squeeze %dma_wait3A_324 : memref<1x16x128xi32, #tpu.memory_space<hbm>> -> memref<16x128xi32, #tpu.memory_space<hbm>>
        tpu.wait_dma2 semaphore(%arg18 : memref<!tpu.dma_semaphore, #tpu.memory_space<semaphore_mem>>) src(%dma_wait3A_325 : memref<16x128xi32, #tpu.memory_space<hbm>>) dst(%arg12 : memref<16x128xi32, #tpu.memory_space<vmem>>)
        %dma_start3A_326 = arith.constant 0 : i32
        %dma_start3A_327 = arith.constant 0 : i32
        %dma_start3A_328 = tpu.memref_slice %arg10[%dma_start3A_326, %dma_start3A_327] : memref<16x128xi32, #tpu.memory_space<vmem>> -> memref<1x128xi32, #tpu.memory_space<vmem>>
        %dma_start3A_329 = tpu.memref_squeeze %dma_start3A_328 : memref<1x128xi32, #tpu.memory_space<vmem>> -> memref<128xi32, #tpu.memory_space<vmem>>
        %dma_start3A_330 = arith.constant 0 : i32
        %dma_start3A_331 = arith.constant 0 : i32
        %dma_start3A_332 = tpu.memref_slice %arg3[%dma_start3A_330, %dma_start3A_331] : memref<10000x128xf32, #tpu.memory_space<hbm>> -> memref<10000x128xf32, #tpu.memory_space<hbm>>
        tpu.enqueue_indirect_dma source(%dma_start3A_332 : memref<10000x128xf32, #tpu.memory_space<hbm>>) target(%arg13 : memref<128x128xf32, #tpu.memory_space<vmem>>) offsets(%dma_start3A_329 : memref<128xi32, #tpu.memory_space<vmem>>) semaphore(%arg16 : memref<!tpu.dma_semaphore, #tpu.memory_space<semaphore_mem>>)
        %dma_wait3A_333 = arith.constant 0 : i32
        %dma_wait3A_334 = arith.constant 0 : i32
        %dma_wait3A_335 = tpu.memref_slice %arg9[%dma_wait3A_333, %dma_wait3A_334] : memref<16x128xi32, #tpu.memory_space<vmem>> -> memref<1x128xi32, #tpu.memory_space<vmem>>
        %dma_wait3A_336 = tpu.memref_squeeze %dma_wait3A_335 : memref<1x128xi32, #tpu.memory_space<vmem>> -> memref<128xi32, #tpu.memory_space<vmem>>
        %dma_wait3A_337 = arith.constant 0 : i32
        %dma_wait3A_338 = arith.constant 0 : i32
        %dma_wait3A_339 = tpu.memref_slice %arg3[%dma_wait3A_337, %dma_wait3A_338] : memref<10000x128xf32, #tpu.memory_space<hbm>> -> memref<10000x128xf32, #tpu.memory_space<hbm>>
        tpu.wait_indirect_dma semaphore(%arg17 : memref<!tpu.dma_semaphore, #tpu.memory_space<semaphore_mem>>) src(%dma_wait3A_339 : memref<10000x128xf32, #tpu.memory_space<hbm>>) dst(%arg14 : memref<128x128xf32, #tpu.memory_space<vmem>>)
        %run_scoped3A_340 = arith.constant 15 : i32
        "tpu.region"() ({
          %run_scoped3A_593 = tpu.sem_alloc : memref<!tpu.dma_semaphore, #tpu.memory_space<semaphore_mem>>
          %dma_start3A_594 = arith.constant 0 : i32
          %dma_start3A_595 = tpu.memref_slice %arg11[%run_scoped3A_340, %dma_start3A_594] : memref<16x128xi32, #tpu.memory_space<vmem>> -> memref<1x128xi32, #tpu.memory_space<vmem>>
          %dma_start3A_596 = tpu.memref_squeeze %dma_start3A_595 : memref<1x128xi32, #tpu.memory_space<vmem>> -> memref<128xi32, #tpu.memory_space<vmem>>
          %dma_start3A_597 = arith.constant 0 : i32
          %dma_start3A_598 = arith.constant 0 : i32
          %dma_start3A_599 = tpu.memref_slice %arg15[%dma_start3A_597, %dma_start3A_598] : memref<10112x128xf32, #tpu.memory_space<vmem_shared>> -> memref<10112x128xf32, #tpu.memory_space<vmem_shared>>
          tpu.enqueue_indirect_dma source(%arg14 : memref<128x128xf32, #tpu.memory_space<vmem>>) target(%dma_start3A_599 : memref<10112x128xf32, #tpu.memory_space<vmem_shared>>) offsets(%dma_start3A_596 : memref<128xi32, #tpu.memory_space<vmem>>) semaphore(%run_scoped3A_593 : memref<!tpu.dma_semaphore, #tpu.memory_space<semaphore_mem>>) {add = true}
          %dma_wait3A_600 = arith.constant 0 : i32
          %dma_wait3A_601 = tpu.memref_slice %arg11[%run_scoped3A_340, %dma_wait3A_600] : memref<16x128xi32, #tpu.memory_space<vmem>> -> memref<1x128xi32, #tpu.memory_space<vmem>>
          %dma_wait3A_602 = tpu.memref_squeeze %dma_wait3A_601 : memref<1x128xi32, #tpu.memory_space<vmem>> -> memref<128xi32, #tpu.memory_space<vmem>>
          %dma_wait3A_603 = arith.constant 0 : i32
          %dma_wait3A_604 = arith.constant 0 : i32
          %dma_wait3A_605 = tpu.memref_slice %arg15[%dma_wait3A_603, %dma_wait3A_604] : memref<10112x128xf32, #tpu.memory_space<vmem_shared>> -> memref<10112x128xf32, #tpu.memory_space<vmem_shared>>
          tpu.wait_indirect_dma semaphore(%run_scoped3A_593 : memref<!tpu.dma_semaphore, #tpu.memory_space<semaphore_mem>>) src(%arg14 : memref<128x128xf32, #tpu.memory_space<vmem>>) dst(%dma_wait3A_605 : memref<10112x128xf32, #tpu.memory_space<vmem_shared>>)
          tpu.yield
        }) : () -> ()
        %dma_start3A_341 = arith.constant 1 : i32
        %dma_start3A_342 = arith.constant 0 : i32
        %dma_start3A_343 = tpu.memref_slice %arg10[%dma_start3A_341, %dma_start3A_342] : memref<16x128xi32, #tpu.memory_space<vmem>> -> memref<1x128xi32, #tpu.memory_space<vmem>>
        %dma_start3A_344 = tpu.memref_squeeze %dma_start3A_343 : memref<1x128xi32, #tpu.memory_space<vmem>> -> memref<128xi32, #tpu.memory_space<vmem>>
        %dma_start3A_345 = arith.constant 0 : i32
        %dma_start3A_346 = arith.constant 0 : i32
        %dma_start3A_347 = tpu.memref_slice %arg3[%dma_start3A_345, %dma_start3A_346] : memref<10000x128xf32, #tpu.memory_space<hbm>> -> memref<10000x128xf32, #tpu.memory_space<hbm>>
        tpu.enqueue_indirect_dma source(%dma_start3A_347 : memref<10000x128xf32, #tpu.memory_space<hbm>>) target(%arg14 : memref<128x128xf32, #tpu.memory_space<vmem>>) offsets(%dma_start3A_344 : memref<128xi32, #tpu.memory_space<vmem>>) semaphore(%arg17 : memref<!tpu.dma_semaphore, #tpu.memory_space<semaphore_mem>>)
        %mul3A_348 = arith.constant 2 : i32
        %mul3A_349 = arith.muli %mul3A_348, %scan3A_85 : i32
        %add3A_350 = arith.constant 1 : i32
        %add3A_351 = arith.addi %mul3A_349, %add3A_350 : i32
        %lt3A_352 = arith.constant 4 : i32
        %lt3A_353 = arith.cmpi slt, %scan3A_85, %lt3A_352 : i32
        %convert_element_type3A_354 = arith.extui %lt3A_353 : i1 to i32
        %cond3A_355 = arith.constant 0 : i32
        %cond3A_356 = arith.cmpi ne, %convert_element_type3A_354, %cond3A_355 : i32
        scf.if %cond3A_356 {
          %add3A_593 = arith.constant 1 : i32
          %add3A_594 = arith.addi %add3A_351, %add3A_593 : i32
          %mul3A_595 = arith.constant 16 : i32
          %mul3A_596 = arith.muli %add3A_594, %mul3A_595 : i32
          %dma_start3A_597 = arith.constant 0 : i32
          %dma_start3A_598 = tpu.memref_slice %arg4[%arg1, %mul3A_596, %dma_start3A_597] : memref<16x160x128xi32, #tpu.memory_space<hbm>> -> memref<1x16x128xi32, #tpu.memory_space<hbm>>
          %dma_start3A_599 = tpu.memref_squeeze %dma_start3A_598 : memref<1x16x128xi32, #tpu.memory_space<hbm>> -> memref<16x128xi32, #tpu.memory_space<hbm>>
          %dma_start3A_600 = arith.constant 0 : i32
          %dma_start3A_601 = tpu.memref_slice %arg4[%arg1, %mul3A_596, %dma_start3A_600] : memref<16x160x128xi32, #tpu.memory_space<hbm>> -> memref<1x16x128xi32, #tpu.memory_space<hbm>>
          %dma_start3A_602 = tpu.memref_squeeze %dma_start3A_601 : memref<1x16x128xi32, #tpu.memory_space<hbm>> -> memref<16x128xi32, #tpu.memory_space<hbm>>
          tpu.enqueue_dma source(%dma_start3A_602 : memref<16x128xi32, #tpu.memory_space<hbm>>) target(%arg9 : memref<16x128xi32, #tpu.memory_space<vmem>>) target_semaphore(%arg18 : memref<!tpu.dma_semaphore, #tpu.memory_space<semaphore_mem>>)
          %mul3A_603 = arith.constant 16 : i32
          %mul3A_604 = arith.muli %add3A_594, %mul3A_603 : i32
          %dma_start3A_605 = arith.constant 0 : i32
          %dma_start3A_606 = tpu.memref_slice %arg5[%arg1, %mul3A_604, %dma_start3A_605] : memref<16x160x128xi32, #tpu.memory_space<hbm>> -> memref<1x16x128xi32, #tpu.memory_space<hbm>>
          %dma_start3A_607 = tpu.memref_squeeze %dma_start3A_606 : memref<1x16x128xi32, #tpu.memory_space<hbm>> -> memref<16x128xi32, #tpu.memory_space<hbm>>
          %dma_start3A_608 = arith.constant 0 : i32
          %dma_start3A_609 = tpu.memref_slice %arg5[%arg1, %mul3A_604, %dma_start3A_608] : memref<16x160x128xi32, #tpu.memory_space<hbm>> -> memref<1x16x128xi32, #tpu.memory_space<hbm>>
          %dma_start3A_610 = tpu.memref_squeeze %dma_start3A_609 : memref<1x16x128xi32, #tpu.memory_space<hbm>> -> memref<16x128xi32, #tpu.memory_space<hbm>>
          tpu.enqueue_dma source(%dma_start3A_610 : memref<16x128xi32, #tpu.memory_space<hbm>>) target(%arg11 : memref<16x128xi32, #tpu.memory_space<vmem>>) target_semaphore(%arg18 : memref<!tpu.dma_semaphore, #tpu.memory_space<semaphore_mem>>)
        } else {
        }
        %dma_wait3A_357 = arith.constant 0 : i32
        %dma_wait3A_358 = arith.constant 0 : i32
        %dma_wait3A_359 = tpu.memref_slice %arg9[%dma_wait3A_357, %dma_wait3A_358] : memref<16x128xi32, #tpu.memory_space<vmem>> -> memref<1x128xi32, #tpu.memory_space<vmem>>
        %dma_wait3A_360 = tpu.memref_squeeze %dma_wait3A_359 : memref<1x128xi32, #tpu.memory_space<vmem>> -> memref<128xi32, #tpu.memory_space<vmem>>
        %dma_wait3A_361 = arith.constant 0 : i32
        %dma_wait3A_362 = arith.constant 0 : i32
        %dma_wait3A_363 = tpu.memref_slice %arg3[%dma_wait3A_361, %dma_wait3A_362] : memref<10000x128xf32, #tpu.memory_space<hbm>> -> memref<10000x128xf32, #tpu.memory_space<hbm>>
        tpu.wait_indirect_dma semaphore(%arg16 : memref<!tpu.dma_semaphore, #tpu.memory_space<semaphore_mem>>) src(%dma_wait3A_363 : memref<10000x128xf32, #tpu.memory_space<hbm>>) dst(%arg13 : memref<128x128xf32, #tpu.memory_space<vmem>>)
        %run_scoped3A_364 = arith.constant 0 : i32
        "tpu.region"() ({
          %run_scoped3A_593 = tpu.sem_alloc : memref<!tpu.dma_semaphore, #tpu.memory_space<semaphore_mem>>
          %dma_start3A_594 = arith.constant 0 : i32
          %dma_start3A_595 = tpu.memref_slice %arg12[%run_scoped3A_364, %dma_start3A_594] : memref<16x128xi32, #tpu.memory_space<vmem>> -> memref<1x128xi32, #tpu.memory_space<vmem>>
          %dma_start3A_596 = tpu.memref_squeeze %dma_start3A_595 : memref<1x128xi32, #tpu.memory_space<vmem>> -> memref<128xi32, #tpu.memory_space<vmem>>
          %dma_start3A_597 = arith.constant 0 : i32
          %dma_start3A_598 = arith.constant 0 : i32
          %dma_start3A_599 = tpu.memref_slice %arg15[%dma_start3A_597, %dma_start3A_598] : memref<10112x128xf32, #tpu.memory_space<vmem_shared>> -> memref<10112x128xf32, #tpu.memory_space<vmem_shared>>
          tpu.enqueue_indirect_dma source(%arg13 : memref<128x128xf32, #tpu.memory_space<vmem>>) target(%dma_start3A_599 : memref<10112x128xf32, #tpu.memory_space<vmem_shared>>) offsets(%dma_start3A_596 : memref<128xi32, #tpu.memory_space<vmem>>) semaphore(%run_scoped3A_593 : memref<!tpu.dma_semaphore, #tpu.memory_space<semaphore_mem>>) {add = true}
          %dma_wait3A_600 = arith.constant 0 : i32
          %dma_wait3A_601 = tpu.memref_slice %arg12[%run_scoped3A_364, %dma_wait3A_600] : memref<16x128xi32, #tpu.memory_space<vmem>> -> memref<1x128xi32, #tpu.memory_space<vmem>>
          %dma_wait3A_602 = tpu.memref_squeeze %dma_wait3A_601 : memref<1x128xi32, #tpu.memory_space<vmem>> -> memref<128xi32, #tpu.memory_space<vmem>>
          %dma_wait3A_603 = arith.constant 0 : i32
          %dma_wait3A_604 = arith.constant 0 : i32
          %dma_wait3A_605 = tpu.memref_slice %arg15[%dma_wait3A_603, %dma_wait3A_604] : memref<10112x128xf32, #tpu.memory_space<vmem_shared>> -> memref<10112x128xf32, #tpu.memory_space<vmem_shared>>
          tpu.wait_indirect_dma semaphore(%run_scoped3A_593 : memref<!tpu.dma_semaphore, #tpu.memory_space<semaphore_mem>>) src(%arg13 : memref<128x128xf32, #tpu.memory_space<vmem>>) dst(%dma_wait3A_605 : memref<10112x128xf32, #tpu.memory_space<vmem_shared>>)
          tpu.yield
        }) : () -> ()
        %dma_start3A_365 = arith.constant 2 : i32
        %dma_start3A_366 = arith.constant 0 : i32
        %dma_start3A_367 = tpu.memref_slice %arg10[%dma_start3A_365, %dma_start3A_366] : memref<16x128xi32, #tpu.memory_space<vmem>> -> memref<1x128xi32, #tpu.memory_space<vmem>>
        %dma_start3A_368 = tpu.memref_squeeze %dma_start3A_367 : memref<1x128xi32, #tpu.memory_space<vmem>> -> memref<128xi32, #tpu.memory_space<vmem>>
        %dma_start3A_369 = arith.constant 0 : i32
        %dma_start3A_370 = arith.constant 0 : i32
        %dma_start3A_371 = tpu.memref_slice %arg3[%dma_start3A_369, %dma_start3A_370] : memref<10000x128xf32, #tpu.memory_space<hbm>> -> memref<10000x128xf32, #tpu.memory_space<hbm>>
        tpu.enqueue_indirect_dma source(%dma_start3A_371 : memref<10000x128xf32, #tpu.memory_space<hbm>>) target(%arg13 : memref<128x128xf32, #tpu.memory_space<vmem>>) offsets(%dma_start3A_368 : memref<128xi32, #tpu.memory_space<vmem>>) semaphore(%arg16 : memref<!tpu.dma_semaphore, #tpu.memory_space<semaphore_mem>>)
        %dma_wait3A_372 = arith.constant 0 : i32
        %dma_wait3A_373 = arith.constant 0 : i32
        %dma_wait3A_374 = tpu.memref_slice %arg9[%dma_wait3A_372, %dma_wait3A_373] : memref<16x128xi32, #tpu.memory_space<vmem>> -> memref<1x128xi32, #tpu.memory_space<vmem>>
        %dma_wait3A_375 = tpu.memref_squeeze %dma_wait3A_374 : memref<1x128xi32, #tpu.memory_space<vmem>> -> memref<128xi32, #tpu.memory_space<vmem>>
        %dma_wait3A_376 = arith.constant 0 : i32
        %dma_wait3A_377 = arith.constant 0 : i32
        %dma_wait3A_378 = tpu.memref_slice %arg3[%dma_wait3A_376, %dma_wait3A_377] : memref<10000x128xf32, #tpu.memory_space<hbm>> -> memref<10000x128xf32, #tpu.memory_space<hbm>>
        tpu.wait_indirect_dma semaphore(%arg17 : memref<!tpu.dma_semaphore, #tpu.memory_space<semaphore_mem>>) src(%dma_wait3A_378 : memref<10000x128xf32, #tpu.memory_space<hbm>>) dst(%arg14 : memref<128x128xf32, #tpu.memory_space<vmem>>)
        %run_scoped3A_379 = arith.constant 1 : i32
        "tpu.region"() ({
          %run_scoped3A_593 = tpu.sem_alloc : memref<!tpu.dma_semaphore, #tpu.memory_space<semaphore_mem>>
          %dma_start3A_594 = arith.constant 0 : i32
          %dma_start3A_595 = tpu.memref_slice %arg12[%run_scoped3A_379, %dma_start3A_594] : memref<16x128xi32, #tpu.memory_space<vmem>> -> memref<1x128xi32, #tpu.memory_space<vmem>>
          %dma_start3A_596 = tpu.memref_squeeze %dma_start3A_595 : memref<1x128xi32, #tpu.memory_space<vmem>> -> memref<128xi32, #tpu.memory_space<vmem>>
          %dma_start3A_597 = arith.constant 0 : i32
          %dma_start3A_598 = arith.constant 0 : i32
          %dma_start3A_599 = tpu.memref_slice %arg15[%dma_start3A_597, %dma_start3A_598] : memref<10112x128xf32, #tpu.memory_space<vmem_shared>> -> memref<10112x128xf32, #tpu.memory_space<vmem_shared>>
          tpu.enqueue_indirect_dma source(%arg14 : memref<128x128xf32, #tpu.memory_space<vmem>>) target(%dma_start3A_599 : memref<10112x128xf32, #tpu.memory_space<vmem_shared>>) offsets(%dma_start3A_596 : memref<128xi32, #tpu.memory_space<vmem>>) semaphore(%run_scoped3A_593 : memref<!tpu.dma_semaphore, #tpu.memory_space<semaphore_mem>>) {add = true}
          %dma_wait3A_600 = arith.constant 0 : i32
          %dma_wait3A_601 = tpu.memref_slice %arg12[%run_scoped3A_379, %dma_wait3A_600] : memref<16x128xi32, #tpu.memory_space<vmem>> -> memref<1x128xi32, #tpu.memory_space<vmem>>
          %dma_wait3A_602 = tpu.memref_squeeze %dma_wait3A_601 : memref<1x128xi32, #tpu.memory_space<vmem>> -> memref<128xi32, #tpu.memory_space<vmem>>
          %dma_wait3A_603 = arith.constant 0 : i32
          %dma_wait3A_604 = arith.constant 0 : i32
          %dma_wait3A_605 = tpu.memref_slice %arg15[%dma_wait3A_603, %dma_wait3A_604] : memref<10112x128xf32, #tpu.memory_space<vmem_shared>> -> memref<10112x128xf32, #tpu.memory_space<vmem_shared>>
          tpu.wait_indirect_dma semaphore(%run_scoped3A_593 : memref<!tpu.dma_semaphore, #tpu.memory_space<semaphore_mem>>) src(%arg14 : memref<128x128xf32, #tpu.memory_space<vmem>>) dst(%dma_wait3A_605 : memref<10112x128xf32, #tpu.memory_space<vmem_shared>>)
          tpu.yield
        }) : () -> ()
        %dma_start3A_380 = arith.constant 3 : i32
        %dma_start3A_381 = arith.constant 0 : i32
        %dma_start3A_382 = tpu.memref_slice %arg10[%dma_start3A_380, %dma_start3A_381] : memref<16x128xi32, #tpu.memory_space<vmem>> -> memref<1x128xi32, #tpu.memory_space<vmem>>
        %dma_start3A_383 = tpu.memref_squeeze %dma_start3A_382 : memref<1x128xi32, #tpu.memory_space<vmem>> -> memref<128xi32, #tpu.memory_space<vmem>>
        %dma_start3A_384 = arith.constant 0 : i32
        %dma_start3A_385 = arith.constant 0 : i32
        %dma_start3A_386 = tpu.memref_slice %arg3[%dma_start3A_384, %dma_start3A_385] : memref<10000x128xf32, #tpu.memory_space<hbm>> -> memref<10000x128xf32, #tpu.memory_space<hbm>>
        tpu.enqueue_indirect_dma source(%dma_start3A_386 : memref<10000x128xf32, #tpu.memory_space<hbm>>) target(%arg14 : memref<128x128xf32, #tpu.memory_space<vmem>>) offsets(%dma_start3A_383 : memref<128xi32, #tpu.memory_space<vmem>>) semaphore(%arg17 : memref<!tpu.dma_semaphore, #tpu.memory_space<semaphore_mem>>)
        %dma_wait3A_387 = arith.constant 0 : i32
        %dma_wait3A_388 = arith.constant 0 : i32
        %dma_wait3A_389 = tpu.memref_slice %arg9[%dma_wait3A_387, %dma_wait3A_388] : memref<16x128xi32, #tpu.memory_space<vmem>> -> memref<1x128xi32, #tpu.memory_space<vmem>>
        %dma_wait3A_390 = tpu.memref_squeeze %dma_wait3A_389 : memref<1x128xi32, #tpu.memory_space<vmem>> -> memref<128xi32, #tpu.memory_space<vmem>>
        %dma_wait3A_391 = arith.constant 0 : i32
        %dma_wait3A_392 = arith.constant 0 : i32
        %dma_wait3A_393 = tpu.memref_slice %arg3[%dma_wait3A_391, %dma_wait3A_392] : memref<10000x128xf32, #tpu.memory_space<hbm>> -> memref<10000x128xf32, #tpu.memory_space<hbm>>
        tpu.wait_indirect_dma semaphore(%arg16 : memref<!tpu.dma_semaphore, #tpu.memory_space<semaphore_mem>>) src(%dma_wait3A_393 : memref<10000x128xf32, #tpu.memory_space<hbm>>) dst(%arg13 : memref<128x128xf32, #tpu.memory_space<vmem>>)
        %run_scoped3A_394 = arith.constant 2 : i32
        "tpu.region"() ({
          %run_scoped3A_593 = tpu.sem_alloc : memref<!tpu.dma_semaphore, #tpu.memory_space<semaphore_mem>>
          %dma_start3A_594 = arith.constant 0 : i32
          %dma_start3A_595 = tpu.memref_slice %arg12[%run_scoped3A_394, %dma_start3A_594] : memref<16x128xi32, #tpu.memory_space<vmem>> -> memref<1x128xi32, #tpu.memory_space<vmem>>
          %dma_start3A_596 = tpu.memref_squeeze %dma_start3A_595 : memref<1x128xi32, #tpu.memory_space<vmem>> -> memref<128xi32, #tpu.memory_space<vmem>>
          %dma_start3A_597 = arith.constant 0 : i32
          %dma_start3A_598 = arith.constant 0 : i32
          %dma_start3A_599 = tpu.memref_slice %arg15[%dma_start3A_597, %dma_start3A_598] : memref<10112x128xf32, #tpu.memory_space<vmem_shared>> -> memref<10112x128xf32, #tpu.memory_space<vmem_shared>>
          tpu.enqueue_indirect_dma source(%arg13 : memref<128x128xf32, #tpu.memory_space<vmem>>) target(%dma_start3A_599 : memref<10112x128xf32, #tpu.memory_space<vmem_shared>>) offsets(%dma_start3A_596 : memref<128xi32, #tpu.memory_space<vmem>>) semaphore(%run_scoped3A_593 : memref<!tpu.dma_semaphore, #tpu.memory_space<semaphore_mem>>) {add = true}
          %dma_wait3A_600 = arith.constant 0 : i32
          %dma_wait3A_601 = tpu.memref_slice %arg12[%run_scoped3A_394, %dma_wait3A_600] : memref<16x128xi32, #tpu.memory_space<vmem>> -> memref<1x128xi32, #tpu.memory_space<vmem>>
          %dma_wait3A_602 = tpu.memref_squeeze %dma_wait3A_601 : memref<1x128xi32, #tpu.memory_space<vmem>> -> memref<128xi32, #tpu.memory_space<vmem>>
          %dma_wait3A_603 = arith.constant 0 : i32
          %dma_wait3A_604 = arith.constant 0 : i32
          %dma_wait3A_605 = tpu.memref_slice %arg15[%dma_wait3A_603, %dma_wait3A_604] : memref<10112x128xf32, #tpu.memory_space<vmem_shared>> -> memref<10112x128xf32, #tpu.memory_space<vmem_shared>>
          tpu.wait_indirect_dma semaphore(%run_scoped3A_593 : memref<!tpu.dma_semaphore, #tpu.memory_space<semaphore_mem>>) src(%arg13 : memref<128x128xf32, #tpu.memory_space<vmem>>) dst(%dma_wait3A_605 : memref<10112x128xf32, #tpu.memory_space<vmem_shared>>)
          tpu.yield
        }) : () -> ()
        %dma_start3A_395 = arith.constant 4 : i32
        %dma_start3A_396 = arith.constant 0 : i32
        %dma_start3A_397 = tpu.memref_slice %arg10[%dma_start3A_395, %dma_start3A_396] : memref<16x128xi32, #tpu.memory_space<vmem>> -> memref<1x128xi32, #tpu.memory_space<vmem>>
        %dma_start3A_398 = tpu.memref_squeeze %dma_start3A_397 : memref<1x128xi32, #tpu.memory_space<vmem>> -> memref<128xi32, #tpu.memory_space<vmem>>
        %dma_start3A_399 = arith.constant 0 : i32
        %dma_start3A_400 = arith.constant 0 : i32
        %dma_start3A_401 = tpu.memref_slice %arg3[%dma_start3A_399, %dma_start3A_400] : memref<10000x128xf32, #tpu.memory_space<hbm>> -> memref<10000x128xf32, #tpu.memory_space<hbm>>
        tpu.enqueue_indirect_dma source(%dma_start3A_401 : memref<10000x128xf32, #tpu.memory_space<hbm>>) target(%arg13 : memref<128x128xf32, #tpu.memory_space<vmem>>) offsets(%dma_start3A_398 : memref<128xi32, #tpu.memory_space<vmem>>) semaphore(%arg16 : memref<!tpu.dma_semaphore, #tpu.memory_space<semaphore_mem>>)
        %dma_wait3A_402 = arith.constant 0 : i32
        %dma_wait3A_403 = arith.constant 0 : i32
        %dma_wait3A_404 = tpu.memref_slice %arg9[%dma_wait3A_402, %dma_wait3A_403] : memref<16x128xi32, #tpu.memory_space<vmem>> -> memref<1x128xi32, #tpu.memory_space<vmem>>
        %dma_wait3A_405 = tpu.memref_squeeze %dma_wait3A_404 : memref<1x128xi32, #tpu.memory_space<vmem>> -> memref<128xi32, #tpu.memory_space<vmem>>
        %dma_wait3A_406 = arith.constant 0 : i32
        %dma_wait3A_407 = arith.constant 0 : i32
        %dma_wait3A_408 = tpu.memref_slice %arg3[%dma_wait3A_406, %dma_wait3A_407] : memref<10000x128xf32, #tpu.memory_space<hbm>> -> memref<10000x128xf32, #tpu.memory_space<hbm>>
        tpu.wait_indirect_dma semaphore(%arg17 : memref<!tpu.dma_semaphore, #tpu.memory_space<semaphore_mem>>) src(%dma_wait3A_408 : memref<10000x128xf32, #tpu.memory_space<hbm>>) dst(%arg14 : memref<128x128xf32, #tpu.memory_space<vmem>>)
        %run_scoped3A_409 = arith.constant 3 : i32
        "tpu.region"() ({
          %run_scoped3A_593 = tpu.sem_alloc : memref<!tpu.dma_semaphore, #tpu.memory_space<semaphore_mem>>
          %dma_start3A_594 = arith.constant 0 : i32
          %dma_start3A_595 = tpu.memref_slice %arg12[%run_scoped3A_409, %dma_start3A_594] : memref<16x128xi32, #tpu.memory_space<vmem>> -> memref<1x128xi32, #tpu.memory_space<vmem>>
          %dma_start3A_596 = tpu.memref_squeeze %dma_start3A_595 : memref<1x128xi32, #tpu.memory_space<vmem>> -> memref<128xi32, #tpu.memory_space<vmem>>
          %dma_start3A_597 = arith.constant 0 : i32
          %dma_start3A_598 = arith.constant 0 : i32
          %dma_start3A_599 = tpu.memref_slice %arg15[%dma_start3A_597, %dma_start3A_598] : memref<10112x128xf32, #tpu.memory_space<vmem_shared>> -> memref<10112x128xf32, #tpu.memory_space<vmem_shared>>
          tpu.enqueue_indirect_dma source(%arg14 : memref<128x128xf32, #tpu.memory_space<vmem>>) target(%dma_start3A_599 : memref<10112x128xf32, #tpu.memory_space<vmem_shared>>) offsets(%dma_start3A_596 : memref<128xi32, #tpu.memory_space<vmem>>) semaphore(%run_scoped3A_593 : memref<!tpu.dma_semaphore, #tpu.memory_space<semaphore_mem>>) {add = true}
          %dma_wait3A_600 = arith.constant 0 : i32
          %dma_wait3A_601 = tpu.memref_slice %arg12[%run_scoped3A_409, %dma_wait3A_600] : memref<16x128xi32, #tpu.memory_space<vmem>> -> memref<1x128xi32, #tpu.memory_space<vmem>>
          %dma_wait3A_602 = tpu.memref_squeeze %dma_wait3A_601 : memref<1x128xi32, #tpu.memory_space<vmem>> -> memref<128xi32, #tpu.memory_space<vmem>>
          %dma_wait3A_603 = arith.constant 0 : i32
          %dma_wait3A_604 = arith.constant 0 : i32
          %dma_wait3A_605 = tpu.memref_slice %arg15[%dma_wait3A_603, %dma_wait3A_604] : memref<10112x128xf32, #tpu.memory_space<vmem_shared>> -> memref<10112x128xf32, #tpu.memory_space<vmem_shared>>
          tpu.wait_indirect_dma semaphore(%run_scoped3A_593 : memref<!tpu.dma_semaphore, #tpu.memory_space<semaphore_mem>>) src(%arg14 : memref<128x128xf32, #tpu.memory_space<vmem>>) dst(%dma_wait3A_605 : memref<10112x128xf32, #tpu.memory_space<vmem_shared>>)
          tpu.yield
        }) : () -> ()
        %dma_start3A_410 = arith.constant 5 : i32
        %dma_start3A_411 = arith.constant 0 : i32
        %dma_start3A_412 = tpu.memref_slice %arg10[%dma_start3A_410, %dma_start3A_411] : memref<16x128xi32, #tpu.memory_space<vmem>> -> memref<1x128xi32, #tpu.memory_space<vmem>>
        %dma_start3A_413 = tpu.memref_squeeze %dma_start3A_412 : memref<1x128xi32, #tpu.memory_space<vmem>> -> memref<128xi32, #tpu.memory_space<vmem>>
        %dma_start3A_414 = arith.constant 0 : i32
        %dma_start3A_415 = arith.constant 0 : i32
        %dma_start3A_416 = tpu.memref_slice %arg3[%dma_start3A_414, %dma_start3A_415] : memref<10000x128xf32, #tpu.memory_space<hbm>> -> memref<10000x128xf32, #tpu.memory_space<hbm>>
        tpu.enqueue_indirect_dma source(%dma_start3A_416 : memref<10000x128xf32, #tpu.memory_space<hbm>>) target(%arg14 : memref<128x128xf32, #tpu.memory_space<vmem>>) offsets(%dma_start3A_413 : memref<128xi32, #tpu.memory_space<vmem>>) semaphore(%arg17 : memref<!tpu.dma_semaphore, #tpu.memory_space<semaphore_mem>>)
        %dma_wait3A_417 = arith.constant 0 : i32
        %dma_wait3A_418 = arith.constant 0 : i32
        %dma_wait3A_419 = tpu.memref_slice %arg9[%dma_wait3A_417, %dma_wait3A_418] : memref<16x128xi32, #tpu.memory_space<vmem>> -> memref<1x128xi32, #tpu.memory_space<vmem>>
        %dma_wait3A_420 = tpu.memref_squeeze %dma_wait3A_419 : memref<1x128xi32, #tpu.memory_space<vmem>> -> memref<128xi32, #tpu.memory_space<vmem>>
        %dma_wait3A_421 = arith.constant 0 : i32
        %dma_wait3A_422 = arith.constant 0 : i32
        %dma_wait3A_423 = tpu.memref_slice %arg3[%dma_wait3A_421, %dma_wait3A_422] : memref<10000x128xf32, #tpu.memory_space<hbm>> -> memref<10000x128xf32, #tpu.memory_space<hbm>>
        tpu.wait_indirect_dma semaphore(%arg16 : memref<!tpu.dma_semaphore, #tpu.memory_space<semaphore_mem>>) src(%dma_wait3A_423 : memref<10000x128xf32, #tpu.memory_space<hbm>>) dst(%arg13 : memref<128x128xf32, #tpu.memory_space<vmem>>)
        %run_scoped3A_424 = arith.constant 4 : i32
        "tpu.region"() ({
          %run_scoped3A_593 = tpu.sem_alloc : memref<!tpu.dma_semaphore, #tpu.memory_space<semaphore_mem>>
          %dma_start3A_594 = arith.constant 0 : i32
          %dma_start3A_595 = tpu.memref_slice %arg12[%run_scoped3A_424, %dma_start3A_594] : memref<16x128xi32, #tpu.memory_space<vmem>> -> memref<1x128xi32, #tpu.memory_space<vmem>>
          %dma_start3A_596 = tpu.memref_squeeze %dma_start3A_595 : memref<1x128xi32, #tpu.memory_space<vmem>> -> memref<128xi32, #tpu.memory_space<vmem>>
          %dma_start3A_597 = arith.constant 0 : i32
          %dma_start3A_598 = arith.constant 0 : i32
          %dma_start3A_599 = tpu.memref_slice %arg15[%dma_start3A_597, %dma_start3A_598] : memref<10112x128xf32, #tpu.memory_space<vmem_shared>> -> memref<10112x128xf32, #tpu.memory_space<vmem_shared>>
          tpu.enqueue_indirect_dma source(%arg13 : memref<128x128xf32, #tpu.memory_space<vmem>>) target(%dma_start3A_599 : memref<10112x128xf32, #tpu.memory_space<vmem_shared>>) offsets(%dma_start3A_596 : memref<128xi32, #tpu.memory_space<vmem>>) semaphore(%run_scoped3A_593 : memref<!tpu.dma_semaphore, #tpu.memory_space<semaphore_mem>>) {add = true}
          %dma_wait3A_600 = arith.constant 0 : i32
          %dma_wait3A_601 = tpu.memref_slice %arg12[%run_scoped3A_424, %dma_wait3A_600] : memref<16x128xi32, #tpu.memory_space<vmem>> -> memref<1x128xi32, #tpu.memory_space<vmem>>
          %dma_wait3A_602 = tpu.memref_squeeze %dma_wait3A_601 : memref<1x128xi32, #tpu.memory_space<vmem>> -> memref<128xi32, #tpu.memory_space<vmem>>
          %dma_wait3A_603 = arith.constant 0 : i32
          %dma_wait3A_604 = arith.constant 0 : i32
          %dma_wait3A_605 = tpu.memref_slice %arg15[%dma_wait3A_603, %dma_wait3A_604] : memref<10112x128xf32, #tpu.memory_space<vmem_shared>> -> memref<10112x128xf32, #tpu.memory_space<vmem_shared>>
          tpu.wait_indirect_dma semaphore(%run_scoped3A_593 : memref<!tpu.dma_semaphore, #tpu.memory_space<semaphore_mem>>) src(%arg13 : memref<128x128xf32, #tpu.memory_space<vmem>>) dst(%dma_wait3A_605 : memref<10112x128xf32, #tpu.memory_space<vmem_shared>>)
          tpu.yield
        }) : () -> ()
        %dma_start3A_425 = arith.constant 6 : i32
        %dma_start3A_426 = arith.constant 0 : i32
        %dma_start3A_427 = tpu.memref_slice %arg10[%dma_start3A_425, %dma_start3A_426] : memref<16x128xi32, #tpu.memory_space<vmem>> -> memref<1x128xi32, #tpu.memory_space<vmem>>
        %dma_start3A_428 = tpu.memref_squeeze %dma_start3A_427 : memref<1x128xi32, #tpu.memory_space<vmem>> -> memref<128xi32, #tpu.memory_space<vmem>>
        %dma_start3A_429 = arith.constant 0 : i32
        %dma_start3A_430 = arith.constant 0 : i32
        %dma_start3A_431 = tpu.memref_slice %arg3[%dma_start3A_429, %dma_start3A_430] : memref<10000x128xf32, #tpu.memory_space<hbm>> -> memref<10000x128xf32, #tpu.memory_space<hbm>>
        tpu.enqueue_indirect_dma source(%dma_start3A_431 : memref<10000x128xf32, #tpu.memory_space<hbm>>) target(%arg13 : memref<128x128xf32, #tpu.memory_space<vmem>>) offsets(%dma_start3A_428 : memref<128xi32, #tpu.memory_space<vmem>>) semaphore(%arg16 : memref<!tpu.dma_semaphore, #tpu.memory_space<semaphore_mem>>)
        %dma_wait3A_432 = arith.constant 0 : i32
        %dma_wait3A_433 = arith.constant 0 : i32
        %dma_wait3A_434 = tpu.memref_slice %arg9[%dma_wait3A_432, %dma_wait3A_433] : memref<16x128xi32, #tpu.memory_space<vmem>> -> memref<1x128xi32, #tpu.memory_space<vmem>>
        %dma_wait3A_435 = tpu.memref_squeeze %dma_wait3A_434 : memref<1x128xi32, #tpu.memory_space<vmem>> -> memref<128xi32, #tpu.memory_space<vmem>>
        %dma_wait3A_436 = arith.constant 0 : i32
        %dma_wait3A_437 = arith.constant 0 : i32
        %dma_wait3A_438 = tpu.memref_slice %arg3[%dma_wait3A_436, %dma_wait3A_437] : memref<10000x128xf32, #tpu.memory_space<hbm>> -> memref<10000x128xf32, #tpu.memory_space<hbm>>
        tpu.wait_indirect_dma semaphore(%arg17 : memref<!tpu.dma_semaphore, #tpu.memory_space<semaphore_mem>>) src(%dma_wait3A_438 : memref<10000x128xf32, #tpu.memory_space<hbm>>) dst(%arg14 : memref<128x128xf32, #tpu.memory_space<vmem>>)
        %run_scoped3A_439 = arith.constant 5 : i32
        "tpu.region"() ({
          %run_scoped3A_593 = tpu.sem_alloc : memref<!tpu.dma_semaphore, #tpu.memory_space<semaphore_mem>>
          %dma_start3A_594 = arith.constant 0 : i32
          %dma_start3A_595 = tpu.memref_slice %arg12[%run_scoped3A_439, %dma_start3A_594] : memref<16x128xi32, #tpu.memory_space<vmem>> -> memref<1x128xi32, #tpu.memory_space<vmem>>
          %dma_start3A_596 = tpu.memref_squeeze %dma_start3A_595 : memref<1x128xi32, #tpu.memory_space<vmem>> -> memref<128xi32, #tpu.memory_space<vmem>>
          %dma_start3A_597 = arith.constant 0 : i32
          %dma_start3A_598 = arith.constant 0 : i32
          %dma_start3A_599 = tpu.memref_slice %arg15[%dma_start3A_597, %dma_start3A_598] : memref<10112x128xf32, #tpu.memory_space<vmem_shared>> -> memref<10112x128xf32, #tpu.memory_space<vmem_shared>>
          tpu.enqueue_indirect_dma source(%arg14 : memref<128x128xf32, #tpu.memory_space<vmem>>) target(%dma_start3A_599 : memref<10112x128xf32, #tpu.memory_space<vmem_shared>>) offsets(%dma_start3A_596 : memref<128xi32, #tpu.memory_space<vmem>>) semaphore(%run_scoped3A_593 : memref<!tpu.dma_semaphore, #tpu.memory_space<semaphore_mem>>) {add = true}
          %dma_wait3A_600 = arith.constant 0 : i32
          %dma_wait3A_601 = tpu.memref_slice %arg12[%run_scoped3A_439, %dma_wait3A_600] : memref<16x128xi32, #tpu.memory_space<vmem>> -> memref<1x128xi32, #tpu.memory_space<vmem>>
          %dma_wait3A_602 = tpu.memref_squeeze %dma_wait3A_601 : memref<1x128xi32, #tpu.memory_space<vmem>> -> memref<128xi32, #tpu.memory_space<vmem>>
          %dma_wait3A_603 = arith.constant 0 : i32
          %dma_wait3A_604 = arith.constant 0 : i32
          %dma_wait3A_605 = tpu.memref_slice %arg15[%dma_wait3A_603, %dma_wait3A_604] : memref<10112x128xf32, #tpu.memory_space<vmem_shared>> -> memref<10112x128xf32, #tpu.memory_space<vmem_shared>>
          tpu.wait_indirect_dma semaphore(%run_scoped3A_593 : memref<!tpu.dma_semaphore, #tpu.memory_space<semaphore_mem>>) src(%arg14 : memref<128x128xf32, #tpu.memory_space<vmem>>) dst(%dma_wait3A_605 : memref<10112x128xf32, #tpu.memory_space<vmem_shared>>)
          tpu.yield
        }) : () -> ()
        %dma_start3A_440 = arith.constant 7 : i32
        %dma_start3A_441 = arith.constant 0 : i32
        %dma_start3A_442 = tpu.memref_slice %arg10[%dma_start3A_440, %dma_start3A_441] : memref<16x128xi32, #tpu.memory_space<vmem>> -> memref<1x128xi32, #tpu.memory_space<vmem>>
        %dma_start3A_443 = tpu.memref_squeeze %dma_start3A_442 : memref<1x128xi32, #tpu.memory_space<vmem>> -> memref<128xi32, #tpu.memory_space<vmem>>
        %dma_start3A_444 = arith.constant 0 : i32
        %dma_start3A_445 = arith.constant 0 : i32
        %dma_start3A_446 = tpu.memref_slice %arg3[%dma_start3A_444, %dma_start3A_445] : memref<10000x128xf32, #tpu.memory_space<hbm>> -> memref<10000x128xf32, #tpu.memory_space<hbm>>
        tpu.enqueue_indirect_dma source(%dma_start3A_446 : memref<10000x128xf32, #tpu.memory_space<hbm>>) target(%arg14 : memref<128x128xf32, #tpu.memory_space<vmem>>) offsets(%dma_start3A_443 : memref<128xi32, #tpu.memory_space<vmem>>) semaphore(%arg17 : memref<!tpu.dma_semaphore, #tpu.memory_space<semaphore_mem>>)
        %dma_wait3A_447 = arith.constant 0 : i32
        %dma_wait3A_448 = arith.constant 0 : i32
        %dma_wait3A_449 = tpu.memref_slice %arg9[%dma_wait3A_447, %dma_wait3A_448] : memref<16x128xi32, #tpu.memory_space<vmem>> -> memref<1x128xi32, #tpu.memory_space<vmem>>
        %dma_wait3A_450 = tpu.memref_squeeze %dma_wait3A_449 : memref<1x128xi32, #tpu.memory_space<vmem>> -> memref<128xi32, #tpu.memory_space<vmem>>
        %dma_wait3A_451 = arith.constant 0 : i32
        %dma_wait3A_452 = arith.constant 0 : i32
        %dma_wait3A_453 = tpu.memref_slice %arg3[%dma_wait3A_451, %dma_wait3A_452] : memref<10000x128xf32, #tpu.memory_space<hbm>> -> memref<10000x128xf32, #tpu.memory_space<hbm>>
        tpu.wait_indirect_dma semaphore(%arg16 : memref<!tpu.dma_semaphore, #tpu.memory_space<semaphore_mem>>) src(%dma_wait3A_453 : memref<10000x128xf32, #tpu.memory_space<hbm>>) dst(%arg13 : memref<128x128xf32, #tpu.memory_space<vmem>>)
        %run_scoped3A_454 = arith.constant 6 : i32
        "tpu.region"() ({
          %run_scoped3A_593 = tpu.sem_alloc : memref<!tpu.dma_semaphore, #tpu.memory_space<semaphore_mem>>
          %dma_start3A_594 = arith.constant 0 : i32
          %dma_start3A_595 = tpu.memref_slice %arg12[%run_scoped3A_454, %dma_start3A_594] : memref<16x128xi32, #tpu.memory_space<vmem>> -> memref<1x128xi32, #tpu.memory_space<vmem>>
          %dma_start3A_596 = tpu.memref_squeeze %dma_start3A_595 : memref<1x128xi32, #tpu.memory_space<vmem>> -> memref<128xi32, #tpu.memory_space<vmem>>
          %dma_start3A_597 = arith.constant 0 : i32
          %dma_start3A_598 = arith.constant 0 : i32
          %dma_start3A_599 = tpu.memref_slice %arg15[%dma_start3A_597, %dma_start3A_598] : memref<10112x128xf32, #tpu.memory_space<vmem_shared>> -> memref<10112x128xf32, #tpu.memory_space<vmem_shared>>
          tpu.enqueue_indirect_dma source(%arg13 : memref<128x128xf32, #tpu.memory_space<vmem>>) target(%dma_start3A_599 : memref<10112x128xf32, #tpu.memory_space<vmem_shared>>) offsets(%dma_start3A_596 : memref<128xi32, #tpu.memory_space<vmem>>) semaphore(%run_scoped3A_593 : memref<!tpu.dma_semaphore, #tpu.memory_space<semaphore_mem>>) {add = true}
          %dma_wait3A_600 = arith.constant 0 : i32
          %dma_wait3A_601 = tpu.memref_slice %arg12[%run_scoped3A_454, %dma_wait3A_600] : memref<16x128xi32, #tpu.memory_space<vmem>> -> memref<1x128xi32, #tpu.memory_space<vmem>>
          %dma_wait3A_602 = tpu.memref_squeeze %dma_wait3A_601 : memref<1x128xi32, #tpu.memory_space<vmem>> -> memref<128xi32, #tpu.memory_space<vmem>>
          %dma_wait3A_603 = arith.constant 0 : i32
          %dma_wait3A_604 = arith.constant 0 : i32
          %dma_wait3A_605 = tpu.memref_slice %arg15[%dma_wait3A_603, %dma_wait3A_604] : memref<10112x128xf32, #tpu.memory_space<vmem_shared>> -> memref<10112x128xf32, #tpu.memory_space<vmem_shared>>
          tpu.wait_indirect_dma semaphore(%run_scoped3A_593 : memref<!tpu.dma_semaphore, #tpu.memory_space<semaphore_mem>>) src(%arg13 : memref<128x128xf32, #tpu.memory_space<vmem>>) dst(%dma_wait3A_605 : memref<10112x128xf32, #tpu.memory_space<vmem_shared>>)
          tpu.yield
        }) : () -> ()
        %dma_start3A_455 = arith.constant 8 : i32
        %dma_start3A_456 = arith.constant 0 : i32
        %dma_start3A_457 = tpu.memref_slice %arg10[%dma_start3A_455, %dma_start3A_456] : memref<16x128xi32, #tpu.memory_space<vmem>> -> memref<1x128xi32, #tpu.memory_space<vmem>>
        %dma_start3A_458 = tpu.memref_squeeze %dma_start3A_457 : memref<1x128xi32, #tpu.memory_space<vmem>> -> memref<128xi32, #tpu.memory_space<vmem>>
        %dma_start3A_459 = arith.constant 0 : i32
        %dma_start3A_460 = arith.constant 0 : i32
        %dma_start3A_461 = tpu.memref_slice %arg3[%dma_start3A_459, %dma_start3A_460] : memref<10000x128xf32, #tpu.memory_space<hbm>> -> memref<10000x128xf32, #tpu.memory_space<hbm>>
        tpu.enqueue_indirect_dma source(%dma_start3A_461 : memref<10000x128xf32, #tpu.memory_space<hbm>>) target(%arg13 : memref<128x128xf32, #tpu.memory_space<vmem>>) offsets(%dma_start3A_458 : memref<128xi32, #tpu.memory_space<vmem>>) semaphore(%arg16 : memref<!tpu.dma_semaphore, #tpu.memory_space<semaphore_mem>>)
        %dma_wait3A_462 = arith.constant 0 : i32
        %dma_wait3A_463 = arith.constant 0 : i32
        %dma_wait3A_464 = tpu.memref_slice %arg9[%dma_wait3A_462, %dma_wait3A_463] : memref<16x128xi32, #tpu.memory_space<vmem>> -> memref<1x128xi32, #tpu.memory_space<vmem>>
        %dma_wait3A_465 = tpu.memref_squeeze %dma_wait3A_464 : memref<1x128xi32, #tpu.memory_space<vmem>> -> memref<128xi32, #tpu.memory_space<vmem>>
        %dma_wait3A_466 = arith.constant 0 : i32
        %dma_wait3A_467 = arith.constant 0 : i32
        %dma_wait3A_468 = tpu.memref_slice %arg3[%dma_wait3A_466, %dma_wait3A_467] : memref<10000x128xf32, #tpu.memory_space<hbm>> -> memref<10000x128xf32, #tpu.memory_space<hbm>>
        tpu.wait_indirect_dma semaphore(%arg17 : memref<!tpu.dma_semaphore, #tpu.memory_space<semaphore_mem>>) src(%dma_wait3A_468 : memref<10000x128xf32, #tpu.memory_space<hbm>>) dst(%arg14 : memref<128x128xf32, #tpu.memory_space<vmem>>)
        %run_scoped3A_469 = arith.constant 7 : i32
        "tpu.region"() ({
          %run_scoped3A_593 = tpu.sem_alloc : memref<!tpu.dma_semaphore, #tpu.memory_space<semaphore_mem>>
          %dma_start3A_594 = arith.constant 0 : i32
          %dma_start3A_595 = tpu.memref_slice %arg12[%run_scoped3A_469, %dma_start3A_594] : memref<16x128xi32, #tpu.memory_space<vmem>> -> memref<1x128xi32, #tpu.memory_space<vmem>>
          %dma_start3A_596 = tpu.memref_squeeze %dma_start3A_595 : memref<1x128xi32, #tpu.memory_space<vmem>> -> memref<128xi32, #tpu.memory_space<vmem>>
          %dma_start3A_597 = arith.constant 0 : i32
          %dma_start3A_598 = arith.constant 0 : i32
          %dma_start3A_599 = tpu.memref_slice %arg15[%dma_start3A_597, %dma_start3A_598] : memref<10112x128xf32, #tpu.memory_space<vmem_shared>> -> memref<10112x128xf32, #tpu.memory_space<vmem_shared>>
          tpu.enqueue_indirect_dma source(%arg14 : memref<128x128xf32, #tpu.memory_space<vmem>>) target(%dma_start3A_599 : memref<10112x128xf32, #tpu.memory_space<vmem_shared>>) offsets(%dma_start3A_596 : memref<128xi32, #tpu.memory_space<vmem>>) semaphore(%run_scoped3A_593 : memref<!tpu.dma_semaphore, #tpu.memory_space<semaphore_mem>>) {add = true}
          %dma_wait3A_600 = arith.constant 0 : i32
          %dma_wait3A_601 = tpu.memref_slice %arg12[%run_scoped3A_469, %dma_wait3A_600] : memref<16x128xi32, #tpu.memory_space<vmem>> -> memref<1x128xi32, #tpu.memory_space<vmem>>
          %dma_wait3A_602 = tpu.memref_squeeze %dma_wait3A_601 : memref<1x128xi32, #tpu.memory_space<vmem>> -> memref<128xi32, #tpu.memory_space<vmem>>
          %dma_wait3A_603 = arith.constant 0 : i32
          %dma_wait3A_604 = arith.constant 0 : i32
          %dma_wait3A_605 = tpu.memref_slice %arg15[%dma_wait3A_603, %dma_wait3A_604] : memref<10112x128xf32, #tpu.memory_space<vmem_shared>> -> memref<10112x128xf32, #tpu.memory_space<vmem_shared>>
          tpu.wait_indirect_dma semaphore(%run_scoped3A_593 : memref<!tpu.dma_semaphore, #tpu.memory_space<semaphore_mem>>) src(%arg14 : memref<128x128xf32, #tpu.memory_space<vmem>>) dst(%dma_wait3A_605 : memref<10112x128xf32, #tpu.memory_space<vmem_shared>>)
          tpu.yield
        }) : () -> ()
        %dma_start3A_470 = arith.constant 9 : i32
        %dma_start3A_471 = arith.constant 0 : i32
        %dma_start3A_472 = tpu.memref_slice %arg10[%dma_start3A_470, %dma_start3A_471] : memref<16x128xi32, #tpu.memory_space<vmem>> -> memref<1x128xi32, #tpu.memory_space<vmem>>
        %dma_start3A_473 = tpu.memref_squeeze %dma_start3A_472 : memref<1x128xi32, #tpu.memory_space<vmem>> -> memref<128xi32, #tpu.memory_space<vmem>>
        %dma_start3A_474 = arith.constant 0 : i32
        %dma_start3A_475 = arith.constant 0 : i32
        %dma_start3A_476 = tpu.memref_slice %arg3[%dma_start3A_474, %dma_start3A_475] : memref<10000x128xf32, #tpu.memory_space<hbm>> -> memref<10000x128xf32, #tpu.memory_space<hbm>>
        tpu.enqueue_indirect_dma source(%dma_start3A_476 : memref<10000x128xf32, #tpu.memory_space<hbm>>) target(%arg14 : memref<128x128xf32, #tpu.memory_space<vmem>>) offsets(%dma_start3A_473 : memref<128xi32, #tpu.memory_space<vmem>>) semaphore(%arg17 : memref<!tpu.dma_semaphore, #tpu.memory_space<semaphore_mem>>)
        %dma_wait3A_477 = arith.constant 0 : i32
        %dma_wait3A_478 = arith.constant 0 : i32
        %dma_wait3A_479 = tpu.memref_slice %arg9[%dma_wait3A_477, %dma_wait3A_478] : memref<16x128xi32, #tpu.memory_space<vmem>> -> memref<1x128xi32, #tpu.memory_space<vmem>>
        %dma_wait3A_480 = tpu.memref_squeeze %dma_wait3A_479 : memref<1x128xi32, #tpu.memory_space<vmem>> -> memref<128xi32, #tpu.memory_space<vmem>>
        %dma_wait3A_481 = arith.constant 0 : i32
        %dma_wait3A_482 = arith.constant 0 : i32
        %dma_wait3A_483 = tpu.memref_slice %arg3[%dma_wait3A_481, %dma_wait3A_482] : memref<10000x128xf32, #tpu.memory_space<hbm>> -> memref<10000x128xf32, #tpu.memory_space<hbm>>
        tpu.wait_indirect_dma semaphore(%arg16 : memref<!tpu.dma_semaphore, #tpu.memory_space<semaphore_mem>>) src(%dma_wait3A_483 : memref<10000x128xf32, #tpu.memory_space<hbm>>) dst(%arg13 : memref<128x128xf32, #tpu.memory_space<vmem>>)
        %run_scoped3A_484 = arith.constant 8 : i32
        "tpu.region"() ({
          %run_scoped3A_593 = tpu.sem_alloc : memref<!tpu.dma_semaphore, #tpu.memory_space<semaphore_mem>>
          %dma_start3A_594 = arith.constant 0 : i32
          %dma_start3A_595 = tpu.memref_slice %arg12[%run_scoped3A_484, %dma_start3A_594] : memref<16x128xi32, #tpu.memory_space<vmem>> -> memref<1x128xi32, #tpu.memory_space<vmem>>
          %dma_start3A_596 = tpu.memref_squeeze %dma_start3A_595 : memref<1x128xi32, #tpu.memory_space<vmem>> -> memref<128xi32, #tpu.memory_space<vmem>>
          %dma_start3A_597 = arith.constant 0 : i32
          %dma_start3A_598 = arith.constant 0 : i32
          %dma_start3A_599 = tpu.memref_slice %arg15[%dma_start3A_597, %dma_start3A_598] : memref<10112x128xf32, #tpu.memory_space<vmem_shared>> -> memref<10112x128xf32, #tpu.memory_space<vmem_shared>>
          tpu.enqueue_indirect_dma source(%arg13 : memref<128x128xf32, #tpu.memory_space<vmem>>) target(%dma_start3A_599 : memref<10112x128xf32, #tpu.memory_space<vmem_shared>>) offsets(%dma_start3A_596 : memref<128xi32, #tpu.memory_space<vmem>>) semaphore(%run_scoped3A_593 : memref<!tpu.dma_semaphore, #tpu.memory_space<semaphore_mem>>) {add = true}
          %dma_wait3A_600 = arith.constant 0 : i32
          %dma_wait3A_601 = tpu.memref_slice %arg12[%run_scoped3A_484, %dma_wait3A_600] : memref<16x128xi32, #tpu.memory_space<vmem>> -> memref<1x128xi32, #tpu.memory_space<vmem>>
          %dma_wait3A_602 = tpu.memref_squeeze %dma_wait3A_601 : memref<1x128xi32, #tpu.memory_space<vmem>> -> memref<128xi32, #tpu.memory_space<vmem>>
          %dma_wait3A_603 = arith.constant 0 : i32
          %dma_wait3A_604 = arith.constant 0 : i32
          %dma_wait3A_605 = tpu.memref_slice %arg15[%dma_wait3A_603, %dma_wait3A_604] : memref<10112x128xf32, #tpu.memory_space<vmem_shared>> -> memref<10112x128xf32, #tpu.memory_space<vmem_shared>>
          tpu.wait_indirect_dma semaphore(%run_scoped3A_593 : memref<!tpu.dma_semaphore, #tpu.memory_space<semaphore_mem>>) src(%arg13 : memref<128x128xf32, #tpu.memory_space<vmem>>) dst(%dma_wait3A_605 : memref<10112x128xf32, #tpu.memory_space<vmem_shared>>)
          tpu.yield
        }) : () -> ()
        %dma_start3A_485 = arith.constant 10 : i32
        %dma_start3A_486 = arith.constant 0 : i32
        %dma_start3A_487 = tpu.memref_slice %arg10[%dma_start3A_485, %dma_start3A_486] : memref<16x128xi32, #tpu.memory_space<vmem>> -> memref<1x128xi32, #tpu.memory_space<vmem>>
        %dma_start3A_488 = tpu.memref_squeeze %dma_start3A_487 : memref<1x128xi32, #tpu.memory_space<vmem>> -> memref<128xi32, #tpu.memory_space<vmem>>
        %dma_start3A_489 = arith.constant 0 : i32
        %dma_start3A_490 = arith.constant 0 : i32
        %dma_start3A_491 = tpu.memref_slice %arg3[%dma_start3A_489, %dma_start3A_490] : memref<10000x128xf32, #tpu.memory_space<hbm>> -> memref<10000x128xf32, #tpu.memory_space<hbm>>
        tpu.enqueue_indirect_dma source(%dma_start3A_491 : memref<10000x128xf32, #tpu.memory_space<hbm>>) target(%arg13 : memref<128x128xf32, #tpu.memory_space<vmem>>) offsets(%dma_start3A_488 : memref<128xi32, #tpu.memory_space<vmem>>) semaphore(%arg16 : memref<!tpu.dma_semaphore, #tpu.memory_space<semaphore_mem>>)
        %dma_wait3A_492 = arith.constant 0 : i32
        %dma_wait3A_493 = arith.constant 0 : i32
        %dma_wait3A_494 = tpu.memref_slice %arg9[%dma_wait3A_492, %dma_wait3A_493] : memref<16x128xi32, #tpu.memory_space<vmem>> -> memref<1x128xi32, #tpu.memory_space<vmem>>
        %dma_wait3A_495 = tpu.memref_squeeze %dma_wait3A_494 : memref<1x128xi32, #tpu.memory_space<vmem>> -> memref<128xi32, #tpu.memory_space<vmem>>
        %dma_wait3A_496 = arith.constant 0 : i32
        %dma_wait3A_497 = arith.constant 0 : i32
        %dma_wait3A_498 = tpu.memref_slice %arg3[%dma_wait3A_496, %dma_wait3A_497] : memref<10000x128xf32, #tpu.memory_space<hbm>> -> memref<10000x128xf32, #tpu.memory_space<hbm>>
        tpu.wait_indirect_dma semaphore(%arg17 : memref<!tpu.dma_semaphore, #tpu.memory_space<semaphore_mem>>) src(%dma_wait3A_498 : memref<10000x128xf32, #tpu.memory_space<hbm>>) dst(%arg14 : memref<128x128xf32, #tpu.memory_space<vmem>>)
        %run_scoped3A_499 = arith.constant 9 : i32
        "tpu.region"() ({
          %run_scoped3A_593 = tpu.sem_alloc : memref<!tpu.dma_semaphore, #tpu.memory_space<semaphore_mem>>
          %dma_start3A_594 = arith.constant 0 : i32
          %dma_start3A_595 = tpu.memref_slice %arg12[%run_scoped3A_499, %dma_start3A_594] : memref<16x128xi32, #tpu.memory_space<vmem>> -> memref<1x128xi32, #tpu.memory_space<vmem>>
          %dma_start3A_596 = tpu.memref_squeeze %dma_start3A_595 : memref<1x128xi32, #tpu.memory_space<vmem>> -> memref<128xi32, #tpu.memory_space<vmem>>
          %dma_start3A_597 = arith.constant 0 : i32
          %dma_start3A_598 = arith.constant 0 : i32
          %dma_start3A_599 = tpu.memref_slice %arg15[%dma_start3A_597, %dma_start3A_598] : memref<10112x128xf32, #tpu.memory_space<vmem_shared>> -> memref<10112x128xf32, #tpu.memory_space<vmem_shared>>
          tpu.enqueue_indirect_dma source(%arg14 : memref<128x128xf32, #tpu.memory_space<vmem>>) target(%dma_start3A_599 : memref<10112x128xf32, #tpu.memory_space<vmem_shared>>) offsets(%dma_start3A_596 : memref<128xi32, #tpu.memory_space<vmem>>) semaphore(%run_scoped3A_593 : memref<!tpu.dma_semaphore, #tpu.memory_space<semaphore_mem>>) {add = true}
          %dma_wait3A_600 = arith.constant 0 : i32
          %dma_wait3A_601 = tpu.memref_slice %arg12[%run_scoped3A_499, %dma_wait3A_600] : memref<16x128xi32, #tpu.memory_space<vmem>> -> memref<1x128xi32, #tpu.memory_space<vmem>>
          %dma_wait3A_602 = tpu.memref_squeeze %dma_wait3A_601 : memref<1x128xi32, #tpu.memory_space<vmem>> -> memref<128xi32, #tpu.memory_space<vmem>>
          %dma_wait3A_603 = arith.constant 0 : i32
          %dma_wait3A_604 = arith.constant 0 : i32
          %dma_wait3A_605 = tpu.memref_slice %arg15[%dma_wait3A_603, %dma_wait3A_604] : memref<10112x128xf32, #tpu.memory_space<vmem_shared>> -> memref<10112x128xf32, #tpu.memory_space<vmem_shared>>
          tpu.wait_indirect_dma semaphore(%run_scoped3A_593 : memref<!tpu.dma_semaphore, #tpu.memory_space<semaphore_mem>>) src(%arg14 : memref<128x128xf32, #tpu.memory_space<vmem>>) dst(%dma_wait3A_605 : memref<10112x128xf32, #tpu.memory_space<vmem_shared>>)
          tpu.yield
        }) : () -> ()
        %dma_start3A_500 = arith.constant 11 : i32
        %dma_start3A_501 = arith.constant 0 : i32
        %dma_start3A_502 = tpu.memref_slice %arg10[%dma_start3A_500, %dma_start3A_501] : memref<16x128xi32, #tpu.memory_space<vmem>> -> memref<1x128xi32, #tpu.memory_space<vmem>>
        %dma_start3A_503 = tpu.memref_squeeze %dma_start3A_502 : memref<1x128xi32, #tpu.memory_space<vmem>> -> memref<128xi32, #tpu.memory_space<vmem>>
        %dma_start3A_504 = arith.constant 0 : i32
        %dma_start3A_505 = arith.constant 0 : i32
        %dma_start3A_506 = tpu.memref_slice %arg3[%dma_start3A_504, %dma_start3A_505] : memref<10000x128xf32, #tpu.memory_space<hbm>> -> memref<10000x128xf32, #tpu.memory_space<hbm>>
        tpu.enqueue_indirect_dma source(%dma_start3A_506 : memref<10000x128xf32, #tpu.memory_space<hbm>>) target(%arg14 : memref<128x128xf32, #tpu.memory_space<vmem>>) offsets(%dma_start3A_503 : memref<128xi32, #tpu.memory_space<vmem>>) semaphore(%arg17 : memref<!tpu.dma_semaphore, #tpu.memory_space<semaphore_mem>>)
        %dma_wait3A_507 = arith.constant 0 : i32
        %dma_wait3A_508 = arith.constant 0 : i32
        %dma_wait3A_509 = tpu.memref_slice %arg9[%dma_wait3A_507, %dma_wait3A_508] : memref<16x128xi32, #tpu.memory_space<vmem>> -> memref<1x128xi32, #tpu.memory_space<vmem>>
        %dma_wait3A_510 = tpu.memref_squeeze %dma_wait3A_509 : memref<1x128xi32, #tpu.memory_space<vmem>> -> memref<128xi32, #tpu.memory_space<vmem>>
        %dma_wait3A_511 = arith.constant 0 : i32
        %dma_wait3A_512 = arith.constant 0 : i32
        %dma_wait3A_513 = tpu.memref_slice %arg3[%dma_wait3A_511, %dma_wait3A_512] : memref<10000x128xf32, #tpu.memory_space<hbm>> -> memref<10000x128xf32, #tpu.memory_space<hbm>>
        tpu.wait_indirect_dma semaphore(%arg16 : memref<!tpu.dma_semaphore, #tpu.memory_space<semaphore_mem>>) src(%dma_wait3A_513 : memref<10000x128xf32, #tpu.memory_space<hbm>>) dst(%arg13 : memref<128x128xf32, #tpu.memory_space<vmem>>)
        %run_scoped3A_514 = arith.constant 10 : i32
        "tpu.region"() ({
          %run_scoped3A_593 = tpu.sem_alloc : memref<!tpu.dma_semaphore, #tpu.memory_space<semaphore_mem>>
          %dma_start3A_594 = arith.constant 0 : i32
          %dma_start3A_595 = tpu.memref_slice %arg12[%run_scoped3A_514, %dma_start3A_594] : memref<16x128xi32, #tpu.memory_space<vmem>> -> memref<1x128xi32, #tpu.memory_space<vmem>>
          %dma_start3A_596 = tpu.memref_squeeze %dma_start3A_595 : memref<1x128xi32, #tpu.memory_space<vmem>> -> memref<128xi32, #tpu.memory_space<vmem>>
          %dma_start3A_597 = arith.constant 0 : i32
          %dma_start3A_598 = arith.constant 0 : i32
          %dma_start3A_599 = tpu.memref_slice %arg15[%dma_start3A_597, %dma_start3A_598] : memref<10112x128xf32, #tpu.memory_space<vmem_shared>> -> memref<10112x128xf32, #tpu.memory_space<vmem_shared>>
          tpu.enqueue_indirect_dma source(%arg13 : memref<128x128xf32, #tpu.memory_space<vmem>>) target(%dma_start3A_599 : memref<10112x128xf32, #tpu.memory_space<vmem_shared>>) offsets(%dma_start3A_596 : memref<128xi32, #tpu.memory_space<vmem>>) semaphore(%run_scoped3A_593 : memref<!tpu.dma_semaphore, #tpu.memory_space<semaphore_mem>>) {add = true}
          %dma_wait3A_600 = arith.constant 0 : i32
          %dma_wait3A_601 = tpu.memref_slice %arg12[%run_scoped3A_514, %dma_wait3A_600] : memref<16x128xi32, #tpu.memory_space<vmem>> -> memref<1x128xi32, #tpu.memory_space<vmem>>
          %dma_wait3A_602 = tpu.memref_squeeze %dma_wait3A_601 : memref<1x128xi32, #tpu.memory_space<vmem>> -> memref<128xi32, #tpu.memory_space<vmem>>
          %dma_wait3A_603 = arith.constant 0 : i32
          %dma_wait3A_604 = arith.constant 0 : i32
          %dma_wait3A_605 = tpu.memref_slice %arg15[%dma_wait3A_603, %dma_wait3A_604] : memref<10112x128xf32, #tpu.memory_space<vmem_shared>> -> memref<10112x128xf32, #tpu.memory_space<vmem_shared>>
          tpu.wait_indirect_dma semaphore(%run_scoped3A_593 : memref<!tpu.dma_semaphore, #tpu.memory_space<semaphore_mem>>) src(%arg13 : memref<128x128xf32, #tpu.memory_space<vmem>>) dst(%dma_wait3A_605 : memref<10112x128xf32, #tpu.memory_space<vmem_shared>>)
          tpu.yield
        }) : () -> ()
        %dma_start3A_515 = arith.constant 12 : i32
        %dma_start3A_516 = arith.constant 0 : i32
        %dma_start3A_517 = tpu.memref_slice %arg10[%dma_start3A_515, %dma_start3A_516] : memref<16x128xi32, #tpu.memory_space<vmem>> -> memref<1x128xi32, #tpu.memory_space<vmem>>
        %dma_start3A_518 = tpu.memref_squeeze %dma_start3A_517 : memref<1x128xi32, #tpu.memory_space<vmem>> -> memref<128xi32, #tpu.memory_space<vmem>>
        %dma_start3A_519 = arith.constant 0 : i32
        %dma_start3A_520 = arith.constant 0 : i32
        %dma_start3A_521 = tpu.memref_slice %arg3[%dma_start3A_519, %dma_start3A_520] : memref<10000x128xf32, #tpu.memory_space<hbm>> -> memref<10000x128xf32, #tpu.memory_space<hbm>>
        tpu.enqueue_indirect_dma source(%dma_start3A_521 : memref<10000x128xf32, #tpu.memory_space<hbm>>) target(%arg13 : memref<128x128xf32, #tpu.memory_space<vmem>>) offsets(%dma_start3A_518 : memref<128xi32, #tpu.memory_space<vmem>>) semaphore(%arg16 : memref<!tpu.dma_semaphore, #tpu.memory_space<semaphore_mem>>)
        %dma_wait3A_522 = arith.constant 0 : i32
        %dma_wait3A_523 = arith.constant 0 : i32
        %dma_wait3A_524 = tpu.memref_slice %arg9[%dma_wait3A_522, %dma_wait3A_523] : memref<16x128xi32, #tpu.memory_space<vmem>> -> memref<1x128xi32, #tpu.memory_space<vmem>>
        %dma_wait3A_525 = tpu.memref_squeeze %dma_wait3A_524 : memref<1x128xi32, #tpu.memory_space<vmem>> -> memref<128xi32, #tpu.memory_space<vmem>>
        %dma_wait3A_526 = arith.constant 0 : i32
        %dma_wait3A_527 = arith.constant 0 : i32
        %dma_wait3A_528 = tpu.memref_slice %arg3[%dma_wait3A_526, %dma_wait3A_527] : memref<10000x128xf32, #tpu.memory_space<hbm>> -> memref<10000x128xf32, #tpu.memory_space<hbm>>
        tpu.wait_indirect_dma semaphore(%arg17 : memref<!tpu.dma_semaphore, #tpu.memory_space<semaphore_mem>>) src(%dma_wait3A_528 : memref<10000x128xf32, #tpu.memory_space<hbm>>) dst(%arg14 : memref<128x128xf32, #tpu.memory_space<vmem>>)
        %run_scoped3A_529 = arith.constant 11 : i32
        "tpu.region"() ({
          %run_scoped3A_593 = tpu.sem_alloc : memref<!tpu.dma_semaphore, #tpu.memory_space<semaphore_mem>>
          %dma_start3A_594 = arith.constant 0 : i32
          %dma_start3A_595 = tpu.memref_slice %arg12[%run_scoped3A_529, %dma_start3A_594] : memref<16x128xi32, #tpu.memory_space<vmem>> -> memref<1x128xi32, #tpu.memory_space<vmem>>
          %dma_start3A_596 = tpu.memref_squeeze %dma_start3A_595 : memref<1x128xi32, #tpu.memory_space<vmem>> -> memref<128xi32, #tpu.memory_space<vmem>>
          %dma_start3A_597 = arith.constant 0 : i32
          %dma_start3A_598 = arith.constant 0 : i32
          %dma_start3A_599 = tpu.memref_slice %arg15[%dma_start3A_597, %dma_start3A_598] : memref<10112x128xf32, #tpu.memory_space<vmem_shared>> -> memref<10112x128xf32, #tpu.memory_space<vmem_shared>>
          tpu.enqueue_indirect_dma source(%arg14 : memref<128x128xf32, #tpu.memory_space<vmem>>) target(%dma_start3A_599 : memref<10112x128xf32, #tpu.memory_space<vmem_shared>>) offsets(%dma_start3A_596 : memref<128xi32, #tpu.memory_space<vmem>>) semaphore(%run_scoped3A_593 : memref<!tpu.dma_semaphore, #tpu.memory_space<semaphore_mem>>) {add = true}
          %dma_wait3A_600 = arith.constant 0 : i32
          %dma_wait3A_601 = tpu.memref_slice %arg12[%run_scoped3A_529, %dma_wait3A_600] : memref<16x128xi32, #tpu.memory_space<vmem>> -> memref<1x128xi32, #tpu.memory_space<vmem>>
          %dma_wait3A_602 = tpu.memref_squeeze %dma_wait3A_601 : memref<1x128xi32, #tpu.memory_space<vmem>> -> memref<128xi32, #tpu.memory_space<vmem>>
          %dma_wait3A_603 = arith.constant 0 : i32
          %dma_wait3A_604 = arith.constant 0 : i32
          %dma_wait3A_605 = tpu.memref_slice %arg15[%dma_wait3A_603, %dma_wait3A_604] : memref<10112x128xf32, #tpu.memory_space<vmem_shared>> -> memref<10112x128xf32, #tpu.memory_space<vmem_shared>>
          tpu.wait_indirect_dma semaphore(%run_scoped3A_593 : memref<!tpu.dma_semaphore, #tpu.memory_space<semaphore_mem>>) src(%arg14 : memref<128x128xf32, #tpu.memory_space<vmem>>) dst(%dma_wait3A_605 : memref<10112x128xf32, #tpu.memory_space<vmem_shared>>)
          tpu.yield
        }) : () -> ()
        %dma_start3A_530 = arith.constant 13 : i32
        %dma_start3A_531 = arith.constant 0 : i32
        %dma_start3A_532 = tpu.memref_slice %arg10[%dma_start3A_530, %dma_start3A_531] : memref<16x128xi32, #tpu.memory_space<vmem>> -> memref<1x128xi32, #tpu.memory_space<vmem>>
        %dma_start3A_533 = tpu.memref_squeeze %dma_start3A_532 : memref<1x128xi32, #tpu.memory_space<vmem>> -> memref<128xi32, #tpu.memory_space<vmem>>
        %dma_start3A_534 = arith.constant 0 : i32
        %dma_start3A_535 = arith.constant 0 : i32
        %dma_start3A_536 = tpu.memref_slice %arg3[%dma_start3A_534, %dma_start3A_535] : memref<10000x128xf32, #tpu.memory_space<hbm>> -> memref<10000x128xf32, #tpu.memory_space<hbm>>
        tpu.enqueue_indirect_dma source(%dma_start3A_536 : memref<10000x128xf32, #tpu.memory_space<hbm>>) target(%arg14 : memref<128x128xf32, #tpu.memory_space<vmem>>) offsets(%dma_start3A_533 : memref<128xi32, #tpu.memory_space<vmem>>) semaphore(%arg17 : memref<!tpu.dma_semaphore, #tpu.memory_space<semaphore_mem>>)
        %dma_wait3A_537 = arith.constant 0 : i32
        %dma_wait3A_538 = arith.constant 0 : i32
        %dma_wait3A_539 = tpu.memref_slice %arg9[%dma_wait3A_537, %dma_wait3A_538] : memref<16x128xi32, #tpu.memory_space<vmem>> -> memref<1x128xi32, #tpu.memory_space<vmem>>
        %dma_wait3A_540 = tpu.memref_squeeze %dma_wait3A_539 : memref<1x128xi32, #tpu.memory_space<vmem>> -> memref<128xi32, #tpu.memory_space<vmem>>
        %dma_wait3A_541 = arith.constant 0 : i32
        %dma_wait3A_542 = arith.constant 0 : i32
        %dma_wait3A_543 = tpu.memref_slice %arg3[%dma_wait3A_541, %dma_wait3A_542] : memref<10000x128xf32, #tpu.memory_space<hbm>> -> memref<10000x128xf32, #tpu.memory_space<hbm>>
        tpu.wait_indirect_dma semaphore(%arg16 : memref<!tpu.dma_semaphore, #tpu.memory_space<semaphore_mem>>) src(%dma_wait3A_543 : memref<10000x128xf32, #tpu.memory_space<hbm>>) dst(%arg13 : memref<128x128xf32, #tpu.memory_space<vmem>>)
        %run_scoped3A_544 = arith.constant 12 : i32
        "tpu.region"() ({
          %run_scoped3A_593 = tpu.sem_alloc : memref<!tpu.dma_semaphore, #tpu.memory_space<semaphore_mem>>
          %dma_start3A_594 = arith.constant 0 : i32
          %dma_start3A_595 = tpu.memref_slice %arg12[%run_scoped3A_544, %dma_start3A_594] : memref<16x128xi32, #tpu.memory_space<vmem>> -> memref<1x128xi32, #tpu.memory_space<vmem>>
          %dma_start3A_596 = tpu.memref_squeeze %dma_start3A_595 : memref<1x128xi32, #tpu.memory_space<vmem>> -> memref<128xi32, #tpu.memory_space<vmem>>
          %dma_start3A_597 = arith.constant 0 : i32
          %dma_start3A_598 = arith.constant 0 : i32
          %dma_start3A_599 = tpu.memref_slice %arg15[%dma_start3A_597, %dma_start3A_598] : memref<10112x128xf32, #tpu.memory_space<vmem_shared>> -> memref<10112x128xf32, #tpu.memory_space<vmem_shared>>
          tpu.enqueue_indirect_dma source(%arg13 : memref<128x128xf32, #tpu.memory_space<vmem>>) target(%dma_start3A_599 : memref<10112x128xf32, #tpu.memory_space<vmem_shared>>) offsets(%dma_start3A_596 : memref<128xi32, #tpu.memory_space<vmem>>) semaphore(%run_scoped3A_593 : memref<!tpu.dma_semaphore, #tpu.memory_space<semaphore_mem>>) {add = true}
          %dma_wait3A_600 = arith.constant 0 : i32
          %dma_wait3A_601 = tpu.memref_slice %arg12[%run_scoped3A_544, %dma_wait3A_600] : memref<16x128xi32, #tpu.memory_space<vmem>> -> memref<1x128xi32, #tpu.memory_space<vmem>>
          %dma_wait3A_602 = tpu.memref_squeeze %dma_wait3A_601 : memref<1x128xi32, #tpu.memory_space<vmem>> -> memref<128xi32, #tpu.memory_space<vmem>>
          %dma_wait3A_603 = arith.constant 0 : i32
          %dma_wait3A_604 = arith.constant 0 : i32
          %dma_wait3A_605 = tpu.memref_slice %arg15[%dma_wait3A_603, %dma_wait3A_604] : memref<10112x128xf32, #tpu.memory_space<vmem_shared>> -> memref<10112x128xf32, #tpu.memory_space<vmem_shared>>
          tpu.wait_indirect_dma semaphore(%run_scoped3A_593 : memref<!tpu.dma_semaphore, #tpu.memory_space<semaphore_mem>>) src(%arg13 : memref<128x128xf32, #tpu.memory_space<vmem>>) dst(%dma_wait3A_605 : memref<10112x128xf32, #tpu.memory_space<vmem_shared>>)
          tpu.yield
        }) : () -> ()
        %dma_start3A_545 = arith.constant 14 : i32
        %dma_start3A_546 = arith.constant 0 : i32
        %dma_start3A_547 = tpu.memref_slice %arg10[%dma_start3A_545, %dma_start3A_546] : memref<16x128xi32, #tpu.memory_space<vmem>> -> memref<1x128xi32, #tpu.memory_space<vmem>>
        %dma_start3A_548 = tpu.memref_squeeze %dma_start3A_547 : memref<1x128xi32, #tpu.memory_space<vmem>> -> memref<128xi32, #tpu.memory_space<vmem>>
        %dma_start3A_549 = arith.constant 0 : i32
        %dma_start3A_550 = arith.constant 0 : i32
        %dma_start3A_551 = tpu.memref_slice %arg3[%dma_start3A_549, %dma_start3A_550] : memref<10000x128xf32, #tpu.memory_space<hbm>> -> memref<10000x128xf32, #tpu.memory_space<hbm>>
        tpu.enqueue_indirect_dma source(%dma_start3A_551 : memref<10000x128xf32, #tpu.memory_space<hbm>>) target(%arg13 : memref<128x128xf32, #tpu.memory_space<vmem>>) offsets(%dma_start3A_548 : memref<128xi32, #tpu.memory_space<vmem>>) semaphore(%arg16 : memref<!tpu.dma_semaphore, #tpu.memory_space<semaphore_mem>>)
        %dma_wait3A_552 = arith.constant 0 : i32
        %dma_wait3A_553 = arith.constant 0 : i32
        %dma_wait3A_554 = tpu.memref_slice %arg9[%dma_wait3A_552, %dma_wait3A_553] : memref<16x128xi32, #tpu.memory_space<vmem>> -> memref<1x128xi32, #tpu.memory_space<vmem>>
        %dma_wait3A_555 = tpu.memref_squeeze %dma_wait3A_554 : memref<1x128xi32, #tpu.memory_space<vmem>> -> memref<128xi32, #tpu.memory_space<vmem>>
        %dma_wait3A_556 = arith.constant 0 : i32
        %dma_wait3A_557 = arith.constant 0 : i32
        %dma_wait3A_558 = tpu.memref_slice %arg3[%dma_wait3A_556, %dma_wait3A_557] : memref<10000x128xf32, #tpu.memory_space<hbm>> -> memref<10000x128xf32, #tpu.memory_space<hbm>>
        tpu.wait_indirect_dma semaphore(%arg17 : memref<!tpu.dma_semaphore, #tpu.memory_space<semaphore_mem>>) src(%dma_wait3A_558 : memref<10000x128xf32, #tpu.memory_space<hbm>>) dst(%arg14 : memref<128x128xf32, #tpu.memory_space<vmem>>)
        %run_scoped3A_559 = arith.constant 13 : i32
        "tpu.region"() ({
          %run_scoped3A_593 = tpu.sem_alloc : memref<!tpu.dma_semaphore, #tpu.memory_space<semaphore_mem>>
          %dma_start3A_594 = arith.constant 0 : i32
          %dma_start3A_595 = tpu.memref_slice %arg12[%run_scoped3A_559, %dma_start3A_594] : memref<16x128xi32, #tpu.memory_space<vmem>> -> memref<1x128xi32, #tpu.memory_space<vmem>>
          %dma_start3A_596 = tpu.memref_squeeze %dma_start3A_595 : memref<1x128xi32, #tpu.memory_space<vmem>> -> memref<128xi32, #tpu.memory_space<vmem>>
          %dma_start3A_597 = arith.constant 0 : i32
          %dma_start3A_598 = arith.constant 0 : i32
          %dma_start3A_599 = tpu.memref_slice %arg15[%dma_start3A_597, %dma_start3A_598] : memref<10112x128xf32, #tpu.memory_space<vmem_shared>> -> memref<10112x128xf32, #tpu.memory_space<vmem_shared>>
          tpu.enqueue_indirect_dma source(%arg14 : memref<128x128xf32, #tpu.memory_space<vmem>>) target(%dma_start3A_599 : memref<10112x128xf32, #tpu.memory_space<vmem_shared>>) offsets(%dma_start3A_596 : memref<128xi32, #tpu.memory_space<vmem>>) semaphore(%run_scoped3A_593 : memref<!tpu.dma_semaphore, #tpu.memory_space<semaphore_mem>>) {add = true}
          %dma_wait3A_600 = arith.constant 0 : i32
          %dma_wait3A_601 = tpu.memref_slice %arg12[%run_scoped3A_559, %dma_wait3A_600] : memref<16x128xi32, #tpu.memory_space<vmem>> -> memref<1x128xi32, #tpu.memory_space<vmem>>
          %dma_wait3A_602 = tpu.memref_squeeze %dma_wait3A_601 : memref<1x128xi32, #tpu.memory_space<vmem>> -> memref<128xi32, #tpu.memory_space<vmem>>
          %dma_wait3A_603 = arith.constant 0 : i32
          %dma_wait3A_604 = arith.constant 0 : i32
          %dma_wait3A_605 = tpu.memref_slice %arg15[%dma_wait3A_603, %dma_wait3A_604] : memref<10112x128xf32, #tpu.memory_space<vmem_shared>> -> memref<10112x128xf32, #tpu.memory_space<vmem_shared>>
          tpu.wait_indirect_dma semaphore(%run_scoped3A_593 : memref<!tpu.dma_semaphore, #tpu.memory_space<semaphore_mem>>) src(%arg14 : memref<128x128xf32, #tpu.memory_space<vmem>>) dst(%dma_wait3A_605 : memref<10112x128xf32, #tpu.memory_space<vmem_shared>>)
          tpu.yield
        }) : () -> ()
        %dma_start3A_560 = arith.constant 15 : i32
        %dma_start3A_561 = arith.constant 0 : i32
        %dma_start3A_562 = tpu.memref_slice %arg10[%dma_start3A_560, %dma_start3A_561] : memref<16x128xi32, #tpu.memory_space<vmem>> -> memref<1x128xi32, #tpu.memory_space<vmem>>
        %dma_start3A_563 = tpu.memref_squeeze %dma_start3A_562 : memref<1x128xi32, #tpu.memory_space<vmem>> -> memref<128xi32, #tpu.memory_space<vmem>>
        %dma_start3A_564 = arith.constant 0 : i32
        %dma_start3A_565 = arith.constant 0 : i32
        %dma_start3A_566 = tpu.memref_slice %arg3[%dma_start3A_564, %dma_start3A_565] : memref<10000x128xf32, #tpu.memory_space<hbm>> -> memref<10000x128xf32, #tpu.memory_space<hbm>>
        tpu.enqueue_indirect_dma source(%dma_start3A_566 : memref<10000x128xf32, #tpu.memory_space<hbm>>) target(%arg14 : memref<128x128xf32, #tpu.memory_space<vmem>>) offsets(%dma_start3A_563 : memref<128xi32, #tpu.memory_space<vmem>>) semaphore(%arg17 : memref<!tpu.dma_semaphore, #tpu.memory_space<semaphore_mem>>)
        %dma_wait3A_567 = arith.constant 0 : i32
        %dma_wait3A_568 = arith.constant 0 : i32
        %dma_wait3A_569 = tpu.memref_slice %arg9[%dma_wait3A_567, %dma_wait3A_568] : memref<16x128xi32, #tpu.memory_space<vmem>> -> memref<1x128xi32, #tpu.memory_space<vmem>>
        %dma_wait3A_570 = tpu.memref_squeeze %dma_wait3A_569 : memref<1x128xi32, #tpu.memory_space<vmem>> -> memref<128xi32, #tpu.memory_space<vmem>>
        %dma_wait3A_571 = arith.constant 0 : i32
        %dma_wait3A_572 = arith.constant 0 : i32
        %dma_wait3A_573 = tpu.memref_slice %arg3[%dma_wait3A_571, %dma_wait3A_572] : memref<10000x128xf32, #tpu.memory_space<hbm>> -> memref<10000x128xf32, #tpu.memory_space<hbm>>
        tpu.wait_indirect_dma semaphore(%arg16 : memref<!tpu.dma_semaphore, #tpu.memory_space<semaphore_mem>>) src(%dma_wait3A_573 : memref<10000x128xf32, #tpu.memory_space<hbm>>) dst(%arg13 : memref<128x128xf32, #tpu.memory_space<vmem>>)
        %run_scoped3A_574 = arith.constant 14 : i32
        "tpu.region"() ({
          %run_scoped3A_593 = tpu.sem_alloc : memref<!tpu.dma_semaphore, #tpu.memory_space<semaphore_mem>>
          %dma_start3A_594 = arith.constant 0 : i32
          %dma_start3A_595 = tpu.memref_slice %arg12[%run_scoped3A_574, %dma_start3A_594] : memref<16x128xi32, #tpu.memory_space<vmem>> -> memref<1x128xi32, #tpu.memory_space<vmem>>
          %dma_start3A_596 = tpu.memref_squeeze %dma_start3A_595 : memref<1x128xi32, #tpu.memory_space<vmem>> -> memref<128xi32, #tpu.memory_space<vmem>>
          %dma_start3A_597 = arith.constant 0 : i32
          %dma_start3A_598 = arith.constant 0 : i32
          %dma_start3A_599 = tpu.memref_slice %arg15[%dma_start3A_597, %dma_start3A_598] : memref<10112x128xf32, #tpu.memory_space<vmem_shared>> -> memref<10112x128xf32, #tpu.memory_space<vmem_shared>>
          tpu.enqueue_indirect_dma source(%arg13 : memref<128x128xf32, #tpu.memory_space<vmem>>) target(%dma_start3A_599 : memref<10112x128xf32, #tpu.memory_space<vmem_shared>>) offsets(%dma_start3A_596 : memref<128xi32, #tpu.memory_space<vmem>>) semaphore(%run_scoped3A_593 : memref<!tpu.dma_semaphore, #tpu.memory_space<semaphore_mem>>) {add = true}
          %dma_wait3A_600 = arith.constant 0 : i32
          %dma_wait3A_601 = tpu.memref_slice %arg12[%run_scoped3A_574, %dma_wait3A_600] : memref<16x128xi32, #tpu.memory_space<vmem>> -> memref<1x128xi32, #tpu.memory_space<vmem>>
          %dma_wait3A_602 = tpu.memref_squeeze %dma_wait3A_601 : memref<1x128xi32, #tpu.memory_space<vmem>> -> memref<128xi32, #tpu.memory_space<vmem>>
          %dma_wait3A_603 = arith.constant 0 : i32
          %dma_wait3A_604 = arith.constant 0 : i32
          %dma_wait3A_605 = tpu.memref_slice %arg15[%dma_wait3A_603, %dma_wait3A_604] : memref<10112x128xf32, #tpu.memory_space<vmem_shared>> -> memref<10112x128xf32, #tpu.memory_space<vmem_shared>>
          tpu.wait_indirect_dma semaphore(%run_scoped3A_593 : memref<!tpu.dma_semaphore, #tpu.memory_space<semaphore_mem>>) src(%arg13 : memref<128x128xf32, #tpu.memory_space<vmem>>) dst(%dma_wait3A_605 : memref<10112x128xf32, #tpu.memory_space<vmem_shared>>)
          tpu.yield
        }) : () -> ()
        %lt3A_575 = arith.constant 4 : i32
        %lt3A_576 = arith.cmpi slt, %scan3A_85, %lt3A_575 : i32
        %convert_element_type3A_577 = arith.extui %lt3A_576 : i1 to i32
        %cond3A_578 = arith.constant 0 : i32
        %cond3A_579 = arith.cmpi ne, %convert_element_type3A_577, %cond3A_578 : i32
        scf.if %cond3A_579 {
          %dma_wait3A_593 = arith.constant 0 : i32
          %dma_wait3A_594 = arith.constant 0 : i32
          %dma_wait3A_595 = tpu.memref_slice %arg4[%arg1, %dma_wait3A_593, %dma_wait3A_594] : memref<16x160x128xi32, #tpu.memory_space<hbm>> -> memref<1x16x128xi32, #tpu.memory_space<hbm>>
          %dma_wait3A_596 = tpu.memref_squeeze %dma_wait3A_595 : memref<1x16x128xi32, #tpu.memory_space<hbm>> -> memref<16x128xi32, #tpu.memory_space<hbm>>
          %dma_wait3A_597 = arith.constant 0 : i32
          %dma_wait3A_598 = arith.constant 0 : i32
          %dma_wait3A_599 = tpu.memref_slice %arg4[%arg1, %dma_wait3A_597, %dma_wait3A_598] : memref<16x160x128xi32, #tpu.memory_space<hbm>> -> memref<1x16x128xi32, #tpu.memory_space<hbm>>
          %dma_wait3A_600 = tpu.memref_squeeze %dma_wait3A_599 : memref<1x16x128xi32, #tpu.memory_space<hbm>> -> memref<16x128xi32, #tpu.memory_space<hbm>>
          tpu.wait_dma2 semaphore(%arg18 : memref<!tpu.dma_semaphore, #tpu.memory_space<semaphore_mem>>) src(%dma_wait3A_600 : memref<16x128xi32, #tpu.memory_space<hbm>>) dst(%arg9 : memref<16x128xi32, #tpu.memory_space<vmem>>)
          %dma_wait3A_601 = arith.constant 0 : i32
          %dma_wait3A_602 = arith.constant 0 : i32
          %dma_wait3A_603 = tpu.memref_slice %arg4[%arg1, %dma_wait3A_601, %dma_wait3A_602] : memref<16x160x128xi32, #tpu.memory_space<hbm>> -> memref<1x16x128xi32, #tpu.memory_space<hbm>>
          %dma_wait3A_604 = tpu.memref_squeeze %dma_wait3A_603 : memref<1x16x128xi32, #tpu.memory_space<hbm>> -> memref<16x128xi32, #tpu.memory_space<hbm>>
          %dma_wait3A_605 = arith.constant 0 : i32
          %dma_wait3A_606 = arith.constant 0 : i32
          %dma_wait3A_607 = tpu.memref_slice %arg4[%arg1, %dma_wait3A_605, %dma_wait3A_606] : memref<16x160x128xi32, #tpu.memory_space<hbm>> -> memref<1x16x128xi32, #tpu.memory_space<hbm>>
          %dma_wait3A_608 = tpu.memref_squeeze %dma_wait3A_607 : memref<1x16x128xi32, #tpu.memory_space<hbm>> -> memref<16x128xi32, #tpu.memory_space<hbm>>
          tpu.wait_dma2 semaphore(%arg18 : memref<!tpu.dma_semaphore, #tpu.memory_space<semaphore_mem>>) src(%dma_wait3A_608 : memref<16x128xi32, #tpu.memory_space<hbm>>) dst(%arg11 : memref<16x128xi32, #tpu.memory_space<vmem>>)
          %dma_start3A_609 = arith.constant 0 : i32
          %dma_start3A_610 = arith.constant 0 : i32
          %dma_start3A_611 = tpu.memref_slice %arg9[%dma_start3A_609, %dma_start3A_610] : memref<16x128xi32, #tpu.memory_space<vmem>> -> memref<1x128xi32, #tpu.memory_space<vmem>>
          %dma_start3A_612 = tpu.memref_squeeze %dma_start3A_611 : memref<1x128xi32, #tpu.memory_space<vmem>> -> memref<128xi32, #tpu.memory_space<vmem>>
          %dma_start3A_613 = arith.constant 0 : i32
          %dma_start3A_614 = arith.constant 0 : i32
          %dma_start3A_615 = tpu.memref_slice %arg3[%dma_start3A_613, %dma_start3A_614] : memref<10000x128xf32, #tpu.memory_space<hbm>> -> memref<10000x128xf32, #tpu.memory_space<hbm>>
          tpu.enqueue_indirect_dma source(%dma_start3A_615 : memref<10000x128xf32, #tpu.memory_space<hbm>>) target(%arg13 : memref<128x128xf32, #tpu.memory_space<vmem>>) offsets(%dma_start3A_612 : memref<128xi32, #tpu.memory_space<vmem>>) semaphore(%arg16 : memref<!tpu.dma_semaphore, #tpu.memory_space<semaphore_mem>>)
        } else {
        }
        %dma_wait3A_580 = arith.constant 0 : i32
        %dma_wait3A_581 = arith.constant 0 : i32
        %dma_wait3A_582 = tpu.memref_slice %arg9[%dma_wait3A_580, %dma_wait3A_581] : memref<16x128xi32, #tpu.memory_space<vmem>> -> memref<1x128xi32, #tpu.memory_space<vmem>>
        %dma_wait3A_583 = tpu.memref_squeeze %dma_wait3A_582 : memref<1x128xi32, #tpu.memory_space<vmem>> -> memref<128xi32, #tpu.memory_space<vmem>>
        %dma_wait3A_584 = arith.constant 0 : i32
        %dma_wait3A_585 = arith.constant 0 : i32
        %dma_wait3A_586 = tpu.memref_slice %arg3[%dma_wait3A_584, %dma_wait3A_585] : memref<10000x128xf32, #tpu.memory_space<hbm>> -> memref<10000x128xf32, #tpu.memory_space<hbm>>
        tpu.wait_indirect_dma semaphore(%arg17 : memref<!tpu.dma_semaphore, #tpu.memory_space<semaphore_mem>>) src(%dma_wait3A_586 : memref<10000x128xf32, #tpu.memory_space<hbm>>) dst(%arg14 : memref<128x128xf32, #tpu.memory_space<vmem>>)
        %run_scoped3A_587 = arith.constant 15 : i32
        "tpu.region"() ({
          %run_scoped3A_593 = tpu.sem_alloc : memref<!tpu.dma_semaphore, #tpu.memory_space<semaphore_mem>>
          %dma_start3A_594 = arith.constant 0 : i32
          %dma_start3A_595 = tpu.memref_slice %arg12[%run_scoped3A_587, %dma_start3A_594] : memref<16x128xi32, #tpu.memory_space<vmem>> -> memref<1x128xi32, #tpu.memory_space<vmem>>
          %dma_start3A_596 = tpu.memref_squeeze %dma_start3A_595 : memref<1x128xi32, #tpu.memory_space<vmem>> -> memref<128xi32, #tpu.memory_space<vmem>>
          %dma_start3A_597 = arith.constant 0 : i32
          %dma_start3A_598 = arith.constant 0 : i32
          %dma_start3A_599 = tpu.memref_slice %arg15[%dma_start3A_597, %dma_start3A_598] : memref<10112x128xf32, #tpu.memory_space<vmem_shared>> -> memref<10112x128xf32, #tpu.memory_space<vmem_shared>>
          tpu.enqueue_indirect_dma source(%arg14 : memref<128x128xf32, #tpu.memory_space<vmem>>) target(%dma_start3A_599 : memref<10112x128xf32, #tpu.memory_space<vmem_shared>>) offsets(%dma_start3A_596 : memref<128xi32, #tpu.memory_space<vmem>>) semaphore(%run_scoped3A_593 : memref<!tpu.dma_semaphore, #tpu.memory_space<semaphore_mem>>) {add = true}
          %dma_wait3A_600 = arith.constant 0 : i32
          %dma_wait3A_601 = tpu.memref_slice %arg12[%run_scoped3A_587, %dma_wait3A_600] : memref<16x128xi32, #tpu.memory_space<vmem>> -> memref<1x128xi32, #tpu.memory_space<vmem>>
          %dma_wait3A_602 = tpu.memref_squeeze %dma_wait3A_601 : memref<1x128xi32, #tpu.memory_space<vmem>> -> memref<128xi32, #tpu.memory_space<vmem>>
          %dma_wait3A_603 = arith.constant 0 : i32
          %dma_wait3A_604 = arith.constant 0 : i32
          %dma_wait3A_605 = tpu.memref_slice %arg15[%dma_wait3A_603, %dma_wait3A_604] : memref<10112x128xf32, #tpu.memory_space<vmem_shared>> -> memref<10112x128xf32, #tpu.memory_space<vmem_shared>>
          tpu.wait_indirect_dma semaphore(%run_scoped3A_593 : memref<!tpu.dma_semaphore, #tpu.memory_space<semaphore_mem>>) src(%arg14 : memref<128x128xf32, #tpu.memory_space<vmem>>) dst(%dma_wait3A_605 : memref<10112x128xf32, #tpu.memory_space<vmem_shared>>)
          tpu.yield
        }) : () -> ()
        %lt3A_588 = arith.constant 4 : i32
        %lt3A_589 = arith.cmpi slt, %scan3A_85, %lt3A_588 : i32
        %convert_element_type3A_590 = arith.extui %lt3A_589 : i1 to i32
        %cond3A_591 = arith.constant 0 : i32
        %cond3A_592 = arith.cmpi ne, %convert_element_type3A_590, %cond3A_591 : i32
        scf.if %cond3A_592 {
          %dma_start3A_593 = arith.constant 1 : i32
          %dma_start3A_594 = arith.constant 0 : i32
          %dma_start3A_595 = tpu.memref_slice %arg9[%dma_start3A_593, %dma_start3A_594] : memref<16x128xi32, #tpu.memory_space<vmem>> -> memref<1x128xi32, #tpu.memory_space<vmem>>
          %dma_start3A_596 = tpu.memref_squeeze %dma_start3A_595 : memref<1x128xi32, #tpu.memory_space<vmem>> -> memref<128xi32, #tpu.memory_space<vmem>>
          %dma_start3A_597 = arith.constant 0 : i32
          %dma_start3A_598 = arith.constant 0 : i32
          %dma_start3A_599 = tpu.memref_slice %arg3[%dma_start3A_597, %dma_start3A_598] : memref<10000x128xf32, #tpu.memory_space<hbm>> -> memref<10000x128xf32, #tpu.memory_space<hbm>>
          tpu.enqueue_indirect_dma source(%dma_start3A_599 : memref<10000x128xf32, #tpu.memory_space<hbm>>) target(%arg14 : memref<128x128xf32, #tpu.memory_space<vmem>>) offsets(%dma_start3A_596 : memref<128xi32, #tpu.memory_space<vmem>>) semaphore(%arg17 : memref<!tpu.dma_semaphore, #tpu.memory_space<semaphore_mem>>)
        } else {
        }
      }
      %scan3A_74 = arith.constant 5 : i32
      %barrier3A_75 = arith.constant 0 : index
      tpu.barrier barrier_id(%barrier3A_75)
      %lt3A = arith.constant 15 : i32
      %lt3A_76 = arith.cmpi slt, %arg1, %lt3A : i32
      %convert_element_type3A_77 = arith.extui %lt3A_76 : i1 to i32
      %cond3A_78 = arith.constant 0 : i32
      %cond3A_79 = arith.cmpi ne, %convert_element_type3A_77, %cond3A_78 : i32
      scf.if %cond3A_79 {
        %mul3A_85 = arith.constant 632 : i32
        %mul3A_86 = arith.muli %arg1, %mul3A_85 : i32
        %mul3A_87 = arith.constant 632 : i32
        %mul3A_88 = arith.muli %arg1, %mul3A_87 : i32
        "tpu.region"() ({
          %run_scoped3A = tpu.sem_alloc : memref<!tpu.dma_semaphore, #tpu.memory_space<semaphore_mem>>
          %dma_start3A_89 = arith.constant 0 : i32
          %dma_start3A_90 = tpu.memref_slice %arg8[%mul3A_88, %dma_start3A_89] : memref<10000x128xf32, #tpu.memory_space<hbm>> -> memref<632x128xf32, #tpu.memory_space<hbm>>
          %dma_start3A_91 = arith.constant 0 : i32
          %dma_start3A_92 = tpu.memref_slice %arg15[%mul3A_86, %dma_start3A_91] : memref<10112x128xf32, #tpu.memory_space<vmem_shared>> -> memref<632x128xf32, #tpu.memory_space<vmem_shared>>
          tpu.enqueue_dma source(%dma_start3A_92 : memref<632x128xf32, #tpu.memory_space<vmem_shared>>) target(%dma_start3A_90 : memref<632x128xf32, #tpu.memory_space<hbm>>) target_semaphore(%run_scoped3A : memref<!tpu.dma_semaphore, #tpu.memory_space<semaphore_mem>>)
          %dma_wait3A_93 = arith.constant 0 : i32
          %dma_wait3A_94 = tpu.memref_slice %arg8[%mul3A_88, %dma_wait3A_93] : memref<10000x128xf32, #tpu.memory_space<hbm>> -> memref<632x128xf32, #tpu.memory_space<hbm>>
          %dma_wait3A_95 = arith.constant 0 : i32
          %dma_wait3A_96 = tpu.memref_slice %arg15[%mul3A_86, %dma_wait3A_95] : memref<10112x128xf32, #tpu.memory_space<vmem_shared>> -> memref<632x128xf32, #tpu.memory_space<vmem_shared>>
          tpu.wait_dma2 semaphore(%run_scoped3A : memref<!tpu.dma_semaphore, #tpu.memory_space<semaphore_mem>>) src(%dma_wait3A_96 : memref<632x128xf32, #tpu.memory_space<vmem_shared>>) dst(%dma_wait3A_94 : memref<632x128xf32, #tpu.memory_space<hbm>>)
          tpu.yield
        }) : () -> ()
      } else {
      }
      %eq3A_80 = arith.constant 15 : i32
      %eq3A_81 = arith.cmpi eq, %arg1, %eq3A_80 : i32
      %convert_element_type3A_82 = arith.extui %eq3A_81 : i1 to i32
      %cond3A_83 = arith.constant 0 : i32
      %cond3A_84 = arith.cmpi ne, %convert_element_type3A_82, %cond3A_83 : i32
      scf.if %cond3A_84 {
        "tpu.region"() ({
          %run_scoped3A = tpu.sem_alloc : memref<!tpu.dma_semaphore, #tpu.memory_space<semaphore_mem>>
          %dma_start3A_85 = arith.constant 9480 : i32
          %dma_start3A_86 = arith.constant 0 : i32
          %dma_start3A_87 = tpu.memref_slice %arg8[%dma_start3A_85, %dma_start3A_86] : memref<10000x128xf32, #tpu.memory_space<hbm>> -> memref<520x128xf32, #tpu.memory_space<hbm>>
          %dma_start3A_88 = arith.constant 9480 : i32
          %dma_start3A_89 = arith.constant 0 : i32
          %dma_start3A_90 = tpu.memref_slice %arg15[%dma_start3A_88, %dma_start3A_89] : memref<10112x128xf32, #tpu.memory_space<vmem_shared>> -> memref<520x128xf32, #tpu.memory_space<vmem_shared>>
          tpu.enqueue_dma source(%dma_start3A_90 : memref<520x128xf32, #tpu.memory_space<vmem_shared>>) target(%dma_start3A_87 : memref<520x128xf32, #tpu.memory_space<hbm>>) target_semaphore(%run_scoped3A : memref<!tpu.dma_semaphore, #tpu.memory_space<semaphore_mem>>)
          %dma_wait3A_91 = arith.constant 9480 : i32
          %dma_wait3A_92 = arith.constant 0 : i32
          %dma_wait3A_93 = tpu.memref_slice %arg8[%dma_wait3A_91, %dma_wait3A_92] : memref<10000x128xf32, #tpu.memory_space<hbm>> -> memref<520x128xf32, #tpu.memory_space<hbm>>
          %dma_wait3A_94 = arith.constant 9480 : i32
          %dma_wait3A_95 = arith.constant 0 : i32
          %dma_wait3A_96 = tpu.memref_slice %arg15[%dma_wait3A_94, %dma_wait3A_95] : memref<10112x128xf32, #tpu.memory_space<vmem_shared>> -> memref<520x128xf32, #tpu.memory_space<vmem_shared>>
          tpu.wait_dma2 semaphore(%run_scoped3A : memref<!tpu.dma_semaphore, #tpu.memory_space<semaphore_mem>>) src(%dma_wait3A_96 : memref<520x128xf32, #tpu.memory_space<vmem_shared>>) dst(%dma_wait3A_93 : memref<520x128xf32, #tpu.memory_space<hbm>>)
          tpu.yield
        }) : () -> ()
      } else {
      }
    } else {
    }
    return
  }
}

module attributes {stable_mosaic.version = 14 : i64} {
  func.func @_pre_body(%arg0: i32, %arg1: memref<1000x128xf32, #tpu.memory_space<vmem>>, %arg2: memref<1000x128xf32, #tpu.memory_space<vmem>>, %arg3: memref<128x128xf32, #tpu.memory_space<vmem>>, %arg4: memref<1x128xf32, #tpu.memory_space<vmem>>, %arg5: memref<1000x128xf32, #tpu.memory_space<vmem>>) attributes {dimension_semantics = [#tpu.dimension_semantics<arbitrary>], iteration_bounds = array<i64: 10>, scalar_prefetch = 0 : i64, scratch_operands = 0 : i64, tpu.core_type = #tpu.core_type<tc>, window_params = [{transform_indices = @transform_0, window_bounds = array<i64: 1000, 128>}, {transform_indices = @transform_1, window_bounds = array<i64: 1000, 128>}, {pipeline_mode = #tpu.pipeline_mode<synchronous>, transform_indices = @transform_2, window_bounds = array<i64: 128, 128>}, {pipeline_mode = #tpu.pipeline_mode<synchronous>, transform_indices = @transform_3, window_bounds = array<i64: 1, 128>}, {transform_indices = @transform_4, window_bounds = array<i64: 1000, 128>}]} {
    %get3A = arith.constant 0 : index
    %get3A_0 = arith.constant 0 : index
    %get3A_1 = vector.load %arg1[%get3A, %get3A_0] : memref<1000x128xf32, #tpu.memory_space<vmem>>, vector<1000x128xf32>
    %get3A_2 = arith.constant 0 : index
    %get3A_3 = arith.constant 0 : index
    %get3A_4 = vector.load %arg3[%get3A_2, %get3A_3] : memref<128x128xf32, #tpu.memory_space<vmem>>, vector<128x128xf32>
    %dot_general3A = arith.constant dense<0.000000e+00> : vector<1000x128xf32>
    %dot_general3A_5 = tpu.matmul %get3A_1, %get3A_4, %dot_general3A {dimension_numbers = #tpu.dot_dimension_numbers<[1], [0], [0], [1], [0, 0, 1, 1], [], []>, transpose_lhs_hint = false} : vector<1000x128xf32>, vector<128x128xf32>, vector<1000x128xf32> -> vector<1000x128xf32>
    %get3A_6 = arith.constant 0 : index
    %get3A_7 = arith.constant 0 : index
    %get3A_8 = vector.load %arg4[%get3A_6, %get3A_7] : memref<1x128xf32, #tpu.memory_space<vmem>>, vector<1x128xf32>
    %add3A = vector.broadcast %get3A_8 : vector<1x128xf32> to vector<1000x128xf32>
    %add3A_9 = arith.addf %dot_general3A_5, %add3A : vector<1000x128xf32>
    %logistic3A = arith.negf %add3A_9 : vector<1000x128xf32>
    %logistic3A_10 = math.exp %logistic3A : vector<1000x128xf32>
    %logistic3A_11 = arith.constant 1.000000e+00 : f32
    %logistic3A_12 = vector.broadcast %logistic3A_11 : f32 to vector<1000x128xf32>
    %logistic3A_13 = arith.addf %logistic3A_12, %logistic3A_10 : vector<1000x128xf32>
    %logistic3A_14 = arith.divf %logistic3A_12, %logistic3A_13 : vector<1000x128xf32>
    %get3A_15 = arith.constant 0 : index
    %get3A_16 = arith.constant 0 : index
    %get3A_17 = vector.load %arg2[%get3A_15, %get3A_16] : memref<1000x128xf32, #tpu.memory_space<vmem>>, vector<1000x128xf32>
    %mul3A = arith.mulf %logistic3A_14, %get3A_17 : vector<1000x128xf32>
    %swap3A = arith.constant 0 : index
    %swap3A_18 = arith.constant 0 : index
    %swap3A_19 = vector.load %arg5[%swap3A, %swap3A_18] : memref<1000x128xf32, #tpu.memory_space<vmem>>, vector<1000x128xf32>
    tpu.vector_store %arg5[%swap3A, %swap3A_18], %mul3A {strides = array<i32>} : memref<1000x128xf32, #tpu.memory_space<vmem>>, vector<1000x128xf32>,
    return
  }
  func.func @transform_0(%arg0: i32) -> (i32, i32) {
    %c0_i32 = arith.constant 0 : i32
    %c0_i32_0 = arith.constant 0 : i32
    return %arg0, %c0_i32 : i32, i32
  }
  func.func @transform_1(%arg0: i32) -> (i32, i32) {
    %c0_i32 = arith.constant 0 : i32
    %c0_i32_0 = arith.constant 0 : i32
    return %arg0, %c0_i32 : i32, i32
  }
  func.func @transform_2(%arg0: i32) -> (i32, i32) {
    %c0_i32 = arith.constant 0 : i32
    %c0_i32_0 = arith.constant 0 : i32
    %c0_i32_1 = arith.constant 0 : i32
    return %c0_i32, %c0_i32_0 : i32, i32
  }
  func.func @transform_3(%arg0: i32) -> (i32, i32) {
    %c0_i32 = arith.constant 0 : i32
    %c0_i32_0 = arith.constant 0 : i32
    %c0_i32_1 = arith.constant 0 : i32
    return %c0_i32, %c0_i32_0 : i32, i32
  }
  func.func @transform_4(%arg0: i32) -> (i32, i32) {
    %c0_i32 = arith.constant 0 : i32
    %c0_i32_0 = arith.constant 0 : i32
    return %arg0, %c0_i32 : i32, i32
  }
}

module attributes {stable_mosaic.version = 14 : i64} {
  func.func @_post_body(%arg0: i32, %arg1: memref<1000x128xf32, #tpu.memory_space<vmem>>, %arg2: memref<1000x128xf32, #tpu.memory_space<vmem>>, %arg3: memref<128x384xf32, #tpu.memory_space<vmem>>, %arg4: memref<1x384xf32, #tpu.memory_space<vmem>>, %arg5: memref<1000x2x128xf32, #tpu.memory_space<vmem>>) attributes {dimension_semantics = [#tpu.dimension_semantics<arbitrary>], iteration_bounds = array<i64: 10>, scalar_prefetch = 0 : i64, scratch_operands = 0 : i64, tpu.core_type = #tpu.core_type<tc>, window_params = [{transform_indices = @transform_0, window_bounds = array<i64: 1000, 128>}, {transform_indices = @transform_1, window_bounds = array<i64: 1000, 128>}, {pipeline_mode = #tpu.pipeline_mode<synchronous>, transform_indices = @transform_2, window_bounds = array<i64: 128, 384>}, {pipeline_mode = #tpu.pipeline_mode<synchronous>, transform_indices = @transform_3, window_bounds = array<i64: 1, 384>}, {transform_indices = @transform_4, window_bounds = array<i64: 1000, 2, 128>}]} {
    %get3A = arith.constant 0 : index
    %get3A_0 = arith.constant 0 : index
    %get3A_1 = vector.load %arg1[%get3A, %get3A_0] : memref<1000x128xf32, #tpu.memory_space<vmem>>, vector<1000x128xf32>
    %get3A_2 = arith.constant 0 : index
    %get3A_3 = arith.constant 0 : index
    %get3A_4 = vector.load %arg3[%get3A_2, %get3A_3] : memref<128x384xf32, #tpu.memory_space<vmem>>, vector<128x384xf32>
    %dot_general3A = arith.constant dense<0.000000e+00> : vector<1000x384xf32>
    %dot_general3A_5 = tpu.matmul %get3A_1, %get3A_4, %dot_general3A {dimension_numbers = #tpu.dot_dimension_numbers<[1], [0], [0], [1], [0, 0, 1, 1], [], []>, transpose_lhs_hint = false} : vector<1000x128xf32>, vector<128x384xf32>, vector<1000x384xf32> -> vector<1000x384xf32>
    %get3A_6 = arith.constant 0 : index
    %get3A_7 = arith.constant 0 : index
    %get3A_8 = vector.load %arg4[%get3A_6, %get3A_7] : memref<1x384xf32, #tpu.memory_space<vmem>>, vector<1x384xf32>
    %add3A = vector.broadcast %get3A_8 : vector<1x384xf32> to vector<1000x384xf32>
    %add3A_9 = arith.addf %dot_general3A_5, %add3A : vector<1000x384xf32>
    %slice3A = vector.extract_strided_slice %add3A_9 {offsets = [0, 0], sizes = [1000, 128], strides = [1, 1]} : vector<1000x384xf32> to vector<1000x128xf32>
    %logistic3A = arith.negf %slice3A : vector<1000x128xf32>
    %logistic3A_10 = math.exp %logistic3A : vector<1000x128xf32>
    %logistic3A_11 = arith.constant 1.000000e+00 : f32
    %logistic3A_12 = vector.broadcast %logistic3A_11 : f32 to vector<1000x128xf32>
    %logistic3A_13 = arith.addf %logistic3A_12, %logistic3A_10 : vector<1000x128xf32>
    %logistic3A_14 = arith.divf %logistic3A_12, %logistic3A_13 : vector<1000x128xf32>
    %slice3A_15 = vector.extract_strided_slice %add3A_9 {offsets = [0, 128], sizes = [1000, 128], strides = [1, 1]} : vector<1000x384xf32> to vector<1000x128xf32>
    %logistic3A_16 = arith.negf %slice3A_15 : vector<1000x128xf32>
    %logistic3A_17 = math.exp %logistic3A_16 : vector<1000x128xf32>
    %logistic3A_18 = arith.constant 1.000000e+00 : f32
    %logistic3A_19 = vector.broadcast %logistic3A_18 : f32 to vector<1000x128xf32>
    %logistic3A_20 = arith.addf %logistic3A_19, %logistic3A_17 : vector<1000x128xf32>
    %logistic3A_21 = arith.divf %logistic3A_19, %logistic3A_20 : vector<1000x128xf32>
    %slice3A_22 = vector.extract_strided_slice %add3A_9 {offsets = [0, 256], sizes = [1000, 128], strides = [1, 1]} : vector<1000x384xf32> to vector<1000x128xf32>
    %tanh3A = math.tanh %slice3A_22 : vector<1000x128xf32>
    %mul3A = arith.mulf %logistic3A_14, %tanh3A : vector<1000x128xf32>
    %get3A_23 = arith.constant 0 : index
    %get3A_24 = arith.constant 0 : index
    %get3A_25 = vector.load %arg2[%get3A_23, %get3A_24] : memref<1000x128xf32, #tpu.memory_space<vmem>>, vector<1000x128xf32>
    %add3A_26 = arith.addf %mul3A, %get3A_25 : vector<1000x128xf32>
    %tanh3A_27 = math.tanh %add3A_26 : vector<1000x128xf32>
    %mul3A_28 = arith.mulf %logistic3A_21, %tanh3A_27 : vector<1000x128xf32>
    %swap3A = arith.constant 0 : index
    %swap3A_29 = arith.constant 0 : index
    %swap3A_30 = arith.constant 0 : index
    %swap3A_31 = vector.load %arg5[%swap3A, %swap3A_29, %swap3A_30] : memref<1000x2x128xf32, #tpu.memory_space<vmem>>, vector<1000x1x128xf32>
    %swap3A_32 = vector.shape_cast %swap3A_31 : vector<1000x1x128xf32> to vector<1000x128xf32>
    %swap3A_33 = vector.shape_cast %mul3A_28 : vector<1000x128xf32> to vector<1000x1x128xf32>
    tpu.vector_store %arg5[%swap3A, %swap3A_29, %swap3A_30], %swap3A_33 {strides = array<i32>} : memref<1000x2x128xf32, #tpu.memory_space<vmem>>, vector<1000x1x128xf32>,
    %swap3A_34 = arith.constant 0 : index
    %swap3A_35 = arith.constant 1 : index
    %swap3A_36 = arith.constant 0 : index
    %swap3A_37 = vector.load %arg5[%swap3A_34, %swap3A_35, %swap3A_36] : memref<1000x2x128xf32, #tpu.memory_space<vmem>>, vector<1000x1x128xf32>
    %swap3A_38 = vector.shape_cast %swap3A_37 : vector<1000x1x128xf32> to vector<1000x128xf32>
    %swap3A_39 = vector.shape_cast %add3A_26 : vector<1000x128xf32> to vector<1000x1x128xf32>
    tpu.vector_store %arg5[%swap3A_34, %swap3A_35, %swap3A_36], %swap3A_39 {strides = array<i32>} : memref<1000x2x128xf32, #tpu.memory_space<vmem>>, vector<1000x1x128xf32>,
    return
  }
  func.func @transform_0(%arg0: i32) -> (i32, i32) {
    %c0_i32 = arith.constant 0 : i32
    %c0_i32_0 = arith.constant 0 : i32
    return %arg0, %c0_i32 : i32, i32
  }
  func.func @transform_1(%arg0: i32) -> (i32, i32) {
    %c0_i32 = arith.constant 0 : i32
    %c0_i32_0 = arith.constant 0 : i32
    return %arg0, %c0_i32 : i32, i32
  }
  func.func @transform_2(%arg0: i32) -> (i32, i32) {
    %c0_i32 = arith.constant 0 : i32
    %c0_i32_0 = arith.constant 0 : i32
    %c0_i32_1 = arith.constant 0 : i32
    return %c0_i32, %c0_i32_0 : i32, i32
  }
  func.func @transform_3(%arg0: i32) -> (i32, i32) {
    %c0_i32 = arith.constant 0 : i32
    %c0_i32_0 = arith.constant 0 : i32
    %c0_i32_1 = arith.constant 0 : i32
    return %c0_i32, %c0_i32_0 : i32, i32
  }
  func.func @transform_4(%arg0: i32) -> (i32, i32, i32) {
    %c0_i32 = arith.constant 0 : i32
    %c0_i32_0 = arith.constant 0 : i32
    %c0_i32_1 = arith.constant 0 : i32
    return %arg0, %c0_i32, %c0_i32_0 : i32, i32, i32
  }
}

</mosaic_0001>

<sc_bundles>
// kernel: kernel.5.cloned.1.call-start
scs
__scs_entry_jumppad:
0x0: {  	(pc) =	sbr.rel $0x88, $3  }
0x1: {  	(tag) =	ssettag $0x0;
	lr =	simm.s32 $0x1  }
0x2: {  	[smem:$0x3F9A] =	sst lr;
	_ =	strace $0xD0000000  }
0x3: {  	_ = 	snop  }
0x4: {  	_ = 	snop  }
0x5: {  	_ = 	snop  }
0x6: {  	_ = 	snop  }
0x7: {  	_ = 	snop  }
__scs_overlays_trampoline_lowered:
0x8: {  	[smem:$0x3FA9] =	sst s0  }
0x9: {  	[smem:$0x3FAA] =	sst s1  }
0xa: {  	[smem:$0x3FAB] =	sst s2  }
0xb: {  	[smem:$0x3FAC] =	sst s3  }
0xc: {  	[smem:$0x3FAD] =	sst s4  }
0xd: {  	[smem:$0x3FAE] =	sst s5  }
0xe: {  	[smem:$0x3FAF] =	sst s6  }
0xf: {  	[smem:$0x3FB0] =	sst s7  }
0x10: {  	[smem:$0x3FB1] =	sst s8  }
0x11: {  	[smem:$0x3FB2] =	sst s9;
	s0 =	simm.s32 @!p0 $0x0  }
0x12: {  	s1 =	sld [smem:$0x3F98];
	s0 =	simm.s32 @p0 $0x1  }
0x13: {  	[smem:$0x3FB3] =	sst s0;
	s0 =	simm.s32 @!p1 $0x0  }
0x14: {  	s2 =	sld [smem:$0x3F97];
	s0 =	simm.s32 @p1 $0x1  }
0x15: {  	[smem:$0x3FB4] =	sst s0;
	s0 =	simm.s32 @!p2 $0x0  }
0x16: {  	s3 =	sld [smem:$0x3FDB];
	s0 =	simm.s32 @p2 $0x1  }
0x17: {  	s4 =	simm.s32 $0x1BF5;
	[smem:$0x3FB6] =	sst s0  }
0x18: {  	s0 =	sld [smem:$0x3F99];
	_ =	swait.ge [sflag:s4], $0x0  }
0x19: {  	s7 =	sld [smem:$0x3F9A]  }
0x1a: {  	s8 =	sadd.s32 $0xFFFFE003, lr  }
0x1b: {  	s9 =	sadd.s32 $0xFFFFFEF7, lr;
	s5 =	simm.s32 $0xFFFFFFFF;
	p2 =	slt.u32 s8, $0xFFFFF086  }
0x1c: {  	p1 =	slt.u32 s9, $0xF7A;
	s5 =	simm.s32 @!p2 $0x0  }
0x1d: {  	s5 =	simm.s32 @p1 $0x1;
	p0 =	seq.s32 s7, s2  }
0x1e: {  	s7 =	smul.u32 @!p0 $0xF7A, s2;
	p2 =	seq.s32 @!p0 s5, $0x0  }
0x1f: {  	s9 =	smul.u32 $0xF7A, s1;
	s8 =	simm.s32 @!p0 $0x1BF5;
	p2 =	por !p2, p0  }
0x20: {  	[sflag:s8] =	ssyncset.s32 @!p0 $0xFFFFF086;
	s6 =	sadd.s32 @!p0 s3, s7;
	s7 =	simm.s32 @!p0 $0x108  }
0x21: {  	s3 =	sadd.s32 s3, s9;
	s6 =	sadd.s32 @!p0 $0x88, s6;
	s7 =	simm.s32 @p2 $0x1082  }
0x22: {  	[simem:s7], [sflag:s8] =	dma.local @!p0 [hbm:s6], $0xF7A  }
0x23: {  	s9 =	sor.u32 $0xD0000000, s2;
	s6 =	simm.s32 $0x108;
	_ =	swait.ge @!p0 [sflag:s8], $0x0  }
0x24: {  	s3 =	sadd.s32 $0x88, s3;
	s6 =	simm.s32 @!p1 $0x1082;
	[sflag:s4] =	ssyncset.s32 $0xFFFFF086  }
0x25: {  	[simem:s6], [sflag:s4] =	dma.local [hbm:s3], $0xF7A  }
0x26: {  	[smem:$0x3F9A] =	sst s1;
	(tag) =	ssettag s2;
	_ =	strace s9  }
0x27: {  	s1 =	sld [smem:$0x3FAA]  }
0x28: {  	s2 =	sld [smem:$0x3FAB]  }
0x29: {  	s4 =	sld [smem:$0x3FAD]  }
0x2a: {  	p0 =	seq.s32 s5, $0x0;
	s5 =	sld [smem:$0x3FAE]  }
0x2b: {  	s6 =	sld [smem:$0x3FAF]  }
0x2c: {  	s7 =	sld [smem:$0x3FB0]  }
0x2d: {  	s3 =	simm.s32 $0x108;
	s8 =	sld [smem:$0x3FB1]  }
0x2e: {  	s3 =	simm.s32 @!p0 $0x1082;
	s9 =	sld [smem:$0x3FB2]  }
0x2f: {  	lr =	sadd.s32 s0, s3;
	s0 =	sld [smem:$0x3FA9]  }
0x30: {  	s3 =	sld [smem:$0x3FAC]  }
0x31: {  	[smem:$0x3FB5] =	sst s10  }
0x32: {  	s10 =	sld [smem:$0x3FB3];
	_ =	sdelay $0x3  }
0x33: {  	p0 =	seq.s32 s10, $0x1;
	s10 =	sld [smem:$0x3FB5];
	_ =	sdelay $0x3  }
0x34: {  	[smem:$0x3FB5] =	sst s10  }
0x35: {  	s10 =	sld [smem:$0x3FB4];
	_ =	sdelay $0x3  }
0x36: {  	p1 =	seq.s32 s10, $0x1;
	s10 =	sld [smem:$0x3FB5];
	_ =	sdelay $0x3  }
0x37: {  	[smem:$0x3FB5] =	sst s10  }
0x38: {  	s10 =	sld [smem:$0x3FB6]  }
0x39: {  	_ = 	snop;
	(pc) =	sbr.ind lr, $3  }
0x3a: {  	_ = 	snop  }
0x3b: {  	_ = 	snop  }
0x3c: {  	p2 =	seq.s32 s10, $0x1;
	s10 =	sld [smem:$0x3FB5]  }
0x3d: {  	_ =	shalt  }
0x3e: {  	_ =	shalt  }
0x3f: {  	_ =	shalt  }
0x40: {  	_ =	shalt  }
0x41: {  	_ =	shalt  }
0x42: {  	_ =	shalt  }
0x43: {  	_ =	shalt  }
0x44: {  	_ =	shalt  }
0x45: {  	_ =	shalt  }
0x46: {  	_ =	shalt  }
0x47: {  	_ =	shalt  }
0x48: {  	_ =	shalt  }
0x49: {  	_ =	shalt  }
0x4a: {  	_ =	shalt  }
0x4b: {  	_ =	shalt  }
0x4c: {  	_ =	shalt  }
0x4d: {  	_ =	shalt  }
0x4e: {  	_ =	shalt  }
0x4f: {  	_ =	shalt  }
0x50: {  	_ =	shalt  }
0x51: {  	_ =	shalt  }
0x52: {  	_ =	shalt  }
0x53: {  	_ =	shalt  }
0x54: {  	_ =	shalt  }
0x55: {  	_ =	shalt  }
0x56: {  	_ =	shalt  }
0x57: {  	_ =	shalt  }
0x58: {  	_ =	shalt  }
0x59: {  	_ =	shalt  }
0x5a: {  	_ =	shalt  }
0x5b: {  	_ =	shalt  }
0x5c: {  	_ =	shalt  }
0x5d: {  	_ =	shalt  }
0x5e: {  	_ =	shalt  }
0x5f: {  	_ =	shalt  }
0x60: {  	_ =	shalt  }
0x61: {  	_ =	shalt  }
0x62: {  	_ =	shalt  }
0x63: {  	_ =	shalt  }
0x64: {  	_ =	shalt  }
0x65: {  	_ =	shalt  }
0x66: {  	_ =	shalt  }
0x67: {  	_ =	shalt  }
0x68: {  	_ =	shalt  }
0x69: {  	_ =	shalt  }
0x6a: {  	_ =	shalt  }
0x6b: {  	_ =	shalt  }
0x6c: {  	_ =	shalt  }
0x6d: {  	_ =	shalt  }
0x6e: {  	_ =	shalt  }
0x6f: {  	_ =	shalt  }
0x70: {  	_ =	shalt  }
0x71: {  	_ =	shalt  }
0x72: {  	_ =	shalt  }
0x73: {  	_ =	shalt  }
0x74: {  	_ =	shalt  }
0x75: {  	_ =	shalt  }
0x76: {  	_ =	shalt  }
0x77: {  	_ =	shalt  }
0x78: {  	_ =	shalt  }
0x79: {  	_ =	shalt  }
0x7a: {  	_ =	shalt  }
0x7b: {  	_ =	shalt  }
0x7c: {  	_ =	shalt  }
0x7d: {  	_ =	shalt  }
0x7e: {  	_ =	shalt  }
0x7f: {  	_ =	shalt  }
0x80: {  	_ =	shalt  }
0x81: {  	_ =	shalt  }
0x82: {  	_ =	shalt  }
0x83: {  	_ =	shalt  }
0x84: {  	_ =	shalt  }
0x85: {  	_ =	shalt  }
0x86: {  	_ =	shalt  }
0x87: {  	_ =	shalt  }
.Lfunc_end0:
.L_simem_size_0:
called_computation_lowered:
.L_overlay_start_0:
0x88: {  	s2 =	sld [smem:$0x3FD9]  }
0x89: {  	s3 =	sld [smem:$0x3FFE];
	_ =	sdelay $0x1  }
0x8a: {  	s1 =	srdreg.scid  }
0x8b: {  	s0 =	sand.u32 $0x1, s1  }
0x8c: {  	s17 =	sshll.u32 s0, $0xA;
	s2 =	sadd.s32 s3, s2  }
0x8d: {  	s2 =	sadd.s32 s2, s17  }
0x8e: {  	[smem:$0x3FC1] =	sst s2  }
0x8f: {  	_ = 	snop  }
0x90: {  	s2 =	sld [smem:$0x3FC9]  }
0x91: {  	s18 =	sld [smem:$0x3FD0];
	(tm) =	ssettm $0x1  }
0x92: {  	s4 =	sld [smem:$0x3FFB];
	_ =	sdelay $0x3  }
0x93: {  	_ =	strace s4  }
0x94: {  	s4 =	sld [smem:$0x3FFC];
	_ =	sdelay $0x3  }
0x95: {  	_ =	strace s4  }
0x96: {  	s4 =	sld [smem:$0x3FFD];
	_ =	sdelay $0x3  }
0x97: {  	_ =	strace s4  }
0x98: {  	_ =	strace $0x8FFFFFFF  }
0x99: {  	s19 =	sld [smem:$0x3FDB];
	_ =	sdelay $0x1  }
0x9a: {  	s5 =	simm.s32 $_scs_section_size  }
0x9b: {  	s6 =	simm.s32 $_size__tile_overlayer_lowered;
	s7 =	simm.s32 $_tile_overlayer_lowered  }
0x9c: {  	s22 =	simm.s32 $0x1BFF;
	s21 =	sshll.u32 s7, $0x1;
	s4 =	sadd.s32 s5, s19  }
0x9d: {  	s8 =	simm.s32 $0x0;
	s20 =	sshll.u32 s6, $0x1;
	s6 =	sadd.s32 s21, s4  }
0x9e: {  	[timem:s8], [sflag:s22] =	dma.local [hbm:s6], s20  }
0x9f: {  	_ =	swait.ge [sflag:s22], s20  }
0xa0: {  	s5 =	ssub.s32 $0x0, s20;
	[sflag:s22] =	ssyncset.done $0x0  }
0xa1: {  	[sflag:s22] =	ssyncadd.s32 s5;
	_ =	sdelay $0x1  }
0xa2: {  	s23 =	simm.s32 $0x1B8B  }
0xa3: {  	_ =	swait.ge [sflag:s23], $0x1  }
0xa4: {  	[sflag:s23] =	ssyncset.done $0x0  }
0xa5: {  	s25 =	simm.s32 $0x1B8E;
	s24 =	sld [smem:$0x3FFE];
	[sflag:s23] =	ssyncadd.s32 $0xFFFFFFFF  }
0xa6: {  	s26 =	simm.s32 $execute0_lowered;
	[smem:$0x3FD2] =	sst s25  }
0xa7: {  	s6 =	sshll.u32 s26, $0x1;
	_ =	strace $0x80000046;
	[dreg:$0x1] =	wrdreg $0xFFFFFFFF  }
0xa8: {  	s28 =	simm.s32 $_size_execute0_lowered;
	s4 =	sadd.s32 s4, s6;
	[dreg:$0x0] =	wrdreg $0x0  }
0xa9: {  	s6 =	sshll.u32 s28, $0x1;
	[dreg:$0x2] =	wrdreg s4  }
0xaa: {  	[dreg:$0x3] =	wrdreg s6  }
0xab: {  	[dreg:$0x4] =	wrdreg $0xC0  }
0xac: {  	_ =	task [dreg:s8], $0x5FFFF  }
0xad: {  	[dreg:$0x1] =	wrdreg $0xFFFFFFFF  }
0xae: {  	[dreg:$0x0] =	wrdreg $0x60  }
0xaf: {  	[dreg:$0x2] =	wrdreg s2  }
0xb0: {  	[dreg:$0x3] =	wrdreg s24  }
0xb1: {  	[dreg:$0x4] =	wrdreg s18  }
0xb2: {  	[dreg:$0x5] =	wrdreg $0xA0000  }
0xb3: {  	[dreg:$0x6] =	wrdreg $0x9  }
0xb4: {  	_ =	task.clear_ibuf [dreg:s8], $0x7FFFF;
	_ =	strace $0x90000046  }
0xb5: {  	s29 =	simm.s32 $0x9;
	_ =	strace $0x80000048  }
0xb6: {  	_ =	swait.ge [sflag:s29], $0x1  }
0xb7: {  	[sflag:s29] =	ssyncadd.s32 $0xFFFFFFFF  }
0xb8: {  	_ =	strace $0x90000048  }
0xb9: {  	_ =	sfence  }
0xba: {  	s30 =	sld [smem:$0x0];
	_ =	sdelay $0x2  }
0xbb: {  	s31 =	sshll.u32 s1, $0xD;
	s1 =	sshrl.u32 s1, $0x2  }
0xbc: {  	s3 =	sand.u32 $0x4000, s31;
	s1 =	sadd.s32 s1, s30  }
0xbd: {  	s0 =	sor.u32 s3, s0;
	s1 =	sshll.u32 s1, $0x11  }
0xbe: {  	s0 =	sor.u32 s1, s0  }
0xbf: {  	s0 =	sadd.s32 $0x8F2B, s0  }
0xc0: {  	[sflag:s0] =	ssyncadd.remote.s32 $0x1  }
0xc1: {  	_ =	sfence.sel $0xFFFF  }
0xc2: {  	[dreg:$0x0] =	wrdreg $0xFFFFFFFF;
	(pc) =	sbr.abs _section_cstart, $3  }
0xc3: {  	[dreg:$0x1] =	wrdreg $0xFFFFFFFF  }
0xc4: {  	_ =	task.clear_ibuf [dreg:s8], $0x2FFFF;
	_ =	strace $0x9FFFFFFF  }
0xc5: {  	(tm) =	ssettm $0x7FFFFFFF  }
tec
execute0_lowered:
.L_overlay_start_1:
0x0: {  	(tag) =	ssettag $0x1  }
0x1: {  	s1 =	rddreg [dreg:$0x0]  }
0x2: {  	s0 =	rddreg [dreg:$0x1]  }
0x3: {  	s3 =	rddreg [dreg:$0x2]  }
0x4: {  	s2 =	rddreg [dreg:$0x3]  }
0x5: {  	s4 =	simm.s32 $0x0;
	s14 =	stileid.u32;
	s13 =	srdreg.scid  }
0x6: {  	s28 =	simm.s32 $0x2000;
	s29 =	simm.s32 $0x6000;
	s30 =	simm.s32 $0x1  }
0x7: {  	s31 =	simm.s32 $0x1D80;
	[smem:$0x7FF] =	sst s4;
	s7 =	smul.u32 $0x4F000, s14  }
0x8: {  	s5 =	sadd.s32 $0x15200, s0;
	s6 =	sadd.s32 $0x1200, s0;
	s9 =	smul.u32 $0x2780, s14  }
0x9: {  	s4 =	sand.u32 $0x1, s13;
	s8 =	sadd.s32 $0xB200, s0;
	s12 =	smul.u32 $0x5000, s14  }
0xa: {  	s15 =	sshll.u32 s14, $0x6;
	s22 =	smul.u32 $0xA00, s14;
	s23 =	sadd.s32 $0x128400, s2  }
0xb: {  	s24 =	sadd.s32 $0x61480, s0;
	p1 =	seq.s32 s14, $0xF;
	s14 =	simm.s32 $0x1C00  }
0xc: {  	_ =	strace $0x80000047;
	s10 =	ssub.s32 $0x2, s4;
	[dreg:$0xd] =	wrdreg s23  }
0xd: {  	p0 =	seq.s32 s4, $0x1;
	[dreg:$0xe] =	wrdreg s24;
	s23 =	simm.s32 $0x3  }
0xe: {  	s24 =	simm.s32 $0xE00;
	s4 =	simm.s32 $0x1F80;
	s11 =	sshrl.u32 s10, $0x1  }
0xf: {  	s7 =	sshrl.u32 s7, $0x2;
	s13 =	sadd.s32 s9, s0;
	s3 =	sadd.s32 s3, s9  }
0x10: {  	s16 =	sshrl.u32 s12, $0x3;
	s0 =	sadd.s32 $0x88680, s0;
	s9 =	simm.s32 $0x0  }
0x11: {  	s12 =	simm.s32 $0x0;
	s10 =	ssub.s32 s10, s11;
	s7 =	sadd.s32 s7, s2  }
0x12: {  	[dreg:$0x6] =	wrdreg s3;
	s11 =	sor.u32 $0x1C04, s15;
	s17 =	sor.u32 $0x100, s16  }
0x13: {  	s18 =	sadd.s32 s6, s16;
	s19 =	sadd.s32 s8, s16;
	[dreg:$0x10] =	wrdreg s0  }
0x14: {  	s21 =	sadd.s32 $0x3C400, s13;
	s25 =	sadd.s32 $0x63600, s13;
	[dreg:$0x5] =	wrdreg s7  }
0x15: {  	s0 =	simm.s32 $0x2;
	s13 =	simm.s32 $0xF00;
	[dreg:$0x8] =	wrdreg s18  }
0x16: {  	s15 =	simm.s32 $0x1E80;
	s16 =	simm.s32 $0xF80;
	[dreg:$0x9] =	wrdreg s19  }
0x17: {  	s20 =	sadd.s32 s6, s17;
	s3 =	sadd.s32 s8, s17;
	[dreg:$0xc] =	wrdreg s21  }
0x18: {  	[dreg:$0xf] =	wrdreg s25;
	s26 =	smax.u32 s10, $0x1;
	s19 =	sadd.s32 s22, s8  }
.Ltmp0:
0x19: {  	s21 =	simm.s32 $0x4;
	[dreg:$0x7] =	wrdreg s11;
	(pc) =	sbr.rel .LBB2_1-.Ltmp0, $4  }
0x1a: {  	s18 =	simm.s32 $0xD00;
	s8 =	simm.s32 $0x1D00;
	[dreg:$0xa] =	wrdreg s20  }
0x1b: {  	s25 =	simm.s32 $0xE80;
	s17 =	simm.s32 $0x1F00;
	[dreg:$0xb] =	wrdreg s3  }
0x1c: {  	[dreg:$0x11] =	wrdreg s26;
	s20 =	sadd.s32 s22, s6;
	s26 =	simm.s32 $0x80  }
0x1d: {  	s22 =	simm.s32 $0x1C80;
	s6 =	simm.s32 $0xD80;
	s3 =	simm.s32 $0x1E00  }
.LBB2_9:
0x1e: {  	_ =	swait.ge [sflag:s0], $0x4000  }
0x1f: {  	[sflag:s0] =	ssyncset.done $0x0  }
0x20: {  	[sflag:s0] =	ssyncadd.s32 $0xFFFFC000  }
0x21: {  	[spmem:s2] =	stream.indirect.scatter.add.f32 [tilespmem:s29], [sflag:$0x4], $0x80, s4, s26, $0xb8;
	[tilespmem:$0x1DC00] =	vst v63  }
0x22: {  	_ =	swait.ge [sflag:s21], $0x4000  }
0x23: {  	[sflag:s21] =	ssyncset.done $0x0  }
0x24: {  	[sflag:s21] =	ssyncadd.s32 $0xFFFFC000  }
0x25: {  	[bflag:$0x0] =	sbarrier.arrive $0xFFFF  }
0x26: {  	s11 =	rddreg [dreg:$0x7]  }
0x27: {  	s7 =	rddreg [dreg:$0x10]  }
0x28: {  	s9 =	rddreg [dreg:$0x14]  }
0x29: {  	[hbm:s7], [sflag:s11] =	dma.local @p1 [spmem:s9], $0x2080  }
0x2a: {  	s7 =	simm.s32 @p1 $0x4  }
0x2b: {  	_ =	swait.ge @p1 [sflag:s7], $0x2080  }
0x2c: {  	[sflag:s7] =	ssyncset.done @p1 $0x0;
	s9 =	rddreg [dreg:$0x13]  }
0x2d: {  	[sflag:s7] =	ssyncadd.s32 @p1 $0xFFFFDF80;
	s7 =	rddreg [dreg:$0xf]  }
0x2e: {  	[hbm:s7], [sflag:s11] =	dma.local @!p1 [spmem:s9], $0x2780  }
0x2f: {  	s7 =	simm.s32 @!p1 $0x4  }
0x30: {  	_ =	swait.ge @!p1 [sflag:s7], $0x2780  }
0x31: {  	[sflag:s7] =	ssyncset.done @!p1 $0x0  }
0x32: {  	s9 =	rddreg [dreg:$0x12];
	[sflag:s7] =	ssyncadd.s32 @!p1 $0xFFFFD880  }
.LBB2_10:
0x33: {  	s9 =	sadd.s32 $0x1, s9;
	s7 =	rddreg [dreg:$0x11]  }
0x34: {  	p2 =	sne.s32 s9, s7  }
.Ltmp1:
0x35: {  	_ = 	snop;
	(pc) =	sbr.rel @!p2 .LBB2_11-.Ltmp1, $1  }
0x36: {  	_ =	sdelay $0x3  }
.LBB2_1:
0x37: {  	[dreg:$0x12] =	wrdreg s9  }
0x38: {  	s9 =	rddreg [dreg:$0x5]  }
0x39: {  	s10 =	rddreg [dreg:$0x6];
	s7 =	sshrl.u32 s9, $0x3  }
0x3a: {  	[spmem:s7], [sflag:s11] =	dma.local [hbm:s10], $0x2780  }
0x3b: {  	_ =	swait.ge [sflag:s21], $0x2780  }
0x3c: {  	[sflag:s21] =	ssyncset.done $0x0  }
0x3d: {  	[sflag:s21] =	ssyncadd.s32 $0xFFFFD880  }
0x3e: {  	[bflag:$0x0] =	sbarrier.arrive $0xFFFF  }
0x3f: {  	s7 =	simm.s32 $0x0;
	s11 =	rddreg [dreg:$0x8]  }
0x40: {  	[tilespmem:s7], [sflag:$0x3] =	stream.linear.gather [hbm4b:s11+s7], $0x800, $0x38;
	[tilespmem:$0x1DC00] =	vst v63  }
0x41: {  	s10 =	rddreg [dreg:$0x9];
	s11 =	simm.s32 $0x1000  }
0x42: {  	[tilespmem:s11], [sflag:$0x3] =	stream.linear.gather [hbm4b:s10+s7], $0x800, $0x38;
	[tilespmem:$0x1DC00] =	vst v63  }
0x43: {  	_ =	swait.ge [sflag:s23], $0x800  }
0x44: {  	[sflag:s23] =	ssyncset.done $0x0  }
0x45: {  	[sflag:s23] =	ssyncadd.s32 $0xFFFFF800  }
0x46: {  	_ =	swait.ge [sflag:s23], $0x800  }
0x47: {  	[sflag:s23] =	ssyncset.done $0x0  }
0x48: {  	s11 =	simm.s32 $0x800;
	s10 =	rddreg [dreg:$0xa];
	[sflag:s23] =	ssyncadd.s32 $0xFFFFF800  }
0x49: {  	[tilespmem:s11], [sflag:$0x3] =	stream.linear.gather [hbm4b:s10+s7], $0x800, $0x38;
	[tilespmem:$0x1DC00] =	vst v63  }
0x4a: {  	s10 =	rddreg [dreg:$0xb];
	s11 =	simm.s32 $0x1800  }
0x4b: {  	[tilespmem:s11], [sflag:$0x3] =	stream.linear.gather [hbm4b:s10+s7], $0x800, $0x38;
	[tilespmem:$0x1DC00] =	vst v63  }
.Ltmp2:
0x4c: {  	_ = 	snop;
	(pc) =	sbr.rel @!p0 .LBB2_2-.Ltmp2, $4  }
0x4d: {  	s7 =	rddreg [dreg:$0xd]  }
0x4e: {  	s7 =	sshrl.u32 @p1 s7, $0x3  }
0x4f: {  	[dreg:$0x14] =	wrdreg s7;
	s7 =	sshrl.u32 @!p1 s9, $0x3  }
0x50: {  	[dreg:$0x13] =	wrdreg s7;
	s7 =	simm.s32 $0x0  }
0x51: {  	[tilespmem:s28], [sflag:$0x1] =	stream.indirect.gather [hbm4b:s5+s26], $0x80, s7, s26, $0xb8;
	[tilespmem:$0x1DC00] =	vst v63  }
0x52: {  	_ = 	snop  }
0x53: {  	[tilespmem:s29], [sflag:$0x2] =	stream.indirect.gather [hbm4b:s5+s26], $0x80, s26, s26, $0xb8;
	[tilespmem:$0x1DC00] =	vst v63  }
.LBB2_7:
0x54: {  	p2 =	seq.s32 s7, $0x0  }
0x55: {  	s9 =	sadd.s32 @!p2 s7, s20  }
0x56: {  	s10 =	simm.s32 @!p2 $0x0;
	s11 =	simm.s32 @!p2 $0x800;
	s9 =	sadd.s32 @!p2 $0x100, s9  }
0x57: {  	[tilespmem:s11], [sflag:$0x3] =	stream.linear.gather @!p2 [hbm4b:s9+s10], $0x800, $0x38;
	[tilespmem:$0x1DC00] =	vst v63  }
0x58: {  	s9 =	sadd.s32 @!p2 s7, s19  }
0x59: {  	s11 =	simm.s32 @!p2 $0x1800;
	s9 =	sadd.s32 @!p2 $0x100, s9  }
0x5a: {  	[tilespmem:s11], [sflag:$0x3] =	stream.linear.gather @!p2 [hbm4b:s9+s10], $0x800, $0x38;
	[tilespmem:$0x1DC00] =	vst v63  }
0x5b: {  	_ =	swait.ge [sflag:s30], $0x4000  }
0x5c: {  	[sflag:s30] =	ssyncset.done $0x0  }
0x5d: {  	s10 =	simm.s32 $0x1000;
	[sflag:s30] =	ssyncadd.s32 $0xFFFFC000  }
0x5e: {  	[spmem:s2] =	stream.indirect.scatter.add.f32 [tilespmem:s28], [sflag:$0x4], $0x80, s10, s26, $0xb8;
	[tilespmem:$0x1DC00] =	vst v63  }
0x5f: {  	_ =	swait.ge [sflag:s21], $0x4000  }
0x60: {  	[sflag:s21] =	ssyncset.done $0x0  }
0x61: {  	s11 =	simm.s32 $0x100;
	[sflag:s21] =	ssyncadd.s32 $0xFFFFC000  }
0x62: {  	[tilespmem:s28], [sflag:$0x1] =	stream.indirect.gather [hbm4b:s5+s26], $0x80, s11, s26, $0xb8;
	[tilespmem:$0x1DC00] =	vst v63  }
0x63: {  	_ =	swait.ge [sflag:s0], $0x4000  }
0x64: {  	[sflag:s0] =	ssyncset.done $0x0  }
0x65: {  	s10 =	simm.s32 $0x1080;
	[sflag:s0] =	ssyncadd.s32 $0xFFFFC000  }
0x66: {  	[spmem:s2] =	stream.indirect.scatter.add.f32 [tilespmem:s29], [sflag:$0x4], $0x80, s10, s26, $0xb8;
	[tilespmem:$0x1DC00] =	vst v63  }
0x67: {  	_ =	swait.ge [sflag:s21], $0x4000  }
0x68: {  	[sflag:s21] =	ssyncset.done $0x0  }
0x69: {  	s11 =	simm.s32 $0x180;
	[sflag:s21] =	ssyncadd.s32 $0xFFFFC000  }
0x6a: {  	[tilespmem:s29], [sflag:$0x2] =	stream.indirect.gather [hbm4b:s5+s26], $0x80, s11, s26, $0xb8;
	[tilespmem:$0x1DC00] =	vst v63  }
0x6b: {  	_ =	swait.ge [sflag:s30], $0x4000  }
0x6c: {  	[sflag:s30] =	ssyncset.done $0x0  }
0x6d: {  	s10 =	simm.s32 $0x1100;
	[sflag:s30] =	ssyncadd.s32 $0xFFFFC000  }
0x6e: {  	[spmem:s2] =	stream.indirect.scatter.add.f32 [tilespmem:s28], [sflag:$0x4], $0x80, s10, s26, $0xb8;
	[tilespmem:$0x1DC00] =	vst v63  }
0x6f: {  	_ =	swait.ge [sflag:s21], $0x4000  }
0x70: {  	[sflag:s21] =	ssyncset.done $0x0  }
0x71: {  	s11 =	simm.s32 $0x200;
	[sflag:s21] =	ssyncadd.s32 $0xFFFFC000  }
0x72: {  	[tilespmem:s28], [sflag:$0x1] =	stream.indirect.gather [hbm4b:s5+s26], $0x80, s11, s26, $0xb8;
	[tilespmem:$0x1DC00] =	vst v63  }
0x73: {  	_ =	swait.ge [sflag:s0], $0x4000  }
0x74: {  	[sflag:s0] =	ssyncset.done $0x0  }
0x75: {  	s10 =	simm.s32 $0x1180;
	[sflag:s0] =	ssyncadd.s32 $0xFFFFC000  }
0x76: {  	[spmem:s2] =	stream.indirect.scatter.add.f32 [tilespmem:s29], [sflag:$0x4], $0x80, s10, s26, $0xb8;
	[tilespmem:$0x1DC00] =	vst v63  }
0x77: {  	_ =	swait.ge [sflag:s21], $0x4000  }
0x78: {  	[sflag:s21] =	ssyncset.done $0x0  }
0x79: {  	s11 =	simm.s32 $0x280;
	[sflag:s21] =	ssyncadd.s32 $0xFFFFC000  }
0x7a: {  	[tilespmem:s29], [sflag:$0x2] =	stream.indirect.gather [hbm4b:s5+s26], $0x80, s11, s26, $0xb8;
	[tilespmem:$0x1DC00] =	vst v63  }
0x7b: {  	_ =	swait.ge [sflag:s30], $0x4000  }
0x7c: {  	[sflag:s30] =	ssyncset.done $0x0  }
0x7d: {  	s10 =	simm.s32 $0x1200;
	[sflag:s30] =	ssyncadd.s32 $0xFFFFC000  }
0x7e: {  	[spmem:s2] =	stream.indirect.scatter.add.f32 [tilespmem:s28], [sflag:$0x4], $0x80, s10, s26, $0xb8;
	[tilespmem:$0x1DC00] =	vst v63  }
0x7f: {  	_ =	swait.ge [sflag:s21], $0x4000  }
0x80: {  	[sflag:s21] =	ssyncset.done $0x0  }
0x81: {  	s11 =	simm.s32 $0x300;
	[sflag:s21] =	ssyncadd.s32 $0xFFFFC000  }
0x82: {  	[tilespmem:s28], [sflag:$0x1] =	stream.indirect.gather [hbm4b:s5+s26], $0x80, s11, s26, $0xb8;
	[tilespmem:$0x1DC00] =	vst v63  }
0x83: {  	_ =	swait.ge [sflag:s0], $0x4000  }
0x84: {  	[sflag:s0] =	ssyncset.done $0x0  }
0x85: {  	s10 =	simm.s32 $0x1280;
	[sflag:s0] =	ssyncadd.s32 $0xFFFFC000  }
0x86: {  	[spmem:s2] =	stream.indirect.scatter.add.f32 [tilespmem:s29], [sflag:$0x4], $0x80, s10, s26, $0xb8;
	[tilespmem:$0x1DC00] =	vst v63  }
0x87: {  	_ =	swait.ge [sflag:s21], $0x4000  }
0x88: {  	[sflag:s21] =	ssyncset.done $0x0  }
0x89: {  	s11 =	simm.s32 $0x380;
	[sflag:s21] =	ssyncadd.s32 $0xFFFFC000  }
0x8a: {  	[tilespmem:s29], [sflag:$0x2] =	stream.indirect.gather [hbm4b:s5+s26], $0x80, s11, s26, $0xb8;
	[tilespmem:$0x1DC00] =	vst v63  }
0x8b: {  	_ =	swait.ge [sflag:s30], $0x4000  }
0x8c: {  	[sflag:s30] =	ssyncset.done $0x0  }
0x8d: {  	s10 =	simm.s32 $0x1300;
	[sflag:s30] =	ssyncadd.s32 $0xFFFFC000  }
0x8e: {  	[spmem:s2] =	stream.indirect.scatter.add.f32 [tilespmem:s28], [sflag:$0x4], $0x80, s10, s26, $0xb8;
	[tilespmem:$0x1DC00] =	vst v63  }
0x8f: {  	_ =	swait.ge [sflag:s21], $0x4000  }
0x90: {  	[sflag:s21] =	ssyncset.done $0x0  }
0x91: {  	s11 =	simm.s32 $0x400;
	[sflag:s21] =	ssyncadd.s32 $0xFFFFC000  }
0x92: {  	[tilespmem:s28], [sflag:$0x1] =	stream.indirect.gather [hbm4b:s5+s26], $0x80, s11, s26, $0xb8;
	[tilespmem:$0x1DC00] =	vst v63  }
0x93: {  	_ =	swait.ge [sflag:s0], $0x4000  }
0x94: {  	[sflag:s0] =	ssyncset.done $0x0  }
0x95: {  	s10 =	simm.s32 $0x1380;
	[sflag:s0] =	ssyncadd.s32 $0xFFFFC000  }
0x96: {  	[spmem:s2] =	stream.indirect.scatter.add.f32 [tilespmem:s29], [sflag:$0x4], $0x80, s10, s26, $0xb8;
	[tilespmem:$0x1DC00] =	vst v63  }
0x97: {  	_ =	swait.ge [sflag:s21], $0x4000  }
0x98: {  	[sflag:s21] =	ssyncset.done $0x0  }
0x99: {  	s11 =	simm.s32 $0x480;
	[sflag:s21] =	ssyncadd.s32 $0xFFFFC000  }
0x9a: {  	[tilespmem:s29], [sflag:$0x2] =	stream.indirect.gather [hbm4b:s5+s26], $0x80, s11, s26, $0xb8;
	[tilespmem:$0x1DC00] =	vst v63  }
0x9b: {  	_ =	swait.ge [sflag:s30], $0x4000  }
0x9c: {  	[sflag:s30] =	ssyncset.done $0x0  }
0x9d: {  	s10 =	simm.s32 $0x1400;
	[sflag:s30] =	ssyncadd.s32 $0xFFFFC000  }
0x9e: {  	[spmem:s2] =	stream.indirect.scatter.add.f32 [tilespmem:s28], [sflag:$0x4], $0x80, s10, s26, $0xb8;
	[tilespmem:$0x1DC00] =	vst v63  }
0x9f: {  	_ =	swait.ge [sflag:s21], $0x4000  }
0xa0: {  	[sflag:s21] =	ssyncset.done $0x0  }
0xa1: {  	s11 =	simm.s32 $0x500;
	[sflag:s21] =	ssyncadd.s32 $0xFFFFC000  }
0xa2: {  	[tilespmem:s28], [sflag:$0x1] =	stream.indirect.gather [hbm4b:s5+s26], $0x80, s11, s26, $0xb8;
	[tilespmem:$0x1DC00] =	vst v63  }
0xa3: {  	_ =	swait.ge [sflag:s0], $0x4000  }
0xa4: {  	[sflag:s0] =	ssyncset.done $0x0  }
0xa5: {  	s10 =	simm.s32 $0x1480;
	[sflag:s0] =	ssyncadd.s32 $0xFFFFC000  }
0xa6: {  	[spmem:s2] =	stream.indirect.scatter.add.f32 [tilespmem:s29], [sflag:$0x4], $0x80, s10, s26, $0xb8;
	[tilespmem:$0x1DC00] =	vst v63  }
0xa7: {  	_ =	swait.ge [sflag:s21], $0x4000  }
0xa8: {  	[sflag:s21] =	ssyncset.done $0x0  }
0xa9: {  	s11 =	simm.s32 $0x580;
	[sflag:s21] =	ssyncadd.s32 $0xFFFFC000  }
0xaa: {  	[tilespmem:s29], [sflag:$0x2] =	stream.indirect.gather [hbm4b:s5+s26], $0x80, s11, s26, $0xb8;
	[tilespmem:$0x1DC00] =	vst v63  }
0xab: {  	_ =	swait.ge [sflag:s30], $0x4000  }
0xac: {  	[sflag:s30] =	ssyncset.done $0x0  }
0xad: {  	s10 =	simm.s32 $0x1500;
	[sflag:s30] =	ssyncadd.s32 $0xFFFFC000  }
0xae: {  	[spmem:s2] =	stream.indirect.scatter.add.f32 [tilespmem:s28], [sflag:$0x4], $0x80, s10, s26, $0xb8;
	[tilespmem:$0x1DC00] =	vst v63  }
0xaf: {  	_ =	swait.ge [sflag:s21], $0x4000  }
0xb0: {  	[sflag:s21] =	ssyncset.done $0x0  }
0xb1: {  	s11 =	simm.s32 $0x600;
	[sflag:s21] =	ssyncadd.s32 $0xFFFFC000  }
0xb2: {  	[tilespmem:s28], [sflag:$0x1] =	stream.indirect.gather [hbm4b:s5+s26], $0x80, s11, s26, $0xb8;
	[tilespmem:$0x1DC00] =	vst v63  }
0xb3: {  	_ =	swait.ge [sflag:s0], $0x4000  }
0xb4: {  	[sflag:s0] =	ssyncset.done $0x0  }
0xb5: {  	s10 =	simm.s32 $0x1580;
	[sflag:s0] =	ssyncadd.s32 $0xFFFFC000  }
0xb6: {  	[spmem:s2] =	stream.indirect.scatter.add.f32 [tilespmem:s29], [sflag:$0x4], $0x80, s10, s26, $0xb8;
	[tilespmem:$0x1DC00] =	vst v63  }
0xb7: {  	_ =	swait.ge [sflag:s21], $0x4000  }
0xb8: {  	[sflag:s21] =	ssyncset.done $0x0  }
0xb9: {  	s11 =	simm.s32 $0x680;
	[sflag:s21] =	ssyncadd.s32 $0xFFFFC000  }
0xba: {  	[tilespmem:s29], [sflag:$0x2] =	stream.indirect.gather [hbm4b:s5+s26], $0x80, s11, s26, $0xb8;
	[tilespmem:$0x1DC00] =	vst v63  }
0xbb: {  	_ =	swait.ge [sflag:s30], $0x4000  }
0xbc: {  	[sflag:s30] =	ssyncset.done $0x0  }
0xbd: {  	s10 =	simm.s32 $0x1600;
	[sflag:s30] =	ssyncadd.s32 $0xFFFFC000  }
0xbe: {  	[spmem:s2] =	stream.indirect.scatter.add.f32 [tilespmem:s28], [sflag:$0x4], $0x80, s10, s26, $0xb8;
	[tilespmem:$0x1DC00] =	vst v63  }
0xbf: {  	_ =	swait.ge [sflag:s21], $0x4000  }
0xc0: {  	[sflag:s21] =	ssyncset.done $0x0  }
0xc1: {  	s11 =	simm.s32 $0x700;
	[sflag:s21] =	ssyncadd.s32 $0xFFFFC000  }
0xc2: {  	[tilespmem:s28], [sflag:$0x1] =	stream.indirect.gather [hbm4b:s5+s26], $0x80, s11, s26, $0xb8;
	[tilespmem:$0x1DC00] =	vst v63  }
0xc3: {  	_ =	swait.ge [sflag:s0], $0x4000  }
0xc4: {  	[sflag:s0] =	ssyncset.done $0x0  }
0xc5: {  	s10 =	simm.s32 $0x1680;
	[sflag:s0] =	ssyncadd.s32 $0xFFFFC000  }
0xc6: {  	[spmem:s2] =	stream.indirect.scatter.add.f32 [tilespmem:s29], [sflag:$0x4], $0x80, s10, s26, $0xb8;
	[tilespmem:$0x1DC00] =	vst v63  }
0xc7: {  	_ =	swait.ge [sflag:s21], $0x4000  }
0xc8: {  	[sflag:s21] =	ssyncset.done $0x0  }
0xc9: {  	s11 =	simm.s32 $0x780;
	[sflag:s21] =	ssyncadd.s32 $0xFFFFC000  }
0xca: {  	[tilespmem:s29], [sflag:$0x2] =	stream.indirect.gather [hbm4b:s5+s26], $0x80, s11, s26, $0xb8;
	[tilespmem:$0x1DC00] =	vst v63  }
0xcb: {  	_ =	swait.ge [sflag:s30], $0x4000  }
0xcc: {  	[sflag:s30] =	ssyncset.done $0x0  }
0xcd: {  	s10 =	simm.s32 $0x1700;
	[sflag:s30] =	ssyncadd.s32 $0xFFFFC000  }
0xce: {  	[spmem:s2] =	stream.indirect.scatter.add.f32 [tilespmem:s28], [sflag:$0x4], $0x80, s10, s26, $0xb8;
	[tilespmem:$0x1DC00] =	vst v63  }
0xcf: {  	_ =	swait.ge [sflag:s21], $0x4000  }
0xd0: {  	[sflag:s21] =	ssyncset.done $0x0  }
0xd1: {  	[sflag:s21] =	ssyncadd.s32 $0xFFFFC000  }
0xd2: {  	_ =	swait.ge [sflag:s23], $0x800  }
0xd3: {  	[sflag:s23] =	ssyncset.done $0x0  }
0xd4: {  	[sflag:s23] =	ssyncadd.s32 $0xFFFFF800  }
0xd5: {  	_ =	swait.ge [sflag:s23], $0x800  }
0xd6: {  	[sflag:s23] =	ssyncset.done $0x0  }
0xd7: {  	s11 =	simm.s32 $0x800;
	[sflag:s23] =	ssyncadd.s32 $0xFFFFF800  }
0xd8: {  	[tilespmem:s28], [sflag:$0x1] =	stream.indirect.gather [hbm4b:s5+s26], $0x80, s11, s26, $0xb8;
	[tilespmem:$0x1DC00] =	vst v63  }
0xd9: {  	_ =	swait.ge [sflag:s0], $0x4000  }
0xda: {  	[sflag:s0] =	ssyncset.done $0x0  }
0xdb: {  	s10 =	simm.s32 $0x1780;
	[sflag:s0] =	ssyncadd.s32 $0xFFFFC000  }
0xdc: {  	[spmem:s2] =	stream.indirect.scatter.add.f32 [tilespmem:s29], [sflag:$0x4], $0x80, s10, s26, $0xb8;
	[tilespmem:$0x1DC00] =	vst v63  }
0xdd: {  	_ =	swait.ge [sflag:s21], $0x4000  }
0xde: {  	p2 =	seq.s32 s7, $0x800;
	[sflag:s21] =	ssyncset.done $0x0  }
0xdf: {  	s9 =	sadd.s32 @!p2 s7, s20;
	s11 =	simm.s32 $0x880;
	[sflag:s21] =	ssyncadd.s32 $0xFFFFC000  }
0xe0: {  	[tilespmem:s29], [sflag:$0x2] =	stream.indirect.gather [hbm4b:s5+s26], $0x80, s11, s26, $0xb8;
	[tilespmem:$0x1DC00] =	vst v63  }
0xe1: {  	s9 =	sadd.s32 @!p2 $0x200, s9;
	s10 =	simm.s32 @!p2 $0x0  }
0xe2: {  	[tilespmem:s10], [sflag:$0x3] =	stream.linear.gather @!p2 [hbm4b:s9+s10], $0x800, $0x38;
	[tilespmem:$0x1DC00] =	vst v63  }
0xe3: {  	s9 =	sadd.s32 @!p2 s7, s19  }
0xe4: {  	s11 =	simm.s32 @!p2 $0x1000;
	s9 =	sadd.s32 @!p2 $0x200, s9  }
0xe5: {  	[tilespmem:s11], [sflag:$0x3] =	stream.linear.gather @!p2 [hbm4b:s9+s10], $0x800, $0x38;
	[tilespmem:$0x1DC00] =	vst v63  }
0xe6: {  	_ =	swait.ge [sflag:s30], $0x4000  }
0xe7: {  	[sflag:s30] =	ssyncset.done $0x0  }
0xe8: {  	s10 =	simm.s32 $0x1800;
	[sflag:s30] =	ssyncadd.s32 $0xFFFFC000  }
0xe9: {  	[spmem:s2] =	stream.indirect.scatter.add.f32 [tilespmem:s28], [sflag:$0x4], $0x80, s10, s26, $0xb8;
	[tilespmem:$0x1DC00] =	vst v63  }
0xea: {  	_ =	swait.ge [sflag:s21], $0x4000  }
0xeb: {  	[sflag:s21] =	ssyncset.done $0x0  }
0xec: {  	s11 =	simm.s32 $0x900;
	[sflag:s21] =	ssyncadd.s32 $0xFFFFC000  }
0xed: {  	[tilespmem:s28], [sflag:$0x1] =	stream.indirect.gather [hbm4b:s5+s26], $0x80, s11, s26, $0xb8;
	[tilespmem:$0x1DC00] =	vst v63  }
0xee: {  	_ =	swait.ge [sflag:s0], $0x4000  }
0xef: {  	[sflag:s0] =	ssyncset.done $0x0  }
0xf0: {  	s10 =	simm.s32 $0x1880;
	[sflag:s0] =	ssyncadd.s32 $0xFFFFC000  }
0xf1: {  	[spmem:s2] =	stream.indirect.scatter.add.f32 [tilespmem:s29], [sflag:$0x4], $0x80, s10, s26, $0xb8;
	[tilespmem:$0x1DC00] =	vst v63  }
0xf2: {  	_ =	swait.ge [sflag:s21], $0x4000  }
0xf3: {  	[sflag:s21] =	ssyncset.done $0x0  }
0xf4: {  	s11 =	simm.s32 $0x980;
	[sflag:s21] =	ssyncadd.s32 $0xFFFFC000  }
0xf5: {  	[tilespmem:s29], [sflag:$0x2] =	stream.indirect.gather [hbm4b:s5+s26], $0x80, s11, s26, $0xb8;
	[tilespmem:$0x1DC00] =	vst v63  }
0xf6: {  	_ =	swait.ge [sflag:s30], $0x4000  }
0xf7: {  	[sflag:s30] =	ssyncset.done $0x0  }
0xf8: {  	s10 =	simm.s32 $0x1900;
	[sflag:s30] =	ssyncadd.s32 $0xFFFFC000  }
0xf9: {  	[spmem:s2] =	stream.indirect.scatter.add.f32 [tilespmem:s28], [sflag:$0x4], $0x80, s10, s26, $0xb8;
	[tilespmem:$0x1DC00] =	vst v63  }
0xfa: {  	_ =	swait.ge [sflag:s21], $0x4000  }
0xfb: {  	[sflag:s21] =	ssyncset.done $0x0  }
0xfc: {  	s11 =	simm.s32 $0xA00;
	[sflag:s21] =	ssyncadd.s32 $0xFFFFC000  }
0xfd: {  	[tilespmem:s28], [sflag:$0x1] =	stream.indirect.gather [hbm4b:s5+s26], $0x80, s11, s26, $0xb8;
	[tilespmem:$0x1DC00] =	vst v63  }
0xfe: {  	_ =	swait.ge [sflag:s0], $0x4000  }
0xff: {  	[sflag:s0] =	ssyncset.done $0x0  }
0x100: {  	s10 =	simm.s32 $0x1980;
	[sflag:s0] =	ssyncadd.s32 $0xFFFFC000  }
0x101: {  	[spmem:s2] =	stream.indirect.scatter.add.f32 [tilespmem:s29], [sflag:$0x4], $0x80, s10, s26, $0xb8;
	[tilespmem:$0x1DC00] =	vst v63  }
0x102: {  	_ =	swait.ge [sflag:s21], $0x4000  }
0x103: {  	[sflag:s21] =	ssyncset.done $0x0  }
0x104: {  	s11 =	simm.s32 $0xA80;
	[sflag:s21] =	ssyncadd.s32 $0xFFFFC000  }
0x105: {  	[tilespmem:s29], [sflag:$0x2] =	stream.indirect.gather [hbm4b:s5+s26], $0x80, s11, s26, $0xb8;
	[tilespmem:$0x1DC00] =	vst v63  }
0x106: {  	_ =	swait.ge [sflag:s30], $0x4000  }
0x107: {  	[sflag:s30] =	ssyncset.done $0x0  }
0x108: {  	s10 =	simm.s32 $0x1A00;
	[sflag:s30] =	ssyncadd.s32 $0xFFFFC000  }
0x109: {  	[spmem:s2] =	stream.indirect.scatter.add.f32 [tilespmem:s28], [sflag:$0x4], $0x80, s10, s26, $0xb8;
	[tilespmem:$0x1DC00] =	vst v63  }
0x10a: {  	_ =	swait.ge [sflag:s21], $0x4000  }
0x10b: {  	[sflag:s21] =	ssyncset.done $0x0  }
0x10c: {  	s11 =	simm.s32 $0xB00;
	[sflag:s21] =	ssyncadd.s32 $0xFFFFC000  }
0x10d: {  	[tilespmem:s28], [sflag:$0x1] =	stream.indirect.gather [hbm4b:s5+s26], $0x80, s11, s26, $0xb8;
	[tilespmem:$0x1DC00] =	vst v63  }
0x10e: {  	_ =	swait.ge [sflag:s0], $0x4000  }
0x10f: {  	[sflag:s0] =	ssyncset.done $0x0  }
0x110: {  	s10 =	simm.s32 $0x1A80;
	[sflag:s0] =	ssyncadd.s32 $0xFFFFC000  }
0x111: {  	[spmem:s2] =	stream.indirect.scatter.add.f32 [tilespmem:s29], [sflag:$0x4], $0x80, s10, s26, $0xb8;
	[tilespmem:$0x1DC00] =	vst v63  }
0x112: {  	_ =	swait.ge [sflag:s21], $0x4000  }
0x113: {  	[sflag:s21] =	ssyncset.done $0x0  }
0x114: {  	s11 =	simm.s32 $0xB80;
	[sflag:s21] =	ssyncadd.s32 $0xFFFFC000  }
0x115: {  	[tilespmem:s29], [sflag:$0x2] =	stream.indirect.gather [hbm4b:s5+s26], $0x80, s11, s26, $0xb8;
	[tilespmem:$0x1DC00] =	vst v63  }
0x116: {  	_ =	swait.ge [sflag:s30], $0x4000  }
0x117: {  	[sflag:s30] =	ssyncset.done $0x0  }
0x118: {  	s10 =	simm.s32 $0x1B00;
	[sflag:s30] =	ssyncadd.s32 $0xFFFFC000  }
0x119: {  	[spmem:s2] =	stream.indirect.scatter.add.f32 [tilespmem:s28], [sflag:$0x4], $0x80, s10, s26, $0xb8;
	[tilespmem:$0x1DC00] =	vst v63  }
0x11a: {  	_ =	swait.ge [sflag:s21], $0x4000  }
0x11b: {  	[sflag:s21] =	ssyncset.done $0x0  }
0x11c: {  	s11 =	simm.s32 $0xC00;
	[sflag:s21] =	ssyncadd.s32 $0xFFFFC000  }
0x11d: {  	[tilespmem:s28], [sflag:$0x1] =	stream.indirect.gather [hbm4b:s5+s26], $0x80, s11, s26, $0xb8;
	[tilespmem:$0x1DC00] =	vst v63  }
0x11e: {  	_ =	swait.ge [sflag:s0], $0x4000  }
0x11f: {  	[sflag:s0] =	ssyncset.done $0x0  }
0x120: {  	s10 =	simm.s32 $0x1B80;
	[sflag:s0] =	ssyncadd.s32 $0xFFFFC000  }
0x121: {  	[spmem:s2] =	stream.indirect.scatter.add.f32 [tilespmem:s29], [sflag:$0x4], $0x80, s10, s26, $0xb8;
	[tilespmem:$0x1DC00] =	vst v63  }
0x122: {  	_ =	swait.ge [sflag:s21], $0x4000  }
0x123: {  	[sflag:s21] =	ssyncset.done $0x0  }
0x124: {  	s11 =	simm.s32 $0xC80;
	[sflag:s21] =	ssyncadd.s32 $0xFFFFC000  }
0x125: {  	[tilespmem:s29], [sflag:$0x2] =	stream.indirect.gather [hbm4b:s5+s26], $0x80, s11, s26, $0xb8;
	[tilespmem:$0x1DC00] =	vst v63  }
0x126: {  	_ =	swait.ge [sflag:s30], $0x4000  }
0x127: {  	[sflag:s30] =	ssyncset.done $0x0  }
0x128: {  	[sflag:s30] =	ssyncadd.s32 $0xFFFFC000  }
0x129: {  	[spmem:s2] =	stream.indirect.scatter.add.f32 [tilespmem:s28], [sflag:$0x4], $0x80, s14, s26, $0xb8;
	[tilespmem:$0x1DC00] =	vst v63  }
0x12a: {  	_ =	swait.ge [sflag:s21], $0x4000  }
0x12b: {  	[sflag:s21] =	ssyncset.done $0x0  }
0x12c: {  	[sflag:s21] =	ssyncadd.s32 $0xFFFFC000  }
0x12d: {  	[tilespmem:s28], [sflag:$0x1] =	stream.indirect.gather [hbm4b:s5+s26], $0x80, s18, s26, $0xb8;
	[tilespmem:$0x1DC00] =	vst v63  }
0x12e: {  	_ =	swait.ge [sflag:s0], $0x4000  }
0x12f: {  	[sflag:s0] =	ssyncset.done $0x0  }
0x130: {  	[sflag:s0] =	ssyncadd.s32 $0xFFFFC000  }
0x131: {  	[spmem:s2] =	stream.indirect.scatter.add.f32 [tilespmem:s29], [sflag:$0x4], $0x80, s22, s26, $0xb8;
	[tilespmem:$0x1DC00] =	vst v63  }
0x132: {  	_ =	swait.ge [sflag:s21], $0x4000  }
0x133: {  	[sflag:s21] =	ssyncset.done $0x0  }
0x134: {  	[sflag:s21] =	ssyncadd.s32 $0xFFFFC000  }
0x135: {  	[tilespmem:s29], [sflag:$0x2] =	stream.indirect.gather [hbm4b:s5+s26], $0x80, s6, s26, $0xb8;
	[tilespmem:$0x1DC00] =	vst v63  }
0x136: {  	_ =	swait.ge [sflag:s30], $0x4000  }
0x137: {  	[sflag:s30] =	ssyncset.done $0x0  }
0x138: {  	[sflag:s30] =	ssyncadd.s32 $0xFFFFC000  }
0x139: {  	[spmem:s2] =	stream.indirect.scatter.add.f32 [tilespmem:s28], [sflag:$0x4], $0x80, s8, s26, $0xb8;
	[tilespmem:$0x1DC00] =	vst v63  }
0x13a: {  	_ =	swait.ge [sflag:s21], $0x4000  }
0x13b: {  	[sflag:s21] =	ssyncset.done $0x0  }
0x13c: {  	[sflag:s21] =	ssyncadd.s32 $0xFFFFC000  }
0x13d: {  	[tilespmem:s28], [sflag:$0x1] =	stream.indirect.gather [hbm4b:s5+s26], $0x80, s24, s26, $0xb8;
	[tilespmem:$0x1DC00] =	vst v63  }
0x13e: {  	_ =	swait.ge [sflag:s0], $0x4000  }
0x13f: {  	[sflag:s0] =	ssyncset.done $0x0  }
0x140: {  	[sflag:s0] =	ssyncadd.s32 $0xFFFFC000  }
0x141: {  	[spmem:s2] =	stream.indirect.scatter.add.f32 [tilespmem:s29], [sflag:$0x4], $0x80, s31, s26, $0xb8;
	[tilespmem:$0x1DC00] =	vst v63  }
0x142: {  	_ =	swait.ge [sflag:s21], $0x4000  }
0x143: {  	[sflag:s21] =	ssyncset.done $0x0  }
0x144: {  	[sflag:s21] =	ssyncadd.s32 $0xFFFFC000  }
0x145: {  	[tilespmem:s29], [sflag:$0x2] =	stream.indirect.gather [hbm4b:s5+s26], $0x80, s25, s26, $0xb8;
	[tilespmem:$0x1DC00] =	vst v63  }
0x146: {  	_ =	swait.ge [sflag:s30], $0x4000  }
0x147: {  	[sflag:s30] =	ssyncset.done $0x0  }
0x148: {  	[sflag:s30] =	ssyncadd.s32 $0xFFFFC000  }
0x149: {  	[spmem:s2] =	stream.indirect.scatter.add.f32 [tilespmem:s28], [sflag:$0x4], $0x80, s3, s26, $0xb8;
	[tilespmem:$0x1DC00] =	vst v63  }
0x14a: {  	_ =	swait.ge [sflag:s21], $0x4000  }
0x14b: {  	[sflag:s21] =	ssyncset.done $0x0  }
0x14c: {  	[sflag:s21] =	ssyncadd.s32 $0xFFFFC000  }
0x14d: {  	[tilespmem:s28], [sflag:$0x1] =	stream.indirect.gather [hbm4b:s5+s26], $0x80, s13, s26, $0xb8;
	[tilespmem:$0x1DC00] =	vst v63  }
0x14e: {  	_ =	swait.ge [sflag:s0], $0x4000  }
0x14f: {  	[sflag:s0] =	ssyncset.done $0x0  }
0x150: {  	[sflag:s0] =	ssyncadd.s32 $0xFFFFC000  }
0x151: {  	[spmem:s2] =	stream.indirect.scatter.add.f32 [tilespmem:s29], [sflag:$0x4], $0x80, s15, s26, $0xb8;
	[tilespmem:$0x1DC00] =	vst v63  }
0x152: {  	_ =	swait.ge [sflag:s21], $0x4000  }
0x153: {  	[sflag:s21] =	ssyncset.done $0x0  }
0x154: {  	[sflag:s21] =	ssyncadd.s32 $0xFFFFC000  }
0x155: {  	[tilespmem:s29], [sflag:$0x2] =	stream.indirect.gather [hbm4b:s5+s26], $0x80, s16, s26, $0xb8;
	[tilespmem:$0x1DC00] =	vst v63  }
0x156: {  	_ =	swait.ge [sflag:s30], $0x4000  }
0x157: {  	[sflag:s30] =	ssyncset.done $0x0  }
.Ltmp3:
0x158: {  	[sflag:s30] =	ssyncadd.s32 $0xFFFFC000;
	(pc) =	sbr.rel @p2 .LBB2_9-.Ltmp3, $4  }
0x159: {  	[spmem:s2] =	stream.indirect.scatter.add.f32 [tilespmem:s28], [sflag:$0x4], $0x80, s17, s26, $0xb8;
	[tilespmem:$0x1DC00] =	vst v63  }
0x15a: {  	_ =	swait.ge [sflag:s21], $0x4000  }
0x15b: {  	[sflag:s21] =	ssyncset.done $0x0  }
0x15c: {  	[sflag:s21] =	ssyncadd.s32 $0xFFFFC000  }
0x15d: {  	_ =	swait.ge [sflag:s23], $0x800  }
0x15e: {  	[sflag:s23] =	ssyncset.done $0x0  }
0x15f: {  	[sflag:s23] =	ssyncadd.s32 $0xFFFFF800  }
0x160: {  	_ =	swait.ge [sflag:s23], $0x800  }
0x161: {  	[sflag:s23] =	ssyncset.done $0x0  }
0x162: {  	[sflag:s23] =	ssyncadd.s32 $0xFFFFF800  }
0x163: {  	[tilespmem:s28], [sflag:$0x1] =	stream.indirect.gather [hbm4b:s5+s26], $0x80, s12, s26, $0xb8;
	[tilespmem:$0x1DC00] =	vst v63  }
0x164: {  	_ =	swait.ge [sflag:s0], $0x4000  }
0x165: {  	[sflag:s0] =	ssyncset.done $0x0  }
0x166: {  	[sflag:s0] =	ssyncadd.s32 $0xFFFFC000  }
0x167: {  	[spmem:s2] =	stream.indirect.scatter.add.f32 [tilespmem:s29], [sflag:$0x4], $0x80, s4, s26, $0xb8;
	[tilespmem:$0x1DC00] =	vst v63  }
.Ltmp4:
0x168: {  	_ = 	snop;
	(pc) =	sbr.rel .LBB2_7-.Ltmp4, $4  }
0x169: {  	_ =	swait.ge [sflag:s21], $0x4000  }
0x16a: {  	[sflag:s21] =	ssyncset.done $0x0  }
0x16b: {  	s7 =	sadd.s32 $0x200, s7;
	[sflag:s21] =	ssyncadd.s32 $0xFFFFC000  }
0x16c: {  	[tilespmem:s29], [sflag:$0x2] =	stream.indirect.gather [hbm4b:s5+s26], $0x80, s26, s26, $0xb8;
	[tilespmem:$0x1DC00] =	vst v63  }
.LBB2_2:
0x16d: {  	[tilespmem:s28], [sflag:$0x1] =	stream.indirect.gather [hbm4b:s1+s26], $0x80, s7, s26, $0xb8;
	[tilespmem:$0x1DC00] =	vst v63  }
0x16e: {  	_ = 	snop  }
0x16f: {  	[tilespmem:s29], [sflag:$0x2] =	stream.indirect.gather [hbm4b:s1+s26], $0x80, s26, s26, $0xb8;
	[tilespmem:$0x1DC00] =	vst v63  }
.LBB2_3:
0x170: {  	p2 =	seq.s32 s7, $0x0  }
0x171: {  	s9 =	sadd.s32 @!p2 s7, s20  }
0x172: {  	s10 =	simm.s32 @!p2 $0x0;
	s11 =	simm.s32 @!p2 $0x800;
	s9 =	sadd.s32 @!p2 $0x100, s9  }
0x173: {  	[tilespmem:s11], [sflag:$0x3] =	stream.linear.gather @!p2 [hbm4b:s9+s10], $0x800, $0x38;
	[tilespmem:$0x1DC00] =	vst v63  }
0x174: {  	s9 =	sadd.s32 @!p2 s7, s19  }
0x175: {  	s11 =	simm.s32 @!p2 $0x1800;
	s9 =	sadd.s32 @!p2 $0x100, s9  }
0x176: {  	[tilespmem:s11], [sflag:$0x3] =	stream.linear.gather @!p2 [hbm4b:s9+s10], $0x800, $0x38;
	[tilespmem:$0x1DC00] =	vst v63  }
0x177: {  	_ =	swait.ge [sflag:s30], $0x4000  }
0x178: {  	[sflag:s30] =	ssyncset.done $0x0  }
0x179: {  	s10 =	simm.s32 $0x1000;
	[sflag:s30] =	ssyncadd.s32 $0xFFFFC000  }
0x17a: {  	[spmem:s2] =	stream.indirect.scatter.add.f32 [tilespmem:s28], [sflag:$0x4], $0x80, s10, s26, $0xb8;
	[tilespmem:$0x1DC00] =	vst v63  }
0x17b: {  	_ =	swait.ge [sflag:s21], $0x4000  }
0x17c: {  	[sflag:s21] =	ssyncset.done $0x0  }
0x17d: {  	s11 =	simm.s32 $0x100;
	[sflag:s21] =	ssyncadd.s32 $0xFFFFC000  }
0x17e: {  	[tilespmem:s28], [sflag:$0x1] =	stream.indirect.gather [hbm4b:s1+s26], $0x80, s11, s26, $0xb8;
	[tilespmem:$0x1DC00] =	vst v63  }
0x17f: {  	_ =	swait.ge [sflag:s0], $0x4000  }
0x180: {  	[sflag:s0] =	ssyncset.done $0x0  }
0x181: {  	s10 =	simm.s32 $0x1080;
	[sflag:s0] =	ssyncadd.s32 $0xFFFFC000  }
0x182: {  	[spmem:s2] =	stream.indirect.scatter.add.f32 [tilespmem:s29], [sflag:$0x4], $0x80, s10, s26, $0xb8;
	[tilespmem:$0x1DC00] =	vst v63  }
0x183: {  	_ =	swait.ge [sflag:s21], $0x4000  }
0x184: {  	[sflag:s21] =	ssyncset.done $0x0  }
0x185: {  	s11 =	simm.s32 $0x180;
	[sflag:s21] =	ssyncadd.s32 $0xFFFFC000  }
0x186: {  	[tilespmem:s29], [sflag:$0x2] =	stream.indirect.gather [hbm4b:s1+s26], $0x80, s11, s26, $0xb8;
	[tilespmem:$0x1DC00] =	vst v63  }
0x187: {  	_ =	swait.ge [sflag:s30], $0x4000  }
0x188: {  	[sflag:s30] =	ssyncset.done $0x0  }
0x189: {  	s10 =	simm.s32 $0x1100;
	[sflag:s30] =	ssyncadd.s32 $0xFFFFC000  }
0x18a: {  	[spmem:s2] =	stream.indirect.scatter.add.f32 [tilespmem:s28], [sflag:$0x4], $0x80, s10, s26, $0xb8;
	[tilespmem:$0x1DC00] =	vst v63  }
0x18b: {  	_ =	swait.ge [sflag:s21], $0x4000  }
0x18c: {  	[sflag:s21] =	ssyncset.done $0x0  }
0x18d: {  	s11 =	simm.s32 $0x200;
	[sflag:s21] =	ssyncadd.s32 $0xFFFFC000  }
0x18e: {  	[tilespmem:s28], [sflag:$0x1] =	stream.indirect.gather [hbm4b:s1+s26], $0x80, s11, s26, $0xb8;
	[tilespmem:$0x1DC00] =	vst v63  }
0x18f: {  	_ =	swait.ge [sflag:s0], $0x4000  }
0x190: {  	[sflag:s0] =	ssyncset.done $0x0  }
0x191: {  	s10 =	simm.s32 $0x1180;
	[sflag:s0] =	ssyncadd.s32 $0xFFFFC000  }
0x192: {  	[spmem:s2] =	stream.indirect.scatter.add.f32 [tilespmem:s29], [sflag:$0x4], $0x80, s10, s26, $0xb8;
	[tilespmem:$0x1DC00] =	vst v63  }
0x193: {  	_ =	swait.ge [sflag:s21], $0x4000  }
0x194: {  	[sflag:s21] =	ssyncset.done $0x0  }
0x195: {  	s11 =	simm.s32 $0x280;
	[sflag:s21] =	ssyncadd.s32 $0xFFFFC000  }
0x196: {  	[tilespmem:s29], [sflag:$0x2] =	stream.indirect.gather [hbm4b:s1+s26], $0x80, s11, s26, $0xb8;
	[tilespmem:$0x1DC00] =	vst v63  }
0x197: {  	_ =	swait.ge [sflag:s30], $0x4000  }
0x198: {  	[sflag:s30] =	ssyncset.done $0x0  }
0x199: {  	s10 =	simm.s32 $0x1200;
	[sflag:s30] =	ssyncadd.s32 $0xFFFFC000  }
0x19a: {  	[spmem:s2] =	stream.indirect.scatter.add.f32 [tilespmem:s28], [sflag:$0x4], $0x80, s10, s26, $0xb8;
	[tilespmem:$0x1DC00] =	vst v63  }
0x19b: {  	_ =	swait.ge [sflag:s21], $0x4000  }
0x19c: {  	[sflag:s21] =	ssyncset.done $0x0  }
0x19d: {  	s11 =	simm.s32 $0x300;
	[sflag:s21] =	ssyncadd.s32 $0xFFFFC000  }
0x19e: {  	[tilespmem:s28], [sflag:$0x1] =	stream.indirect.gather [hbm4b:s1+s26], $0x80, s11, s26, $0xb8;
	[tilespmem:$0x1DC00] =	vst v63  }
0x19f: {  	_ =	swait.ge [sflag:s0], $0x4000  }
0x1a0: {  	[sflag:s0] =	ssyncset.done $0x0  }
0x1a1: {  	s10 =	simm.s32 $0x1280;
	[sflag:s0] =	ssyncadd.s32 $0xFFFFC000  }
0x1a2: {  	[spmem:s2] =	stream.indirect.scatter.add.f32 [tilespmem:s29], [sflag:$0x4], $0x80, s10, s26, $0xb8;
	[tilespmem:$0x1DC00] =	vst v63  }
0x1a3: {  	_ =	swait.ge [sflag:s21], $0x4000  }
0x1a4: {  	[sflag:s21] =	ssyncset.done $0x0  }
0x1a5: {  	s11 =	simm.s32 $0x380;
	[sflag:s21] =	ssyncadd.s32 $0xFFFFC000  }
0x1a6: {  	[tilespmem:s29], [sflag:$0x2] =	stream.indirect.gather [hbm4b:s1+s26], $0x80, s11, s26, $0xb8;
	[tilespmem:$0x1DC00] =	vst v63  }
0x1a7: {  	_ =	swait.ge [sflag:s30], $0x4000  }
0x1a8: {  	[sflag:s30] =	ssyncset.done $0x0  }
0x1a9: {  	s10 =	simm.s32 $0x1300;
	[sflag:s30] =	ssyncadd.s32 $0xFFFFC000  }
0x1aa: {  	[spmem:s2] =	stream.indirect.scatter.add.f32 [tilespmem:s28], [sflag:$0x4], $0x80, s10, s26, $0xb8;
	[tilespmem:$0x1DC00] =	vst v63  }
0x1ab: {  	_ =	swait.ge [sflag:s21], $0x4000  }
0x1ac: {  	[sflag:s21] =	ssyncset.done $0x0  }
0x1ad: {  	s11 =	simm.s32 $0x400;
	[sflag:s21] =	ssyncadd.s32 $0xFFFFC000  }
0x1ae: {  	[tilespmem:s28], [sflag:$0x1] =	stream.indirect.gather [hbm4b:s1+s26], $0x80, s11, s26, $0xb8;
	[tilespmem:$0x1DC00] =	vst v63  }
0x1af: {  	_ =	swait.ge [sflag:s0], $0x4000  }
0x1b0: {  	[sflag:s0] =	ssyncset.done $0x0  }
0x1b1: {  	s10 =	simm.s32 $0x1380;
	[sflag:s0] =	ssyncadd.s32 $0xFFFFC000  }
0x1b2: {  	[spmem:s2] =	stream.indirect.scatter.add.f32 [tilespmem:s29], [sflag:$0x4], $0x80, s10, s26, $0xb8;
	[tilespmem:$0x1DC00] =	vst v63  }
0x1b3: {  	_ =	swait.ge [sflag:s21], $0x4000  }
0x1b4: {  	[sflag:s21] =	ssyncset.done $0x0  }
0x1b5: {  	s11 =	simm.s32 $0x480;
	[sflag:s21] =	ssyncadd.s32 $0xFFFFC000  }
0x1b6: {  	[tilespmem:s29], [sflag:$0x2] =	stream.indirect.gather [hbm4b:s1+s26], $0x80, s11, s26, $0xb8;
	[tilespmem:$0x1DC00] =	vst v63  }
0x1b7: {  	_ =	swait.ge [sflag:s30], $0x4000  }
0x1b8: {  	[sflag:s30] =	ssyncset.done $0x0  }
0x1b9: {  	s10 =	simm.s32 $0x1400;
	[sflag:s30] =	ssyncadd.s32 $0xFFFFC000  }
0x1ba: {  	[spmem:s2] =	stream.indirect.scatter.add.f32 [tilespmem:s28], [sflag:$0x4], $0x80, s10, s26, $0xb8;
	[tilespmem:$0x1DC00] =	vst v63  }
0x1bb: {  	_ =	swait.ge [sflag:s21], $0x4000  }
0x1bc: {  	[sflag:s21] =	ssyncset.done $0x0  }
0x1bd: {  	s11 =	simm.s32 $0x500;
	[sflag:s21] =	ssyncadd.s32 $0xFFFFC000  }
0x1be: {  	[tilespmem:s28], [sflag:$0x1] =	stream.indirect.gather [hbm4b:s1+s26], $0x80, s11, s26, $0xb8;
	[tilespmem:$0x1DC00] =	vst v63  }
0x1bf: {  	_ =	swait.ge [sflag:s0], $0x4000  }
0x1c0: {  	[sflag:s0] =	ssyncset.done $0x0  }
0x1c1: {  	s10 =	simm.s32 $0x1480;
	[sflag:s0] =	ssyncadd.s32 $0xFFFFC000  }
0x1c2: {  	[spmem:s2] =	stream.indirect.scatter.add.f32 [tilespmem:s29], [sflag:$0x4], $0x80, s10, s26, $0xb8;
	[tilespmem:$0x1DC00] =	vst v63  }
0x1c3: {  	_ =	swait.ge [sflag:s21], $0x4000  }
0x1c4: {  	[sflag:s21] =	ssyncset.done $0x0  }
0x1c5: {  	s11 =	simm.s32 $0x580;
	[sflag:s21] =	ssyncadd.s32 $0xFFFFC000  }
0x1c6: {  	[tilespmem:s29], [sflag:$0x2] =	stream.indirect.gather [hbm4b:s1+s26], $0x80, s11, s26, $0xb8;
	[tilespmem:$0x1DC00] =	vst v63  }
0x1c7: {  	_ =	swait.ge [sflag:s30], $0x4000  }
0x1c8: {  	[sflag:s30] =	ssyncset.done $0x0  }
0x1c9: {  	s10 =	simm.s32 $0x1500;
	[sflag:s30] =	ssyncadd.s32 $0xFFFFC000  }
0x1ca: {  	[spmem:s2] =	stream.indirect.scatter.add.f32 [tilespmem:s28], [sflag:$0x4], $0x80, s10, s26, $0xb8;
	[tilespmem:$0x1DC00] =	vst v63  }
0x1cb: {  	_ =	swait.ge [sflag:s21], $0x4000  }
0x1cc: {  	[sflag:s21] =	ssyncset.done $0x0  }
0x1cd: {  	s11 =	simm.s32 $0x600;
	[sflag:s21] =	ssyncadd.s32 $0xFFFFC000  }
0x1ce: {  	[tilespmem:s28], [sflag:$0x1] =	stream.indirect.gather [hbm4b:s1+s26], $0x80, s11, s26, $0xb8;
	[tilespmem:$0x1DC00] =	vst v63  }
0x1cf: {  	_ =	swait.ge [sflag:s0], $0x4000  }
0x1d0: {  	[sflag:s0] =	ssyncset.done $0x0  }
0x1d1: {  	s10 =	simm.s32 $0x1580;
	[sflag:s0] =	ssyncadd.s32 $0xFFFFC000  }
0x1d2: {  	[spmem:s2] =	stream.indirect.scatter.add.f32 [tilespmem:s29], [sflag:$0x4], $0x80, s10, s26, $0xb8;
	[tilespmem:$0x1DC00] =	vst v63  }
0x1d3: {  	_ =	swait.ge [sflag:s21], $0x4000  }
0x1d4: {  	[sflag:s21] =	ssyncset.done $0x0  }
0x1d5: {  	s11 =	simm.s32 $0x680;
	[sflag:s21] =	ssyncadd.s32 $0xFFFFC000  }
0x1d6: {  	[tilespmem:s29], [sflag:$0x2] =	stream.indirect.gather [hbm4b:s1+s26], $0x80, s11, s26, $0xb8;
	[tilespmem:$0x1DC00] =	vst v63  }
0x1d7: {  	_ =	swait.ge [sflag:s30], $0x4000  }
0x1d8: {  	[sflag:s30] =	ssyncset.done $0x0  }
0x1d9: {  	s10 =	simm.s32 $0x1600;
	[sflag:s30] =	ssyncadd.s32 $0xFFFFC000  }
0x1da: {  	[spmem:s2] =	stream.indirect.scatter.add.f32 [tilespmem:s28], [sflag:$0x4], $0x80, s10, s26, $0xb8;
	[tilespmem:$0x1DC00] =	vst v63  }
0x1db: {  	_ =	swait.ge [sflag:s21], $0x4000  }
0x1dc: {  	[sflag:s21] =	ssyncset.done $0x0  }
0x1dd: {  	s11 =	simm.s32 $0x700;
	[sflag:s21] =	ssyncadd.s32 $0xFFFFC000  }
0x1de: {  	[tilespmem:s28], [sflag:$0x1] =	stream.indirect.gather [hbm4b:s1+s26], $0x80, s11, s26, $0xb8;
	[tilespmem:$0x1DC00] =	vst v63  }
0x1df: {  	_ =	swait.ge [sflag:s0], $0x4000  }
0x1e0: {  	[sflag:s0] =	ssyncset.done $0x0  }
0x1e1: {  	s10 =	simm.s32 $0x1680;
	[sflag:s0] =	ssyncadd.s32 $0xFFFFC000  }
0x1e2: {  	[spmem:s2] =	stream.indirect.scatter.add.f32 [tilespmem:s29], [sflag:$0x4], $0x80, s10, s26, $0xb8;
	[tilespmem:$0x1DC00] =	vst v63  }
0x1e3: {  	_ =	swait.ge [sflag:s21], $0x4000  }
0x1e4: {  	[sflag:s21] =	ssyncset.done $0x0  }
0x1e5: {  	s11 =	simm.s32 $0x780;
	[sflag:s21] =	ssyncadd.s32 $0xFFFFC000  }
0x1e6: {  	[tilespmem:s29], [sflag:$0x2] =	stream.indirect.gather [hbm4b:s1+s26], $0x80, s11, s26, $0xb8;
	[tilespmem:$0x1DC00] =	vst v63  }
0x1e7: {  	_ =	swait.ge [sflag:s30], $0x4000  }
0x1e8: {  	[sflag:s30] =	ssyncset.done $0x0  }
0x1e9: {  	s10 =	simm.s32 $0x1700;
	[sflag:s30] =	ssyncadd.s32 $0xFFFFC000  }
0x1ea: {  	[spmem:s2] =	stream.indirect.scatter.add.f32 [tilespmem:s28], [sflag:$0x4], $0x80, s10, s26, $0xb8;
	[tilespmem:$0x1DC00] =	vst v63  }
0x1eb: {  	_ =	swait.ge [sflag:s21], $0x4000  }
0x1ec: {  	[sflag:s21] =	ssyncset.done $0x0  }
0x1ed: {  	[sflag:s21] =	ssyncadd.s32 $0xFFFFC000  }
0x1ee: {  	_ =	swait.ge [sflag:s23], $0x800  }
0x1ef: {  	[sflag:s23] =	ssyncset.done $0x0  }
0x1f0: {  	[sflag:s23] =	ssyncadd.s32 $0xFFFFF800  }
0x1f1: {  	_ =	swait.ge [sflag:s23], $0x800  }
0x1f2: {  	[sflag:s23] =	ssyncset.done $0x0  }
0x1f3: {  	s11 =	simm.s32 $0x800;
	[sflag:s23] =	ssyncadd.s32 $0xFFFFF800  }
0x1f4: {  	[tilespmem:s28], [sflag:$0x1] =	stream.indirect.gather [hbm4b:s1+s26], $0x80, s11, s26, $0xb8;
	[tilespmem:$0x1DC00] =	vst v63  }
0x1f5: {  	_ =	swait.ge [sflag:s0], $0x4000  }
0x1f6: {  	[sflag:s0] =	ssyncset.done $0x0  }
0x1f7: {  	s10 =	simm.s32 $0x1780;
	[sflag:s0] =	ssyncadd.s32 $0xFFFFC000  }
0x1f8: {  	[spmem:s2] =	stream.indirect.scatter.add.f32 [tilespmem:s29], [sflag:$0x4], $0x80, s10, s26, $0xb8;
	[tilespmem:$0x1DC00] =	vst v63  }
0x1f9: {  	_ =	swait.ge [sflag:s21], $0x4000  }
0x1fa: {  	p2 =	seq.s32 s7, $0x800;
	[sflag:s21] =	ssyncset.done $0x0  }
0x1fb: {  	s9 =	sadd.s32 @!p2 s7, s20;
	s11 =	simm.s32 $0x880;
	[sflag:s21] =	ssyncadd.s32 $0xFFFFC000  }
0x1fc: {  	[tilespmem:s29], [sflag:$0x2] =	stream.indirect.gather [hbm4b:s1+s26], $0x80, s11, s26, $0xb8;
	[tilespmem:$0x1DC00] =	vst v63  }
0x1fd: {  	s9 =	sadd.s32 @!p2 $0x200, s9;
	s10 =	simm.s32 @!p2 $0x0  }
0x1fe: {  	[tilespmem:s10], [sflag:$0x3] =	stream.linear.gather @!p2 [hbm4b:s9+s10], $0x800, $0x38;
	[tilespmem:$0x1DC00] =	vst v63  }
0x1ff: {  	s9 =	sadd.s32 @!p2 s7, s19  }
0x200: {  	s11 =	simm.s32 @!p2 $0x1000;
	s9 =	sadd.s32 @!p2 $0x200, s9  }
0x201: {  	[tilespmem:s11], [sflag:$0x3] =	stream.linear.gather @!p2 [hbm4b:s9+s10], $0x800, $0x38;
	[tilespmem:$0x1DC00] =	vst v63  }
0x202: {  	_ =	swait.ge [sflag:s30], $0x4000  }
0x203: {  	[sflag:s30] =	ssyncset.done $0x0  }
0x204: {  	s10 =	simm.s32 $0x1800;
	[sflag:s30] =	ssyncadd.s32 $0xFFFFC000  }
0x205: {  	[spmem:s2] =	stream.indirect.scatter.add.f32 [tilespmem:s28], [sflag:$0x4], $0x80, s10, s26, $0xb8;
	[tilespmem:$0x1DC00] =	vst v63  }
0x206: {  	_ =	swait.ge [sflag:s21], $0x4000  }
0x207: {  	[sflag:s21] =	ssyncset.done $0x0  }
0x208: {  	s11 =	simm.s32 $0x900;
	[sflag:s21] =	ssyncadd.s32 $0xFFFFC000  }
0x209: {  	[tilespmem:s28], [sflag:$0x1] =	stream.indirect.gather [hbm4b:s1+s26], $0x80, s11, s26, $0xb8;
	[tilespmem:$0x1DC00] =	vst v63  }
0x20a: {  	_ =	swait.ge [sflag:s0], $0x4000  }
0x20b: {  	[sflag:s0] =	ssyncset.done $0x0  }
0x20c: {  	s10 =	simm.s32 $0x1880;
	[sflag:s0] =	ssyncadd.s32 $0xFFFFC000  }
0x20d: {  	[spmem:s2] =	stream.indirect.scatter.add.f32 [tilespmem:s29], [sflag:$0x4], $0x80, s10, s26, $0xb8;
	[tilespmem:$0x1DC00] =	vst v63  }
0x20e: {  	_ =	swait.ge [sflag:s21], $0x4000  }
0x20f: {  	[sflag:s21] =	ssyncset.done $0x0  }
0x210: {  	s11 =	simm.s32 $0x980;
	[sflag:s21] =	ssyncadd.s32 $0xFFFFC000  }
0x211: {  	[tilespmem:s29], [sflag:$0x2] =	stream.indirect.gather [hbm4b:s1+s26], $0x80, s11, s26, $0xb8;
	[tilespmem:$0x1DC00] =	vst v63  }
0x212: {  	_ =	swait.ge [sflag:s30], $0x4000  }
0x213: {  	[sflag:s30] =	ssyncset.done $0x0  }
0x214: {  	s10 =	simm.s32 $0x1900;
	[sflag:s30] =	ssyncadd.s32 $0xFFFFC000  }
0x215: {  	[spmem:s2] =	stream.indirect.scatter.add.f32 [tilespmem:s28], [sflag:$0x4], $0x80, s10, s26, $0xb8;
	[tilespmem:$0x1DC00] =	vst v63  }
0x216: {  	_ =	swait.ge [sflag:s21], $0x4000  }
0x217: {  	[sflag:s21] =	ssyncset.done $0x0  }
0x218: {  	s11 =	simm.s32 $0xA00;
	[sflag:s21] =	ssyncadd.s32 $0xFFFFC000  }
0x219: {  	[tilespmem:s28], [sflag:$0x1] =	stream.indirect.gather [hbm4b:s1+s26], $0x80, s11, s26, $0xb8;
	[tilespmem:$0x1DC00] =	vst v63  }
0x21a: {  	_ =	swait.ge [sflag:s0], $0x4000  }
0x21b: {  	[sflag:s0] =	ssyncset.done $0x0  }
0x21c: {  	s10 =	simm.s32 $0x1980;
	[sflag:s0] =	ssyncadd.s32 $0xFFFFC000  }
0x21d: {  	[spmem:s2] =	stream.indirect.scatter.add.f32 [tilespmem:s29], [sflag:$0x4], $0x80, s10, s26, $0xb8;
	[tilespmem:$0x1DC00] =	vst v63  }
0x21e: {  	_ =	swait.ge [sflag:s21], $0x4000  }
0x21f: {  	[sflag:s21] =	ssyncset.done $0x0  }
0x220: {  	s11 =	simm.s32 $0xA80;
	[sflag:s21] =	ssyncadd.s32 $0xFFFFC000  }
0x221: {  	[tilespmem:s29], [sflag:$0x2] =	stream.indirect.gather [hbm4b:s1+s26], $0x80, s11, s26, $0xb8;
	[tilespmem:$0x1DC00] =	vst v63  }
0x222: {  	_ =	swait.ge [sflag:s30], $0x4000  }
0x223: {  	[sflag:s30] =	ssyncset.done $0x0  }
0x224: {  	s10 =	simm.s32 $0x1A00;
	[sflag:s30] =	ssyncadd.s32 $0xFFFFC000  }
0x225: {  	[spmem:s2] =	stream.indirect.scatter.add.f32 [tilespmem:s28], [sflag:$0x4], $0x80, s10, s26, $0xb8;
	[tilespmem:$0x1DC00] =	vst v63  }
0x226: {  	_ =	swait.ge [sflag:s21], $0x4000  }
0x227: {  	[sflag:s21] =	ssyncset.done $0x0  }
0x228: {  	s11 =	simm.s32 $0xB00;
	[sflag:s21] =	ssyncadd.s32 $0xFFFFC000  }
0x229: {  	[tilespmem:s28], [sflag:$0x1] =	stream.indirect.gather [hbm4b:s1+s26], $0x80, s11, s26, $0xb8;
	[tilespmem:$0x1DC00] =	vst v63  }
0x22a: {  	_ =	swait.ge [sflag:s0], $0x4000  }
0x22b: {  	[sflag:s0] =	ssyncset.done $0x0  }
0x22c: {  	s10 =	simm.s32 $0x1A80;
	[sflag:s0] =	ssyncadd.s32 $0xFFFFC000  }
0x22d: {  	[spmem:s2] =	stream.indirect.scatter.add.f32 [tilespmem:s29], [sflag:$0x4], $0x80, s10, s26, $0xb8;
	[tilespmem:$0x1DC00] =	vst v63  }
0x22e: {  	_ =	swait.ge [sflag:s21], $0x4000  }
0x22f: {  	[sflag:s21] =	ssyncset.done $0x0  }
0x230: {  	s11 =	simm.s32 $0xB80;
	[sflag:s21] =	ssyncadd.s32 $0xFFFFC000  }
0x231: {  	[tilespmem:s29], [sflag:$0x2] =	stream.indirect.gather [hbm4b:s1+s26], $0x80, s11, s26, $0xb8;
	[tilespmem:$0x1DC00] =	vst v63  }
0x232: {  	_ =	swait.ge [sflag:s30], $0x4000  }
0x233: {  	[sflag:s30] =	ssyncset.done $0x0  }
0x234: {  	s10 =	simm.s32 $0x1B00;
	[sflag:s30] =	ssyncadd.s32 $0xFFFFC000  }
0x235: {  	[spmem:s2] =	stream.indirect.scatter.add.f32 [tilespmem:s28], [sflag:$0x4], $0x80, s10, s26, $0xb8;
	[tilespmem:$0x1DC00] =	vst v63  }
0x236: {  	_ =	swait.ge [sflag:s21], $0x4000  }
0x237: {  	[sflag:s21] =	ssyncset.done $0x0  }
0x238: {  	s11 =	simm.s32 $0xC00;
	[sflag:s21] =	ssyncadd.s32 $0xFFFFC000  }
0x239: {  	[tilespmem:s28], [sflag:$0x1] =	stream.indirect.gather [hbm4b:s1+s26], $0x80, s11, s26, $0xb8;
	[tilespmem:$0x1DC00] =	vst v63  }
0x23a: {  	_ =	swait.ge [sflag:s0], $0x4000  }
0x23b: {  	[sflag:s0] =	ssyncset.done $0x0  }
0x23c: {  	s10 =	simm.s32 $0x1B80;
	[sflag:s0] =	ssyncadd.s32 $0xFFFFC000  }
0x23d: {  	[spmem:s2] =	stream.indirect.scatter.add.f32 [tilespmem:s29], [sflag:$0x4], $0x80, s10, s26, $0xb8;
	[tilespmem:$0x1DC00] =	vst v63  }
0x23e: {  	_ =	swait.ge [sflag:s21], $0x4000  }
0x23f: {  	[sflag:s21] =	ssyncset.done $0x0  }
0x240: {  	s11 =	simm.s32 $0xC80;
	[sflag:s21] =	ssyncadd.s32 $0xFFFFC000  }
0x241: {  	[tilespmem:s29], [sflag:$0x2] =	stream.indirect.gather [hbm4b:s1+s26], $0x80, s11, s26, $0xb8;
	[tilespmem:$0x1DC00] =	vst v63  }
0x242: {  	_ =	swait.ge [sflag:s30], $0x4000  }
0x243: {  	[sflag:s30] =	ssyncset.done $0x0  }
0x244: {  	[sflag:s30] =	ssyncadd.s32 $0xFFFFC000  }
0x245: {  	[spmem:s2] =	stream.indirect.scatter.add.f32 [tilespmem:s28], [sflag:$0x4], $0x80, s14, s26, $0xb8;
	[tilespmem:$0x1DC00] =	vst v63  }
0x246: {  	_ =	swait.ge [sflag:s21], $0x4000  }
0x247: {  	[sflag:s21] =	ssyncset.done $0x0  }
0x248: {  	[sflag:s21] =	ssyncadd.s32 $0xFFFFC000  }
0x249: {  	[tilespmem:s28], [sflag:$0x1] =	stream.indirect.gather [hbm4b:s1+s26], $0x80, s18, s26, $0xb8;
	[tilespmem:$0x1DC00] =	vst v63  }
0x24a: {  	_ =	swait.ge [sflag:s0], $0x4000  }
0x24b: {  	[sflag:s0] =	ssyncset.done $0x0  }
0x24c: {  	[sflag:s0] =	ssyncadd.s32 $0xFFFFC000  }
0x24d: {  	[spmem:s2] =	stream.indirect.scatter.add.f32 [tilespmem:s29], [sflag:$0x4], $0x80, s22, s26, $0xb8;
	[tilespmem:$0x1DC00] =	vst v63  }
0x24e: {  	_ =	swait.ge [sflag:s21], $0x4000  }
0x24f: {  	[sflag:s21] =	ssyncset.done $0x0  }
0x250: {  	[sflag:s21] =	ssyncadd.s32 $0xFFFFC000  }
0x251: {  	[tilespmem:s29], [sflag:$0x2] =	stream.indirect.gather [hbm4b:s1+s26], $0x80, s6, s26, $0xb8;
	[tilespmem:$0x1DC00] =	vst v63  }
0x252: {  	_ =	swait.ge [sflag:s30], $0x4000  }
0x253: {  	[sflag:s30] =	ssyncset.done $0x0  }
0x254: {  	[sflag:s30] =	ssyncadd.s32 $0xFFFFC000  }
0x255: {  	[spmem:s2] =	stream.indirect.scatter.add.f32 [tilespmem:s28], [sflag:$0x4], $0x80, s8, s26, $0xb8;
	[tilespmem:$0x1DC00] =	vst v63  }
0x256: {  	_ =	swait.ge [sflag:s21], $0x4000  }
0x257: {  	[sflag:s21] =	ssyncset.done $0x0  }
0x258: {  	[sflag:s21] =	ssyncadd.s32 $0xFFFFC000  }
0x259: {  	[tilespmem:s28], [sflag:$0x1] =	stream.indirect.gather [hbm4b:s1+s26], $0x80, s24, s26, $0xb8;
	[tilespmem:$0x1DC00] =	vst v63  }
0x25a: {  	_ =	swait.ge [sflag:s0], $0x4000  }
0x25b: {  	[sflag:s0] =	ssyncset.done $0x0  }
0x25c: {  	[sflag:s0] =	ssyncadd.s32 $0xFFFFC000  }
0x25d: {  	[spmem:s2] =	stream.indirect.scatter.add.f32 [tilespmem:s29], [sflag:$0x4], $0x80, s31, s26, $0xb8;
	[tilespmem:$0x1DC00] =	vst v63  }
0x25e: {  	_ =	swait.ge [sflag:s21], $0x4000  }
0x25f: {  	[sflag:s21] =	ssyncset.done $0x0  }
0x260: {  	[sflag:s21] =	ssyncadd.s32 $0xFFFFC000  }
0x261: {  	[tilespmem:s29], [sflag:$0x2] =	stream.indirect.gather [hbm4b:s1+s26], $0x80, s25, s26, $0xb8;
	[tilespmem:$0x1DC00] =	vst v63  }
0x262: {  	_ =	swait.ge [sflag:s30], $0x4000  }
0x263: {  	[sflag:s30] =	ssyncset.done $0x0  }
0x264: {  	[sflag:s30] =	ssyncadd.s32 $0xFFFFC000  }
0x265: {  	[spmem:s2] =	stream.indirect.scatter.add.f32 [tilespmem:s28], [sflag:$0x4], $0x80, s3, s26, $0xb8;
	[tilespmem:$0x1DC00] =	vst v63  }
0x266: {  	_ =	swait.ge [sflag:s21], $0x4000  }
0x267: {  	[sflag:s21] =	ssyncset.done $0x0  }
0x268: {  	[sflag:s21] =	ssyncadd.s32 $0xFFFFC000  }
0x269: {  	[tilespmem:s28], [sflag:$0x1] =	stream.indirect.gather [hbm4b:s1+s26], $0x80, s13, s26, $0xb8;
	[tilespmem:$0x1DC00] =	vst v63  }
0x26a: {  	_ =	swait.ge [sflag:s0], $0x4000  }
0x26b: {  	[sflag:s0] =	ssyncset.done $0x0  }
0x26c: {  	[sflag:s0] =	ssyncadd.s32 $0xFFFFC000  }
0x26d: {  	[spmem:s2] =	stream.indirect.scatter.add.f32 [tilespmem:s29], [sflag:$0x4], $0x80, s15, s26, $0xb8;
	[tilespmem:$0x1DC00] =	vst v63  }
0x26e: {  	_ =	swait.ge [sflag:s21], $0x4000  }
0x26f: {  	[sflag:s21] =	ssyncset.done $0x0  }
0x270: {  	[sflag:s21] =	ssyncadd.s32 $0xFFFFC000  }
0x271: {  	[tilespmem:s29], [sflag:$0x2] =	stream.indirect.gather [hbm4b:s1+s26], $0x80, s16, s26, $0xb8;
	[tilespmem:$0x1DC00] =	vst v63  }
0x272: {  	_ =	swait.ge [sflag:s30], $0x4000  }
0x273: {  	[sflag:s30] =	ssyncset.done $0x0  }
.Ltmp5:
0x274: {  	[sflag:s30] =	ssyncadd.s32 $0xFFFFC000;
	(pc) =	sbr.rel @p2 .LBB2_5-.Ltmp5, $4  }
0x275: {  	[spmem:s2] =	stream.indirect.scatter.add.f32 [tilespmem:s28], [sflag:$0x4], $0x80, s17, s26, $0xb8;
	[tilespmem:$0x1DC00] =	vst v63  }
0x276: {  	_ =	swait.ge [sflag:s21], $0x4000  }
0x277: {  	[sflag:s21] =	ssyncset.done $0x0  }
0x278: {  	[sflag:s21] =	ssyncadd.s32 $0xFFFFC000  }
0x279: {  	_ =	swait.ge [sflag:s23], $0x800  }
0x27a: {  	[sflag:s23] =	ssyncset.done $0x0  }
0x27b: {  	[sflag:s23] =	ssyncadd.s32 $0xFFFFF800  }
0x27c: {  	_ =	swait.ge [sflag:s23], $0x800  }
0x27d: {  	[sflag:s23] =	ssyncset.done $0x0  }
0x27e: {  	[sflag:s23] =	ssyncadd.s32 $0xFFFFF800  }
0x27f: {  	[tilespmem:s28], [sflag:$0x1] =	stream.indirect.gather [hbm4b:s1+s26], $0x80, s12, s26, $0xb8;
	[tilespmem:$0x1DC00] =	vst v63  }
0x280: {  	_ =	swait.ge [sflag:s0], $0x4000  }
0x281: {  	[sflag:s0] =	ssyncset.done $0x0  }
0x282: {  	[sflag:s0] =	ssyncadd.s32 $0xFFFFC000  }
0x283: {  	[spmem:s2] =	stream.indirect.scatter.add.f32 [tilespmem:s29], [sflag:$0x4], $0x80, s4, s26, $0xb8;
	[tilespmem:$0x1DC00] =	vst v63  }
.Ltmp6:
0x284: {  	_ = 	snop;
	(pc) =	sbr.rel .LBB2_3-.Ltmp6, $4  }
0x285: {  	_ =	swait.ge [sflag:s21], $0x4000  }
0x286: {  	[sflag:s21] =	ssyncset.done $0x0  }
0x287: {  	s7 =	sadd.s32 $0x200, s7;
	[sflag:s21] =	ssyncadd.s32 $0xFFFFC000  }
0x288: {  	[tilespmem:s29], [sflag:$0x2] =	stream.indirect.gather [hbm4b:s1+s26], $0x80, s26, s26, $0xb8;
	[tilespmem:$0x1DC00] =	vst v63  }
.LBB2_5:
0x289: {  	_ =	swait.ge [sflag:s0], $0x4000  }
0x28a: {  	[sflag:s0] =	ssyncset.done $0x0  }
0x28b: {  	[sflag:s0] =	ssyncadd.s32 $0xFFFFC000  }
0x28c: {  	[spmem:s2] =	stream.indirect.scatter.add.f32 [tilespmem:s29], [sflag:$0x4], $0x80, s4, s26, $0xb8;
	[tilespmem:$0x1DC00] =	vst v63  }
0x28d: {  	_ =	swait.ge [sflag:s21], $0x4000  }
0x28e: {  	[sflag:s21] =	ssyncset.done $0x0  }
0x28f: {  	[sflag:s21] =	ssyncadd.s32 $0xFFFFC000  }
0x290: {  	[bflag:$0x0] =	sbarrier.arrive $0xFFFF  }
0x291: {  	s11 =	rddreg [dreg:$0x7]  }
0x292: {  	s7 =	rddreg [dreg:$0xe]  }
0x293: {  	s9 =	rddreg [dreg:$0x14]  }
0x294: {  	[hbm:s7], [sflag:s11] =	dma.local @p1 [spmem:s9], $0x2080  }
0x295: {  	s7 =	simm.s32 @p1 $0x4  }
0x296: {  	_ =	swait.ge @p1 [sflag:s7], $0x2080  }
0x297: {  	[sflag:s7] =	ssyncset.done @p1 $0x0;
	s9 =	rddreg [dreg:$0x13]  }
0x298: {  	[sflag:s7] =	ssyncadd.s32 @p1 $0xFFFFDF80;
	s7 =	rddreg [dreg:$0xc]  }
0x299: {  	[hbm:s7], [sflag:s11] =	dma.local @!p1 [spmem:s9], $0x2780  }
.Ltmp7:
0x29a: {  	_ = 	snop;
	(pc) =	sbr.rel .LBB2_10-.Ltmp7, $4  }
0x29b: {  	s7 =	simm.s32 @!p1 $0x4  }
0x29c: {  	_ =	swait.ge @!p1 [sflag:s7], $0x2780  }
0x29d: {  	[sflag:s7] =	ssyncset.done @!p1 $0x0  }
0x29e: {  	s9 =	rddreg [dreg:$0x12];
	[sflag:s7] =	ssyncadd.s32 @!p1 $0xFFFFD880  }
.LBB2_11:
0x29f: {  	_ =	sfence.sel $0x180000  }
0x2a0: {  	[bflag:$0x0] =	sbarrier.arrive $0xFFFF  }
0x2a1: {  	_ =	strace $0x90000047  }
0x2a2: {  	s0 =	stileid.u32;
	[bflag:$0x2] =	sbarrier.arrive $0xFFFF  }
0x2a3: {  	p0 =	sne.s32 s0, $0x0;
	s0 =	rddreg [dreg:$0x4]  }
0x2a4: {  	s0 =	sadd.s32 @!p0 $0x100000, s0  }
0x2a5: {  	[sflag:s0] =	ssyncadd.tile.s32 @!p0 $0x1;
	_ =	shalt  }
.Lfunc_end2:
_tile_overlayer_lowered:
.L_overlay_start_2:
0x2a6: {  	(tag) =	ssettag $0x2  }
0x2a7: {  	s0 =	rddreg [dreg:$0x0];
	s2 =	stileid.u32  }
0x2a8: {  	s1 =	rddreg [dreg:$0x1];
	p0 =	sne.s32 s2, $0x0  }
0x2a9: {  	s3 =	rddreg [dreg:$0x2];
	[bflag:$0x3] =	sbarrier.arrive $0xFFFF;
	s2 =	simm.s32 @!p0 $0x1C04  }
0x2aa: {  	[timem:s3], [sflag:s2] =	dma.local @!p0 [hbm:s0], s1  }
0x2ab: {  	s0 =	simm.s32 @!p0 $0x4  }
0x2ac: {  	_ =	swait.ge @!p0 [sflag:s0], s1  }
0x2ad: {  	s1 =	ssub.s32 @!p0 $0x0, s1;
	[sflag:s0] =	ssyncset.done @!p0 $0x0  }
0x2ae: {  	[sflag:s0] =	ssyncadd.s32 @!p0 s1  }
0x2af: {  	[bflag:$0x3] =	sbarrier.arrive $0xFFFF  }
0x2b0: {  	_ =	shalt  }

</sc_bundles>
